<compile_context>
chip_gen: v7x
topology: tpu7x:2x2x1
jax: 0.10.2.dev20260603
libtpu: 0.0.44.dev20260713+nightly
codegen_flags: <defaults>
</compile_context>

<pallas_src>
import functools

import jax
import jax.numpy as jnp
from jax import lax
from jax.experimental import pallas as pl
from jax.experimental.pallas import tpu as pltpu
from jax.experimental.pallas import tpu_sc as plsc

BATCH, SEQ, HIDDEN = 2, 2048, 2048
NUM_TABLE, CODE_LEN = 16, 12
TABLE_SIZE = 2 ** CODE_LEN
OUT = 1024
TOTAL_DIM = NUM_TABLE * CODE_LEN
N = BATCH * SEQ


TOK_BLK = 256


def _hash_body(x_ref, w_ref, b_ref, p_ref, m_ref, idx_ref, score_ref):
    z = jnp.dot(x_ref[...], w_ref[...], preferred_element_type=jnp.float32)
    z = z + b_ref[...]
    bits = (z > 0).astype(jnp.float32)
    za = jnp.abs(z)
    ls = -jnp.log(1.0 + jnp.exp(-za))
    codef = jnp.dot(bits, p_ref[...], preferred_element_type=jnp.float32)
    offs = lax.broadcasted_iota(jnp.int32, (1, NUM_TABLE), 1) * TABLE_SIZE
    idx_ref[...] = codef.astype(jnp.int32) + offs
    score_ref[...] = jnp.exp(
        jnp.dot(ls, m_ref[...], preferred_element_type=jnp.float32))


def _hash_call(x, w, b, tok_off, ntok):
    r = jnp.arange(TOTAL_DIM)[:, None]
    c = jnp.arange(NUM_TABLE)[None, :]
    blk = (r // CODE_LEN == c)
    p_mat = jnp.where(blk, (2.0 ** (r % CODE_LEN)), 0.0).astype(jnp.float32)
    m_mat = blk.astype(jnp.float32)
    blk_off = tok_off // TOK_BLK
    return pl.pallas_call(
        _hash_body,
        grid=(ntok // TOK_BLK,),
        in_specs=[
            pl.BlockSpec((TOK_BLK, HIDDEN), lambda i, o=blk_off: (o + i, 0)),
            pl.BlockSpec((HIDDEN, TOTAL_DIM), lambda i: (0, 0)),
            pl.BlockSpec((1, TOTAL_DIM), lambda i: (0, 0)),
            pl.BlockSpec((TOTAL_DIM, NUM_TABLE), lambda i: (0, 0)),
            pl.BlockSpec((TOTAL_DIM, NUM_TABLE), lambda i: (0, 0)),
        ],
        out_specs=[
            pl.BlockSpec((TOK_BLK, NUM_TABLE), lambda i: (i, 0)),
            pl.BlockSpec((TOK_BLK, NUM_TABLE), lambda i: (i, 0)),
        ],
        out_shape=[
            jax.ShapeDtypeStruct((ntok, NUM_TABLE), jnp.int32),
            jax.ShapeDtypeStruct((ntok, NUM_TABLE), jnp.float32),
        ],
    )(x, w, b, p_mat, m_mat)



NUM_WORKERS = 32
CT = 2
RPC = CT * NUM_TABLE


NBUF = 3


def _make_sc(ntok):
    tpw = ntok // NUM_WORKERS
    nchunk = tpw // CT

    def _sc_body(idx_hbm, score_hbm, tables_hbm, bias_hbm, out_hbm,
                 idx_v, score_v, bias_v, rows_v, outb_v, *sems):
        gsems = sems[:NBUF]
        osems = sems[NBUF:]
        wid = lax.axis_index("s") * 2 + lax.axis_index("c")
        tok0 = wid * tpw
        ibase = tok0 * NUM_TABLE
        cp_i = pltpu.make_async_copy(
            idx_hbm.at[pl.ds(ibase, tpw * NUM_TABLE)], idx_v, osems[0])
        cp_s = pltpu.make_async_copy(
            score_hbm.at[pl.ds(ibase, tpw * NUM_TABLE)], score_v, osems[0])
        cp_b = pltpu.make_async_copy(bias_hbm, bias_v, osems[0])
        cp_i.start()
        cp_s.start()
        cp_b.start()
        cp_i.wait()
        cp_s.wait()
        cp_b.wait()

        def start_gather(c, buf):
            pltpu.async_copy(
                tables_hbm.at[idx_v.at[pl.ds(c * RPC, RPC)]],
                rows_v.at[buf], gsems[buf])

        def wait_gather(buf):
            pltpu.make_async_copy(
                tables_hbm.at[idx_v.at[pl.ds(0, RPC)]],
                rows_v.at[buf], gsems[buf]).wait()

        def start_out(c, buf):
            pltpu.async_copy(
                outb_v.at[buf], out_hbm.at[pl.ds(tok0 + c * CT, CT)],
                osems[buf])

        def wait_out(buf):
            pltpu.make_async_copy(
                outb_v.at[buf], out_hbm.at[pl.ds(tok0, CT)],
                osems[buf]).wait()

        for p in range(NBUF - 1):
            start_gather(p, p)

        def chunk_step(c, buf):
            @pl.when(c + (NBUF - 1) < nchunk)
            def _():
                start_gather(c + (NBUF - 1), (buf + NBUF - 1) % NBUF)
            wait_gather(buf)
            @pl.when(c >= NBUF)
            def _():
                wait_out(buf)
            for lt in range(CT):
                sbase = (c * CT + lt) * NUM_TABLE
                sv = score_v[pl.ds(sbase, NUM_TABLE)]
                sb = [jnp.full((16,), sv[t], jnp.float32)
                      for t in range(NUM_TABLE)]

                @plsc.parallel_loop(0, OUT, 16, unroll=4)
                def _dim_body(doff):
                    sl = pl.ds(doff, 16)
                    acc = bias_v[sl]
                    for t in range(NUM_TABLE):
                        acc = acc + rows_v[buf, lt * NUM_TABLE + t, sl] * sb[t]
                    outb_v[buf, lt, sl] = acc
            start_out(c, buf)

        def outer(g, _):
            for b in range(NBUF):
                chunk_step(g * NBUF + b, b)
            return 0

        lax.fori_loop(0, nchunk // NBUF, outer, 0)
        for k in range((nchunk // NBUF) * NBUF, nchunk):
            chunk_step(jnp.int32(k), k % NBUF)
        for b in range(min(NBUF, nchunk)):
            wait_out(b)

    mesh = plsc.VectorSubcoreMesh(core_axis_name="c", subcore_axis_name="s")
    return functools.partial(
        pl.kernel,
        out_type=jax.ShapeDtypeStruct((ntok, OUT), jnp.float32),
        mesh=mesh,
        scratch_types=[
            pltpu.VMEM((tpw * NUM_TABLE,), jnp.int32),
            pltpu.VMEM((tpw * NUM_TABLE,), jnp.float32),
            pltpu.VMEM((OUT,), jnp.float32),
            pltpu.VMEM((NBUF, RPC, OUT), jnp.float32),
            pltpu.VMEM((NBUF, CT, OUT), jnp.float32),
        ] + [pltpu.SemaphoreType.DMA] * (2 * NBUF),
    )(_sc_body)


def kernel(hidden_states, W_proj, b_proj, tables, bias):
    x = hidden_states.reshape(N, HIDDEN)
    b2 = b_proj.reshape(1, TOTAL_DIM)
    idx, score = _hash_call(x, W_proj, b2, 0, N)
    out = _make_sc(N)(idx.reshape(-1), score.reshape(-1), tables, bias)
    return out.reshape(BATCH, SEQ, OUT)

# --- scband reference (transcript-rebuilt; emitter-appended) ---
"""Pipeline reference for scband-memory-layer-82566451298989 (READ-ONLY COPY).

The authoritative reference and input builder live on the scoring server;
editing this copy changes nothing except your own understanding.
"""

import jax, jax.numpy as jnp
import numpy as np

B, S, HIDDEN = 2, 2048, 2048
NUM_TABLE, CODE_LEN = 16, 12
TABLE_SIZE = 2 ** CODE_LEN
OUT = 1024
TOTAL_DIM = NUM_TABLE * CODE_LEN


def setup_inputs(seed: int = 0) -> dict:
    key = jax.random.key(seed)
    k1, k2, k3, k4, k5 = jax.random.split(key, 5)
    hidden_states = jax.random.normal(k1, (B, S, HIDDEN), dtype=jnp.float32)
    # hashing projection (nn.Linear(hidden_size, total_dim)); stored as [in, out]
    W_proj = (0.02 * jax.random.normal(k2, (HIDDEN, TOTAL_DIM), dtype=jnp.float32))
    b_proj = jnp.zeros((TOTAL_DIM,), dtype=jnp.float32)
    tables = 0.02 * jax.random.normal(k4, (NUM_TABLE * TABLE_SIZE, OUT), dtype=jnp.float32)
    bias = 0.001 * jax.random.normal(k5, (OUT,), dtype=jnp.float32)
    return {"hidden_states": hidden_states, "W_proj": W_proj, "b_proj": b_proj,
            "tables": tables, "bias": bias}


def reference(hidden_states, W_proj, b_proj, tables, bias):
    other_shape = hidden_states.shape[:-1]
    x = hidden_states.reshape(-1, HIDDEN)
    # Hashing: dense projection then per-table binary code + differentiable score
    z = x @ W_proj + b_proj                      # [N, total_dim]
    z = z.reshape(-1, NUM_TABLE, CODE_LEN)       # [N, T, L]
    z_abs = jnp.abs(z)
    bits = (z > 0).astype(jnp.int32)
    pow2 = (2 ** jnp.arange(CODE_LEN, dtype=jnp.int32))
    code = jnp.sum(bits * pow2, axis=-1)         # [N, T] in [0, table_size)
    score = jnp.prod(jax.nn.sigmoid(z_abs), axis=-1)  # [N, T], act_fn=sigmoid
    # MemoryLayer.gather: offset codes into flat table and do weighted row-sum
    idx = code + jnp.arange(NUM_TABLE, dtype=jnp.int32)[None, :] * TABLE_SIZE  # [N, T]
    gathered = jnp.take(tables, idx, axis=0)     # [N, T, OUT]
    out = jnp.sum(gathered * score[..., None], axis=1)  # [N, OUT]
    out = out.reshape(*other_shape, OUT)
    return out + bias

if __name__ == "__main__":
    import jax
    _d = setup_inputs()
    print(jax.jit(kernel)(*tuple(_d.values())))

</pallas_src>

<mosaic_0001>
#map = affine_map<(d0, d1) -> (0)>
#map1 = affine_map<(d0, d1) -> (0, 0)>
module attributes {stable_mosaic.version = 14 : i64} {
  func.func @_sc_body(%arg0: i32, %arg1: i32, %arg2: memref<65536xi32, #tpu.memory_space<hbm>>, %arg3: memref<65536xf32, #tpu.memory_space<hbm>>, %arg4: memref<65536x1024xf32, #tpu.memory_space<hbm>>, %arg5: memref<1024xf32, #tpu.memory_space<hbm>>, %arg6: memref<4096x1024xf32, #tpu.memory_space<hbm>>, %arg7: memref<2048xi32, #tpu.memory_space<vmem>>, %arg8: memref<2048xf32, #tpu.memory_space<vmem>>, %arg9: memref<1024xf32, #tpu.memory_space<vmem>>, %arg10: memref<3x32x1024xf32, #tpu.memory_space<vmem>>, %arg11: memref<3x2x1024xf32, #tpu.memory_space<vmem>>, %arg12: memref<!tpu.dma_semaphore, #tpu.memory_space<semaphore_mem>>, %arg13: memref<!tpu.dma_semaphore, #tpu.memory_space<semaphore_mem>>, %arg14: memref<!tpu.dma_semaphore, #tpu.memory_space<semaphore_mem>>, %arg15: memref<!tpu.dma_semaphore, #tpu.memory_space<semaphore_mem>>, %arg16: memref<!tpu.dma_semaphore, #tpu.memory_space<semaphore_mem>>, %arg17: memref<!tpu.dma_semaphore, #tpu.memory_space<semaphore_mem>>) attributes {dimension_semantics = [#tpu.dimension_semantics<core_parallel>, #tpu.dimension_semantics<subcore_parallel>], iteration_bounds = array<i64: 2, 16>, scalar_prefetch = 0 : i64, scratch_operands = 11 : i64, tpu.core_type = #tpu.core_type<sc_vector_subcore>, window_params = [{transform_indices = #map}, {transform_indices = #map}, {transform_indices = #map1}, {transform_indices = #map}, {transform_indices = #map1}]} {
    %mul3A = arith.constant 2 : i32
    %mul3A_0 = arith.muli %arg1, %mul3A : i32
    %add3A = arith.addi %mul3A_0, %arg0 : i32
    %mul3A_1 = arith.constant 128 : i32
    %mul3A_2 = arith.muli %add3A, %mul3A_1 : i32
    %mul3A_3 = arith.constant 16 : i32
    %mul3A_4 = arith.muli %mul3A_2, %mul3A_3 : i32
    %dma_start3A = tpu.memref_slice %arg2[%mul3A_4] : memref<65536xi32, #tpu.memory_space<hbm>> -> memref<2048xi32, #tpu.memory_space<hbm>>
    %dma_start3A_5 = tpu.memref_slice %arg2[%mul3A_4] : memref<65536xi32, #tpu.memory_space<hbm>> -> memref<2048xi32, #tpu.memory_space<hbm>>
    tpu.enqueue_dma source(%dma_start3A_5 : memref<2048xi32, #tpu.memory_space<hbm>>) target(%arg7 : memref<2048xi32, #tpu.memory_space<vmem>>) target_semaphore(%arg15 : memref<!tpu.dma_semaphore, #tpu.memory_space<semaphore_mem>>)
    %dma_start3A_6 = tpu.memref_slice %arg3[%mul3A_4] : memref<65536xf32, #tpu.memory_space<hbm>> -> memref<2048xf32, #tpu.memory_space<hbm>>
    %dma_start3A_7 = tpu.memref_slice %arg3[%mul3A_4] : memref<65536xf32, #tpu.memory_space<hbm>> -> memref<2048xf32, #tpu.memory_space<hbm>>
    tpu.enqueue_dma source(%dma_start3A_7 : memref<2048xf32, #tpu.memory_space<hbm>>) target(%arg8 : memref<2048xf32, #tpu.memory_space<vmem>>) target_semaphore(%arg15 : memref<!tpu.dma_semaphore, #tpu.memory_space<semaphore_mem>>)
    tpu.enqueue_dma source(%arg5 : memref<1024xf32, #tpu.memory_space<hbm>>) target(%arg9 : memref<1024xf32, #tpu.memory_space<vmem>>) target_semaphore(%arg15 : memref<!tpu.dma_semaphore, #tpu.memory_space<semaphore_mem>>)
    %dma_wait3A = tpu.memref_slice %arg2[%mul3A_4] : memref<65536xi32, #tpu.memory_space<hbm>> -> memref<2048xi32, #tpu.memory_space<hbm>>
    %dma_wait3A_8 = tpu.memref_slice %arg2[%mul3A_4] : memref<65536xi32, #tpu.memory_space<hbm>> -> memref<2048xi32, #tpu.memory_space<hbm>>
    tpu.wait_dma2 semaphore(%arg15 : memref<!tpu.dma_semaphore, #tpu.memory_space<semaphore_mem>>) src(%dma_wait3A_8 : memref<2048xi32, #tpu.memory_space<hbm>>) dst(%arg7 : memref<2048xi32, #tpu.memory_space<vmem>>)
    %dma_wait3A_9 = tpu.memref_slice %arg3[%mul3A_4] : memref<65536xf32, #tpu.memory_space<hbm>> -> memref<2048xf32, #tpu.memory_space<hbm>>
    %dma_wait3A_10 = tpu.memref_slice %arg3[%mul3A_4] : memref<65536xf32, #tpu.memory_space<hbm>> -> memref<2048xf32, #tpu.memory_space<hbm>>
    tpu.wait_dma2 semaphore(%arg15 : memref<!tpu.dma_semaphore, #tpu.memory_space<semaphore_mem>>) src(%dma_wait3A_10 : memref<2048xf32, #tpu.memory_space<hbm>>) dst(%arg8 : memref<2048xf32, #tpu.memory_space<vmem>>)
    tpu.wait_dma2 semaphore(%arg15 : memref<!tpu.dma_semaphore, #tpu.memory_space<semaphore_mem>>) src(%arg5 : memref<1024xf32, #tpu.memory_space<hbm>>) dst(%arg9 : memref<1024xf32, #tpu.memory_space<vmem>>)
    %dma_start3A_11 = arith.constant 0 : i32
    %dma_start3A_12 = arith.constant 0 : i32
    %dma_start3A_13 = arith.constant 0 : i32
    %dma_start3A_14 = tpu.memref_slice %arg10[%dma_start3A_11, %dma_start3A_12, %dma_start3A_13] : memref<3x32x1024xf32, #tpu.memory_space<vmem>> -> memref<1x32x1024xf32, #tpu.memory_space<vmem>>
    %dma_start3A_15 = tpu.memref_squeeze %dma_start3A_14 : memref<1x32x1024xf32, #tpu.memory_space<vmem>> -> memref<32x1024xf32, #tpu.memory_space<vmem>>
    %dma_start3A_16 = arith.constant 0 : i32
    %dma_start3A_17 = tpu.memref_slice %arg7[%dma_start3A_16] : memref<2048xi32, #tpu.memory_space<vmem>> -> memref<32xi32, #tpu.memory_space<vmem>>
    %dma_start3A_18 = arith.constant 0 : i32
    %dma_start3A_19 = arith.constant 0 : i32
    %dma_start3A_20 = tpu.memref_slice %arg4[%dma_start3A_18, %dma_start3A_19] : memref<65536x1024xf32, #tpu.memory_space<hbm>> -> memref<65536x1024xf32, #tpu.memory_space<hbm>>
    tpu.enqueue_indirect_dma source(%dma_start3A_20 : memref<65536x1024xf32, #tpu.memory_space<hbm>>) target(%dma_start3A_15 : memref<32x1024xf32, #tpu.memory_space<vmem>>) offsets(%dma_start3A_17 : memref<32xi32, #tpu.memory_space<vmem>>) semaphore(%arg12 : memref<!tpu.dma_semaphore, #tpu.memory_space<semaphore_mem>>)
    %dma_start3A_21 = arith.constant 1 : i32
    %dma_start3A_22 = arith.constant 0 : i32
    %dma_start3A_23 = arith.constant 0 : i32
    %dma_start3A_24 = tpu.memref_slice %arg10[%dma_start3A_21, %dma_start3A_22, %dma_start3A_23] : memref<3x32x1024xf32, #tpu.memory_space<vmem>> -> memref<1x32x1024xf32, #tpu.memory_space<vmem>>
    %dma_start3A_25 = tpu.memref_squeeze %dma_start3A_24 : memref<1x32x1024xf32, #tpu.memory_space<vmem>> -> memref<32x1024xf32, #tpu.memory_space<vmem>>
    %dma_start3A_26 = arith.constant 32 : i32
    %dma_start3A_27 = tpu.memref_slice %arg7[%dma_start3A_26] : memref<2048xi32, #tpu.memory_space<vmem>> -> memref<32xi32, #tpu.memory_space<vmem>>
    %dma_start3A_28 = arith.constant 0 : i32
    %dma_start3A_29 = arith.constant 0 : i32
    %dma_start3A_30 = tpu.memref_slice %arg4[%dma_start3A_28, %dma_start3A_29] : memref<65536x1024xf32, #tpu.memory_space<hbm>> -> memref<65536x1024xf32, #tpu.memory_space<hbm>>
    tpu.enqueue_indirect_dma source(%dma_start3A_30 : memref<65536x1024xf32, #tpu.memory_space<hbm>>) target(%dma_start3A_25 : memref<32x1024xf32, #tpu.memory_space<vmem>>) offsets(%dma_start3A_27 : memref<32xi32, #tpu.memory_space<vmem>>) semaphore(%arg13 : memref<!tpu.dma_semaphore, #tpu.memory_space<semaphore_mem>>)
    %scan3A = arith.constant 0 : i32
    %scan3A_31 = arith.constant 0 : i32
    %scan3A_32 = arith.constant 21 : i32
    %scan3A_33 = arith.addi %scan3A_31, %scan3A_32 : i32
    %scan3A_34 = arith.constant 1 : i32
    %scan3A_35 = scf.for %scan3A_231 = %scan3A_31 to %scan3A_33 step %scan3A_34 iter_args(%scan3A_232 = %scan3A) -> (i32)  : i32 {
      %mul3A_233 = arith.constant 3 : i32
      %mul3A_234 = arith.muli %scan3A_231, %mul3A_233 : i32
      %add3A_235 = arith.constant 0 : i32
      %add3A_236 = arith.addi %mul3A_234, %add3A_235 : i32
      %add3A_237 = arith.constant 2 : i32
      %add3A_238 = arith.addi %add3A_236, %add3A_237 : i32
      %lt3A_239 = arith.constant 64 : i32
      %lt3A_240 = arith.cmpi slt, %add3A_238, %lt3A_239 : i32
      %convert_element_type3A_241 = arith.extui %lt3A_240 : i1 to i32
      %cond3A_242 = arith.constant 0 : i32
      %cond3A_243 = arith.cmpi ne, %convert_element_type3A_241, %cond3A_242 : i32
      scf.if %cond3A_243 {
        %add3A_720 = arith.constant 2 : i32
        %add3A_721 = arith.addi %add3A_236, %add3A_720 : i32
        %mul3A_722 = arith.constant 32 : i32
        %mul3A_723 = arith.muli %add3A_721, %mul3A_722 : i32
        %dma_start3A_724 = arith.constant 2 : i32
        %dma_start3A_725 = arith.constant 0 : i32
        %dma_start3A_726 = arith.constant 0 : i32
        %dma_start3A_727 = tpu.memref_slice %arg10[%dma_start3A_724, %dma_start3A_725, %dma_start3A_726] : memref<3x32x1024xf32, #tpu.memory_space<vmem>> -> memref<1x32x1024xf32, #tpu.memory_space<vmem>>
        %dma_start3A_728 = tpu.memref_squeeze %dma_start3A_727 : memref<1x32x1024xf32, #tpu.memory_space<vmem>> -> memref<32x1024xf32, #tpu.memory_space<vmem>>
        %dma_start3A_729 = tpu.memref_slice %arg7[%mul3A_723] : memref<2048xi32, #tpu.memory_space<vmem>> -> memref<32xi32, #tpu.memory_space<vmem>>
        %dma_start3A_730 = arith.constant 0 : i32
        %dma_start3A_731 = arith.constant 0 : i32
        %dma_start3A_732 = tpu.memref_slice %arg4[%dma_start3A_730, %dma_start3A_731] : memref<65536x1024xf32, #tpu.memory_space<hbm>> -> memref<65536x1024xf32, #tpu.memory_space<hbm>>
        tpu.enqueue_indirect_dma source(%dma_start3A_732 : memref<65536x1024xf32, #tpu.memory_space<hbm>>) target(%dma_start3A_728 : memref<32x1024xf32, #tpu.memory_space<vmem>>) offsets(%dma_start3A_729 : memref<32xi32, #tpu.memory_space<vmem>>) semaphore(%arg14 : memref<!tpu.dma_semaphore, #tpu.memory_space<semaphore_mem>>)
      } else {
      }
      %dma_wait3A_244 = arith.constant 0 : i32
      %dma_wait3A_245 = arith.constant 0 : i32
      %dma_wait3A_246 = arith.constant 0 : i32
      %dma_wait3A_247 = tpu.memref_slice %arg10[%dma_wait3A_244, %dma_wait3A_245, %dma_wait3A_246] : memref<3x32x1024xf32, #tpu.memory_space<vmem>> -> memref<1x32x1024xf32, #tpu.memory_space<vmem>>
      %dma_wait3A_248 = tpu.memref_squeeze %dma_wait3A_247 : memref<1x32x1024xf32, #tpu.memory_space<vmem>> -> memref<32x1024xf32, #tpu.memory_space<vmem>>
      %dma_wait3A_249 = arith.constant 0 : i32
      %dma_wait3A_250 = tpu.memref_slice %arg7[%dma_wait3A_249] : memref<2048xi32, #tpu.memory_space<vmem>> -> memref<32xi32, #tpu.memory_space<vmem>>
      %dma_wait3A_251 = arith.constant 0 : i32
      %dma_wait3A_252 = arith.constant 0 : i32
      %dma_wait3A_253 = tpu.memref_slice %arg4[%dma_wait3A_251, %dma_wait3A_252] : memref<65536x1024xf32, #tpu.memory_space<hbm>> -> memref<65536x1024xf32, #tpu.memory_space<hbm>>
      tpu.wait_indirect_dma semaphore(%arg12 : memref<!tpu.dma_semaphore, #tpu.memory_space<semaphore_mem>>) src(%dma_wait3A_253 : memref<65536x1024xf32, #tpu.memory_space<hbm>>) dst(%dma_wait3A_248 : memref<32x1024xf32, #tpu.memory_space<vmem>>)
      %ge3A_254 = arith.constant 3 : i32
      %ge3A_255 = arith.cmpi sge, %add3A_236, %ge3A_254 : i32
      %convert_element_type3A_256 = arith.extui %ge3A_255 : i1 to i32
      %cond3A_257 = arith.constant 0 : i32
      %cond3A_258 = arith.cmpi ne, %convert_element_type3A_256, %cond3A_257 : i32
      scf.if %cond3A_258 {
        %dma_wait3A_720 = arith.constant 0 : i32
        %dma_wait3A_721 = arith.constant 0 : i32
        %dma_wait3A_722 = arith.constant 0 : i32
        %dma_wait3A_723 = tpu.memref_slice %arg11[%dma_wait3A_720, %dma_wait3A_721, %dma_wait3A_722] : memref<3x2x1024xf32, #tpu.memory_space<vmem>> -> memref<1x2x1024xf32, #tpu.memory_space<vmem>>
        %dma_wait3A_724 = tpu.memref_squeeze %dma_wait3A_723 : memref<1x2x1024xf32, #tpu.memory_space<vmem>> -> memref<2x1024xf32, #tpu.memory_space<vmem>>
        %dma_wait3A_725 = arith.constant 0 : i32
        %dma_wait3A_726 = tpu.memref_slice %arg6[%mul3A_2, %dma_wait3A_725] : memref<4096x1024xf32, #tpu.memory_space<hbm>> -> memref<2x1024xf32, #tpu.memory_space<hbm>>
        %dma_wait3A_727 = arith.constant 0 : i32
        %dma_wait3A_728 = tpu.memref_slice %arg6[%mul3A_2, %dma_wait3A_727] : memref<4096x1024xf32, #tpu.memory_space<hbm>> -> memref<2x1024xf32, #tpu.memory_space<hbm>>
        %dma_wait3A_729 = arith.constant 0 : i32
        %dma_wait3A_730 = arith.constant 0 : i32
        %dma_wait3A_731 = tpu.memref_slice %arg11[%dma_wait3A_720, %dma_wait3A_729, %dma_wait3A_730] : memref<3x2x1024xf32, #tpu.memory_space<vmem>> -> memref<1x2x1024xf32, #tpu.memory_space<vmem>>
        %dma_wait3A_732 = tpu.memref_squeeze %dma_wait3A_731 : memref<1x2x1024xf32, #tpu.memory_space<vmem>> -> memref<2x1024xf32, #tpu.memory_space<vmem>>
        tpu.wait_dma2 semaphore(%arg15 : memref<!tpu.dma_semaphore, #tpu.memory_space<semaphore_mem>>) src(%dma_wait3A_732 : memref<2x1024xf32, #tpu.memory_space<vmem>>) dst(%dma_wait3A_728 : memref<2x1024xf32, #tpu.memory_space<hbm>>)
      } else {
      }
      %mul3A_259 = arith.constant 2 : i32
      %mul3A_260 = arith.muli %add3A_236, %mul3A_259 : i32
      %add3A_261 = arith.constant 0 : i32
      %add3A_262 = arith.addi %mul3A_260, %add3A_261 : i32
      %mul3A_263 = arith.constant 16 : i32
      %mul3A_264 = arith.muli %add3A_262, %mul3A_263 : i32
      %get3A_265 = arith.index_cast %mul3A_264 : i32 to index
      %get3A_266 = tpu.vector_load %arg8[%get3A_265] {strides = array<i32>} : memref<2048xf32, #tpu.memory_space<vmem>>, vector<16xf32>,
      %get3A_267 = vector.shape_cast %get3A_266 : vector<16xf32> to vector<16xf32>
      %slice3A_268 = vector.extract_strided_slice %get3A_267 {offsets = [0], sizes = [1], strides = [1]} : vector<16xf32> to vector<1xf32>
      %squeeze3A_269 = vector.extract %slice3A_268[0] : f32 from vector<1xf32>
      %broadcast_in_dim3A_270 = vector.broadcast %squeeze3A_269 : f32 to vector<16xf32>
      %slice3A_271 = vector.extract_strided_slice %get3A_267 {offsets = [1], sizes = [1], strides = [1]} : vector<16xf32> to vector<1xf32>
      %squeeze3A_272 = vector.extract %slice3A_271[0] : f32 from vector<1xf32>
      %broadcast_in_dim3A_273 = vector.broadcast %squeeze3A_272 : f32 to vector<16xf32>
      %slice3A_274 = vector.extract_strided_slice %get3A_267 {offsets = [2], sizes = [1], strides = [1]} : vector<16xf32> to vector<1xf32>
      %squeeze3A_275 = vector.extract %slice3A_274[0] : f32 from vector<1xf32>
      %broadcast_in_dim3A_276 = vector.broadcast %squeeze3A_275 : f32 to vector<16xf32>
      %slice3A_277 = vector.extract_strided_slice %get3A_267 {offsets = [3], sizes = [1], strides = [1]} : vector<16xf32> to vector<1xf32>
      %squeeze3A_278 = vector.extract %slice3A_277[0] : f32 from vector<1xf32>
      %broadcast_in_dim3A_279 = vector.broadcast %squeeze3A_278 : f32 to vector<16xf32>
      %slice3A_280 = vector.extract_strided_slice %get3A_267 {offsets = [4], sizes = [1], strides = [1]} : vector<16xf32> to vector<1xf32>
      %squeeze3A_281 = vector.extract %slice3A_280[0] : f32 from vector<1xf32>
      %broadcast_in_dim3A_282 = vector.broadcast %squeeze3A_281 : f32 to vector<16xf32>
      %slice3A_283 = vector.extract_strided_slice %get3A_267 {offsets = [5], sizes = [1], strides = [1]} : vector<16xf32> to vector<1xf32>
      %squeeze3A_284 = vector.extract %slice3A_283[0] : f32 from vector<1xf32>
      %broadcast_in_dim3A_285 = vector.broadcast %squeeze3A_284 : f32 to vector<16xf32>
      %slice3A_286 = vector.extract_strided_slice %get3A_267 {offsets = [6], sizes = [1], strides = [1]} : vector<16xf32> to vector<1xf32>
      %squeeze3A_287 = vector.extract %slice3A_286[0] : f32 from vector<1xf32>
      %broadcast_in_dim3A_288 = vector.broadcast %squeeze3A_287 : f32 to vector<16xf32>
      %slice3A_289 = vector.extract_strided_slice %get3A_267 {offsets = [7], sizes = [1], strides = [1]} : vector<16xf32> to vector<1xf32>
      %squeeze3A_290 = vector.extract %slice3A_289[0] : f32 from vector<1xf32>
      %broadcast_in_dim3A_291 = vector.broadcast %squeeze3A_290 : f32 to vector<16xf32>
      %slice3A_292 = vector.extract_strided_slice %get3A_267 {offsets = [8], sizes = [1], strides = [1]} : vector<16xf32> to vector<1xf32>
      %squeeze3A_293 = vector.extract %slice3A_292[0] : f32 from vector<1xf32>
      %broadcast_in_dim3A_294 = vector.broadcast %squeeze3A_293 : f32 to vector<16xf32>
      %slice3A_295 = vector.extract_strided_slice %get3A_267 {offsets = [9], sizes = [1], strides = [1]} : vector<16xf32> to vector<1xf32>
      %squeeze3A_296 = vector.extract %slice3A_295[0] : f32 from vector<1xf32>
      %broadcast_in_dim3A_297 = vector.broadcast %squeeze3A_296 : f32 to vector<16xf32>
      %slice3A_298 = vector.extract_strided_slice %get3A_267 {offsets = [10], sizes = [1], strides = [1]} : vector<16xf32> to vector<1xf32>
      %squeeze3A_299 = vector.extract %slice3A_298[0] : f32 from vector<1xf32>
      %broadcast_in_dim3A_300 = vector.broadcast %squeeze3A_299 : f32 to vector<16xf32>
      %slice3A_301 = vector.extract_strided_slice %get3A_267 {offsets = [11], sizes = [1], strides = [1]} : vector<16xf32> to vector<1xf32>
      %squeeze3A_302 = vector.extract %slice3A_301[0] : f32 from vector<1xf32>
      %broadcast_in_dim3A_303 = vector.broadcast %squeeze3A_302 : f32 to vector<16xf32>
      %slice3A_304 = vector.extract_strided_slice %get3A_267 {offsets = [12], sizes = [1], strides = [1]} : vector<16xf32> to vector<1xf32>
      %squeeze3A_305 = vector.extract %slice3A_304[0] : f32 from vector<1xf32>
      %broadcast_in_dim3A_306 = vector.broadcast %squeeze3A_305 : f32 to vector<16xf32>
      %slice3A_307 = vector.extract_strided_slice %get3A_267 {offsets = [13], sizes = [1], strides = [1]} : vector<16xf32> to vector<1xf32>
      %squeeze3A_308 = vector.extract %slice3A_307[0] : f32 from vector<1xf32>
      %broadcast_in_dim3A_309 = vector.broadcast %squeeze3A_308 : f32 to vector<16xf32>
      %slice3A_310 = vector.extract_strided_slice %get3A_267 {offsets = [14], sizes = [1], strides = [1]} : vector<16xf32> to vector<1xf32>
      %squeeze3A_311 = vector.extract %slice3A_310[0] : f32 from vector<1xf32>
      %broadcast_in_dim3A_312 = vector.broadcast %squeeze3A_311 : f32 to vector<16xf32>
      %slice3A_313 = vector.extract_strided_slice %get3A_267 {offsets = [15], sizes = [1], strides = [1]} : vector<16xf32> to vector<1xf32>
      %squeeze3A_314 = vector.extract %slice3A_313[0] : f32 from vector<1xf32>
      %broadcast_in_dim3A_315 = vector.broadcast %squeeze3A_314 : f32 to vector<16xf32>
      %parallel_loop3A_316 = arith.constant 0 : i32
      %parallel_loop3A_317 = arith.constant 1024 : i32
      %parallel_loop3A_318 = arith.constant 16 : i32
      scf.for %parallel_loop3A_720 = %parallel_loop3A_316 to %parallel_loop3A_317 step %parallel_loop3A_318  : i32 {
        %parallel_loop3A_721 = arith.index_cast %parallel_loop3A_720 : i32 to index
        %parallel_loop3A_722 = tpu.vector_load %arg9[%parallel_loop3A_721] {strides = array<i32>} : memref<1024xf32, #tpu.memory_space<vmem>>, vector<16xf32>,
        %parallel_loop3A_723 = vector.shape_cast %parallel_loop3A_722 : vector<16xf32> to vector<16xf32>
        %parallel_loop3A_724 = arith.constant 0 : i32
        %parallel_loop3A_725 = arith.constant 0 : i32
        %parallel_loop3A_726 = arith.index_cast %parallel_loop3A_724 : i32 to index
        %parallel_loop3A_727 = arith.index_cast %parallel_loop3A_725 : i32 to index
        %parallel_loop3A_728 = arith.index_cast %parallel_loop3A_720 : i32 to index
        %parallel_loop3A_729 = tpu.vector_load %arg10[%parallel_loop3A_726, %parallel_loop3A_727, %parallel_loop3A_728] {strides = array<i32>} : memref<3x32x1024xf32, #tpu.memory_space<vmem>>, vector<1x1x16xf32>,
        %parallel_loop3A_730 = vector.shape_cast %parallel_loop3A_729 : vector<1x1x16xf32> to vector<16xf32>
        %parallel_loop3A_731 = arith.mulf %parallel_loop3A_730, %broadcast_in_dim3A_270 : vector<16xf32>
        %parallel_loop3A_732 = arith.addf %parallel_loop3A_723, %parallel_loop3A_731 : vector<16xf32>
        %parallel_loop3A_733 = arith.constant 0 : i32
        %parallel_loop3A_734 = arith.constant 1 : i32
        %parallel_loop3A_735 = arith.index_cast %parallel_loop3A_733 : i32 to index
        %parallel_loop3A_736 = arith.index_cast %parallel_loop3A_734 : i32 to index
        %parallel_loop3A_737 = arith.index_cast %parallel_loop3A_720 : i32 to index
        %parallel_loop3A_738 = tpu.vector_load %arg10[%parallel_loop3A_735, %parallel_loop3A_736, %parallel_loop3A_737] {strides = array<i32>} : memref<3x32x1024xf32, #tpu.memory_space<vmem>>, vector<1x1x16xf32>,
        %parallel_loop3A_739 = vector.shape_cast %parallel_loop3A_738 : vector<1x1x16xf32> to vector<16xf32>
        %parallel_loop3A_740 = arith.mulf %parallel_loop3A_739, %broadcast_in_dim3A_273 : vector<16xf32>
        %parallel_loop3A_741 = arith.addf %parallel_loop3A_732, %parallel_loop3A_740 : vector<16xf32>
        %parallel_loop3A_742 = arith.constant 0 : i32
        %parallel_loop3A_743 = arith.constant 2 : i32
        %parallel_loop3A_744 = arith.index_cast %parallel_loop3A_742 : i32 to index
        %parallel_loop3A_745 = arith.index_cast %parallel_loop3A_743 : i32 to index
        %parallel_loop3A_746 = arith.index_cast %parallel_loop3A_720 : i32 to index
        %parallel_loop3A_747 = tpu.vector_load %arg10[%parallel_loop3A_744, %parallel_loop3A_745, %parallel_loop3A_746] {strides = array<i32>} : memref<3x32x1024xf32, #tpu.memory_space<vmem>>, vector<1x1x16xf32>,
        %parallel_loop3A_748 = vector.shape_cast %parallel_loop3A_747 : vector<1x1x16xf32> to vector<16xf32>
        %parallel_loop3A_749 = arith.mulf %parallel_loop3A_748, %broadcast_in_dim3A_276 : vector<16xf32>
        %parallel_loop3A_750 = arith.addf %parallel_loop3A_741, %parallel_loop3A_749 : vector<16xf32>
        %parallel_loop3A_751 = arith.constant 0 : i32
        %parallel_loop3A_752 = arith.constant 3 : i32
        %parallel_loop3A_753 = arith.index_cast %parallel_loop3A_751 : i32 to index
        %parallel_loop3A_754 = arith.index_cast %parallel_loop3A_752 : i32 to index
        %parallel_loop3A_755 = arith.index_cast %parallel_loop3A_720 : i32 to index
        %parallel_loop3A_756 = tpu.vector_load %arg10[%parallel_loop3A_753, %parallel_loop3A_754, %parallel_loop3A_755] {strides = array<i32>} : memref<3x32x1024xf32, #tpu.memory_space<vmem>>, vector<1x1x16xf32>,
        %parallel_loop3A_757 = vector.shape_cast %parallel_loop3A_756 : vector<1x1x16xf32> to vector<16xf32>
        %parallel_loop3A_758 = arith.mulf %parallel_loop3A_757, %broadcast_in_dim3A_279 : vector<16xf32>
        %parallel_loop3A_759 = arith.addf %parallel_loop3A_750, %parallel_loop3A_758 : vector<16xf32>
        %parallel_loop3A_760 = arith.constant 0 : i32
        %parallel_loop3A_761 = arith.constant 4 : i32
        %parallel_loop3A_762 = arith.index_cast %parallel_loop3A_760 : i32 to index
        %parallel_loop3A_763 = arith.index_cast %parallel_loop3A_761 : i32 to index
        %parallel_loop3A_764 = arith.index_cast %parallel_loop3A_720 : i32 to index
        %parallel_loop3A_765 = tpu.vector_load %arg10[%parallel_loop3A_762, %parallel_loop3A_763, %parallel_loop3A_764] {strides = array<i32>} : memref<3x32x1024xf32, #tpu.memory_space<vmem>>, vector<1x1x16xf32>,
        %parallel_loop3A_766 = vector.shape_cast %parallel_loop3A_765 : vector<1x1x16xf32> to vector<16xf32>
        %parallel_loop3A_767 = arith.mulf %parallel_loop3A_766, %broadcast_in_dim3A_282 : vector<16xf32>
        %parallel_loop3A_768 = arith.addf %parallel_loop3A_759, %parallel_loop3A_767 : vector<16xf32>
        %parallel_loop3A_769 = arith.constant 0 : i32
        %parallel_loop3A_770 = arith.constant 5 : i32
        %parallel_loop3A_771 = arith.index_cast %parallel_loop3A_769 : i32 to index
        %parallel_loop3A_772 = arith.index_cast %parallel_loop3A_770 : i32 to index
        %parallel_loop3A_773 = arith.index_cast %parallel_loop3A_720 : i32 to index
        %parallel_loop3A_774 = tpu.vector_load %arg10[%parallel_loop3A_771, %parallel_loop3A_772, %parallel_loop3A_773] {strides = array<i32>} : memref<3x32x1024xf32, #tpu.memory_space<vmem>>, vector<1x1x16xf32>,
        %parallel_loop3A_775 = vector.shape_cast %parallel_loop3A_774 : vector<1x1x16xf32> to vector<16xf32>
        %parallel_loop3A_776 = arith.mulf %parallel_loop3A_775, %broadcast_in_dim3A_285 : vector<16xf32>
        %parallel_loop3A_777 = arith.addf %parallel_loop3A_768, %parallel_loop3A_776 : vector<16xf32>
        %parallel_loop3A_778 = arith.constant 0 : i32
        %parallel_loop3A_779 = arith.constant 6 : i32
        %parallel_loop3A_780 = arith.index_cast %parallel_loop3A_778 : i32 to index
        %parallel_loop3A_781 = arith.index_cast %parallel_loop3A_779 : i32 to index
        %parallel_loop3A_782 = arith.index_cast %parallel_loop3A_720 : i32 to index
        %parallel_loop3A_783 = tpu.vector_load %arg10[%parallel_loop3A_780, %parallel_loop3A_781, %parallel_loop3A_782] {strides = array<i32>} : memref<3x32x1024xf32, #tpu.memory_space<vmem>>, vector<1x1x16xf32>,
        %parallel_loop3A_784 = vector.shape_cast %parallel_loop3A_783 : vector<1x1x16xf32> to vector<16xf32>
        %parallel_loop3A_785 = arith.mulf %parallel_loop3A_784, %broadcast_in_dim3A_288 : vector<16xf32>
        %parallel_loop3A_786 = arith.addf %parallel_loop3A_777, %parallel_loop3A_785 : vector<16xf32>
        %parallel_loop3A_787 = arith.constant 0 : i32
        %parallel_loop3A_788 = arith.constant 7 : i32
        %parallel_loop3A_789 = arith.index_cast %parallel_loop3A_787 : i32 to index
        %parallel_loop3A_790 = arith.index_cast %parallel_loop3A_788 : i32 to index
        %parallel_loop3A_791 = arith.index_cast %parallel_loop3A_720 : i32 to index
        %parallel_loop3A_792 = tpu.vector_load %arg10[%parallel_loop3A_789, %parallel_loop3A_790, %parallel_loop3A_791] {strides = array<i32>} : memref<3x32x1024xf32, #tpu.memory_space<vmem>>, vector<1x1x16xf32>,
        %parallel_loop3A_793 = vector.shape_cast %parallel_loop3A_792 : vector<1x1x16xf32> to vector<16xf32>
        %parallel_loop3A_794 = arith.mulf %parallel_loop3A_793, %broadcast_in_dim3A_291 : vector<16xf32>
        %parallel_loop3A_795 = arith.addf %parallel_loop3A_786, %parallel_loop3A_794 : vector<16xf32>
        %parallel_loop3A_796 = arith.constant 0 : i32
        %parallel_loop3A_797 = arith.constant 8 : i32
        %parallel_loop3A_798 = arith.index_cast %parallel_loop3A_796 : i32 to index
        %parallel_loop3A_799 = arith.index_cast %parallel_loop3A_797 : i32 to index
        %parallel_loop3A_800 = arith.index_cast %parallel_loop3A_720 : i32 to index
        %parallel_loop3A_801 = tpu.vector_load %arg10[%parallel_loop3A_798, %parallel_loop3A_799, %parallel_loop3A_800] {strides = array<i32>} : memref<3x32x1024xf32, #tpu.memory_space<vmem>>, vector<1x1x16xf32>,
        %parallel_loop3A_802 = vector.shape_cast %parallel_loop3A_801 : vector<1x1x16xf32> to vector<16xf32>
        %parallel_loop3A_803 = arith.mulf %parallel_loop3A_802, %broadcast_in_dim3A_294 : vector<16xf32>
        %parallel_loop3A_804 = arith.addf %parallel_loop3A_795, %parallel_loop3A_803 : vector<16xf32>
        %parallel_loop3A_805 = arith.constant 0 : i32
        %parallel_loop3A_806 = arith.constant 9 : i32
        %parallel_loop3A_807 = arith.index_cast %parallel_loop3A_805 : i32 to index
        %parallel_loop3A_808 = arith.index_cast %parallel_loop3A_806 : i32 to index
        %parallel_loop3A_809 = arith.index_cast %parallel_loop3A_720 : i32 to index
        %parallel_loop3A_810 = tpu.vector_load %arg10[%parallel_loop3A_807, %parallel_loop3A_808, %parallel_loop3A_809] {strides = array<i32>} : memref<3x32x1024xf32, #tpu.memory_space<vmem>>, vector<1x1x16xf32>,
        %parallel_loop3A_811 = vector.shape_cast %parallel_loop3A_810 : vector<1x1x16xf32> to vector<16xf32>
        %parallel_loop3A_812 = arith.mulf %parallel_loop3A_811, %broadcast_in_dim3A_297 : vector<16xf32>
        %parallel_loop3A_813 = arith.addf %parallel_loop3A_804, %parallel_loop3A_812 : vector<16xf32>
        %parallel_loop3A_814 = arith.constant 0 : i32
        %parallel_loop3A_815 = arith.constant 10 : i32
        %parallel_loop3A_816 = arith.index_cast %parallel_loop3A_814 : i32 to index
        %parallel_loop3A_817 = arith.index_cast %parallel_loop3A_815 : i32 to index
        %parallel_loop3A_818 = arith.index_cast %parallel_loop3A_720 : i32 to index
        %parallel_loop3A_819 = tpu.vector_load %arg10[%parallel_loop3A_816, %parallel_loop3A_817, %parallel_loop3A_818] {strides = array<i32>} : memref<3x32x1024xf32, #tpu.memory_space<vmem>>, vector<1x1x16xf32>,
        %parallel_loop3A_820 = vector.shape_cast %parallel_loop3A_819 : vector<1x1x16xf32> to vector<16xf32>
        %parallel_loop3A_821 = arith.mulf %parallel_loop3A_820, %broadcast_in_dim3A_300 : vector<16xf32>
        %parallel_loop3A_822 = arith.addf %parallel_loop3A_813, %parallel_loop3A_821 : vector<16xf32>
        %parallel_loop3A_823 = arith.constant 0 : i32
        %parallel_loop3A_824 = arith.constant 11 : i32
        %parallel_loop3A_825 = arith.index_cast %parallel_loop3A_823 : i32 to index
        %parallel_loop3A_826 = arith.index_cast %parallel_loop3A_824 : i32 to index
        %parallel_loop3A_827 = arith.index_cast %parallel_loop3A_720 : i32 to index
        %parallel_loop3A_828 = tpu.vector_load %arg10[%parallel_loop3A_825, %parallel_loop3A_826, %parallel_loop3A_827] {strides = array<i32>} : memref<3x32x1024xf32, #tpu.memory_space<vmem>>, vector<1x1x16xf32>,
        %parallel_loop3A_829 = vector.shape_cast %parallel_loop3A_828 : vector<1x1x16xf32> to vector<16xf32>
        %parallel_loop3A_830 = arith.mulf %parallel_loop3A_829, %broadcast_in_dim3A_303 : vector<16xf32>
        %parallel_loop3A_831 = arith.addf %parallel_loop3A_822, %parallel_loop3A_830 : vector<16xf32>
        %parallel_loop3A_832 = arith.constant 0 : i32
        %parallel_loop3A_833 = arith.constant 12 : i32
        %parallel_loop3A_834 = arith.index_cast %parallel_loop3A_832 : i32 to index
        %parallel_loop3A_835 = arith.index_cast %parallel_loop3A_833 : i32 to index
        %parallel_loop3A_836 = arith.index_cast %parallel_loop3A_720 : i32 to index
        %parallel_loop3A_837 = tpu.vector_load %arg10[%parallel_loop3A_834, %parallel_loop3A_835, %parallel_loop3A_836] {strides = array<i32>} : memref<3x32x1024xf32, #tpu.memory_space<vmem>>, vector<1x1x16xf32>,
        %parallel_loop3A_838 = vector.shape_cast %parallel_loop3A_837 : vector<1x1x16xf32> to vector<16xf32>
        %parallel_loop3A_839 = arith.mulf %parallel_loop3A_838, %broadcast_in_dim3A_306 : vector<16xf32>
        %parallel_loop3A_840 = arith.addf %parallel_loop3A_831, %parallel_loop3A_839 : vector<16xf32>
        %parallel_loop3A_841 = arith.constant 0 : i32
        %parallel_loop3A_842 = arith.constant 13 : i32
        %parallel_loop3A_843 = arith.index_cast %parallel_loop3A_841 : i32 to index
        %parallel_loop3A_844 = arith.index_cast %parallel_loop3A_842 : i32 to index
        %parallel_loop3A_845 = arith.index_cast %parallel_loop3A_720 : i32 to index
        %parallel_loop3A_846 = tpu.vector_load %arg10[%parallel_loop3A_843, %parallel_loop3A_844, %parallel_loop3A_845] {strides = array<i32>} : memref<3x32x1024xf32, #tpu.memory_space<vmem>>, vector<1x1x16xf32>,
        %parallel_loop3A_847 = vector.shape_cast %parallel_loop3A_846 : vector<1x1x16xf32> to vector<16xf32>
        %parallel_loop3A_848 = arith.mulf %parallel_loop3A_847, %broadcast_in_dim3A_309 : vector<16xf32>
        %parallel_loop3A_849 = arith.addf %parallel_loop3A_840, %parallel_loop3A_848 : vector<16xf32>
        %parallel_loop3A_850 = arith.constant 0 : i32
        %parallel_loop3A_851 = arith.constant 14 : i32
        %parallel_loop3A_852 = arith.index_cast %parallel_loop3A_850 : i32 to index
        %parallel_loop3A_853 = arith.index_cast %parallel_loop3A_851 : i32 to index
        %parallel_loop3A_854 = arith.index_cast %parallel_loop3A_720 : i32 to index
        %parallel_loop3A_855 = tpu.vector_load %arg10[%parallel_loop3A_852, %parallel_loop3A_853, %parallel_loop3A_854] {strides = array<i32>} : memref<3x32x1024xf32, #tpu.memory_space<vmem>>, vector<1x1x16xf32>,
        %parallel_loop3A_856 = vector.shape_cast %parallel_loop3A_855 : vector<1x1x16xf32> to vector<16xf32>
        %parallel_loop3A_857 = arith.mulf %parallel_loop3A_856, %broadcast_in_dim3A_312 : vector<16xf32>
        %parallel_loop3A_858 = arith.addf %parallel_loop3A_849, %parallel_loop3A_857 : vector<16xf32>
        %parallel_loop3A_859 = arith.constant 0 : i32
        %parallel_loop3A_860 = arith.constant 15 : i32
        %parallel_loop3A_861 = arith.index_cast %parallel_loop3A_859 : i32 to index
        %parallel_loop3A_862 = arith.index_cast %parallel_loop3A_860 : i32 to index
        %parallel_loop3A_863 = arith.index_cast %parallel_loop3A_720 : i32 to index
        %parallel_loop3A_864 = tpu.vector_load %arg10[%parallel_loop3A_861, %parallel_loop3A_862, %parallel_loop3A_863] {strides = array<i32>} : memref<3x32x1024xf32, #tpu.memory_space<vmem>>, vector<1x1x16xf32>,
        %parallel_loop3A_865 = vector.shape_cast %parallel_loop3A_864 : vector<1x1x16xf32> to vector<16xf32>
        %parallel_loop3A_866 = arith.mulf %parallel_loop3A_865, %broadcast_in_dim3A_315 : vector<16xf32>
        %parallel_loop3A_867 = arith.addf %parallel_loop3A_858, %parallel_loop3A_866 : vector<16xf32>
        %parallel_loop3A_868 = arith.constant 0 : i32
        %parallel_loop3A_869 = arith.constant 0 : i32
        %parallel_loop3A_870 = arith.index_cast %parallel_loop3A_868 : i32 to index
        %parallel_loop3A_871 = arith.index_cast %parallel_loop3A_869 : i32 to index
        %parallel_loop3A_872 = arith.index_cast %parallel_loop3A_720 : i32 to index
        %parallel_loop3A_873 = tpu.vector_load %arg11[%parallel_loop3A_870, %parallel_loop3A_871, %parallel_loop3A_872] {strides = array<i32>} : memref<3x2x1024xf32, #tpu.memory_space<vmem>>, vector<1x1x16xf32>,
        %parallel_loop3A_874 = vector.shape_cast %parallel_loop3A_873 : vector<1x1x16xf32> to vector<16xf32>
        %parallel_loop3A_875 = vector.shape_cast %parallel_loop3A_867 : vector<16xf32> to vector<1x1x16xf32>
        tpu.vector_store %arg11[%parallel_loop3A_870, %parallel_loop3A_871, %parallel_loop3A_872], %parallel_loop3A_875 {strides = array<i32>} : memref<3x2x1024xf32, #tpu.memory_space<vmem>>, vector<1x1x16xf32>,
      } {sc.loop_unroll_factor = 4 : i64, sc.parallel_access}
      %mul3A_319 = arith.constant 2 : i32
      %mul3A_320 = arith.muli %add3A_236, %mul3A_319 : i32
      %add3A_321 = arith.constant 1 : i32
      %add3A_322 = arith.addi %mul3A_320, %add3A_321 : i32
      %mul3A_323 = arith.constant 16 : i32
      %mul3A_324 = arith.muli %add3A_322, %mul3A_323 : i32
      %get3A_325 = arith.index_cast %mul3A_324 : i32 to index
      %get3A_326 = tpu.vector_load %arg8[%get3A_325] {strides = array<i32>} : memref<2048xf32, #tpu.memory_space<vmem>>, vector<16xf32>,
      %get3A_327 = vector.shape_cast %get3A_326 : vector<16xf32> to vector<16xf32>
      %slice3A_328 = vector.extract_strided_slice %get3A_327 {offsets = [0], sizes = [1], strides = [1]} : vector<16xf32> to vector<1xf32>
      %squeeze3A_329 = vector.extract %slice3A_328[0] : f32 from vector<1xf32>
      %broadcast_in_dim3A_330 = vector.broadcast %squeeze3A_329 : f32 to vector<16xf32>
      %slice3A_331 = vector.extract_strided_slice %get3A_327 {offsets = [1], sizes = [1], strides = [1]} : vector<16xf32> to vector<1xf32>
      %squeeze3A_332 = vector.extract %slice3A_331[0] : f32 from vector<1xf32>
      %broadcast_in_dim3A_333 = vector.broadcast %squeeze3A_332 : f32 to vector<16xf32>
      %slice3A_334 = vector.extract_strided_slice %get3A_327 {offsets = [2], sizes = [1], strides = [1]} : vector<16xf32> to vector<1xf32>
      %squeeze3A_335 = vector.extract %slice3A_334[0] : f32 from vector<1xf32>
      %broadcast_in_dim3A_336 = vector.broadcast %squeeze3A_335 : f32 to vector<16xf32>
      %slice3A_337 = vector.extract_strided_slice %get3A_327 {offsets = [3], sizes = [1], strides = [1]} : vector<16xf32> to vector<1xf32>
      %squeeze3A_338 = vector.extract %slice3A_337[0] : f32 from vector<1xf32>
      %broadcast_in_dim3A_339 = vector.broadcast %squeeze3A_338 : f32 to vector<16xf32>
      %slice3A_340 = vector.extract_strided_slice %get3A_327 {offsets = [4], sizes = [1], strides = [1]} : vector<16xf32> to vector<1xf32>
      %squeeze3A_341 = vector.extract %slice3A_340[0] : f32 from vector<1xf32>
      %broadcast_in_dim3A_342 = vector.broadcast %squeeze3A_341 : f32 to vector<16xf32>
      %slice3A_343 = vector.extract_strided_slice %get3A_327 {offsets = [5], sizes = [1], strides = [1]} : vector<16xf32> to vector<1xf32>
      %squeeze3A_344 = vector.extract %slice3A_343[0] : f32 from vector<1xf32>
      %broadcast_in_dim3A_345 = vector.broadcast %squeeze3A_344 : f32 to vector<16xf32>
      %slice3A_346 = vector.extract_strided_slice %get3A_327 {offsets = [6], sizes = [1], strides = [1]} : vector<16xf32> to vector<1xf32>
      %squeeze3A_347 = vector.extract %slice3A_346[0] : f32 from vector<1xf32>
      %broadcast_in_dim3A_348 = vector.broadcast %squeeze3A_347 : f32 to vector<16xf32>
      %slice3A_349 = vector.extract_strided_slice %get3A_327 {offsets = [7], sizes = [1], strides = [1]} : vector<16xf32> to vector<1xf32>
      %squeeze3A_350 = vector.extract %slice3A_349[0] : f32 from vector<1xf32>
      %broadcast_in_dim3A_351 = vector.broadcast %squeeze3A_350 : f32 to vector<16xf32>
      %slice3A_352 = vector.extract_strided_slice %get3A_327 {offsets = [8], sizes = [1], strides = [1]} : vector<16xf32> to vector<1xf32>
      %squeeze3A_353 = vector.extract %slice3A_352[0] : f32 from vector<1xf32>
      %broadcast_in_dim3A_354 = vector.broadcast %squeeze3A_353 : f32 to vector<16xf32>
      %slice3A_355 = vector.extract_strided_slice %get3A_327 {offsets = [9], sizes = [1], strides = [1]} : vector<16xf32> to vector<1xf32>
      %squeeze3A_356 = vector.extract %slice3A_355[0] : f32 from vector<1xf32>
      %broadcast_in_dim3A_357 = vector.broadcast %squeeze3A_356 : f32 to vector<16xf32>
      %slice3A_358 = vector.extract_strided_slice %get3A_327 {offsets = [10], sizes = [1], strides = [1]} : vector<16xf32> to vector<1xf32>
      %squeeze3A_359 = vector.extract %slice3A_358[0] : f32 from vector<1xf32>
      %broadcast_in_dim3A_360 = vector.broadcast %squeeze3A_359 : f32 to vector<16xf32>
      %slice3A_361 = vector.extract_strided_slice %get3A_327 {offsets = [11], sizes = [1], strides = [1]} : vector<16xf32> to vector<1xf32>
      %squeeze3A_362 = vector.extract %slice3A_361[0] : f32 from vector<1xf32>
      %broadcast_in_dim3A_363 = vector.broadcast %squeeze3A_362 : f32 to vector<16xf32>
      %slice3A_364 = vector.extract_strided_slice %get3A_327 {offsets = [12], sizes = [1], strides = [1]} : vector<16xf32> to vector<1xf32>
      %squeeze3A_365 = vector.extract %slice3A_364[0] : f32 from vector<1xf32>
      %broadcast_in_dim3A_366 = vector.broadcast %squeeze3A_365 : f32 to vector<16xf32>
      %slice3A_367 = vector.extract_strided_slice %get3A_327 {offsets = [13], sizes = [1], strides = [1]} : vector<16xf32> to vector<1xf32>
      %squeeze3A_368 = vector.extract %slice3A_367[0] : f32 from vector<1xf32>
      %broadcast_in_dim3A_369 = vector.broadcast %squeeze3A_368 : f32 to vector<16xf32>
      %slice3A_370 = vector.extract_strided_slice %get3A_327 {offsets = [14], sizes = [1], strides = [1]} : vector<16xf32> to vector<1xf32>
      %squeeze3A_371 = vector.extract %slice3A_370[0] : f32 from vector<1xf32>
      %broadcast_in_dim3A_372 = vector.broadcast %squeeze3A_371 : f32 to vector<16xf32>
      %slice3A_373 = vector.extract_strided_slice %get3A_327 {offsets = [15], sizes = [1], strides = [1]} : vector<16xf32> to vector<1xf32>
      %squeeze3A_374 = vector.extract %slice3A_373[0] : f32 from vector<1xf32>
      %broadcast_in_dim3A_375 = vector.broadcast %squeeze3A_374 : f32 to vector<16xf32>
      %parallel_loop3A_376 = arith.constant 0 : i32
      %parallel_loop3A_377 = arith.constant 1024 : i32
      %parallel_loop3A_378 = arith.constant 16 : i32
      scf.for %parallel_loop3A_720 = %parallel_loop3A_376 to %parallel_loop3A_377 step %parallel_loop3A_378  : i32 {
        %parallel_loop3A_721 = arith.index_cast %parallel_loop3A_720 : i32 to index
        %parallel_loop3A_722 = tpu.vector_load %arg9[%parallel_loop3A_721] {strides = array<i32>} : memref<1024xf32, #tpu.memory_space<vmem>>, vector<16xf32>,
        %parallel_loop3A_723 = vector.shape_cast %parallel_loop3A_722 : vector<16xf32> to vector<16xf32>
        %parallel_loop3A_724 = arith.constant 0 : i32
        %parallel_loop3A_725 = arith.constant 16 : i32
        %parallel_loop3A_726 = arith.index_cast %parallel_loop3A_724 : i32 to index
        %parallel_loop3A_727 = arith.index_cast %parallel_loop3A_725 : i32 to index
        %parallel_loop3A_728 = arith.index_cast %parallel_loop3A_720 : i32 to index
        %parallel_loop3A_729 = tpu.vector_load %arg10[%parallel_loop3A_726, %parallel_loop3A_727, %parallel_loop3A_728] {strides = array<i32>} : memref<3x32x1024xf32, #tpu.memory_space<vmem>>, vector<1x1x16xf32>,
        %parallel_loop3A_730 = vector.shape_cast %parallel_loop3A_729 : vector<1x1x16xf32> to vector<16xf32>
        %parallel_loop3A_731 = arith.mulf %parallel_loop3A_730, %broadcast_in_dim3A_330 : vector<16xf32>
        %parallel_loop3A_732 = arith.addf %parallel_loop3A_723, %parallel_loop3A_731 : vector<16xf32>
        %parallel_loop3A_733 = arith.constant 0 : i32
        %parallel_loop3A_734 = arith.constant 17 : i32
        %parallel_loop3A_735 = arith.index_cast %parallel_loop3A_733 : i32 to index
        %parallel_loop3A_736 = arith.index_cast %parallel_loop3A_734 : i32 to index
        %parallel_loop3A_737 = arith.index_cast %parallel_loop3A_720 : i32 to index
        %parallel_loop3A_738 = tpu.vector_load %arg10[%parallel_loop3A_735, %parallel_loop3A_736, %parallel_loop3A_737] {strides = array<i32>} : memref<3x32x1024xf32, #tpu.memory_space<vmem>>, vector<1x1x16xf32>,
        %parallel_loop3A_739 = vector.shape_cast %parallel_loop3A_738 : vector<1x1x16xf32> to vector<16xf32>
        %parallel_loop3A_740 = arith.mulf %parallel_loop3A_739, %broadcast_in_dim3A_333 : vector<16xf32>
        %parallel_loop3A_741 = arith.addf %parallel_loop3A_732, %parallel_loop3A_740 : vector<16xf32>
        %parallel_loop3A_742 = arith.constant 0 : i32
        %parallel_loop3A_743 = arith.constant 18 : i32
        %parallel_loop3A_744 = arith.index_cast %parallel_loop3A_742 : i32 to index
        %parallel_loop3A_745 = arith.index_cast %parallel_loop3A_743 : i32 to index
        %parallel_loop3A_746 = arith.index_cast %parallel_loop3A_720 : i32 to index
        %parallel_loop3A_747 = tpu.vector_load %arg10[%parallel_loop3A_744, %parallel_loop3A_745, %parallel_loop3A_746] {strides = array<i32>} : memref<3x32x1024xf32, #tpu.memory_space<vmem>>, vector<1x1x16xf32>,
        %parallel_loop3A_748 = vector.shape_cast %parallel_loop3A_747 : vector<1x1x16xf32> to vector<16xf32>
        %parallel_loop3A_749 = arith.mulf %parallel_loop3A_748, %broadcast_in_dim3A_336 : vector<16xf32>
        %parallel_loop3A_750 = arith.addf %parallel_loop3A_741, %parallel_loop3A_749 : vector<16xf32>
        %parallel_loop3A_751 = arith.constant 0 : i32
        %parallel_loop3A_752 = arith.constant 19 : i32
        %parallel_loop3A_753 = arith.index_cast %parallel_loop3A_751 : i32 to index
        %parallel_loop3A_754 = arith.index_cast %parallel_loop3A_752 : i32 to index
        %parallel_loop3A_755 = arith.index_cast %parallel_loop3A_720 : i32 to index
        %parallel_loop3A_756 = tpu.vector_load %arg10[%parallel_loop3A_753, %parallel_loop3A_754, %parallel_loop3A_755] {strides = array<i32>} : memref<3x32x1024xf32, #tpu.memory_space<vmem>>, vector<1x1x16xf32>,
        %parallel_loop3A_757 = vector.shape_cast %parallel_loop3A_756 : vector<1x1x16xf32> to vector<16xf32>
        %parallel_loop3A_758 = arith.mulf %parallel_loop3A_757, %broadcast_in_dim3A_339 : vector<16xf32>
        %parallel_loop3A_759 = arith.addf %parallel_loop3A_750, %parallel_loop3A_758 : vector<16xf32>
        %parallel_loop3A_760 = arith.constant 0 : i32
        %parallel_loop3A_761 = arith.constant 20 : i32
        %parallel_loop3A_762 = arith.index_cast %parallel_loop3A_760 : i32 to index
        %parallel_loop3A_763 = arith.index_cast %parallel_loop3A_761 : i32 to index
        %parallel_loop3A_764 = arith.index_cast %parallel_loop3A_720 : i32 to index
        %parallel_loop3A_765 = tpu.vector_load %arg10[%parallel_loop3A_762, %parallel_loop3A_763, %parallel_loop3A_764] {strides = array<i32>} : memref<3x32x1024xf32, #tpu.memory_space<vmem>>, vector<1x1x16xf32>,
        %parallel_loop3A_766 = vector.shape_cast %parallel_loop3A_765 : vector<1x1x16xf32> to vector<16xf32>
        %parallel_loop3A_767 = arith.mulf %parallel_loop3A_766, %broadcast_in_dim3A_342 : vector<16xf32>
        %parallel_loop3A_768 = arith.addf %parallel_loop3A_759, %parallel_loop3A_767 : vector<16xf32>
        %parallel_loop3A_769 = arith.constant 0 : i32
        %parallel_loop3A_770 = arith.constant 21 : i32
        %parallel_loop3A_771 = arith.index_cast %parallel_loop3A_769 : i32 to index
        %parallel_loop3A_772 = arith.index_cast %parallel_loop3A_770 : i32 to index
        %parallel_loop3A_773 = arith.index_cast %parallel_loop3A_720 : i32 to index
        %parallel_loop3A_774 = tpu.vector_load %arg10[%parallel_loop3A_771, %parallel_loop3A_772, %parallel_loop3A_773] {strides = array<i32>} : memref<3x32x1024xf32, #tpu.memory_space<vmem>>, vector<1x1x16xf32>,
        %parallel_loop3A_775 = vector.shape_cast %parallel_loop3A_774 : vector<1x1x16xf32> to vector<16xf32>
        %parallel_loop3A_776 = arith.mulf %parallel_loop3A_775, %broadcast_in_dim3A_345 : vector<16xf32>
        %parallel_loop3A_777 = arith.addf %parallel_loop3A_768, %parallel_loop3A_776 : vector<16xf32>
        %parallel_loop3A_778 = arith.constant 0 : i32
        %parallel_loop3A_779 = arith.constant 22 : i32
        %parallel_loop3A_780 = arith.index_cast %parallel_loop3A_778 : i32 to index
        %parallel_loop3A_781 = arith.index_cast %parallel_loop3A_779 : i32 to index
        %parallel_loop3A_782 = arith.index_cast %parallel_loop3A_720 : i32 to index
        %parallel_loop3A_783 = tpu.vector_load %arg10[%parallel_loop3A_780, %parallel_loop3A_781, %parallel_loop3A_782] {strides = array<i32>} : memref<3x32x1024xf32, #tpu.memory_space<vmem>>, vector<1x1x16xf32>,
        %parallel_loop3A_784 = vector.shape_cast %parallel_loop3A_783 : vector<1x1x16xf32> to vector<16xf32>
        %parallel_loop3A_785 = arith.mulf %parallel_loop3A_784, %broadcast_in_dim3A_348 : vector<16xf32>
        %parallel_loop3A_786 = arith.addf %parallel_loop3A_777, %parallel_loop3A_785 : vector<16xf32>
        %parallel_loop3A_787 = arith.constant 0 : i32
        %parallel_loop3A_788 = arith.constant 23 : i32
        %parallel_loop3A_789 = arith.index_cast %parallel_loop3A_787 : i32 to index
        %parallel_loop3A_790 = arith.index_cast %parallel_loop3A_788 : i32 to index
        %parallel_loop3A_791 = arith.index_cast %parallel_loop3A_720 : i32 to index
        %parallel_loop3A_792 = tpu.vector_load %arg10[%parallel_loop3A_789, %parallel_loop3A_790, %parallel_loop3A_791] {strides = array<i32>} : memref<3x32x1024xf32, #tpu.memory_space<vmem>>, vector<1x1x16xf32>,
        %parallel_loop3A_793 = vector.shape_cast %parallel_loop3A_792 : vector<1x1x16xf32> to vector<16xf32>
        %parallel_loop3A_794 = arith.mulf %parallel_loop3A_793, %broadcast_in_dim3A_351 : vector<16xf32>
        %parallel_loop3A_795 = arith.addf %parallel_loop3A_786, %parallel_loop3A_794 : vector<16xf32>
        %parallel_loop3A_796 = arith.constant 0 : i32
        %parallel_loop3A_797 = arith.constant 24 : i32
        %parallel_loop3A_798 = arith.index_cast %parallel_loop3A_796 : i32 to index
        %parallel_loop3A_799 = arith.index_cast %parallel_loop3A_797 : i32 to index
        %parallel_loop3A_800 = arith.index_cast %parallel_loop3A_720 : i32 to index
        %parallel_loop3A_801 = tpu.vector_load %arg10[%parallel_loop3A_798, %parallel_loop3A_799, %parallel_loop3A_800] {strides = array<i32>} : memref<3x32x1024xf32, #tpu.memory_space<vmem>>, vector<1x1x16xf32>,
        %parallel_loop3A_802 = vector.shape_cast %parallel_loop3A_801 : vector<1x1x16xf32> to vector<16xf32>
        %parallel_loop3A_803 = arith.mulf %parallel_loop3A_802, %broadcast_in_dim3A_354 : vector<16xf32>
        %parallel_loop3A_804 = arith.addf %parallel_loop3A_795, %parallel_loop3A_803 : vector<16xf32>
        %parallel_loop3A_805 = arith.constant 0 : i32
        %parallel_loop3A_806 = arith.constant 25 : i32
        %parallel_loop3A_807 = arith.index_cast %parallel_loop3A_805 : i32 to index
        %parallel_loop3A_808 = arith.index_cast %parallel_loop3A_806 : i32 to index
        %parallel_loop3A_809 = arith.index_cast %parallel_loop3A_720 : i32 to index
        %parallel_loop3A_810 = tpu.vector_load %arg10[%parallel_loop3A_807, %parallel_loop3A_808, %parallel_loop3A_809] {strides = array<i32>} : memref<3x32x1024xf32, #tpu.memory_space<vmem>>, vector<1x1x16xf32>,
        %parallel_loop3A_811 = vector.shape_cast %parallel_loop3A_810 : vector<1x1x16xf32> to vector<16xf32>
        %parallel_loop3A_812 = arith.mulf %parallel_loop3A_811, %broadcast_in_dim3A_357 : vector<16xf32>
        %parallel_loop3A_813 = arith.addf %parallel_loop3A_804, %parallel_loop3A_812 : vector<16xf32>
        %parallel_loop3A_814 = arith.constant 0 : i32
        %parallel_loop3A_815 = arith.constant 26 : i32
        %parallel_loop3A_816 = arith.index_cast %parallel_loop3A_814 : i32 to index
        %parallel_loop3A_817 = arith.index_cast %parallel_loop3A_815 : i32 to index
        %parallel_loop3A_818 = arith.index_cast %parallel_loop3A_720 : i32 to index
        %parallel_loop3A_819 = tpu.vector_load %arg10[%parallel_loop3A_816, %parallel_loop3A_817, %parallel_loop3A_818] {strides = array<i32>} : memref<3x32x1024xf32, #tpu.memory_space<vmem>>, vector<1x1x16xf32>,
        %parallel_loop3A_820 = vector.shape_cast %parallel_loop3A_819 : vector<1x1x16xf32> to vector<16xf32>
        %parallel_loop3A_821 = arith.mulf %parallel_loop3A_820, %broadcast_in_dim3A_360 : vector<16xf32>
        %parallel_loop3A_822 = arith.addf %parallel_loop3A_813, %parallel_loop3A_821 : vector<16xf32>
        %parallel_loop3A_823 = arith.constant 0 : i32
        %parallel_loop3A_824 = arith.constant 27 : i32
        %parallel_loop3A_825 = arith.index_cast %parallel_loop3A_823 : i32 to index
        %parallel_loop3A_826 = arith.index_cast %parallel_loop3A_824 : i32 to index
        %parallel_loop3A_827 = arith.index_cast %parallel_loop3A_720 : i32 to index
        %parallel_loop3A_828 = tpu.vector_load %arg10[%parallel_loop3A_825, %parallel_loop3A_826, %parallel_loop3A_827] {strides = array<i32>} : memref<3x32x1024xf32, #tpu.memory_space<vmem>>, vector<1x1x16xf32>,
        %parallel_loop3A_829 = vector.shape_cast %parallel_loop3A_828 : vector<1x1x16xf32> to vector<16xf32>
        %parallel_loop3A_830 = arith.mulf %parallel_loop3A_829, %broadcast_in_dim3A_363 : vector<16xf32>
        %parallel_loop3A_831 = arith.addf %parallel_loop3A_822, %parallel_loop3A_830 : vector<16xf32>
        %parallel_loop3A_832 = arith.constant 0 : i32
        %parallel_loop3A_833 = arith.constant 28 : i32
        %parallel_loop3A_834 = arith.index_cast %parallel_loop3A_832 : i32 to index
        %parallel_loop3A_835 = arith.index_cast %parallel_loop3A_833 : i32 to index
        %parallel_loop3A_836 = arith.index_cast %parallel_loop3A_720 : i32 to index
        %parallel_loop3A_837 = tpu.vector_load %arg10[%parallel_loop3A_834, %parallel_loop3A_835, %parallel_loop3A_836] {strides = array<i32>} : memref<3x32x1024xf32, #tpu.memory_space<vmem>>, vector<1x1x16xf32>,
        %parallel_loop3A_838 = vector.shape_cast %parallel_loop3A_837 : vector<1x1x16xf32> to vector<16xf32>
        %parallel_loop3A_839 = arith.mulf %parallel_loop3A_838, %broadcast_in_dim3A_366 : vector<16xf32>
        %parallel_loop3A_840 = arith.addf %parallel_loop3A_831, %parallel_loop3A_839 : vector<16xf32>
        %parallel_loop3A_841 = arith.constant 0 : i32
        %parallel_loop3A_842 = arith.constant 29 : i32
        %parallel_loop3A_843 = arith.index_cast %parallel_loop3A_841 : i32 to index
        %parallel_loop3A_844 = arith.index_cast %parallel_loop3A_842 : i32 to index
        %parallel_loop3A_845 = arith.index_cast %parallel_loop3A_720 : i32 to index
        %parallel_loop3A_846 = tpu.vector_load %arg10[%parallel_loop3A_843, %parallel_loop3A_844, %parallel_loop3A_845] {strides = array<i32>} : memref<3x32x1024xf32, #tpu.memory_space<vmem>>, vector<1x1x16xf32>,
        %parallel_loop3A_847 = vector.shape_cast %parallel_loop3A_846 : vector<1x1x16xf32> to vector<16xf32>
        %parallel_loop3A_848 = arith.mulf %parallel_loop3A_847, %broadcast_in_dim3A_369 : vector<16xf32>
        %parallel_loop3A_849 = arith.addf %parallel_loop3A_840, %parallel_loop3A_848 : vector<16xf32>
        %parallel_loop3A_850 = arith.constant 0 : i32
        %parallel_loop3A_851 = arith.constant 30 : i32
        %parallel_loop3A_852 = arith.index_cast %parallel_loop3A_850 : i32 to index
        %parallel_loop3A_853 = arith.index_cast %parallel_loop3A_851 : i32 to index
        %parallel_loop3A_854 = arith.index_cast %parallel_loop3A_720 : i32 to index
        %parallel_loop3A_855 = tpu.vector_load %arg10[%parallel_loop3A_852, %parallel_loop3A_853, %parallel_loop3A_854] {strides = array<i32>} : memref<3x32x1024xf32, #tpu.memory_space<vmem>>, vector<1x1x16xf32>,
        %parallel_loop3A_856 = vector.shape_cast %parallel_loop3A_855 : vector<1x1x16xf32> to vector<16xf32>
        %parallel_loop3A_857 = arith.mulf %parallel_loop3A_856, %broadcast_in_dim3A_372 : vector<16xf32>
        %parallel_loop3A_858 = arith.addf %parallel_loop3A_849, %parallel_loop3A_857 : vector<16xf32>
        %parallel_loop3A_859 = arith.constant 0 : i32
        %parallel_loop3A_860 = arith.constant 31 : i32
        %parallel_loop3A_861 = arith.index_cast %parallel_loop3A_859 : i32 to index
        %parallel_loop3A_862 = arith.index_cast %parallel_loop3A_860 : i32 to index
        %parallel_loop3A_863 = arith.index_cast %parallel_loop3A_720 : i32 to index
        %parallel_loop3A_864 = tpu.vector_load %arg10[%parallel_loop3A_861, %parallel_loop3A_862, %parallel_loop3A_863] {strides = array<i32>} : memref<3x32x1024xf32, #tpu.memory_space<vmem>>, vector<1x1x16xf32>,
        %parallel_loop3A_865 = vector.shape_cast %parallel_loop3A_864 : vector<1x1x16xf32> to vector<16xf32>
        %parallel_loop3A_866 = arith.mulf %parallel_loop3A_865, %broadcast_in_dim3A_375 : vector<16xf32>
        %parallel_loop3A_867 = arith.addf %parallel_loop3A_858, %parallel_loop3A_866 : vector<16xf32>
        %parallel_loop3A_868 = arith.constant 0 : i32
        %parallel_loop3A_869 = arith.constant 1 : i32
        %parallel_loop3A_870 = arith.index_cast %parallel_loop3A_868 : i32 to index
        %parallel_loop3A_871 = arith.index_cast %parallel_loop3A_869 : i32 to index
        %parallel_loop3A_872 = arith.index_cast %parallel_loop3A_720 : i32 to index
        %parallel_loop3A_873 = tpu.vector_load %arg11[%parallel_loop3A_870, %parallel_loop3A_871, %parallel_loop3A_872] {strides = array<i32>} : memref<3x2x1024xf32, #tpu.memory_space<vmem>>, vector<1x1x16xf32>,
        %parallel_loop3A_874 = vector.shape_cast %parallel_loop3A_873 : vector<1x1x16xf32> to vector<16xf32>
        %parallel_loop3A_875 = vector.shape_cast %parallel_loop3A_867 : vector<16xf32> to vector<1x1x16xf32>
        tpu.vector_store %arg11[%parallel_loop3A_870, %parallel_loop3A_871, %parallel_loop3A_872], %parallel_loop3A_875 {strides = array<i32>} : memref<3x2x1024xf32, #tpu.memory_space<vmem>>, vector<1x1x16xf32>,
      } {sc.loop_unroll_factor = 4 : i64, sc.parallel_access}
      %mul3A_379 = arith.constant 2 : i32
      %mul3A_380 = arith.muli %add3A_236, %mul3A_379 : i32
      %add3A_381 = arith.addi %mul3A_2, %mul3A_380 : i32
      %dma_start3A_382 = arith.constant 0 : i32
      %dma_start3A_383 = arith.constant 0 : i32
      %dma_start3A_384 = arith.constant 0 : i32
      %dma_start3A_385 = tpu.memref_slice %arg11[%dma_start3A_382, %dma_start3A_383, %dma_start3A_384] : memref<3x2x1024xf32, #tpu.memory_space<vmem>> -> memref<1x2x1024xf32, #tpu.memory_space<vmem>>
      %dma_start3A_386 = tpu.memref_squeeze %dma_start3A_385 : memref<1x2x1024xf32, #tpu.memory_space<vmem>> -> memref<2x1024xf32, #tpu.memory_space<vmem>>
      %dma_start3A_387 = arith.constant 0 : i32
      %dma_start3A_388 = tpu.memref_slice %arg6[%add3A_381, %dma_start3A_387] : memref<4096x1024xf32, #tpu.memory_space<hbm>> -> memref<2x1024xf32, #tpu.memory_space<hbm>>
      %dma_start3A_389 = arith.constant 0 : i32
      %dma_start3A_390 = tpu.memref_slice %arg6[%add3A_381, %dma_start3A_389] : memref<4096x1024xf32, #tpu.memory_space<hbm>> -> memref<2x1024xf32, #tpu.memory_space<hbm>>
      %dma_start3A_391 = arith.constant 0 : i32
      %dma_start3A_392 = arith.constant 0 : i32
      %dma_start3A_393 = tpu.memref_slice %arg11[%dma_start3A_382, %dma_start3A_391, %dma_start3A_392] : memref<3x2x1024xf32, #tpu.memory_space<vmem>> -> memref<1x2x1024xf32, #tpu.memory_space<vmem>>
      %dma_start3A_394 = tpu.memref_squeeze %dma_start3A_393 : memref<1x2x1024xf32, #tpu.memory_space<vmem>> -> memref<2x1024xf32, #tpu.memory_space<vmem>>
      tpu.enqueue_dma source(%dma_start3A_394 : memref<2x1024xf32, #tpu.memory_space<vmem>>) target(%dma_start3A_390 : memref<2x1024xf32, #tpu.memory_space<hbm>>) target_semaphore(%arg15 : memref<!tpu.dma_semaphore, #tpu.memory_space<semaphore_mem>>)
      %mul3A_395 = arith.constant 3 : i32
      %mul3A_396 = arith.muli %scan3A_231, %mul3A_395 : i32
      %add3A_397 = arith.constant 1 : i32
      %add3A_398 = arith.addi %mul3A_396, %add3A_397 : i32
      %add3A_399 = arith.constant 2 : i32
      %add3A_400 = arith.addi %add3A_398, %add3A_399 : i32
      %lt3A_401 = arith.constant 64 : i32
      %lt3A_402 = arith.cmpi slt, %add3A_400, %lt3A_401 : i32
      %convert_element_type3A_403 = arith.extui %lt3A_402 : i1 to i32
      %cond3A_404 = arith.constant 0 : i32
      %cond3A_405 = arith.cmpi ne, %convert_element_type3A_403, %cond3A_404 : i32
      scf.if %cond3A_405 {
        %add3A_720 = arith.constant 2 : i32
        %add3A_721 = arith.addi %add3A_398, %add3A_720 : i32
        %mul3A_722 = arith.constant 32 : i32
        %mul3A_723 = arith.muli %add3A_721, %mul3A_722 : i32
        %dma_start3A_724 = arith.constant 0 : i32
        %dma_start3A_725 = arith.constant 0 : i32
        %dma_start3A_726 = arith.constant 0 : i32
        %dma_start3A_727 = tpu.memref_slice %arg10[%dma_start3A_724, %dma_start3A_725, %dma_start3A_726] : memref<3x32x1024xf32, #tpu.memory_space<vmem>> -> memref<1x32x1024xf32, #tpu.memory_space<vmem>>
        %dma_start3A_728 = tpu.memref_squeeze %dma_start3A_727 : memref<1x32x1024xf32, #tpu.memory_space<vmem>> -> memref<32x1024xf32, #tpu.memory_space<vmem>>
        %dma_start3A_729 = tpu.memref_slice %arg7[%mul3A_723] : memref<2048xi32, #tpu.memory_space<vmem>> -> memref<32xi32, #tpu.memory_space<vmem>>
        %dma_start3A_730 = arith.constant 0 : i32
        %dma_start3A_731 = arith.constant 0 : i32
        %dma_start3A_732 = tpu.memref_slice %arg4[%dma_start3A_730, %dma_start3A_731] : memref<65536x1024xf32, #tpu.memory_space<hbm>> -> memref<65536x1024xf32, #tpu.memory_space<hbm>>
        tpu.enqueue_indirect_dma source(%dma_start3A_732 : memref<65536x1024xf32, #tpu.memory_space<hbm>>) target(%dma_start3A_728 : memref<32x1024xf32, #tpu.memory_space<vmem>>) offsets(%dma_start3A_729 : memref<32xi32, #tpu.memory_space<vmem>>) semaphore(%arg12 : memref<!tpu.dma_semaphore, #tpu.memory_space<semaphore_mem>>)
      } else {
      }
      %dma_wait3A_406 = arith.constant 1 : i32
      %dma_wait3A_407 = arith.constant 0 : i32
      %dma_wait3A_408 = arith.constant 0 : i32
      %dma_wait3A_409 = tpu.memref_slice %arg10[%dma_wait3A_406, %dma_wait3A_407, %dma_wait3A_408] : memref<3x32x1024xf32, #tpu.memory_space<vmem>> -> memref<1x32x1024xf32, #tpu.memory_space<vmem>>
      %dma_wait3A_410 = tpu.memref_squeeze %dma_wait3A_409 : memref<1x32x1024xf32, #tpu.memory_space<vmem>> -> memref<32x1024xf32, #tpu.memory_space<vmem>>
      %dma_wait3A_411 = arith.constant 0 : i32
      %dma_wait3A_412 = tpu.memref_slice %arg7[%dma_wait3A_411] : memref<2048xi32, #tpu.memory_space<vmem>> -> memref<32xi32, #tpu.memory_space<vmem>>
      %dma_wait3A_413 = arith.constant 0 : i32
      %dma_wait3A_414 = arith.constant 0 : i32
      %dma_wait3A_415 = tpu.memref_slice %arg4[%dma_wait3A_413, %dma_wait3A_414] : memref<65536x1024xf32, #tpu.memory_space<hbm>> -> memref<65536x1024xf32, #tpu.memory_space<hbm>>
      tpu.wait_indirect_dma semaphore(%arg13 : memref<!tpu.dma_semaphore, #tpu.memory_space<semaphore_mem>>) src(%dma_wait3A_415 : memref<65536x1024xf32, #tpu.memory_space<hbm>>) dst(%dma_wait3A_410 : memref<32x1024xf32, #tpu.memory_space<vmem>>)
      %ge3A_416 = arith.constant 3 : i32
      %ge3A_417 = arith.cmpi sge, %add3A_398, %ge3A_416 : i32
      %convert_element_type3A_418 = arith.extui %ge3A_417 : i1 to i32
      %cond3A_419 = arith.constant 0 : i32
      %cond3A_420 = arith.cmpi ne, %convert_element_type3A_418, %cond3A_419 : i32
      scf.if %cond3A_420 {
        %dma_wait3A_720 = arith.constant 1 : i32
        %dma_wait3A_721 = arith.constant 0 : i32
        %dma_wait3A_722 = arith.constant 0 : i32
        %dma_wait3A_723 = tpu.memref_slice %arg11[%dma_wait3A_720, %dma_wait3A_721, %dma_wait3A_722] : memref<3x2x1024xf32, #tpu.memory_space<vmem>> -> memref<1x2x1024xf32, #tpu.memory_space<vmem>>
        %dma_wait3A_724 = tpu.memref_squeeze %dma_wait3A_723 : memref<1x2x1024xf32, #tpu.memory_space<vmem>> -> memref<2x1024xf32, #tpu.memory_space<vmem>>
        %dma_wait3A_725 = arith.constant 0 : i32
        %dma_wait3A_726 = tpu.memref_slice %arg6[%mul3A_2, %dma_wait3A_725] : memref<4096x1024xf32, #tpu.memory_space<hbm>> -> memref<2x1024xf32, #tpu.memory_space<hbm>>
        %dma_wait3A_727 = arith.constant 0 : i32
        %dma_wait3A_728 = tpu.memref_slice %arg6[%mul3A_2, %dma_wait3A_727] : memref<4096x1024xf32, #tpu.memory_space<hbm>> -> memref<2x1024xf32, #tpu.memory_space<hbm>>
        %dma_wait3A_729 = arith.constant 0 : i32
        %dma_wait3A_730 = arith.constant 0 : i32
        %dma_wait3A_731 = tpu.memref_slice %arg11[%dma_wait3A_720, %dma_wait3A_729, %dma_wait3A_730] : memref<3x2x1024xf32, #tpu.memory_space<vmem>> -> memref<1x2x1024xf32, #tpu.memory_space<vmem>>
        %dma_wait3A_732 = tpu.memref_squeeze %dma_wait3A_731 : memref<1x2x1024xf32, #tpu.memory_space<vmem>> -> memref<2x1024xf32, #tpu.memory_space<vmem>>
        tpu.wait_dma2 semaphore(%arg16 : memref<!tpu.dma_semaphore, #tpu.memory_space<semaphore_mem>>) src(%dma_wait3A_732 : memref<2x1024xf32, #tpu.memory_space<vmem>>) dst(%dma_wait3A_728 : memref<2x1024xf32, #tpu.memory_space<hbm>>)
      } else {
      }
      %mul3A_421 = arith.constant 2 : i32
      %mul3A_422 = arith.muli %add3A_398, %mul3A_421 : i32
      %add3A_423 = arith.constant 0 : i32
      %add3A_424 = arith.addi %mul3A_422, %add3A_423 : i32
      %mul3A_425 = arith.constant 16 : i32
      %mul3A_426 = arith.muli %add3A_424, %mul3A_425 : i32
      %get3A_427 = arith.index_cast %mul3A_426 : i32 to index
      %get3A_428 = tpu.vector_load %arg8[%get3A_427] {strides = array<i32>} : memref<2048xf32, #tpu.memory_space<vmem>>, vector<16xf32>,
      %get3A_429 = vector.shape_cast %get3A_428 : vector<16xf32> to vector<16xf32>
      %slice3A_430 = vector.extract_strided_slice %get3A_429 {offsets = [0], sizes = [1], strides = [1]} : vector<16xf32> to vector<1xf32>
      %squeeze3A_431 = vector.extract %slice3A_430[0] : f32 from vector<1xf32>
      %broadcast_in_dim3A_432 = vector.broadcast %squeeze3A_431 : f32 to vector<16xf32>
      %slice3A_433 = vector.extract_strided_slice %get3A_429 {offsets = [1], sizes = [1], strides = [1]} : vector<16xf32> to vector<1xf32>
      %squeeze3A_434 = vector.extract %slice3A_433[0] : f32 from vector<1xf32>
      %broadcast_in_dim3A_435 = vector.broadcast %squeeze3A_434 : f32 to vector<16xf32>
      %slice3A_436 = vector.extract_strided_slice %get3A_429 {offsets = [2], sizes = [1], strides = [1]} : vector<16xf32> to vector<1xf32>
      %squeeze3A_437 = vector.extract %slice3A_436[0] : f32 from vector<1xf32>
      %broadcast_in_dim3A_438 = vector.broadcast %squeeze3A_437 : f32 to vector<16xf32>
      %slice3A_439 = vector.extract_strided_slice %get3A_429 {offsets = [3], sizes = [1], strides = [1]} : vector<16xf32> to vector<1xf32>
      %squeeze3A_440 = vector.extract %slice3A_439[0] : f32 from vector<1xf32>
      %broadcast_in_dim3A_441 = vector.broadcast %squeeze3A_440 : f32 to vector<16xf32>
      %slice3A_442 = vector.extract_strided_slice %get3A_429 {offsets = [4], sizes = [1], strides = [1]} : vector<16xf32> to vector<1xf32>
      %squeeze3A_443 = vector.extract %slice3A_442[0] : f32 from vector<1xf32>
      %broadcast_in_dim3A_444 = vector.broadcast %squeeze3A_443 : f32 to vector<16xf32>
      %slice3A_445 = vector.extract_strided_slice %get3A_429 {offsets = [5], sizes = [1], strides = [1]} : vector<16xf32> to vector<1xf32>
      %squeeze3A_446 = vector.extract %slice3A_445[0] : f32 from vector<1xf32>
      %broadcast_in_dim3A_447 = vector.broadcast %squeeze3A_446 : f32 to vector<16xf32>
      %slice3A_448 = vector.extract_strided_slice %get3A_429 {offsets = [6], sizes = [1], strides = [1]} : vector<16xf32> to vector<1xf32>
      %squeeze3A_449 = vector.extract %slice3A_448[0] : f32 from vector<1xf32>
      %broadcast_in_dim3A_450 = vector.broadcast %squeeze3A_449 : f32 to vector<16xf32>
      %slice3A_451 = vector.extract_strided_slice %get3A_429 {offsets = [7], sizes = [1], strides = [1]} : vector<16xf32> to vector<1xf32>
      %squeeze3A_452 = vector.extract %slice3A_451[0] : f32 from vector<1xf32>
      %broadcast_in_dim3A_453 = vector.broadcast %squeeze3A_452 : f32 to vector<16xf32>
      %slice3A_454 = vector.extract_strided_slice %get3A_429 {offsets = [8], sizes = [1], strides = [1]} : vector<16xf32> to vector<1xf32>
      %squeeze3A_455 = vector.extract %slice3A_454[0] : f32 from vector<1xf32>
      %broadcast_in_dim3A_456 = vector.broadcast %squeeze3A_455 : f32 to vector<16xf32>
      %slice3A_457 = vector.extract_strided_slice %get3A_429 {offsets = [9], sizes = [1], strides = [1]} : vector<16xf32> to vector<1xf32>
      %squeeze3A_458 = vector.extract %slice3A_457[0] : f32 from vector<1xf32>
      %broadcast_in_dim3A_459 = vector.broadcast %squeeze3A_458 : f32 to vector<16xf32>
      %slice3A_460 = vector.extract_strided_slice %get3A_429 {offsets = [10], sizes = [1], strides = [1]} : vector<16xf32> to vector<1xf32>
      %squeeze3A_461 = vector.extract %slice3A_460[0] : f32 from vector<1xf32>
      %broadcast_in_dim3A_462 = vector.broadcast %squeeze3A_461 : f32 to vector<16xf32>
      %slice3A_463 = vector.extract_strided_slice %get3A_429 {offsets = [11], sizes = [1], strides = [1]} : vector<16xf32> to vector<1xf32>
      %squeeze3A_464 = vector.extract %slice3A_463[0] : f32 from vector<1xf32>
      %broadcast_in_dim3A_465 = vector.broadcast %squeeze3A_464 : f32 to vector<16xf32>
      %slice3A_466 = vector.extract_strided_slice %get3A_429 {offsets = [12], sizes = [1], strides = [1]} : vector<16xf32> to vector<1xf32>
      %squeeze3A_467 = vector.extract %slice3A_466[0] : f32 from vector<1xf32>
      %broadcast_in_dim3A_468 = vector.broadcast %squeeze3A_467 : f32 to vector<16xf32>
      %slice3A_469 = vector.extract_strided_slice %get3A_429 {offsets = [13], sizes = [1], strides = [1]} : vector<16xf32> to vector<1xf32>
      %squeeze3A_470 = vector.extract %slice3A_469[0] : f32 from vector<1xf32>
      %broadcast_in_dim3A_471 = vector.broadcast %squeeze3A_470 : f32 to vector<16xf32>
      %slice3A_472 = vector.extract_strided_slice %get3A_429 {offsets = [14], sizes = [1], strides = [1]} : vector<16xf32> to vector<1xf32>
      %squeeze3A_473 = vector.extract %slice3A_472[0] : f32 from vector<1xf32>
      %broadcast_in_dim3A_474 = vector.broadcast %squeeze3A_473 : f32 to vector<16xf32>
      %slice3A_475 = vector.extract_strided_slice %get3A_429 {offsets = [15], sizes = [1], strides = [1]} : vector<16xf32> to vector<1xf32>
      %squeeze3A_476 = vector.extract %slice3A_475[0] : f32 from vector<1xf32>
      %broadcast_in_dim3A_477 = vector.broadcast %squeeze3A_476 : f32 to vector<16xf32>
      %parallel_loop3A_478 = arith.constant 0 : i32
      %parallel_loop3A_479 = arith.constant 1024 : i32
      %parallel_loop3A_480 = arith.constant 16 : i32
      scf.for %parallel_loop3A_720 = %parallel_loop3A_478 to %parallel_loop3A_479 step %parallel_loop3A_480  : i32 {
        %parallel_loop3A_721 = arith.index_cast %parallel_loop3A_720 : i32 to index
        %parallel_loop3A_722 = tpu.vector_load %arg9[%parallel_loop3A_721] {strides = array<i32>} : memref<1024xf32, #tpu.memory_space<vmem>>, vector<16xf32>,
        %parallel_loop3A_723 = vector.shape_cast %parallel_loop3A_722 : vector<16xf32> to vector<16xf32>
        %parallel_loop3A_724 = arith.constant 1 : i32
        %parallel_loop3A_725 = arith.constant 0 : i32
        %parallel_loop3A_726 = arith.index_cast %parallel_loop3A_724 : i32 to index
        %parallel_loop3A_727 = arith.index_cast %parallel_loop3A_725 : i32 to index
        %parallel_loop3A_728 = arith.index_cast %parallel_loop3A_720 : i32 to index
        %parallel_loop3A_729 = tpu.vector_load %arg10[%parallel_loop3A_726, %parallel_loop3A_727, %parallel_loop3A_728] {strides = array<i32>} : memref<3x32x1024xf32, #tpu.memory_space<vmem>>, vector<1x1x16xf32>,
        %parallel_loop3A_730 = vector.shape_cast %parallel_loop3A_729 : vector<1x1x16xf32> to vector<16xf32>
        %parallel_loop3A_731 = arith.mulf %parallel_loop3A_730, %broadcast_in_dim3A_432 : vector<16xf32>
        %parallel_loop3A_732 = arith.addf %parallel_loop3A_723, %parallel_loop3A_731 : vector<16xf32>
        %parallel_loop3A_733 = arith.constant 1 : i32
        %parallel_loop3A_734 = arith.constant 1 : i32
        %parallel_loop3A_735 = arith.index_cast %parallel_loop3A_733 : i32 to index
        %parallel_loop3A_736 = arith.index_cast %parallel_loop3A_734 : i32 to index
        %parallel_loop3A_737 = arith.index_cast %parallel_loop3A_720 : i32 to index
        %parallel_loop3A_738 = tpu.vector_load %arg10[%parallel_loop3A_735, %parallel_loop3A_736, %parallel_loop3A_737] {strides = array<i32>} : memref<3x32x1024xf32, #tpu.memory_space<vmem>>, vector<1x1x16xf32>,
        %parallel_loop3A_739 = vector.shape_cast %parallel_loop3A_738 : vector<1x1x16xf32> to vector<16xf32>
        %parallel_loop3A_740 = arith.mulf %parallel_loop3A_739, %broadcast_in_dim3A_435 : vector<16xf32>
        %parallel_loop3A_741 = arith.addf %parallel_loop3A_732, %parallel_loop3A_740 : vector<16xf32>
        %parallel_loop3A_742 = arith.constant 1 : i32
        %parallel_loop3A_743 = arith.constant 2 : i32
        %parallel_loop3A_744 = arith.index_cast %parallel_loop3A_742 : i32 to index
        %parallel_loop3A_745 = arith.index_cast %parallel_loop3A_743 : i32 to index
        %parallel_loop3A_746 = arith.index_cast %parallel_loop3A_720 : i32 to index
        %parallel_loop3A_747 = tpu.vector_load %arg10[%parallel_loop3A_744, %parallel_loop3A_745, %parallel_loop3A_746] {strides = array<i32>} : memref<3x32x1024xf32, #tpu.memory_space<vmem>>, vector<1x1x16xf32>,
        %parallel_loop3A_748 = vector.shape_cast %parallel_loop3A_747 : vector<1x1x16xf32> to vector<16xf32>
        %parallel_loop3A_749 = arith.mulf %parallel_loop3A_748, %broadcast_in_dim3A_438 : vector<16xf32>
        %parallel_loop3A_750 = arith.addf %parallel_loop3A_741, %parallel_loop3A_749 : vector<16xf32>
        %parallel_loop3A_751 = arith.constant 1 : i32
        %parallel_loop3A_752 = arith.constant 3 : i32
        %parallel_loop3A_753 = arith.index_cast %parallel_loop3A_751 : i32 to index
        %parallel_loop3A_754 = arith.index_cast %parallel_loop3A_752 : i32 to index
        %parallel_loop3A_755 = arith.index_cast %parallel_loop3A_720 : i32 to index
        %parallel_loop3A_756 = tpu.vector_load %arg10[%parallel_loop3A_753, %parallel_loop3A_754, %parallel_loop3A_755] {strides = array<i32>} : memref<3x32x1024xf32, #tpu.memory_space<vmem>>, vector<1x1x16xf32>,
        %parallel_loop3A_757 = vector.shape_cast %parallel_loop3A_756 : vector<1x1x16xf32> to vector<16xf32>
        %parallel_loop3A_758 = arith.mulf %parallel_loop3A_757, %broadcast_in_dim3A_441 : vector<16xf32>
        %parallel_loop3A_759 = arith.addf %parallel_loop3A_750, %parallel_loop3A_758 : vector<16xf32>
        %parallel_loop3A_760 = arith.constant 1 : i32
        %parallel_loop3A_761 = arith.constant 4 : i32
        %parallel_loop3A_762 = arith.index_cast %parallel_loop3A_760 : i32 to index
        %parallel_loop3A_763 = arith.index_cast %parallel_loop3A_761 : i32 to index
        %parallel_loop3A_764 = arith.index_cast %parallel_loop3A_720 : i32 to index
        %parallel_loop3A_765 = tpu.vector_load %arg10[%parallel_loop3A_762, %parallel_loop3A_763, %parallel_loop3A_764] {strides = array<i32>} : memref<3x32x1024xf32, #tpu.memory_space<vmem>>, vector<1x1x16xf32>,
        %parallel_loop3A_766 = vector.shape_cast %parallel_loop3A_765 : vector<1x1x16xf32> to vector<16xf32>
        %parallel_loop3A_767 = arith.mulf %parallel_loop3A_766, %broadcast_in_dim3A_444 : vector<16xf32>
        %parallel_loop3A_768 = arith.addf %parallel_loop3A_759, %parallel_loop3A_767 : vector<16xf32>
        %parallel_loop3A_769 = arith.constant 1 : i32
        %parallel_loop3A_770 = arith.constant 5 : i32
        %parallel_loop3A_771 = arith.index_cast %parallel_loop3A_769 : i32 to index
        %parallel_loop3A_772 = arith.index_cast %parallel_loop3A_770 : i32 to index
        %parallel_loop3A_773 = arith.index_cast %parallel_loop3A_720 : i32 to index
        %parallel_loop3A_774 = tpu.vector_load %arg10[%parallel_loop3A_771, %parallel_loop3A_772, %parallel_loop3A_773] {strides = array<i32>} : memref<3x32x1024xf32, #tpu.memory_space<vmem>>, vector<1x1x16xf32>,
        %parallel_loop3A_775 = vector.shape_cast %parallel_loop3A_774 : vector<1x1x16xf32> to vector<16xf32>
        %parallel_loop3A_776 = arith.mulf %parallel_loop3A_775, %broadcast_in_dim3A_447 : vector<16xf32>
        %parallel_loop3A_777 = arith.addf %parallel_loop3A_768, %parallel_loop3A_776 : vector<16xf32>
        %parallel_loop3A_778 = arith.constant 1 : i32
        %parallel_loop3A_779 = arith.constant 6 : i32
        %parallel_loop3A_780 = arith.index_cast %parallel_loop3A_778 : i32 to index
        %parallel_loop3A_781 = arith.index_cast %parallel_loop3A_779 : i32 to index
        %parallel_loop3A_782 = arith.index_cast %parallel_loop3A_720 : i32 to index
        %parallel_loop3A_783 = tpu.vector_load %arg10[%parallel_loop3A_780, %parallel_loop3A_781, %parallel_loop3A_782] {strides = array<i32>} : memref<3x32x1024xf32, #tpu.memory_space<vmem>>, vector<1x1x16xf32>,
        %parallel_loop3A_784 = vector.shape_cast %parallel_loop3A_783 : vector<1x1x16xf32> to vector<16xf32>
        %parallel_loop3A_785 = arith.mulf %parallel_loop3A_784, %broadcast_in_dim3A_450 : vector<16xf32>
        %parallel_loop3A_786 = arith.addf %parallel_loop3A_777, %parallel_loop3A_785 : vector<16xf32>
        %parallel_loop3A_787 = arith.constant 1 : i32
        %parallel_loop3A_788 = arith.constant 7 : i32
        %parallel_loop3A_789 = arith.index_cast %parallel_loop3A_787 : i32 to index
        %parallel_loop3A_790 = arith.index_cast %parallel_loop3A_788 : i32 to index
        %parallel_loop3A_791 = arith.index_cast %parallel_loop3A_720 : i32 to index
        %parallel_loop3A_792 = tpu.vector_load %arg10[%parallel_loop3A_789, %parallel_loop3A_790, %parallel_loop3A_791] {strides = array<i32>} : memref<3x32x1024xf32, #tpu.memory_space<vmem>>, vector<1x1x16xf32>,
        %parallel_loop3A_793 = vector.shape_cast %parallel_loop3A_792 : vector<1x1x16xf32> to vector<16xf32>
        %parallel_loop3A_794 = arith.mulf %parallel_loop3A_793, %broadcast_in_dim3A_453 : vector<16xf32>
        %parallel_loop3A_795 = arith.addf %parallel_loop3A_786, %parallel_loop3A_794 : vector<16xf32>
        %parallel_loop3A_796 = arith.constant 1 : i32
        %parallel_loop3A_797 = arith.constant 8 : i32
        %parallel_loop3A_798 = arith.index_cast %parallel_loop3A_796 : i32 to index
        %parallel_loop3A_799 = arith.index_cast %parallel_loop3A_797 : i32 to index
        %parallel_loop3A_800 = arith.index_cast %parallel_loop3A_720 : i32 to index
        %parallel_loop3A_801 = tpu.vector_load %arg10[%parallel_loop3A_798, %parallel_loop3A_799, %parallel_loop3A_800] {strides = array<i32>} : memref<3x32x1024xf32, #tpu.memory_space<vmem>>, vector<1x1x16xf32>,
        %parallel_loop3A_802 = vector.shape_cast %parallel_loop3A_801 : vector<1x1x16xf32> to vector<16xf32>
        %parallel_loop3A_803 = arith.mulf %parallel_loop3A_802, %broadcast_in_dim3A_456 : vector<16xf32>
        %parallel_loop3A_804 = arith.addf %parallel_loop3A_795, %parallel_loop3A_803 : vector<16xf32>
        %parallel_loop3A_805 = arith.constant 1 : i32
        %parallel_loop3A_806 = arith.constant 9 : i32
        %parallel_loop3A_807 = arith.index_cast %parallel_loop3A_805 : i32 to index
        %parallel_loop3A_808 = arith.index_cast %parallel_loop3A_806 : i32 to index
        %parallel_loop3A_809 = arith.index_cast %parallel_loop3A_720 : i32 to index
        %parallel_loop3A_810 = tpu.vector_load %arg10[%parallel_loop3A_807, %parallel_loop3A_808, %parallel_loop3A_809] {strides = array<i32>} : memref<3x32x1024xf32, #tpu.memory_space<vmem>>, vector<1x1x16xf32>,
        %parallel_loop3A_811 = vector.shape_cast %parallel_loop3A_810 : vector<1x1x16xf32> to vector<16xf32>
        %parallel_loop3A_812 = arith.mulf %parallel_loop3A_811, %broadcast_in_dim3A_459 : vector<16xf32>
        %parallel_loop3A_813 = arith.addf %parallel_loop3A_804, %parallel_loop3A_812 : vector<16xf32>
        %parallel_loop3A_814 = arith.constant 1 : i32
        %parallel_loop3A_815 = arith.constant 10 : i32
        %parallel_loop3A_816 = arith.index_cast %parallel_loop3A_814 : i32 to index
        %parallel_loop3A_817 = arith.index_cast %parallel_loop3A_815 : i32 to index
        %parallel_loop3A_818 = arith.index_cast %parallel_loop3A_720 : i32 to index
        %parallel_loop3A_819 = tpu.vector_load %arg10[%parallel_loop3A_816, %parallel_loop3A_817, %parallel_loop3A_818] {strides = array<i32>} : memref<3x32x1024xf32, #tpu.memory_space<vmem>>, vector<1x1x16xf32>,
        %parallel_loop3A_820 = vector.shape_cast %parallel_loop3A_819 : vector<1x1x16xf32> to vector<16xf32>
        %parallel_loop3A_821 = arith.mulf %parallel_loop3A_820, %broadcast_in_dim3A_462 : vector<16xf32>
        %parallel_loop3A_822 = arith.addf %parallel_loop3A_813, %parallel_loop3A_821 : vector<16xf32>
        %parallel_loop3A_823 = arith.constant 1 : i32
        %parallel_loop3A_824 = arith.constant 11 : i32
        %parallel_loop3A_825 = arith.index_cast %parallel_loop3A_823 : i32 to index
        %parallel_loop3A_826 = arith.index_cast %parallel_loop3A_824 : i32 to index
        %parallel_loop3A_827 = arith.index_cast %parallel_loop3A_720 : i32 to index
        %parallel_loop3A_828 = tpu.vector_load %arg10[%parallel_loop3A_825, %parallel_loop3A_826, %parallel_loop3A_827] {strides = array<i32>} : memref<3x32x1024xf32, #tpu.memory_space<vmem>>, vector<1x1x16xf32>,
        %parallel_loop3A_829 = vector.shape_cast %parallel_loop3A_828 : vector<1x1x16xf32> to vector<16xf32>
        %parallel_loop3A_830 = arith.mulf %parallel_loop3A_829, %broadcast_in_dim3A_465 : vector<16xf32>
        %parallel_loop3A_831 = arith.addf %parallel_loop3A_822, %parallel_loop3A_830 : vector<16xf32>
        %parallel_loop3A_832 = arith.constant 1 : i32
        %parallel_loop3A_833 = arith.constant 12 : i32
        %parallel_loop3A_834 = arith.index_cast %parallel_loop3A_832 : i32 to index
        %parallel_loop3A_835 = arith.index_cast %parallel_loop3A_833 : i32 to index
        %parallel_loop3A_836 = arith.index_cast %parallel_loop3A_720 : i32 to index
        %parallel_loop3A_837 = tpu.vector_load %arg10[%parallel_loop3A_834, %parallel_loop3A_835, %parallel_loop3A_836] {strides = array<i32>} : memref<3x32x1024xf32, #tpu.memory_space<vmem>>, vector<1x1x16xf32>,
        %parallel_loop3A_838 = vector.shape_cast %parallel_loop3A_837 : vector<1x1x16xf32> to vector<16xf32>
        %parallel_loop3A_839 = arith.mulf %parallel_loop3A_838, %broadcast_in_dim3A_468 : vector<16xf32>
        %parallel_loop3A_840 = arith.addf %parallel_loop3A_831, %parallel_loop3A_839 : vector<16xf32>
        %parallel_loop3A_841 = arith.constant 1 : i32
        %parallel_loop3A_842 = arith.constant 13 : i32
        %parallel_loop3A_843 = arith.index_cast %parallel_loop3A_841 : i32 to index
        %parallel_loop3A_844 = arith.index_cast %parallel_loop3A_842 : i32 to index
        %parallel_loop3A_845 = arith.index_cast %parallel_loop3A_720 : i32 to index
        %parallel_loop3A_846 = tpu.vector_load %arg10[%parallel_loop3A_843, %parallel_loop3A_844, %parallel_loop3A_845] {strides = array<i32>} : memref<3x32x1024xf32, #tpu.memory_space<vmem>>, vector<1x1x16xf32>,
        %parallel_loop3A_847 = vector.shape_cast %parallel_loop3A_846 : vector<1x1x16xf32> to vector<16xf32>
        %parallel_loop3A_848 = arith.mulf %parallel_loop3A_847, %broadcast_in_dim3A_471 : vector<16xf32>
        %parallel_loop3A_849 = arith.addf %parallel_loop3A_840, %parallel_loop3A_848 : vector<16xf32>
        %parallel_loop3A_850 = arith.constant 1 : i32
        %parallel_loop3A_851 = arith.constant 14 : i32
        %parallel_loop3A_852 = arith.index_cast %parallel_loop3A_850 : i32 to index
        %parallel_loop3A_853 = arith.index_cast %parallel_loop3A_851 : i32 to index
        %parallel_loop3A_854 = arith.index_cast %parallel_loop3A_720 : i32 to index
        %parallel_loop3A_855 = tpu.vector_load %arg10[%parallel_loop3A_852, %parallel_loop3A_853, %parallel_loop3A_854] {strides = array<i32>} : memref<3x32x1024xf32, #tpu.memory_space<vmem>>, vector<1x1x16xf32>,
        %parallel_loop3A_856 = vector.shape_cast %parallel_loop3A_855 : vector<1x1x16xf32> to vector<16xf32>
        %parallel_loop3A_857 = arith.mulf %parallel_loop3A_856, %broadcast_in_dim3A_474 : vector<16xf32>
        %parallel_loop3A_858 = arith.addf %parallel_loop3A_849, %parallel_loop3A_857 : vector<16xf32>
        %parallel_loop3A_859 = arith.constant 1 : i32
        %parallel_loop3A_860 = arith.constant 15 : i32
        %parallel_loop3A_861 = arith.index_cast %parallel_loop3A_859 : i32 to index
        %parallel_loop3A_862 = arith.index_cast %parallel_loop3A_860 : i32 to index
        %parallel_loop3A_863 = arith.index_cast %parallel_loop3A_720 : i32 to index
        %parallel_loop3A_864 = tpu.vector_load %arg10[%parallel_loop3A_861, %parallel_loop3A_862, %parallel_loop3A_863] {strides = array<i32>} : memref<3x32x1024xf32, #tpu.memory_space<vmem>>, vector<1x1x16xf32>,
        %parallel_loop3A_865 = vector.shape_cast %parallel_loop3A_864 : vector<1x1x16xf32> to vector<16xf32>
        %parallel_loop3A_866 = arith.mulf %parallel_loop3A_865, %broadcast_in_dim3A_477 : vector<16xf32>
        %parallel_loop3A_867 = arith.addf %parallel_loop3A_858, %parallel_loop3A_866 : vector<16xf32>
        %parallel_loop3A_868 = arith.constant 1 : i32
        %parallel_loop3A_869 = arith.constant 0 : i32
        %parallel_loop3A_870 = arith.index_cast %parallel_loop3A_868 : i32 to index
        %parallel_loop3A_871 = arith.index_cast %parallel_loop3A_869 : i32 to index
        %parallel_loop3A_872 = arith.index_cast %parallel_loop3A_720 : i32 to index
        %parallel_loop3A_873 = tpu.vector_load %arg11[%parallel_loop3A_870, %parallel_loop3A_871, %parallel_loop3A_872] {strides = array<i32>} : memref<3x2x1024xf32, #tpu.memory_space<vmem>>, vector<1x1x16xf32>,
        %parallel_loop3A_874 = vector.shape_cast %parallel_loop3A_873 : vector<1x1x16xf32> to vector<16xf32>
        %parallel_loop3A_875 = vector.shape_cast %parallel_loop3A_867 : vector<16xf32> to vector<1x1x16xf32>
        tpu.vector_store %arg11[%parallel_loop3A_870, %parallel_loop3A_871, %parallel_loop3A_872], %parallel_loop3A_875 {strides = array<i32>} : memref<3x2x1024xf32, #tpu.memory_space<vmem>>, vector<1x1x16xf32>,
      } {sc.loop_unroll_factor = 4 : i64, sc.parallel_access}
      %mul3A_481 = arith.constant 2 : i32
      %mul3A_482 = arith.muli %add3A_398, %mul3A_481 : i32
      %add3A_483 = arith.constant 1 : i32
      %add3A_484 = arith.addi %mul3A_482, %add3A_483 : i32
      %mul3A_485 = arith.constant 16 : i32
      %mul3A_486 = arith.muli %add3A_484, %mul3A_485 : i32
      %get3A_487 = arith.index_cast %mul3A_486 : i32 to index
      %get3A_488 = tpu.vector_load %arg8[%get3A_487] {strides = array<i32>} : memref<2048xf32, #tpu.memory_space<vmem>>, vector<16xf32>,
      %get3A_489 = vector.shape_cast %get3A_488 : vector<16xf32> to vector<16xf32>
      %slice3A_490 = vector.extract_strided_slice %get3A_489 {offsets = [0], sizes = [1], strides = [1]} : vector<16xf32> to vector<1xf32>
      %squeeze3A_491 = vector.extract %slice3A_490[0] : f32 from vector<1xf32>
      %broadcast_in_dim3A_492 = vector.broadcast %squeeze3A_491 : f32 to vector<16xf32>
      %slice3A_493 = vector.extract_strided_slice %get3A_489 {offsets = [1], sizes = [1], strides = [1]} : vector<16xf32> to vector<1xf32>
      %squeeze3A_494 = vector.extract %slice3A_493[0] : f32 from vector<1xf32>
      %broadcast_in_dim3A_495 = vector.broadcast %squeeze3A_494 : f32 to vector<16xf32>
      %slice3A_496 = vector.extract_strided_slice %get3A_489 {offsets = [2], sizes = [1], strides = [1]} : vector<16xf32> to vector<1xf32>
      %squeeze3A_497 = vector.extract %slice3A_496[0] : f32 from vector<1xf32>
      %broadcast_in_dim3A_498 = vector.broadcast %squeeze3A_497 : f32 to vector<16xf32>
      %slice3A_499 = vector.extract_strided_slice %get3A_489 {offsets = [3], sizes = [1], strides = [1]} : vector<16xf32> to vector<1xf32>
      %squeeze3A_500 = vector.extract %slice3A_499[0] : f32 from vector<1xf32>
      %broadcast_in_dim3A_501 = vector.broadcast %squeeze3A_500 : f32 to vector<16xf32>
      %slice3A_502 = vector.extract_strided_slice %get3A_489 {offsets = [4], sizes = [1], strides = [1]} : vector<16xf32> to vector<1xf32>
      %squeeze3A_503 = vector.extract %slice3A_502[0] : f32 from vector<1xf32>
      %broadcast_in_dim3A_504 = vector.broadcast %squeeze3A_503 : f32 to vector<16xf32>
      %slice3A_505 = vector.extract_strided_slice %get3A_489 {offsets = [5], sizes = [1], strides = [1]} : vector<16xf32> to vector<1xf32>
      %squeeze3A_506 = vector.extract %slice3A_505[0] : f32 from vector<1xf32>
      %broadcast_in_dim3A_507 = vector.broadcast %squeeze3A_506 : f32 to vector<16xf32>
      %slice3A_508 = vector.extract_strided_slice %get3A_489 {offsets = [6], sizes = [1], strides = [1]} : vector<16xf32> to vector<1xf32>
      %squeeze3A_509 = vector.extract %slice3A_508[0] : f32 from vector<1xf32>
      %broadcast_in_dim3A_510 = vector.broadcast %squeeze3A_509 : f32 to vector<16xf32>
      %slice3A_511 = vector.extract_strided_slice %get3A_489 {offsets = [7], sizes = [1], strides = [1]} : vector<16xf32> to vector<1xf32>
      %squeeze3A_512 = vector.extract %slice3A_511[0] : f32 from vector<1xf32>
      %broadcast_in_dim3A_513 = vector.broadcast %squeeze3A_512 : f32 to vector<16xf32>
      %slice3A_514 = vector.extract_strided_slice %get3A_489 {offsets = [8], sizes = [1], strides = [1]} : vector<16xf32> to vector<1xf32>
      %squeeze3A_515 = vector.extract %slice3A_514[0] : f32 from vector<1xf32>
      %broadcast_in_dim3A_516 = vector.broadcast %squeeze3A_515 : f32 to vector<16xf32>
      %slice3A_517 = vector.extract_strided_slice %get3A_489 {offsets = [9], sizes = [1], strides = [1]} : vector<16xf32> to vector<1xf32>
      %squeeze3A_518 = vector.extract %slice3A_517[0] : f32 from vector<1xf32>
      %broadcast_in_dim3A_519 = vector.broadcast %squeeze3A_518 : f32 to vector<16xf32>
      %slice3A_520 = vector.extract_strided_slice %get3A_489 {offsets = [10], sizes = [1], strides = [1]} : vector<16xf32> to vector<1xf32>
      %squeeze3A_521 = vector.extract %slice3A_520[0] : f32 from vector<1xf32>
      %broadcast_in_dim3A_522 = vector.broadcast %squeeze3A_521 : f32 to vector<16xf32>
      %slice3A_523 = vector.extract_strided_slice %get3A_489 {offsets = [11], sizes = [1], strides = [1]} : vector<16xf32> to vector<1xf32>
      %squeeze3A_524 = vector.extract %slice3A_523[0] : f32 from vector<1xf32>
      %broadcast_in_dim3A_525 = vector.broadcast %squeeze3A_524 : f32 to vector<16xf32>
      %slice3A_526 = vector.extract_strided_slice %get3A_489 {offsets = [12], sizes = [1], strides = [1]} : vector<16xf32> to vector<1xf32>
      %squeeze3A_527 = vector.extract %slice3A_526[0] : f32 from vector<1xf32>
      %broadcast_in_dim3A_528 = vector.broadcast %squeeze3A_527 : f32 to vector<16xf32>
      %slice3A_529 = vector.extract_strided_slice %get3A_489 {offsets = [13], sizes = [1], strides = [1]} : vector<16xf32> to vector<1xf32>
      %squeeze3A_530 = vector.extract %slice3A_529[0] : f32 from vector<1xf32>
      %broadcast_in_dim3A_531 = vector.broadcast %squeeze3A_530 : f32 to vector<16xf32>
      %slice3A_532 = vector.extract_strided_slice %get3A_489 {offsets = [14], sizes = [1], strides = [1]} : vector<16xf32> to vector<1xf32>
      %squeeze3A_533 = vector.extract %slice3A_532[0] : f32 from vector<1xf32>
      %broadcast_in_dim3A_534 = vector.broadcast %squeeze3A_533 : f32 to vector<16xf32>
      %slice3A_535 = vector.extract_strided_slice %get3A_489 {offsets = [15], sizes = [1], strides = [1]} : vector<16xf32> to vector<1xf32>
      %squeeze3A_536 = vector.extract %slice3A_535[0] : f32 from vector<1xf32>
      %broadcast_in_dim3A_537 = vector.broadcast %squeeze3A_536 : f32 to vector<16xf32>
      %parallel_loop3A_538 = arith.constant 0 : i32
      %parallel_loop3A_539 = arith.constant 1024 : i32
      %parallel_loop3A_540 = arith.constant 16 : i32
      scf.for %parallel_loop3A_720 = %parallel_loop3A_538 to %parallel_loop3A_539 step %parallel_loop3A_540  : i32 {
        %parallel_loop3A_721 = arith.index_cast %parallel_loop3A_720 : i32 to index
        %parallel_loop3A_722 = tpu.vector_load %arg9[%parallel_loop3A_721] {strides = array<i32>} : memref<1024xf32, #tpu.memory_space<vmem>>, vector<16xf32>,
        %parallel_loop3A_723 = vector.shape_cast %parallel_loop3A_722 : vector<16xf32> to vector<16xf32>
        %parallel_loop3A_724 = arith.constant 1 : i32
        %parallel_loop3A_725 = arith.constant 16 : i32
        %parallel_loop3A_726 = arith.index_cast %parallel_loop3A_724 : i32 to index
        %parallel_loop3A_727 = arith.index_cast %parallel_loop3A_725 : i32 to index
        %parallel_loop3A_728 = arith.index_cast %parallel_loop3A_720 : i32 to index
        %parallel_loop3A_729 = tpu.vector_load %arg10[%parallel_loop3A_726, %parallel_loop3A_727, %parallel_loop3A_728] {strides = array<i32>} : memref<3x32x1024xf32, #tpu.memory_space<vmem>>, vector<1x1x16xf32>,
        %parallel_loop3A_730 = vector.shape_cast %parallel_loop3A_729 : vector<1x1x16xf32> to vector<16xf32>
        %parallel_loop3A_731 = arith.mulf %parallel_loop3A_730, %broadcast_in_dim3A_492 : vector<16xf32>
        %parallel_loop3A_732 = arith.addf %parallel_loop3A_723, %parallel_loop3A_731 : vector<16xf32>
        %parallel_loop3A_733 = arith.constant 1 : i32
        %parallel_loop3A_734 = arith.constant 17 : i32
        %parallel_loop3A_735 = arith.index_cast %parallel_loop3A_733 : i32 to index
        %parallel_loop3A_736 = arith.index_cast %parallel_loop3A_734 : i32 to index
        %parallel_loop3A_737 = arith.index_cast %parallel_loop3A_720 : i32 to index
        %parallel_loop3A_738 = tpu.vector_load %arg10[%parallel_loop3A_735, %parallel_loop3A_736, %parallel_loop3A_737] {strides = array<i32>} : memref<3x32x1024xf32, #tpu.memory_space<vmem>>, vector<1x1x16xf32>,
        %parallel_loop3A_739 = vector.shape_cast %parallel_loop3A_738 : vector<1x1x16xf32> to vector<16xf32>
        %parallel_loop3A_740 = arith.mulf %parallel_loop3A_739, %broadcast_in_dim3A_495 : vector<16xf32>
        %parallel_loop3A_741 = arith.addf %parallel_loop3A_732, %parallel_loop3A_740 : vector<16xf32>
        %parallel_loop3A_742 = arith.constant 1 : i32
        %parallel_loop3A_743 = arith.constant 18 : i32
        %parallel_loop3A_744 = arith.index_cast %parallel_loop3A_742 : i32 to index
        %parallel_loop3A_745 = arith.index_cast %parallel_loop3A_743 : i32 to index
        %parallel_loop3A_746 = arith.index_cast %parallel_loop3A_720 : i32 to index
        %parallel_loop3A_747 = tpu.vector_load %arg10[%parallel_loop3A_744, %parallel_loop3A_745, %parallel_loop3A_746] {strides = array<i32>} : memref<3x32x1024xf32, #tpu.memory_space<vmem>>, vector<1x1x16xf32>,
        %parallel_loop3A_748 = vector.shape_cast %parallel_loop3A_747 : vector<1x1x16xf32> to vector<16xf32>
        %parallel_loop3A_749 = arith.mulf %parallel_loop3A_748, %broadcast_in_dim3A_498 : vector<16xf32>
        %parallel_loop3A_750 = arith.addf %parallel_loop3A_741, %parallel_loop3A_749 : vector<16xf32>
        %parallel_loop3A_751 = arith.constant 1 : i32
        %parallel_loop3A_752 = arith.constant 19 : i32
        %parallel_loop3A_753 = arith.index_cast %parallel_loop3A_751 : i32 to index
        %parallel_loop3A_754 = arith.index_cast %parallel_loop3A_752 : i32 to index
        %parallel_loop3A_755 = arith.index_cast %parallel_loop3A_720 : i32 to index
        %parallel_loop3A_756 = tpu.vector_load %arg10[%parallel_loop3A_753, %parallel_loop3A_754, %parallel_loop3A_755] {strides = array<i32>} : memref<3x32x1024xf32, #tpu.memory_space<vmem>>, vector<1x1x16xf32>,
        %parallel_loop3A_757 = vector.shape_cast %parallel_loop3A_756 : vector<1x1x16xf32> to vector<16xf32>
        %parallel_loop3A_758 = arith.mulf %parallel_loop3A_757, %broadcast_in_dim3A_501 : vector<16xf32>
        %parallel_loop3A_759 = arith.addf %parallel_loop3A_750, %parallel_loop3A_758 : vector<16xf32>
        %parallel_loop3A_760 = arith.constant 1 : i32
        %parallel_loop3A_761 = arith.constant 20 : i32
        %parallel_loop3A_762 = arith.index_cast %parallel_loop3A_760 : i32 to index
        %parallel_loop3A_763 = arith.index_cast %parallel_loop3A_761 : i32 to index
        %parallel_loop3A_764 = arith.index_cast %parallel_loop3A_720 : i32 to index
        %parallel_loop3A_765 = tpu.vector_load %arg10[%parallel_loop3A_762, %parallel_loop3A_763, %parallel_loop3A_764] {strides = array<i32>} : memref<3x32x1024xf32, #tpu.memory_space<vmem>>, vector<1x1x16xf32>,
        %parallel_loop3A_766 = vector.shape_cast %parallel_loop3A_765 : vector<1x1x16xf32> to vector<16xf32>
        %parallel_loop3A_767 = arith.mulf %parallel_loop3A_766, %broadcast_in_dim3A_504 : vector<16xf32>
        %parallel_loop3A_768 = arith.addf %parallel_loop3A_759, %parallel_loop3A_767 : vector<16xf32>
        %parallel_loop3A_769 = arith.constant 1 : i32
        %parallel_loop3A_770 = arith.constant 21 : i32
        %parallel_loop3A_771 = arith.index_cast %parallel_loop3A_769 : i32 to index
        %parallel_loop3A_772 = arith.index_cast %parallel_loop3A_770 : i32 to index
        %parallel_loop3A_773 = arith.index_cast %parallel_loop3A_720 : i32 to index
        %parallel_loop3A_774 = tpu.vector_load %arg10[%parallel_loop3A_771, %parallel_loop3A_772, %parallel_loop3A_773] {strides = array<i32>} : memref<3x32x1024xf32, #tpu.memory_space<vmem>>, vector<1x1x16xf32>,
        %parallel_loop3A_775 = vector.shape_cast %parallel_loop3A_774 : vector<1x1x16xf32> to vector<16xf32>
        %parallel_loop3A_776 = arith.mulf %parallel_loop3A_775, %broadcast_in_dim3A_507 : vector<16xf32>
        %parallel_loop3A_777 = arith.addf %parallel_loop3A_768, %parallel_loop3A_776 : vector<16xf32>
        %parallel_loop3A_778 = arith.constant 1 : i32
        %parallel_loop3A_779 = arith.constant 22 : i32
        %parallel_loop3A_780 = arith.index_cast %parallel_loop3A_778 : i32 to index
        %parallel_loop3A_781 = arith.index_cast %parallel_loop3A_779 : i32 to index
        %parallel_loop3A_782 = arith.index_cast %parallel_loop3A_720 : i32 to index
        %parallel_loop3A_783 = tpu.vector_load %arg10[%parallel_loop3A_780, %parallel_loop3A_781, %parallel_loop3A_782] {strides = array<i32>} : memref<3x32x1024xf32, #tpu.memory_space<vmem>>, vector<1x1x16xf32>,
        %parallel_loop3A_784 = vector.shape_cast %parallel_loop3A_783 : vector<1x1x16xf32> to vector<16xf32>
        %parallel_loop3A_785 = arith.mulf %parallel_loop3A_784, %broadcast_in_dim3A_510 : vector<16xf32>
        %parallel_loop3A_786 = arith.addf %parallel_loop3A_777, %parallel_loop3A_785 : vector<16xf32>
        %parallel_loop3A_787 = arith.constant 1 : i32
        %parallel_loop3A_788 = arith.constant 23 : i32
        %parallel_loop3A_789 = arith.index_cast %parallel_loop3A_787 : i32 to index
        %parallel_loop3A_790 = arith.index_cast %parallel_loop3A_788 : i32 to index
        %parallel_loop3A_791 = arith.index_cast %parallel_loop3A_720 : i32 to index
        %parallel_loop3A_792 = tpu.vector_load %arg10[%parallel_loop3A_789, %parallel_loop3A_790, %parallel_loop3A_791] {strides = array<i32>} : memref<3x32x1024xf32, #tpu.memory_space<vmem>>, vector<1x1x16xf32>,
        %parallel_loop3A_793 = vector.shape_cast %parallel_loop3A_792 : vector<1x1x16xf32> to vector<16xf32>
        %parallel_loop3A_794 = arith.mulf %parallel_loop3A_793, %broadcast_in_dim3A_513 : vector<16xf32>
        %parallel_loop3A_795 = arith.addf %parallel_loop3A_786, %parallel_loop3A_794 : vector<16xf32>
        %parallel_loop3A_796 = arith.constant 1 : i32
        %parallel_loop3A_797 = arith.constant 24 : i32
        %parallel_loop3A_798 = arith.index_cast %parallel_loop3A_796 : i32 to index
        %parallel_loop3A_799 = arith.index_cast %parallel_loop3A_797 : i32 to index
        %parallel_loop3A_800 = arith.index_cast %parallel_loop3A_720 : i32 to index
        %parallel_loop3A_801 = tpu.vector_load %arg10[%parallel_loop3A_798, %parallel_loop3A_799, %parallel_loop3A_800] {strides = array<i32>} : memref<3x32x1024xf32, #tpu.memory_space<vmem>>, vector<1x1x16xf32>,
        %parallel_loop3A_802 = vector.shape_cast %parallel_loop3A_801 : vector<1x1x16xf32> to vector<16xf32>
        %parallel_loop3A_803 = arith.mulf %parallel_loop3A_802, %broadcast_in_dim3A_516 : vector<16xf32>
        %parallel_loop3A_804 = arith.addf %parallel_loop3A_795, %parallel_loop3A_803 : vector<16xf32>
        %parallel_loop3A_805 = arith.constant 1 : i32
        %parallel_loop3A_806 = arith.constant 25 : i32
        %parallel_loop3A_807 = arith.index_cast %parallel_loop3A_805 : i32 to index
        %parallel_loop3A_808 = arith.index_cast %parallel_loop3A_806 : i32 to index
        %parallel_loop3A_809 = arith.index_cast %parallel_loop3A_720 : i32 to index
        %parallel_loop3A_810 = tpu.vector_load %arg10[%parallel_loop3A_807, %parallel_loop3A_808, %parallel_loop3A_809] {strides = array<i32>} : memref<3x32x1024xf32, #tpu.memory_space<vmem>>, vector<1x1x16xf32>,
        %parallel_loop3A_811 = vector.shape_cast %parallel_loop3A_810 : vector<1x1x16xf32> to vector<16xf32>
        %parallel_loop3A_812 = arith.mulf %parallel_loop3A_811, %broadcast_in_dim3A_519 : vector<16xf32>
        %parallel_loop3A_813 = arith.addf %parallel_loop3A_804, %parallel_loop3A_812 : vector<16xf32>
        %parallel_loop3A_814 = arith.constant 1 : i32
        %parallel_loop3A_815 = arith.constant 26 : i32
        %parallel_loop3A_816 = arith.index_cast %parallel_loop3A_814 : i32 to index
        %parallel_loop3A_817 = arith.index_cast %parallel_loop3A_815 : i32 to index
        %parallel_loop3A_818 = arith.index_cast %parallel_loop3A_720 : i32 to index
        %parallel_loop3A_819 = tpu.vector_load %arg10[%parallel_loop3A_816, %parallel_loop3A_817, %parallel_loop3A_818] {strides = array<i32>} : memref<3x32x1024xf32, #tpu.memory_space<vmem>>, vector<1x1x16xf32>,
        %parallel_loop3A_820 = vector.shape_cast %parallel_loop3A_819 : vector<1x1x16xf32> to vector<16xf32>
        %parallel_loop3A_821 = arith.mulf %parallel_loop3A_820, %broadcast_in_dim3A_522 : vector<16xf32>
        %parallel_loop3A_822 = arith.addf %parallel_loop3A_813, %parallel_loop3A_821 : vector<16xf32>
        %parallel_loop3A_823 = arith.constant 1 : i32
        %parallel_loop3A_824 = arith.constant 27 : i32
        %parallel_loop3A_825 = arith.index_cast %parallel_loop3A_823 : i32 to index
        %parallel_loop3A_826 = arith.index_cast %parallel_loop3A_824 : i32 to index
        %parallel_loop3A_827 = arith.index_cast %parallel_loop3A_720 : i32 to index
        %parallel_loop3A_828 = tpu.vector_load %arg10[%parallel_loop3A_825, %parallel_loop3A_826, %parallel_loop3A_827] {strides = array<i32>} : memref<3x32x1024xf32, #tpu.memory_space<vmem>>, vector<1x1x16xf32>,
        %parallel_loop3A_829 = vector.shape_cast %parallel_loop3A_828 : vector<1x1x16xf32> to vector<16xf32>
        %parallel_loop3A_830 = arith.mulf %parallel_loop3A_829, %broadcast_in_dim3A_525 : vector<16xf32>
        %parallel_loop3A_831 = arith.addf %parallel_loop3A_822, %parallel_loop3A_830 : vector<16xf32>
        %parallel_loop3A_832 = arith.constant 1 : i32
        %parallel_loop3A_833 = arith.constant 28 : i32
        %parallel_loop3A_834 = arith.index_cast %parallel_loop3A_832 : i32 to index
        %parallel_loop3A_835 = arith.index_cast %parallel_loop3A_833 : i32 to index
        %parallel_loop3A_836 = arith.index_cast %parallel_loop3A_720 : i32 to index
        %parallel_loop3A_837 = tpu.vector_load %arg10[%parallel_loop3A_834, %parallel_loop3A_835, %parallel_loop3A_836] {strides = array<i32>} : memref<3x32x1024xf32, #tpu.memory_space<vmem>>, vector<1x1x16xf32>,
        %parallel_loop3A_838 = vector.shape_cast %parallel_loop3A_837 : vector<1x1x16xf32> to vector<16xf32>
        %parallel_loop3A_839 = arith.mulf %parallel_loop3A_838, %broadcast_in_dim3A_528 : vector<16xf32>
        %parallel_loop3A_840 = arith.addf %parallel_loop3A_831, %parallel_loop3A_839 : vector<16xf32>
        %parallel_loop3A_841 = arith.constant 1 : i32
        %parallel_loop3A_842 = arith.constant 29 : i32
        %parallel_loop3A_843 = arith.index_cast %parallel_loop3A_841 : i32 to index
        %parallel_loop3A_844 = arith.index_cast %parallel_loop3A_842 : i32 to index
        %parallel_loop3A_845 = arith.index_cast %parallel_loop3A_720 : i32 to index
        %parallel_loop3A_846 = tpu.vector_load %arg10[%parallel_loop3A_843, %parallel_loop3A_844, %parallel_loop3A_845] {strides = array<i32>} : memref<3x32x1024xf32, #tpu.memory_space<vmem>>, vector<1x1x16xf32>,
        %parallel_loop3A_847 = vector.shape_cast %parallel_loop3A_846 : vector<1x1x16xf32> to vector<16xf32>
        %parallel_loop3A_848 = arith.mulf %parallel_loop3A_847, %broadcast_in_dim3A_531 : vector<16xf32>
        %parallel_loop3A_849 = arith.addf %parallel_loop3A_840, %parallel_loop3A_848 : vector<16xf32>
        %parallel_loop3A_850 = arith.constant 1 : i32
        %parallel_loop3A_851 = arith.constant 30 : i32
        %parallel_loop3A_852 = arith.index_cast %parallel_loop3A_850 : i32 to index
        %parallel_loop3A_853 = arith.index_cast %parallel_loop3A_851 : i32 to index
        %parallel_loop3A_854 = arith.index_cast %parallel_loop3A_720 : i32 to index
        %parallel_loop3A_855 = tpu.vector_load %arg10[%parallel_loop3A_852, %parallel_loop3A_853, %parallel_loop3A_854] {strides = array<i32>} : memref<3x32x1024xf32, #tpu.memory_space<vmem>>, vector<1x1x16xf32>,
        %parallel_loop3A_856 = vector.shape_cast %parallel_loop3A_855 : vector<1x1x16xf32> to vector<16xf32>
        %parallel_loop3A_857 = arith.mulf %parallel_loop3A_856, %broadcast_in_dim3A_534 : vector<16xf32>
        %parallel_loop3A_858 = arith.addf %parallel_loop3A_849, %parallel_loop3A_857 : vector<16xf32>
        %parallel_loop3A_859 = arith.constant 1 : i32
        %parallel_loop3A_860 = arith.constant 31 : i32
        %parallel_loop3A_861 = arith.index_cast %parallel_loop3A_859 : i32 to index
        %parallel_loop3A_862 = arith.index_cast %parallel_loop3A_860 : i32 to index
        %parallel_loop3A_863 = arith.index_cast %parallel_loop3A_720 : i32 to index
        %parallel_loop3A_864 = tpu.vector_load %arg10[%parallel_loop3A_861, %parallel_loop3A_862, %parallel_loop3A_863] {strides = array<i32>} : memref<3x32x1024xf32, #tpu.memory_space<vmem>>, vector<1x1x16xf32>,
        %parallel_loop3A_865 = vector.shape_cast %parallel_loop3A_864 : vector<1x1x16xf32> to vector<16xf32>
        %parallel_loop3A_866 = arith.mulf %parallel_loop3A_865, %broadcast_in_dim3A_537 : vector<16xf32>
        %parallel_loop3A_867 = arith.addf %parallel_loop3A_858, %parallel_loop3A_866 : vector<16xf32>
        %parallel_loop3A_868 = arith.constant 1 : i32
        %parallel_loop3A_869 = arith.constant 1 : i32
        %parallel_loop3A_870 = arith.index_cast %parallel_loop3A_868 : i32 to index
        %parallel_loop3A_871 = arith.index_cast %parallel_loop3A_869 : i32 to index
        %parallel_loop3A_872 = arith.index_cast %parallel_loop3A_720 : i32 to index
        %parallel_loop3A_873 = tpu.vector_load %arg11[%parallel_loop3A_870, %parallel_loop3A_871, %parallel_loop3A_872] {strides = array<i32>} : memref<3x2x1024xf32, #tpu.memory_space<vmem>>, vector<1x1x16xf32>,
        %parallel_loop3A_874 = vector.shape_cast %parallel_loop3A_873 : vector<1x1x16xf32> to vector<16xf32>
        %parallel_loop3A_875 = vector.shape_cast %parallel_loop3A_867 : vector<16xf32> to vector<1x1x16xf32>
        tpu.vector_store %arg11[%parallel_loop3A_870, %parallel_loop3A_871, %parallel_loop3A_872], %parallel_loop3A_875 {strides = array<i32>} : memref<3x2x1024xf32, #tpu.memory_space<vmem>>, vector<1x1x16xf32>,
      } {sc.loop_unroll_factor = 4 : i64, sc.parallel_access}
      %mul3A_541 = arith.constant 2 : i32
      %mul3A_542 = arith.muli %add3A_398, %mul3A_541 : i32
      %add3A_543 = arith.addi %mul3A_2, %mul3A_542 : i32
      %dma_start3A_544 = arith.constant 1 : i32
      %dma_start3A_545 = arith.constant 0 : i32
      %dma_start3A_546 = arith.constant 0 : i32
      %dma_start3A_547 = tpu.memref_slice %arg11[%dma_start3A_544, %dma_start3A_545, %dma_start3A_546] : memref<3x2x1024xf32, #tpu.memory_space<vmem>> -> memref<1x2x1024xf32, #tpu.memory_space<vmem>>
      %dma_start3A_548 = tpu.memref_squeeze %dma_start3A_547 : memref<1x2x1024xf32, #tpu.memory_space<vmem>> -> memref<2x1024xf32, #tpu.memory_space<vmem>>
      %dma_start3A_549 = arith.constant 0 : i32
      %dma_start3A_550 = tpu.memref_slice %arg6[%add3A_543, %dma_start3A_549] : memref<4096x1024xf32, #tpu.memory_space<hbm>> -> memref<2x1024xf32, #tpu.memory_space<hbm>>
      %dma_start3A_551 = arith.constant 0 : i32
      %dma_start3A_552 = tpu.memref_slice %arg6[%add3A_543, %dma_start3A_551] : memref<4096x1024xf32, #tpu.memory_space<hbm>> -> memref<2x1024xf32, #tpu.memory_space<hbm>>
      %dma_start3A_553 = arith.constant 0 : i32
      %dma_start3A_554 = arith.constant 0 : i32
      %dma_start3A_555 = tpu.memref_slice %arg11[%dma_start3A_544, %dma_start3A_553, %dma_start3A_554] : memref<3x2x1024xf32, #tpu.memory_space<vmem>> -> memref<1x2x1024xf32, #tpu.memory_space<vmem>>
      %dma_start3A_556 = tpu.memref_squeeze %dma_start3A_555 : memref<1x2x1024xf32, #tpu.memory_space<vmem>> -> memref<2x1024xf32, #tpu.memory_space<vmem>>
      tpu.enqueue_dma source(%dma_start3A_556 : memref<2x1024xf32, #tpu.memory_space<vmem>>) target(%dma_start3A_552 : memref<2x1024xf32, #tpu.memory_space<hbm>>) target_semaphore(%arg16 : memref<!tpu.dma_semaphore, #tpu.memory_space<semaphore_mem>>)
      %mul3A_557 = arith.constant 3 : i32
      %mul3A_558 = arith.muli %scan3A_231, %mul3A_557 : i32
      %add3A_559 = arith.constant 2 : i32
      %add3A_560 = arith.addi %mul3A_558, %add3A_559 : i32
      %add3A_561 = arith.constant 2 : i32
      %add3A_562 = arith.addi %add3A_560, %add3A_561 : i32
      %lt3A_563 = arith.constant 64 : i32
      %lt3A_564 = arith.cmpi slt, %add3A_562, %lt3A_563 : i32
      %convert_element_type3A_565 = arith.extui %lt3A_564 : i1 to i32
      %cond3A_566 = arith.constant 0 : i32
      %cond3A_567 = arith.cmpi ne, %convert_element_type3A_565, %cond3A_566 : i32
      scf.if %cond3A_567 {
        %add3A_720 = arith.constant 2 : i32
        %add3A_721 = arith.addi %add3A_560, %add3A_720 : i32
        %mul3A_722 = arith.constant 32 : i32
        %mul3A_723 = arith.muli %add3A_721, %mul3A_722 : i32
        %dma_start3A_724 = arith.constant 1 : i32
        %dma_start3A_725 = arith.constant 0 : i32
        %dma_start3A_726 = arith.constant 0 : i32
        %dma_start3A_727 = tpu.memref_slice %arg10[%dma_start3A_724, %dma_start3A_725, %dma_start3A_726] : memref<3x32x1024xf32, #tpu.memory_space<vmem>> -> memref<1x32x1024xf32, #tpu.memory_space<vmem>>
        %dma_start3A_728 = tpu.memref_squeeze %dma_start3A_727 : memref<1x32x1024xf32, #tpu.memory_space<vmem>> -> memref<32x1024xf32, #tpu.memory_space<vmem>>
        %dma_start3A_729 = tpu.memref_slice %arg7[%mul3A_723] : memref<2048xi32, #tpu.memory_space<vmem>> -> memref<32xi32, #tpu.memory_space<vmem>>
        %dma_start3A_730 = arith.constant 0 : i32
        %dma_start3A_731 = arith.constant 0 : i32
        %dma_start3A_732 = tpu.memref_slice %arg4[%dma_start3A_730, %dma_start3A_731] : memref<65536x1024xf32, #tpu.memory_space<hbm>> -> memref<65536x1024xf32, #tpu.memory_space<hbm>>
        tpu.enqueue_indirect_dma source(%dma_start3A_732 : memref<65536x1024xf32, #tpu.memory_space<hbm>>) target(%dma_start3A_728 : memref<32x1024xf32, #tpu.memory_space<vmem>>) offsets(%dma_start3A_729 : memref<32xi32, #tpu.memory_space<vmem>>) semaphore(%arg13 : memref<!tpu.dma_semaphore, #tpu.memory_space<semaphore_mem>>)
      } else {
      }
      %dma_wait3A_568 = arith.constant 2 : i32
      %dma_wait3A_569 = arith.constant 0 : i32
      %dma_wait3A_570 = arith.constant 0 : i32
      %dma_wait3A_571 = tpu.memref_slice %arg10[%dma_wait3A_568, %dma_wait3A_569, %dma_wait3A_570] : memref<3x32x1024xf32, #tpu.memory_space<vmem>> -> memref<1x32x1024xf32, #tpu.memory_space<vmem>>
      %dma_wait3A_572 = tpu.memref_squeeze %dma_wait3A_571 : memref<1x32x1024xf32, #tpu.memory_space<vmem>> -> memref<32x1024xf32, #tpu.memory_space<vmem>>
      %dma_wait3A_573 = arith.constant 0 : i32
      %dma_wait3A_574 = tpu.memref_slice %arg7[%dma_wait3A_573] : memref<2048xi32, #tpu.memory_space<vmem>> -> memref<32xi32, #tpu.memory_space<vmem>>
      %dma_wait3A_575 = arith.constant 0 : i32
      %dma_wait3A_576 = arith.constant 0 : i32
      %dma_wait3A_577 = tpu.memref_slice %arg4[%dma_wait3A_575, %dma_wait3A_576] : memref<65536x1024xf32, #tpu.memory_space<hbm>> -> memref<65536x1024xf32, #tpu.memory_space<hbm>>
      tpu.wait_indirect_dma semaphore(%arg14 : memref<!tpu.dma_semaphore, #tpu.memory_space<semaphore_mem>>) src(%dma_wait3A_577 : memref<65536x1024xf32, #tpu.memory_space<hbm>>) dst(%dma_wait3A_572 : memref<32x1024xf32, #tpu.memory_space<vmem>>)
      %ge3A_578 = arith.constant 3 : i32
      %ge3A_579 = arith.cmpi sge, %add3A_560, %ge3A_578 : i32
      %convert_element_type3A_580 = arith.extui %ge3A_579 : i1 to i32
      %cond3A_581 = arith.constant 0 : i32
      %cond3A_582 = arith.cmpi ne, %convert_element_type3A_580, %cond3A_581 : i32
      scf.if %cond3A_582 {
        %dma_wait3A_720 = arith.constant 2 : i32
        %dma_wait3A_721 = arith.constant 0 : i32
        %dma_wait3A_722 = arith.constant 0 : i32
        %dma_wait3A_723 = tpu.memref_slice %arg11[%dma_wait3A_720, %dma_wait3A_721, %dma_wait3A_722] : memref<3x2x1024xf32, #tpu.memory_space<vmem>> -> memref<1x2x1024xf32, #tpu.memory_space<vmem>>
        %dma_wait3A_724 = tpu.memref_squeeze %dma_wait3A_723 : memref<1x2x1024xf32, #tpu.memory_space<vmem>> -> memref<2x1024xf32, #tpu.memory_space<vmem>>
        %dma_wait3A_725 = arith.constant 0 : i32
        %dma_wait3A_726 = tpu.memref_slice %arg6[%mul3A_2, %dma_wait3A_725] : memref<4096x1024xf32, #tpu.memory_space<hbm>> -> memref<2x1024xf32, #tpu.memory_space<hbm>>
        %dma_wait3A_727 = arith.constant 0 : i32
        %dma_wait3A_728 = tpu.memref_slice %arg6[%mul3A_2, %dma_wait3A_727] : memref<4096x1024xf32, #tpu.memory_space<hbm>> -> memref<2x1024xf32, #tpu.memory_space<hbm>>
        %dma_wait3A_729 = arith.constant 0 : i32
        %dma_wait3A_730 = arith.constant 0 : i32
        %dma_wait3A_731 = tpu.memref_slice %arg11[%dma_wait3A_720, %dma_wait3A_729, %dma_wait3A_730] : memref<3x2x1024xf32, #tpu.memory_space<vmem>> -> memref<1x2x1024xf32, #tpu.memory_space<vmem>>
        %dma_wait3A_732 = tpu.memref_squeeze %dma_wait3A_731 : memref<1x2x1024xf32, #tpu.memory_space<vmem>> -> memref<2x1024xf32, #tpu.memory_space<vmem>>
        tpu.wait_dma2 semaphore(%arg17 : memref<!tpu.dma_semaphore, #tpu.memory_space<semaphore_mem>>) src(%dma_wait3A_732 : memref<2x1024xf32, #tpu.memory_space<vmem>>) dst(%dma_wait3A_728 : memref<2x1024xf32, #tpu.memory_space<hbm>>)
      } else {
      }
      %mul3A_583 = arith.constant 2 : i32
      %mul3A_584 = arith.muli %add3A_560, %mul3A_583 : i32
      %add3A_585 = arith.constant 0 : i32
      %add3A_586 = arith.addi %mul3A_584, %add3A_585 : i32
      %mul3A_587 = arith.constant 16 : i32
      %mul3A_588 = arith.muli %add3A_586, %mul3A_587 : i32
      %get3A_589 = arith.index_cast %mul3A_588 : i32 to index
      %get3A_590 = tpu.vector_load %arg8[%get3A_589] {strides = array<i32>} : memref<2048xf32, #tpu.memory_space<vmem>>, vector<16xf32>,
      %get3A_591 = vector.shape_cast %get3A_590 : vector<16xf32> to vector<16xf32>
      %slice3A_592 = vector.extract_strided_slice %get3A_591 {offsets = [0], sizes = [1], strides = [1]} : vector<16xf32> to vector<1xf32>
      %squeeze3A_593 = vector.extract %slice3A_592[0] : f32 from vector<1xf32>
      %broadcast_in_dim3A_594 = vector.broadcast %squeeze3A_593 : f32 to vector<16xf32>
      %slice3A_595 = vector.extract_strided_slice %get3A_591 {offsets = [1], sizes = [1], strides = [1]} : vector<16xf32> to vector<1xf32>
      %squeeze3A_596 = vector.extract %slice3A_595[0] : f32 from vector<1xf32>
      %broadcast_in_dim3A_597 = vector.broadcast %squeeze3A_596 : f32 to vector<16xf32>
      %slice3A_598 = vector.extract_strided_slice %get3A_591 {offsets = [2], sizes = [1], strides = [1]} : vector<16xf32> to vector<1xf32>
      %squeeze3A_599 = vector.extract %slice3A_598[0] : f32 from vector<1xf32>
      %broadcast_in_dim3A_600 = vector.broadcast %squeeze3A_599 : f32 to vector<16xf32>
      %slice3A_601 = vector.extract_strided_slice %get3A_591 {offsets = [3], sizes = [1], strides = [1]} : vector<16xf32> to vector<1xf32>
      %squeeze3A_602 = vector.extract %slice3A_601[0] : f32 from vector<1xf32>
      %broadcast_in_dim3A_603 = vector.broadcast %squeeze3A_602 : f32 to vector<16xf32>
      %slice3A_604 = vector.extract_strided_slice %get3A_591 {offsets = [4], sizes = [1], strides = [1]} : vector<16xf32> to vector<1xf32>
      %squeeze3A_605 = vector.extract %slice3A_604[0] : f32 from vector<1xf32>
      %broadcast_in_dim3A_606 = vector.broadcast %squeeze3A_605 : f32 to vector<16xf32>
      %slice3A_607 = vector.extract_strided_slice %get3A_591 {offsets = [5], sizes = [1], strides = [1]} : vector<16xf32> to vector<1xf32>
      %squeeze3A_608 = vector.extract %slice3A_607[0] : f32 from vector<1xf32>
      %broadcast_in_dim3A_609 = vector.broadcast %squeeze3A_608 : f32 to vector<16xf32>
      %slice3A_610 = vector.extract_strided_slice %get3A_591 {offsets = [6], sizes = [1], strides = [1]} : vector<16xf32> to vector<1xf32>
      %squeeze3A_611 = vector.extract %slice3A_610[0] : f32 from vector<1xf32>
      %broadcast_in_dim3A_612 = vector.broadcast %squeeze3A_611 : f32 to vector<16xf32>
      %slice3A_613 = vector.extract_strided_slice %get3A_591 {offsets = [7], sizes = [1], strides = [1]} : vector<16xf32> to vector<1xf32>
      %squeeze3A_614 = vector.extract %slice3A_613[0] : f32 from vector<1xf32>
      %broadcast_in_dim3A_615 = vector.broadcast %squeeze3A_614 : f32 to vector<16xf32>
      %slice3A_616 = vector.extract_strided_slice %get3A_591 {offsets = [8], sizes = [1], strides = [1]} : vector<16xf32> to vector<1xf32>
      %squeeze3A_617 = vector.extract %slice3A_616[0] : f32 from vector<1xf32>
      %broadcast_in_dim3A_618 = vector.broadcast %squeeze3A_617 : f32 to vector<16xf32>
      %slice3A_619 = vector.extract_strided_slice %get3A_591 {offsets = [9], sizes = [1], strides = [1]} : vector<16xf32> to vector<1xf32>
      %squeeze3A_620 = vector.extract %slice3A_619[0] : f32 from vector<1xf32>
      %broadcast_in_dim3A_621 = vector.broadcast %squeeze3A_620 : f32 to vector<16xf32>
      %slice3A_622 = vector.extract_strided_slice %get3A_591 {offsets = [10], sizes = [1], strides = [1]} : vector<16xf32> to vector<1xf32>
      %squeeze3A_623 = vector.extract %slice3A_622[0] : f32 from vector<1xf32>
      %broadcast_in_dim3A_624 = vector.broadcast %squeeze3A_623 : f32 to vector<16xf32>
      %slice3A_625 = vector.extract_strided_slice %get3A_591 {offsets = [11], sizes = [1], strides = [1]} : vector<16xf32> to vector<1xf32>
      %squeeze3A_626 = vector.extract %slice3A_625[0] : f32 from vector<1xf32>
      %broadcast_in_dim3A_627 = vector.broadcast %squeeze3A_626 : f32 to vector<16xf32>
      %slice3A_628 = vector.extract_strided_slice %get3A_591 {offsets = [12], sizes = [1], strides = [1]} : vector<16xf32> to vector<1xf32>
      %squeeze3A_629 = vector.extract %slice3A_628[0] : f32 from vector<1xf32>
      %broadcast_in_dim3A_630 = vector.broadcast %squeeze3A_629 : f32 to vector<16xf32>
      %slice3A_631 = vector.extract_strided_slice %get3A_591 {offsets = [13], sizes = [1], strides = [1]} : vector<16xf32> to vector<1xf32>
      %squeeze3A_632 = vector.extract %slice3A_631[0] : f32 from vector<1xf32>
      %broadcast_in_dim3A_633 = vector.broadcast %squeeze3A_632 : f32 to vector<16xf32>
      %slice3A_634 = vector.extract_strided_slice %get3A_591 {offsets = [14], sizes = [1], strides = [1]} : vector<16xf32> to vector<1xf32>
      %squeeze3A_635 = vector.extract %slice3A_634[0] : f32 from vector<1xf32>
      %broadcast_in_dim3A_636 = vector.broadcast %squeeze3A_635 : f32 to vector<16xf32>
      %slice3A_637 = vector.extract_strided_slice %get3A_591 {offsets = [15], sizes = [1], strides = [1]} : vector<16xf32> to vector<1xf32>
      %squeeze3A_638 = vector.extract %slice3A_637[0] : f32 from vector<1xf32>
      %broadcast_in_dim3A_639 = vector.broadcast %squeeze3A_638 : f32 to vector<16xf32>
      %parallel_loop3A_640 = arith.constant 0 : i32
      %parallel_loop3A_641 = arith.constant 1024 : i32
      %parallel_loop3A_642 = arith.constant 16 : i32
      scf.for %parallel_loop3A_720 = %parallel_loop3A_640 to %parallel_loop3A_641 step %parallel_loop3A_642  : i32 {
        %parallel_loop3A_721 = arith.index_cast %parallel_loop3A_720 : i32 to index
        %parallel_loop3A_722 = tpu.vector_load %arg9[%parallel_loop3A_721] {strides = array<i32>} : memref<1024xf32, #tpu.memory_space<vmem>>, vector<16xf32>,
        %parallel_loop3A_723 = vector.shape_cast %parallel_loop3A_722 : vector<16xf32> to vector<16xf32>
        %parallel_loop3A_724 = arith.constant 2 : i32
        %parallel_loop3A_725 = arith.constant 0 : i32
        %parallel_loop3A_726 = arith.index_cast %parallel_loop3A_724 : i32 to index
        %parallel_loop3A_727 = arith.index_cast %parallel_loop3A_725 : i32 to index
        %parallel_loop3A_728 = arith.index_cast %parallel_loop3A_720 : i32 to index
        %parallel_loop3A_729 = tpu.vector_load %arg10[%parallel_loop3A_726, %parallel_loop3A_727, %parallel_loop3A_728] {strides = array<i32>} : memref<3x32x1024xf32, #tpu.memory_space<vmem>>, vector<1x1x16xf32>,
        %parallel_loop3A_730 = vector.shape_cast %parallel_loop3A_729 : vector<1x1x16xf32> to vector<16xf32>
        %parallel_loop3A_731 = arith.mulf %parallel_loop3A_730, %broadcast_in_dim3A_594 : vector<16xf32>
        %parallel_loop3A_732 = arith.addf %parallel_loop3A_723, %parallel_loop3A_731 : vector<16xf32>
        %parallel_loop3A_733 = arith.constant 2 : i32
        %parallel_loop3A_734 = arith.constant 1 : i32
        %parallel_loop3A_735 = arith.index_cast %parallel_loop3A_733 : i32 to index
        %parallel_loop3A_736 = arith.index_cast %parallel_loop3A_734 : i32 to index
        %parallel_loop3A_737 = arith.index_cast %parallel_loop3A_720 : i32 to index
        %parallel_loop3A_738 = tpu.vector_load %arg10[%parallel_loop3A_735, %parallel_loop3A_736, %parallel_loop3A_737] {strides = array<i32>} : memref<3x32x1024xf32, #tpu.memory_space<vmem>>, vector<1x1x16xf32>,
        %parallel_loop3A_739 = vector.shape_cast %parallel_loop3A_738 : vector<1x1x16xf32> to vector<16xf32>
        %parallel_loop3A_740 = arith.mulf %parallel_loop3A_739, %broadcast_in_dim3A_597 : vector<16xf32>
        %parallel_loop3A_741 = arith.addf %parallel_loop3A_732, %parallel_loop3A_740 : vector<16xf32>
        %parallel_loop3A_742 = arith.constant 2 : i32
        %parallel_loop3A_743 = arith.constant 2 : i32
        %parallel_loop3A_744 = arith.index_cast %parallel_loop3A_742 : i32 to index
        %parallel_loop3A_745 = arith.index_cast %parallel_loop3A_743 : i32 to index
        %parallel_loop3A_746 = arith.index_cast %parallel_loop3A_720 : i32 to index
        %parallel_loop3A_747 = tpu.vector_load %arg10[%parallel_loop3A_744, %parallel_loop3A_745, %parallel_loop3A_746] {strides = array<i32>} : memref<3x32x1024xf32, #tpu.memory_space<vmem>>, vector<1x1x16xf32>,
        %parallel_loop3A_748 = vector.shape_cast %parallel_loop3A_747 : vector<1x1x16xf32> to vector<16xf32>
        %parallel_loop3A_749 = arith.mulf %parallel_loop3A_748, %broadcast_in_dim3A_600 : vector<16xf32>
        %parallel_loop3A_750 = arith.addf %parallel_loop3A_741, %parallel_loop3A_749 : vector<16xf32>
        %parallel_loop3A_751 = arith.constant 2 : i32
        %parallel_loop3A_752 = arith.constant 3 : i32
        %parallel_loop3A_753 = arith.index_cast %parallel_loop3A_751 : i32 to index
        %parallel_loop3A_754 = arith.index_cast %parallel_loop3A_752 : i32 to index
        %parallel_loop3A_755 = arith.index_cast %parallel_loop3A_720 : i32 to index
        %parallel_loop3A_756 = tpu.vector_load %arg10[%parallel_loop3A_753, %parallel_loop3A_754, %parallel_loop3A_755] {strides = array<i32>} : memref<3x32x1024xf32, #tpu.memory_space<vmem>>, vector<1x1x16xf32>,
        %parallel_loop3A_757 = vector.shape_cast %parallel_loop3A_756 : vector<1x1x16xf32> to vector<16xf32>
        %parallel_loop3A_758 = arith.mulf %parallel_loop3A_757, %broadcast_in_dim3A_603 : vector<16xf32>
        %parallel_loop3A_759 = arith.addf %parallel_loop3A_750, %parallel_loop3A_758 : vector<16xf32>
        %parallel_loop3A_760 = arith.constant 2 : i32
        %parallel_loop3A_761 = arith.constant 4 : i32
        %parallel_loop3A_762 = arith.index_cast %parallel_loop3A_760 : i32 to index
        %parallel_loop3A_763 = arith.index_cast %parallel_loop3A_761 : i32 to index
        %parallel_loop3A_764 = arith.index_cast %parallel_loop3A_720 : i32 to index
        %parallel_loop3A_765 = tpu.vector_load %arg10[%parallel_loop3A_762, %parallel_loop3A_763, %parallel_loop3A_764] {strides = array<i32>} : memref<3x32x1024xf32, #tpu.memory_space<vmem>>, vector<1x1x16xf32>,
        %parallel_loop3A_766 = vector.shape_cast %parallel_loop3A_765 : vector<1x1x16xf32> to vector<16xf32>
        %parallel_loop3A_767 = arith.mulf %parallel_loop3A_766, %broadcast_in_dim3A_606 : vector<16xf32>
        %parallel_loop3A_768 = arith.addf %parallel_loop3A_759, %parallel_loop3A_767 : vector<16xf32>
        %parallel_loop3A_769 = arith.constant 2 : i32
        %parallel_loop3A_770 = arith.constant 5 : i32
        %parallel_loop3A_771 = arith.index_cast %parallel_loop3A_769 : i32 to index
        %parallel_loop3A_772 = arith.index_cast %parallel_loop3A_770 : i32 to index
        %parallel_loop3A_773 = arith.index_cast %parallel_loop3A_720 : i32 to index
        %parallel_loop3A_774 = tpu.vector_load %arg10[%parallel_loop3A_771, %parallel_loop3A_772, %parallel_loop3A_773] {strides = array<i32>} : memref<3x32x1024xf32, #tpu.memory_space<vmem>>, vector<1x1x16xf32>,
        %parallel_loop3A_775 = vector.shape_cast %parallel_loop3A_774 : vector<1x1x16xf32> to vector<16xf32>
        %parallel_loop3A_776 = arith.mulf %parallel_loop3A_775, %broadcast_in_dim3A_609 : vector<16xf32>
        %parallel_loop3A_777 = arith.addf %parallel_loop3A_768, %parallel_loop3A_776 : vector<16xf32>
        %parallel_loop3A_778 = arith.constant 2 : i32
        %parallel_loop3A_779 = arith.constant 6 : i32
        %parallel_loop3A_780 = arith.index_cast %parallel_loop3A_778 : i32 to index
        %parallel_loop3A_781 = arith.index_cast %parallel_loop3A_779 : i32 to index
        %parallel_loop3A_782 = arith.index_cast %parallel_loop3A_720 : i32 to index
        %parallel_loop3A_783 = tpu.vector_load %arg10[%parallel_loop3A_780, %parallel_loop3A_781, %parallel_loop3A_782] {strides = array<i32>} : memref<3x32x1024xf32, #tpu.memory_space<vmem>>, vector<1x1x16xf32>,
        %parallel_loop3A_784 = vector.shape_cast %parallel_loop3A_783 : vector<1x1x16xf32> to vector<16xf32>
        %parallel_loop3A_785 = arith.mulf %parallel_loop3A_784, %broadcast_in_dim3A_612 : vector<16xf32>
        %parallel_loop3A_786 = arith.addf %parallel_loop3A_777, %parallel_loop3A_785 : vector<16xf32>
        %parallel_loop3A_787 = arith.constant 2 : i32
        %parallel_loop3A_788 = arith.constant 7 : i32
        %parallel_loop3A_789 = arith.index_cast %parallel_loop3A_787 : i32 to index
        %parallel_loop3A_790 = arith.index_cast %parallel_loop3A_788 : i32 to index
        %parallel_loop3A_791 = arith.index_cast %parallel_loop3A_720 : i32 to index
        %parallel_loop3A_792 = tpu.vector_load %arg10[%parallel_loop3A_789, %parallel_loop3A_790, %parallel_loop3A_791] {strides = array<i32>} : memref<3x32x1024xf32, #tpu.memory_space<vmem>>, vector<1x1x16xf32>,
        %parallel_loop3A_793 = vector.shape_cast %parallel_loop3A_792 : vector<1x1x16xf32> to vector<16xf32>
        %parallel_loop3A_794 = arith.mulf %parallel_loop3A_793, %broadcast_in_dim3A_615 : vector<16xf32>
        %parallel_loop3A_795 = arith.addf %parallel_loop3A_786, %parallel_loop3A_794 : vector<16xf32>
        %parallel_loop3A_796 = arith.constant 2 : i32
        %parallel_loop3A_797 = arith.constant 8 : i32
        %parallel_loop3A_798 = arith.index_cast %parallel_loop3A_796 : i32 to index
        %parallel_loop3A_799 = arith.index_cast %parallel_loop3A_797 : i32 to index
        %parallel_loop3A_800 = arith.index_cast %parallel_loop3A_720 : i32 to index
        %parallel_loop3A_801 = tpu.vector_load %arg10[%parallel_loop3A_798, %parallel_loop3A_799, %parallel_loop3A_800] {strides = array<i32>} : memref<3x32x1024xf32, #tpu.memory_space<vmem>>, vector<1x1x16xf32>,
        %parallel_loop3A_802 = vector.shape_cast %parallel_loop3A_801 : vector<1x1x16xf32> to vector<16xf32>
        %parallel_loop3A_803 = arith.mulf %parallel_loop3A_802, %broadcast_in_dim3A_618 : vector<16xf32>
        %parallel_loop3A_804 = arith.addf %parallel_loop3A_795, %parallel_loop3A_803 : vector<16xf32>
        %parallel_loop3A_805 = arith.constant 2 : i32
        %parallel_loop3A_806 = arith.constant 9 : i32
        %parallel_loop3A_807 = arith.index_cast %parallel_loop3A_805 : i32 to index
        %parallel_loop3A_808 = arith.index_cast %parallel_loop3A_806 : i32 to index
        %parallel_loop3A_809 = arith.index_cast %parallel_loop3A_720 : i32 to index
        %parallel_loop3A_810 = tpu.vector_load %arg10[%parallel_loop3A_807, %parallel_loop3A_808, %parallel_loop3A_809] {strides = array<i32>} : memref<3x32x1024xf32, #tpu.memory_space<vmem>>, vector<1x1x16xf32>,
        %parallel_loop3A_811 = vector.shape_cast %parallel_loop3A_810 : vector<1x1x16xf32> to vector<16xf32>
        %parallel_loop3A_812 = arith.mulf %parallel_loop3A_811, %broadcast_in_dim3A_621 : vector<16xf32>
        %parallel_loop3A_813 = arith.addf %parallel_loop3A_804, %parallel_loop3A_812 : vector<16xf32>
        %parallel_loop3A_814 = arith.constant 2 : i32
        %parallel_loop3A_815 = arith.constant 10 : i32
        %parallel_loop3A_816 = arith.index_cast %parallel_loop3A_814 : i32 to index
        %parallel_loop3A_817 = arith.index_cast %parallel_loop3A_815 : i32 to index
        %parallel_loop3A_818 = arith.index_cast %parallel_loop3A_720 : i32 to index
        %parallel_loop3A_819 = tpu.vector_load %arg10[%parallel_loop3A_816, %parallel_loop3A_817, %parallel_loop3A_818] {strides = array<i32>} : memref<3x32x1024xf32, #tpu.memory_space<vmem>>, vector<1x1x16xf32>,
        %parallel_loop3A_820 = vector.shape_cast %parallel_loop3A_819 : vector<1x1x16xf32> to vector<16xf32>
        %parallel_loop3A_821 = arith.mulf %parallel_loop3A_820, %broadcast_in_dim3A_624 : vector<16xf32>
        %parallel_loop3A_822 = arith.addf %parallel_loop3A_813, %parallel_loop3A_821 : vector<16xf32>
        %parallel_loop3A_823 = arith.constant 2 : i32
        %parallel_loop3A_824 = arith.constant 11 : i32
        %parallel_loop3A_825 = arith.index_cast %parallel_loop3A_823 : i32 to index
        %parallel_loop3A_826 = arith.index_cast %parallel_loop3A_824 : i32 to index
        %parallel_loop3A_827 = arith.index_cast %parallel_loop3A_720 : i32 to index
        %parallel_loop3A_828 = tpu.vector_load %arg10[%parallel_loop3A_825, %parallel_loop3A_826, %parallel_loop3A_827] {strides = array<i32>} : memref<3x32x1024xf32, #tpu.memory_space<vmem>>, vector<1x1x16xf32>,
        %parallel_loop3A_829 = vector.shape_cast %parallel_loop3A_828 : vector<1x1x16xf32> to vector<16xf32>
        %parallel_loop3A_830 = arith.mulf %parallel_loop3A_829, %broadcast_in_dim3A_627 : vector<16xf32>
        %parallel_loop3A_831 = arith.addf %parallel_loop3A_822, %parallel_loop3A_830 : vector<16xf32>
        %parallel_loop3A_832 = arith.constant 2 : i32
        %parallel_loop3A_833 = arith.constant 12 : i32
        %parallel_loop3A_834 = arith.index_cast %parallel_loop3A_832 : i32 to index
        %parallel_loop3A_835 = arith.index_cast %parallel_loop3A_833 : i32 to index
        %parallel_loop3A_836 = arith.index_cast %parallel_loop3A_720 : i32 to index
        %parallel_loop3A_837 = tpu.vector_load %arg10[%parallel_loop3A_834, %parallel_loop3A_835, %parallel_loop3A_836] {strides = array<i32>} : memref<3x32x1024xf32, #tpu.memory_space<vmem>>, vector<1x1x16xf32>,
        %parallel_loop3A_838 = vector.shape_cast %parallel_loop3A_837 : vector<1x1x16xf32> to vector<16xf32>
        %parallel_loop3A_839 = arith.mulf %parallel_loop3A_838, %broadcast_in_dim3A_630 : vector<16xf32>
        %parallel_loop3A_840 = arith.addf %parallel_loop3A_831, %parallel_loop3A_839 : vector<16xf32>
        %parallel_loop3A_841 = arith.constant 2 : i32
        %parallel_loop3A_842 = arith.constant 13 : i32
        %parallel_loop3A_843 = arith.index_cast %parallel_loop3A_841 : i32 to index
        %parallel_loop3A_844 = arith.index_cast %parallel_loop3A_842 : i32 to index
        %parallel_loop3A_845 = arith.index_cast %parallel_loop3A_720 : i32 to index
        %parallel_loop3A_846 = tpu.vector_load %arg10[%parallel_loop3A_843, %parallel_loop3A_844, %parallel_loop3A_845] {strides = array<i32>} : memref<3x32x1024xf32, #tpu.memory_space<vmem>>, vector<1x1x16xf32>,
        %parallel_loop3A_847 = vector.shape_cast %parallel_loop3A_846 : vector<1x1x16xf32> to vector<16xf32>
        %parallel_loop3A_848 = arith.mulf %parallel_loop3A_847, %broadcast_in_dim3A_633 : vector<16xf32>
        %parallel_loop3A_849 = arith.addf %parallel_loop3A_840, %parallel_loop3A_848 : vector<16xf32>
        %parallel_loop3A_850 = arith.constant 2 : i32
        %parallel_loop3A_851 = arith.constant 14 : i32
        %parallel_loop3A_852 = arith.index_cast %parallel_loop3A_850 : i32 to index
        %parallel_loop3A_853 = arith.index_cast %parallel_loop3A_851 : i32 to index
        %parallel_loop3A_854 = arith.index_cast %parallel_loop3A_720 : i32 to index
        %parallel_loop3A_855 = tpu.vector_load %arg10[%parallel_loop3A_852, %parallel_loop3A_853, %parallel_loop3A_854] {strides = array<i32>} : memref<3x32x1024xf32, #tpu.memory_space<vmem>>, vector<1x1x16xf32>,
        %parallel_loop3A_856 = vector.shape_cast %parallel_loop3A_855 : vector<1x1x16xf32> to vector<16xf32>
        %parallel_loop3A_857 = arith.mulf %parallel_loop3A_856, %broadcast_in_dim3A_636 : vector<16xf32>
        %parallel_loop3A_858 = arith.addf %parallel_loop3A_849, %parallel_loop3A_857 : vector<16xf32>
        %parallel_loop3A_859 = arith.constant 2 : i32
        %parallel_loop3A_860 = arith.constant 15 : i32
        %parallel_loop3A_861 = arith.index_cast %parallel_loop3A_859 : i32 to index
        %parallel_loop3A_862 = arith.index_cast %parallel_loop3A_860 : i32 to index
        %parallel_loop3A_863 = arith.index_cast %parallel_loop3A_720 : i32 to index
        %parallel_loop3A_864 = tpu.vector_load %arg10[%parallel_loop3A_861, %parallel_loop3A_862, %parallel_loop3A_863] {strides = array<i32>} : memref<3x32x1024xf32, #tpu.memory_space<vmem>>, vector<1x1x16xf32>,
        %parallel_loop3A_865 = vector.shape_cast %parallel_loop3A_864 : vector<1x1x16xf32> to vector<16xf32>
        %parallel_loop3A_866 = arith.mulf %parallel_loop3A_865, %broadcast_in_dim3A_639 : vector<16xf32>
        %parallel_loop3A_867 = arith.addf %parallel_loop3A_858, %parallel_loop3A_866 : vector<16xf32>
        %parallel_loop3A_868 = arith.constant 2 : i32
        %parallel_loop3A_869 = arith.constant 0 : i32
        %parallel_loop3A_870 = arith.index_cast %parallel_loop3A_868 : i32 to index
        %parallel_loop3A_871 = arith.index_cast %parallel_loop3A_869 : i32 to index
        %parallel_loop3A_872 = arith.index_cast %parallel_loop3A_720 : i32 to index
        %parallel_loop3A_873 = tpu.vector_load %arg11[%parallel_loop3A_870, %parallel_loop3A_871, %parallel_loop3A_872] {strides = array<i32>} : memref<3x2x1024xf32, #tpu.memory_space<vmem>>, vector<1x1x16xf32>,
        %parallel_loop3A_874 = vector.shape_cast %parallel_loop3A_873 : vector<1x1x16xf32> to vector<16xf32>
        %parallel_loop3A_875 = vector.shape_cast %parallel_loop3A_867 : vector<16xf32> to vector<1x1x16xf32>
        tpu.vector_store %arg11[%parallel_loop3A_870, %parallel_loop3A_871, %parallel_loop3A_872], %parallel_loop3A_875 {strides = array<i32>} : memref<3x2x1024xf32, #tpu.memory_space<vmem>>, vector<1x1x16xf32>,
      } {sc.loop_unroll_factor = 4 : i64, sc.parallel_access}
      %mul3A_643 = arith.constant 2 : i32
      %mul3A_644 = arith.muli %add3A_560, %mul3A_643 : i32
      %add3A_645 = arith.constant 1 : i32
      %add3A_646 = arith.addi %mul3A_644, %add3A_645 : i32
      %mul3A_647 = arith.constant 16 : i32
      %mul3A_648 = arith.muli %add3A_646, %mul3A_647 : i32
      %get3A_649 = arith.index_cast %mul3A_648 : i32 to index
      %get3A_650 = tpu.vector_load %arg8[%get3A_649] {strides = array<i32>} : memref<2048xf32, #tpu.memory_space<vmem>>, vector<16xf32>,
      %get3A_651 = vector.shape_cast %get3A_650 : vector<16xf32> to vector<16xf32>
      %slice3A_652 = vector.extract_strided_slice %get3A_651 {offsets = [0], sizes = [1], strides = [1]} : vector<16xf32> to vector<1xf32>
      %squeeze3A_653 = vector.extract %slice3A_652[0] : f32 from vector<1xf32>
      %broadcast_in_dim3A_654 = vector.broadcast %squeeze3A_653 : f32 to vector<16xf32>
      %slice3A_655 = vector.extract_strided_slice %get3A_651 {offsets = [1], sizes = [1], strides = [1]} : vector<16xf32> to vector<1xf32>
      %squeeze3A_656 = vector.extract %slice3A_655[0] : f32 from vector<1xf32>
      %broadcast_in_dim3A_657 = vector.broadcast %squeeze3A_656 : f32 to vector<16xf32>
      %slice3A_658 = vector.extract_strided_slice %get3A_651 {offsets = [2], sizes = [1], strides = [1]} : vector<16xf32> to vector<1xf32>
      %squeeze3A_659 = vector.extract %slice3A_658[0] : f32 from vector<1xf32>
      %broadcast_in_dim3A_660 = vector.broadcast %squeeze3A_659 : f32 to vector<16xf32>
      %slice3A_661 = vector.extract_strided_slice %get3A_651 {offsets = [3], sizes = [1], strides = [1]} : vector<16xf32> to vector<1xf32>
      %squeeze3A_662 = vector.extract %slice3A_661[0] : f32 from vector<1xf32>
      %broadcast_in_dim3A_663 = vector.broadcast %squeeze3A_662 : f32 to vector<16xf32>
      %slice3A_664 = vector.extract_strided_slice %get3A_651 {offsets = [4], sizes = [1], strides = [1]} : vector<16xf32> to vector<1xf32>
      %squeeze3A_665 = vector.extract %slice3A_664[0] : f32 from vector<1xf32>
      %broadcast_in_dim3A_666 = vector.broadcast %squeeze3A_665 : f32 to vector<16xf32>
      %slice3A_667 = vector.extract_strided_slice %get3A_651 {offsets = [5], sizes = [1], strides = [1]} : vector<16xf32> to vector<1xf32>
      %squeeze3A_668 = vector.extract %slice3A_667[0] : f32 from vector<1xf32>
      %broadcast_in_dim3A_669 = vector.broadcast %squeeze3A_668 : f32 to vector<16xf32>
      %slice3A_670 = vector.extract_strided_slice %get3A_651 {offsets = [6], sizes = [1], strides = [1]} : vector<16xf32> to vector<1xf32>
      %squeeze3A_671 = vector.extract %slice3A_670[0] : f32 from vector<1xf32>
      %broadcast_in_dim3A_672 = vector.broadcast %squeeze3A_671 : f32 to vector<16xf32>
      %slice3A_673 = vector.extract_strided_slice %get3A_651 {offsets = [7], sizes = [1], strides = [1]} : vector<16xf32> to vector<1xf32>
      %squeeze3A_674 = vector.extract %slice3A_673[0] : f32 from vector<1xf32>
      %broadcast_in_dim3A_675 = vector.broadcast %squeeze3A_674 : f32 to vector<16xf32>
      %slice3A_676 = vector.extract_strided_slice %get3A_651 {offsets = [8], sizes = [1], strides = [1]} : vector<16xf32> to vector<1xf32>
      %squeeze3A_677 = vector.extract %slice3A_676[0] : f32 from vector<1xf32>
      %broadcast_in_dim3A_678 = vector.broadcast %squeeze3A_677 : f32 to vector<16xf32>
      %slice3A_679 = vector.extract_strided_slice %get3A_651 {offsets = [9], sizes = [1], strides = [1]} : vector<16xf32> to vector<1xf32>
      %squeeze3A_680 = vector.extract %slice3A_679[0] : f32 from vector<1xf32>
      %broadcast_in_dim3A_681 = vector.broadcast %squeeze3A_680 : f32 to vector<16xf32>
      %slice3A_682 = vector.extract_strided_slice %get3A_651 {offsets = [10], sizes = [1], strides = [1]} : vector<16xf32> to vector<1xf32>
      %squeeze3A_683 = vector.extract %slice3A_682[0] : f32 from vector<1xf32>
      %broadcast_in_dim3A_684 = vector.broadcast %squeeze3A_683 : f32 to vector<16xf32>
      %slice3A_685 = vector.extract_strided_slice %get3A_651 {offsets = [11], sizes = [1], strides = [1]} : vector<16xf32> to vector<1xf32>
      %squeeze3A_686 = vector.extract %slice3A_685[0] : f32 from vector<1xf32>
      %broadcast_in_dim3A_687 = vector.broadcast %squeeze3A_686 : f32 to vector<16xf32>
      %slice3A_688 = vector.extract_strided_slice %get3A_651 {offsets = [12], sizes = [1], strides = [1]} : vector<16xf32> to vector<1xf32>
      %squeeze3A_689 = vector.extract %slice3A_688[0] : f32 from vector<1xf32>
      %broadcast_in_dim3A_690 = vector.broadcast %squeeze3A_689 : f32 to vector<16xf32>
      %slice3A_691 = vector.extract_strided_slice %get3A_651 {offsets = [13], sizes = [1], strides = [1]} : vector<16xf32> to vector<1xf32>
      %squeeze3A_692 = vector.extract %slice3A_691[0] : f32 from vector<1xf32>
      %broadcast_in_dim3A_693 = vector.broadcast %squeeze3A_692 : f32 to vector<16xf32>
      %slice3A_694 = vector.extract_strided_slice %get3A_651 {offsets = [14], sizes = [1], strides = [1]} : vector<16xf32> to vector<1xf32>
      %squeeze3A_695 = vector.extract %slice3A_694[0] : f32 from vector<1xf32>
      %broadcast_in_dim3A_696 = vector.broadcast %squeeze3A_695 : f32 to vector<16xf32>
      %slice3A_697 = vector.extract_strided_slice %get3A_651 {offsets = [15], sizes = [1], strides = [1]} : vector<16xf32> to vector<1xf32>
      %squeeze3A_698 = vector.extract %slice3A_697[0] : f32 from vector<1xf32>
      %broadcast_in_dim3A_699 = vector.broadcast %squeeze3A_698 : f32 to vector<16xf32>
      %parallel_loop3A_700 = arith.constant 0 : i32
      %parallel_loop3A_701 = arith.constant 1024 : i32
      %parallel_loop3A_702 = arith.constant 16 : i32
      scf.for %parallel_loop3A_720 = %parallel_loop3A_700 to %parallel_loop3A_701 step %parallel_loop3A_702  : i32 {
        %parallel_loop3A_721 = arith.index_cast %parallel_loop3A_720 : i32 to index
        %parallel_loop3A_722 = tpu.vector_load %arg9[%parallel_loop3A_721] {strides = array<i32>} : memref<1024xf32, #tpu.memory_space<vmem>>, vector<16xf32>,
        %parallel_loop3A_723 = vector.shape_cast %parallel_loop3A_722 : vector<16xf32> to vector<16xf32>
        %parallel_loop3A_724 = arith.constant 2 : i32
        %parallel_loop3A_725 = arith.constant 16 : i32
        %parallel_loop3A_726 = arith.index_cast %parallel_loop3A_724 : i32 to index
        %parallel_loop3A_727 = arith.index_cast %parallel_loop3A_725 : i32 to index
        %parallel_loop3A_728 = arith.index_cast %parallel_loop3A_720 : i32 to index
        %parallel_loop3A_729 = tpu.vector_load %arg10[%parallel_loop3A_726, %parallel_loop3A_727, %parallel_loop3A_728] {strides = array<i32>} : memref<3x32x1024xf32, #tpu.memory_space<vmem>>, vector<1x1x16xf32>,
        %parallel_loop3A_730 = vector.shape_cast %parallel_loop3A_729 : vector<1x1x16xf32> to vector<16xf32>
        %parallel_loop3A_731 = arith.mulf %parallel_loop3A_730, %broadcast_in_dim3A_654 : vector<16xf32>
        %parallel_loop3A_732 = arith.addf %parallel_loop3A_723, %parallel_loop3A_731 : vector<16xf32>
        %parallel_loop3A_733 = arith.constant 2 : i32
        %parallel_loop3A_734 = arith.constant 17 : i32
        %parallel_loop3A_735 = arith.index_cast %parallel_loop3A_733 : i32 to index
        %parallel_loop3A_736 = arith.index_cast %parallel_loop3A_734 : i32 to index
        %parallel_loop3A_737 = arith.index_cast %parallel_loop3A_720 : i32 to index
        %parallel_loop3A_738 = tpu.vector_load %arg10[%parallel_loop3A_735, %parallel_loop3A_736, %parallel_loop3A_737] {strides = array<i32>} : memref<3x32x1024xf32, #tpu.memory_space<vmem>>, vector<1x1x16xf32>,
        %parallel_loop3A_739 = vector.shape_cast %parallel_loop3A_738 : vector<1x1x16xf32> to vector<16xf32>
        %parallel_loop3A_740 = arith.mulf %parallel_loop3A_739, %broadcast_in_dim3A_657 : vector<16xf32>
        %parallel_loop3A_741 = arith.addf %parallel_loop3A_732, %parallel_loop3A_740 : vector<16xf32>
        %parallel_loop3A_742 = arith.constant 2 : i32
        %parallel_loop3A_743 = arith.constant 18 : i32
        %parallel_loop3A_744 = arith.index_cast %parallel_loop3A_742 : i32 to index
        %parallel_loop3A_745 = arith.index_cast %parallel_loop3A_743 : i32 to index
        %parallel_loop3A_746 = arith.index_cast %parallel_loop3A_720 : i32 to index
        %parallel_loop3A_747 = tpu.vector_load %arg10[%parallel_loop3A_744, %parallel_loop3A_745, %parallel_loop3A_746] {strides = array<i32>} : memref<3x32x1024xf32, #tpu.memory_space<vmem>>, vector<1x1x16xf32>,
        %parallel_loop3A_748 = vector.shape_cast %parallel_loop3A_747 : vector<1x1x16xf32> to vector<16xf32>
        %parallel_loop3A_749 = arith.mulf %parallel_loop3A_748, %broadcast_in_dim3A_660 : vector<16xf32>
        %parallel_loop3A_750 = arith.addf %parallel_loop3A_741, %parallel_loop3A_749 : vector<16xf32>
        %parallel_loop3A_751 = arith.constant 2 : i32
        %parallel_loop3A_752 = arith.constant 19 : i32
        %parallel_loop3A_753 = arith.index_cast %parallel_loop3A_751 : i32 to index
        %parallel_loop3A_754 = arith.index_cast %parallel_loop3A_752 : i32 to index
        %parallel_loop3A_755 = arith.index_cast %parallel_loop3A_720 : i32 to index
        %parallel_loop3A_756 = tpu.vector_load %arg10[%parallel_loop3A_753, %parallel_loop3A_754, %parallel_loop3A_755] {strides = array<i32>} : memref<3x32x1024xf32, #tpu.memory_space<vmem>>, vector<1x1x16xf32>,
        %parallel_loop3A_757 = vector.shape_cast %parallel_loop3A_756 : vector<1x1x16xf32> to vector<16xf32>
        %parallel_loop3A_758 = arith.mulf %parallel_loop3A_757, %broadcast_in_dim3A_663 : vector<16xf32>
        %parallel_loop3A_759 = arith.addf %parallel_loop3A_750, %parallel_loop3A_758 : vector<16xf32>
        %parallel_loop3A_760 = arith.constant 2 : i32
        %parallel_loop3A_761 = arith.constant 20 : i32
        %parallel_loop3A_762 = arith.index_cast %parallel_loop3A_760 : i32 to index
        %parallel_loop3A_763 = arith.index_cast %parallel_loop3A_761 : i32 to index
        %parallel_loop3A_764 = arith.index_cast %parallel_loop3A_720 : i32 to index
        %parallel_loop3A_765 = tpu.vector_load %arg10[%parallel_loop3A_762, %parallel_loop3A_763, %parallel_loop3A_764] {strides = array<i32>} : memref<3x32x1024xf32, #tpu.memory_space<vmem>>, vector<1x1x16xf32>,
        %parallel_loop3A_766 = vector.shape_cast %parallel_loop3A_765 : vector<1x1x16xf32> to vector<16xf32>
        %parallel_loop3A_767 = arith.mulf %parallel_loop3A_766, %broadcast_in_dim3A_666 : vector<16xf32>
        %parallel_loop3A_768 = arith.addf %parallel_loop3A_759, %parallel_loop3A_767 : vector<16xf32>
        %parallel_loop3A_769 = arith.constant 2 : i32
        %parallel_loop3A_770 = arith.constant 21 : i32
        %parallel_loop3A_771 = arith.index_cast %parallel_loop3A_769 : i32 to index
        %parallel_loop3A_772 = arith.index_cast %parallel_loop3A_770 : i32 to index
        %parallel_loop3A_773 = arith.index_cast %parallel_loop3A_720 : i32 to index
        %parallel_loop3A_774 = tpu.vector_load %arg10[%parallel_loop3A_771, %parallel_loop3A_772, %parallel_loop3A_773] {strides = array<i32>} : memref<3x32x1024xf32, #tpu.memory_space<vmem>>, vector<1x1x16xf32>,
        %parallel_loop3A_775 = vector.shape_cast %parallel_loop3A_774 : vector<1x1x16xf32> to vector<16xf32>
        %parallel_loop3A_776 = arith.mulf %parallel_loop3A_775, %broadcast_in_dim3A_669 : vector<16xf32>
        %parallel_loop3A_777 = arith.addf %parallel_loop3A_768, %parallel_loop3A_776 : vector<16xf32>
        %parallel_loop3A_778 = arith.constant 2 : i32
        %parallel_loop3A_779 = arith.constant 22 : i32
        %parallel_loop3A_780 = arith.index_cast %parallel_loop3A_778 : i32 to index
        %parallel_loop3A_781 = arith.index_cast %parallel_loop3A_779 : i32 to index
        %parallel_loop3A_782 = arith.index_cast %parallel_loop3A_720 : i32 to index
        %parallel_loop3A_783 = tpu.vector_load %arg10[%parallel_loop3A_780, %parallel_loop3A_781, %parallel_loop3A_782] {strides = array<i32>} : memref<3x32x1024xf32, #tpu.memory_space<vmem>>, vector<1x1x16xf32>,
        %parallel_loop3A_784 = vector.shape_cast %parallel_loop3A_783 : vector<1x1x16xf32> to vector<16xf32>
        %parallel_loop3A_785 = arith.mulf %parallel_loop3A_784, %broadcast_in_dim3A_672 : vector<16xf32>
        %parallel_loop3A_786 = arith.addf %parallel_loop3A_777, %parallel_loop3A_785 : vector<16xf32>
        %parallel_loop3A_787 = arith.constant 2 : i32
        %parallel_loop3A_788 = arith.constant 23 : i32
        %parallel_loop3A_789 = arith.index_cast %parallel_loop3A_787 : i32 to index
        %parallel_loop3A_790 = arith.index_cast %parallel_loop3A_788 : i32 to index
        %parallel_loop3A_791 = arith.index_cast %parallel_loop3A_720 : i32 to index
        %parallel_loop3A_792 = tpu.vector_load %arg10[%parallel_loop3A_789, %parallel_loop3A_790, %parallel_loop3A_791] {strides = array<i32>} : memref<3x32x1024xf32, #tpu.memory_space<vmem>>, vector<1x1x16xf32>,
        %parallel_loop3A_793 = vector.shape_cast %parallel_loop3A_792 : vector<1x1x16xf32> to vector<16xf32>
        %parallel_loop3A_794 = arith.mulf %parallel_loop3A_793, %broadcast_in_dim3A_675 : vector<16xf32>
        %parallel_loop3A_795 = arith.addf %parallel_loop3A_786, %parallel_loop3A_794 : vector<16xf32>
        %parallel_loop3A_796 = arith.constant 2 : i32
        %parallel_loop3A_797 = arith.constant 24 : i32
        %parallel_loop3A_798 = arith.index_cast %parallel_loop3A_796 : i32 to index
        %parallel_loop3A_799 = arith.index_cast %parallel_loop3A_797 : i32 to index
        %parallel_loop3A_800 = arith.index_cast %parallel_loop3A_720 : i32 to index
        %parallel_loop3A_801 = tpu.vector_load %arg10[%parallel_loop3A_798, %parallel_loop3A_799, %parallel_loop3A_800] {strides = array<i32>} : memref<3x32x1024xf32, #tpu.memory_space<vmem>>, vector<1x1x16xf32>,
        %parallel_loop3A_802 = vector.shape_cast %parallel_loop3A_801 : vector<1x1x16xf32> to vector<16xf32>
        %parallel_loop3A_803 = arith.mulf %parallel_loop3A_802, %broadcast_in_dim3A_678 : vector<16xf32>
        %parallel_loop3A_804 = arith.addf %parallel_loop3A_795, %parallel_loop3A_803 : vector<16xf32>
        %parallel_loop3A_805 = arith.constant 2 : i32
        %parallel_loop3A_806 = arith.constant 25 : i32
        %parallel_loop3A_807 = arith.index_cast %parallel_loop3A_805 : i32 to index
        %parallel_loop3A_808 = arith.index_cast %parallel_loop3A_806 : i32 to index
        %parallel_loop3A_809 = arith.index_cast %parallel_loop3A_720 : i32 to index
        %parallel_loop3A_810 = tpu.vector_load %arg10[%parallel_loop3A_807, %parallel_loop3A_808, %parallel_loop3A_809] {strides = array<i32>} : memref<3x32x1024xf32, #tpu.memory_space<vmem>>, vector<1x1x16xf32>,
        %parallel_loop3A_811 = vector.shape_cast %parallel_loop3A_810 : vector<1x1x16xf32> to vector<16xf32>
        %parallel_loop3A_812 = arith.mulf %parallel_loop3A_811, %broadcast_in_dim3A_681 : vector<16xf32>
        %parallel_loop3A_813 = arith.addf %parallel_loop3A_804, %parallel_loop3A_812 : vector<16xf32>
        %parallel_loop3A_814 = arith.constant 2 : i32
        %parallel_loop3A_815 = arith.constant 26 : i32
        %parallel_loop3A_816 = arith.index_cast %parallel_loop3A_814 : i32 to index
        %parallel_loop3A_817 = arith.index_cast %parallel_loop3A_815 : i32 to index
        %parallel_loop3A_818 = arith.index_cast %parallel_loop3A_720 : i32 to index
        %parallel_loop3A_819 = tpu.vector_load %arg10[%parallel_loop3A_816, %parallel_loop3A_817, %parallel_loop3A_818] {strides = array<i32>} : memref<3x32x1024xf32, #tpu.memory_space<vmem>>, vector<1x1x16xf32>,
        %parallel_loop3A_820 = vector.shape_cast %parallel_loop3A_819 : vector<1x1x16xf32> to vector<16xf32>
        %parallel_loop3A_821 = arith.mulf %parallel_loop3A_820, %broadcast_in_dim3A_684 : vector<16xf32>
        %parallel_loop3A_822 = arith.addf %parallel_loop3A_813, %parallel_loop3A_821 : vector<16xf32>
        %parallel_loop3A_823 = arith.constant 2 : i32
        %parallel_loop3A_824 = arith.constant 27 : i32
        %parallel_loop3A_825 = arith.index_cast %parallel_loop3A_823 : i32 to index
        %parallel_loop3A_826 = arith.index_cast %parallel_loop3A_824 : i32 to index
        %parallel_loop3A_827 = arith.index_cast %parallel_loop3A_720 : i32 to index
        %parallel_loop3A_828 = tpu.vector_load %arg10[%parallel_loop3A_825, %parallel_loop3A_826, %parallel_loop3A_827] {strides = array<i32>} : memref<3x32x1024xf32, #tpu.memory_space<vmem>>, vector<1x1x16xf32>,
        %parallel_loop3A_829 = vector.shape_cast %parallel_loop3A_828 : vector<1x1x16xf32> to vector<16xf32>
        %parallel_loop3A_830 = arith.mulf %parallel_loop3A_829, %broadcast_in_dim3A_687 : vector<16xf32>
        %parallel_loop3A_831 = arith.addf %parallel_loop3A_822, %parallel_loop3A_830 : vector<16xf32>
        %parallel_loop3A_832 = arith.constant 2 : i32
        %parallel_loop3A_833 = arith.constant 28 : i32
        %parallel_loop3A_834 = arith.index_cast %parallel_loop3A_832 : i32 to index
        %parallel_loop3A_835 = arith.index_cast %parallel_loop3A_833 : i32 to index
        %parallel_loop3A_836 = arith.index_cast %parallel_loop3A_720 : i32 to index
        %parallel_loop3A_837 = tpu.vector_load %arg10[%parallel_loop3A_834, %parallel_loop3A_835, %parallel_loop3A_836] {strides = array<i32>} : memref<3x32x1024xf32, #tpu.memory_space<vmem>>, vector<1x1x16xf32>,
        %parallel_loop3A_838 = vector.shape_cast %parallel_loop3A_837 : vector<1x1x16xf32> to vector<16xf32>
        %parallel_loop3A_839 = arith.mulf %parallel_loop3A_838, %broadcast_in_dim3A_690 : vector<16xf32>
        %parallel_loop3A_840 = arith.addf %parallel_loop3A_831, %parallel_loop3A_839 : vector<16xf32>
        %parallel_loop3A_841 = arith.constant 2 : i32
        %parallel_loop3A_842 = arith.constant 29 : i32
        %parallel_loop3A_843 = arith.index_cast %parallel_loop3A_841 : i32 to index
        %parallel_loop3A_844 = arith.index_cast %parallel_loop3A_842 : i32 to index
        %parallel_loop3A_845 = arith.index_cast %parallel_loop3A_720 : i32 to index
        %parallel_loop3A_846 = tpu.vector_load %arg10[%parallel_loop3A_843, %parallel_loop3A_844, %parallel_loop3A_845] {strides = array<i32>} : memref<3x32x1024xf32, #tpu.memory_space<vmem>>, vector<1x1x16xf32>,
        %parallel_loop3A_847 = vector.shape_cast %parallel_loop3A_846 : vector<1x1x16xf32> to vector<16xf32>
        %parallel_loop3A_848 = arith.mulf %parallel_loop3A_847, %broadcast_in_dim3A_693 : vector<16xf32>
        %parallel_loop3A_849 = arith.addf %parallel_loop3A_840, %parallel_loop3A_848 : vector<16xf32>
        %parallel_loop3A_850 = arith.constant 2 : i32
        %parallel_loop3A_851 = arith.constant 30 : i32
        %parallel_loop3A_852 = arith.index_cast %parallel_loop3A_850 : i32 to index
        %parallel_loop3A_853 = arith.index_cast %parallel_loop3A_851 : i32 to index
        %parallel_loop3A_854 = arith.index_cast %parallel_loop3A_720 : i32 to index
        %parallel_loop3A_855 = tpu.vector_load %arg10[%parallel_loop3A_852, %parallel_loop3A_853, %parallel_loop3A_854] {strides = array<i32>} : memref<3x32x1024xf32, #tpu.memory_space<vmem>>, vector<1x1x16xf32>,
        %parallel_loop3A_856 = vector.shape_cast %parallel_loop3A_855 : vector<1x1x16xf32> to vector<16xf32>
        %parallel_loop3A_857 = arith.mulf %parallel_loop3A_856, %broadcast_in_dim3A_696 : vector<16xf32>
        %parallel_loop3A_858 = arith.addf %parallel_loop3A_849, %parallel_loop3A_857 : vector<16xf32>
        %parallel_loop3A_859 = arith.constant 2 : i32
        %parallel_loop3A_860 = arith.constant 31 : i32
        %parallel_loop3A_861 = arith.index_cast %parallel_loop3A_859 : i32 to index
        %parallel_loop3A_862 = arith.index_cast %parallel_loop3A_860 : i32 to index
        %parallel_loop3A_863 = arith.index_cast %parallel_loop3A_720 : i32 to index
        %parallel_loop3A_864 = tpu.vector_load %arg10[%parallel_loop3A_861, %parallel_loop3A_862, %parallel_loop3A_863] {strides = array<i32>} : memref<3x32x1024xf32, #tpu.memory_space<vmem>>, vector<1x1x16xf32>,
        %parallel_loop3A_865 = vector.shape_cast %parallel_loop3A_864 : vector<1x1x16xf32> to vector<16xf32>
        %parallel_loop3A_866 = arith.mulf %parallel_loop3A_865, %broadcast_in_dim3A_699 : vector<16xf32>
        %parallel_loop3A_867 = arith.addf %parallel_loop3A_858, %parallel_loop3A_866 : vector<16xf32>
        %parallel_loop3A_868 = arith.constant 2 : i32
        %parallel_loop3A_869 = arith.constant 1 : i32
        %parallel_loop3A_870 = arith.index_cast %parallel_loop3A_868 : i32 to index
        %parallel_loop3A_871 = arith.index_cast %parallel_loop3A_869 : i32 to index
        %parallel_loop3A_872 = arith.index_cast %parallel_loop3A_720 : i32 to index
        %parallel_loop3A_873 = tpu.vector_load %arg11[%parallel_loop3A_870, %parallel_loop3A_871, %parallel_loop3A_872] {strides = array<i32>} : memref<3x2x1024xf32, #tpu.memory_space<vmem>>, vector<1x1x16xf32>,
        %parallel_loop3A_874 = vector.shape_cast %parallel_loop3A_873 : vector<1x1x16xf32> to vector<16xf32>
        %parallel_loop3A_875 = vector.shape_cast %parallel_loop3A_867 : vector<16xf32> to vector<1x1x16xf32>
        tpu.vector_store %arg11[%parallel_loop3A_870, %parallel_loop3A_871, %parallel_loop3A_872], %parallel_loop3A_875 {strides = array<i32>} : memref<3x2x1024xf32, #tpu.memory_space<vmem>>, vector<1x1x16xf32>,
      } {sc.loop_unroll_factor = 4 : i64, sc.parallel_access}
      %mul3A_703 = arith.constant 2 : i32
      %mul3A_704 = arith.muli %add3A_560, %mul3A_703 : i32
      %add3A_705 = arith.addi %mul3A_2, %mul3A_704 : i32
      %dma_start3A_706 = arith.constant 2 : i32
      %dma_start3A_707 = arith.constant 0 : i32
      %dma_start3A_708 = arith.constant 0 : i32
      %dma_start3A_709 = tpu.memref_slice %arg11[%dma_start3A_706, %dma_start3A_707, %dma_start3A_708] : memref<3x2x1024xf32, #tpu.memory_space<vmem>> -> memref<1x2x1024xf32, #tpu.memory_space<vmem>>
      %dma_start3A_710 = tpu.memref_squeeze %dma_start3A_709 : memref<1x2x1024xf32, #tpu.memory_space<vmem>> -> memref<2x1024xf32, #tpu.memory_space<vmem>>
      %dma_start3A_711 = arith.constant 0 : i32
      %dma_start3A_712 = tpu.memref_slice %arg6[%add3A_705, %dma_start3A_711] : memref<4096x1024xf32, #tpu.memory_space<hbm>> -> memref<2x1024xf32, #tpu.memory_space<hbm>>
      %dma_start3A_713 = arith.constant 0 : i32
      %dma_start3A_714 = tpu.memref_slice %arg6[%add3A_705, %dma_start3A_713] : memref<4096x1024xf32, #tpu.memory_space<hbm>> -> memref<2x1024xf32, #tpu.memory_space<hbm>>
      %dma_start3A_715 = arith.constant 0 : i32
      %dma_start3A_716 = arith.constant 0 : i32
      %dma_start3A_717 = tpu.memref_slice %arg11[%dma_start3A_706, %dma_start3A_715, %dma_start3A_716] : memref<3x2x1024xf32, #tpu.memory_space<vmem>> -> memref<1x2x1024xf32, #tpu.memory_space<vmem>>
      %dma_start3A_718 = tpu.memref_squeeze %dma_start3A_717 : memref<1x2x1024xf32, #tpu.memory_space<vmem>> -> memref<2x1024xf32, #tpu.memory_space<vmem>>
      tpu.enqueue_dma source(%dma_start3A_718 : memref<2x1024xf32, #tpu.memory_space<vmem>>) target(%dma_start3A_714 : memref<2x1024xf32, #tpu.memory_space<hbm>>) target_semaphore(%arg17 : memref<!tpu.dma_semaphore, #tpu.memory_space<semaphore_mem>>)
      %scan3A_719 = arith.constant 0 : i32
      scf.yield %scan3A_719 : i32
    }
    %scan3A_36 = arith.constant 21 : i32
    %add3A_37 = arith.constant 63 : i32
    %add3A_38 = arith.constant 2 : i32
    %add3A_39 = arith.addi %add3A_37, %add3A_38 : i32
    %lt3A = arith.constant 64 : i32
    %lt3A_40 = arith.cmpi slt, %add3A_39, %lt3A : i32
    %convert_element_type3A = arith.extui %lt3A_40 : i1 to i32
    %cond3A = arith.constant 63 : i32
    %cond3A_41 = arith.constant 0 : i32
    %cond3A_42 = arith.cmpi ne, %convert_element_type3A, %cond3A_41 : i32
    scf.if %cond3A_42 {
      %add3A_231 = arith.constant 2 : i32
      %add3A_232 = arith.addi %cond3A, %add3A_231 : i32
      %mul3A_233 = arith.constant 32 : i32
      %mul3A_234 = arith.muli %add3A_232, %mul3A_233 : i32
      %dma_start3A_235 = arith.constant 2 : i32
      %dma_start3A_236 = arith.constant 0 : i32
      %dma_start3A_237 = arith.constant 0 : i32
      %dma_start3A_238 = tpu.memref_slice %arg10[%dma_start3A_235, %dma_start3A_236, %dma_start3A_237] : memref<3x32x1024xf32, #tpu.memory_space<vmem>> -> memref<1x32x1024xf32, #tpu.memory_space<vmem>>
      %dma_start3A_239 = tpu.memref_squeeze %dma_start3A_238 : memref<1x32x1024xf32, #tpu.memory_space<vmem>> -> memref<32x1024xf32, #tpu.memory_space<vmem>>
      %dma_start3A_240 = tpu.memref_slice %arg7[%mul3A_234] : memref<2048xi32, #tpu.memory_space<vmem>> -> memref<32xi32, #tpu.memory_space<vmem>>
      %dma_start3A_241 = arith.constant 0 : i32
      %dma_start3A_242 = arith.constant 0 : i32
      %dma_start3A_243 = tpu.memref_slice %arg4[%dma_start3A_241, %dma_start3A_242] : memref<65536x1024xf32, #tpu.memory_space<hbm>> -> memref<65536x1024xf32, #tpu.memory_space<hbm>>
      tpu.enqueue_indirect_dma source(%dma_start3A_243 : memref<65536x1024xf32, #tpu.memory_space<hbm>>) target(%dma_start3A_239 : memref<32x1024xf32, #tpu.memory_space<vmem>>) offsets(%dma_start3A_240 : memref<32xi32, #tpu.memory_space<vmem>>) semaphore(%arg14 : memref<!tpu.dma_semaphore, #tpu.memory_space<semaphore_mem>>)
    } else {
    }
    %dma_wait3A_43 = arith.constant 0 : i32
    %dma_wait3A_44 = arith.constant 0 : i32
    %dma_wait3A_45 = arith.constant 0 : i32
    %dma_wait3A_46 = tpu.memref_slice %arg10[%dma_wait3A_43, %dma_wait3A_44, %dma_wait3A_45] : memref<3x32x1024xf32, #tpu.memory_space<vmem>> -> memref<1x32x1024xf32, #tpu.memory_space<vmem>>
    %dma_wait3A_47 = tpu.memref_squeeze %dma_wait3A_46 : memref<1x32x1024xf32, #tpu.memory_space<vmem>> -> memref<32x1024xf32, #tpu.memory_space<vmem>>
    %dma_wait3A_48 = arith.constant 0 : i32
    %dma_wait3A_49 = tpu.memref_slice %arg7[%dma_wait3A_48] : memref<2048xi32, #tpu.memory_space<vmem>> -> memref<32xi32, #tpu.memory_space<vmem>>
    %dma_wait3A_50 = arith.constant 0 : i32
    %dma_wait3A_51 = arith.constant 0 : i32
    %dma_wait3A_52 = tpu.memref_slice %arg4[%dma_wait3A_50, %dma_wait3A_51] : memref<65536x1024xf32, #tpu.memory_space<hbm>> -> memref<65536x1024xf32, #tpu.memory_space<hbm>>
    tpu.wait_indirect_dma semaphore(%arg12 : memref<!tpu.dma_semaphore, #tpu.memory_space<semaphore_mem>>) src(%dma_wait3A_52 : memref<65536x1024xf32, #tpu.memory_space<hbm>>) dst(%dma_wait3A_47 : memref<32x1024xf32, #tpu.memory_space<vmem>>)
    %ge3A = arith.constant 63 : i32
    %ge3A_53 = arith.constant 3 : i32
    %ge3A_54 = arith.cmpi sge, %ge3A, %ge3A_53 : i32
    %convert_element_type3A_55 = arith.extui %ge3A_54 : i1 to i32
    %cond3A_56 = arith.constant 0 : i32
    %cond3A_57 = arith.cmpi ne, %convert_element_type3A_55, %cond3A_56 : i32
    scf.if %cond3A_57 {
      %dma_wait3A_231 = arith.constant 0 : i32
      %dma_wait3A_232 = arith.constant 0 : i32
      %dma_wait3A_233 = arith.constant 0 : i32
      %dma_wait3A_234 = tpu.memref_slice %arg11[%dma_wait3A_231, %dma_wait3A_232, %dma_wait3A_233] : memref<3x2x1024xf32, #tpu.memory_space<vmem>> -> memref<1x2x1024xf32, #tpu.memory_space<vmem>>
      %dma_wait3A_235 = tpu.memref_squeeze %dma_wait3A_234 : memref<1x2x1024xf32, #tpu.memory_space<vmem>> -> memref<2x1024xf32, #tpu.memory_space<vmem>>
      %dma_wait3A_236 = arith.constant 0 : i32
      %dma_wait3A_237 = tpu.memref_slice %arg6[%mul3A_2, %dma_wait3A_236] : memref<4096x1024xf32, #tpu.memory_space<hbm>> -> memref<2x1024xf32, #tpu.memory_space<hbm>>
      %dma_wait3A_238 = arith.constant 0 : i32
      %dma_wait3A_239 = tpu.memref_slice %arg6[%mul3A_2, %dma_wait3A_238] : memref<4096x1024xf32, #tpu.memory_space<hbm>> -> memref<2x1024xf32, #tpu.memory_space<hbm>>
      %dma_wait3A_240 = arith.constant 0 : i32
      %dma_wait3A_241 = arith.constant 0 : i32
      %dma_wait3A_242 = tpu.memref_slice %arg11[%dma_wait3A_231, %dma_wait3A_240, %dma_wait3A_241] : memref<3x2x1024xf32, #tpu.memory_space<vmem>> -> memref<1x2x1024xf32, #tpu.memory_space<vmem>>
      %dma_wait3A_243 = tpu.memref_squeeze %dma_wait3A_242 : memref<1x2x1024xf32, #tpu.memory_space<vmem>> -> memref<2x1024xf32, #tpu.memory_space<vmem>>
      tpu.wait_dma2 semaphore(%arg15 : memref<!tpu.dma_semaphore, #tpu.memory_space<semaphore_mem>>) src(%dma_wait3A_243 : memref<2x1024xf32, #tpu.memory_space<vmem>>) dst(%dma_wait3A_239 : memref<2x1024xf32, #tpu.memory_space<hbm>>)
    } else {
    }
    %mul3A_58 = arith.constant 63 : i32
    %mul3A_59 = arith.constant 2 : i32
    %mul3A_60 = arith.muli %mul3A_58, %mul3A_59 : i32
    %add3A_61 = arith.constant 0 : i32
    %add3A_62 = arith.addi %mul3A_60, %add3A_61 : i32
    %mul3A_63 = arith.constant 16 : i32
    %mul3A_64 = arith.muli %add3A_62, %mul3A_63 : i32
    %get3A = arith.index_cast %mul3A_64 : i32 to index
    %get3A_65 = tpu.vector_load %arg8[%get3A] {strides = array<i32>} : memref<2048xf32, #tpu.memory_space<vmem>>, vector<16xf32>,
    %get3A_66 = vector.shape_cast %get3A_65 : vector<16xf32> to vector<16xf32>
    %slice3A = vector.extract_strided_slice %get3A_66 {offsets = [0], sizes = [1], strides = [1]} : vector<16xf32> to vector<1xf32>
    %squeeze3A = vector.extract %slice3A[0] : f32 from vector<1xf32>
    %broadcast_in_dim3A = vector.broadcast %squeeze3A : f32 to vector<16xf32>
    %slice3A_67 = vector.extract_strided_slice %get3A_66 {offsets = [1], sizes = [1], strides = [1]} : vector<16xf32> to vector<1xf32>
    %squeeze3A_68 = vector.extract %slice3A_67[0] : f32 from vector<1xf32>
    %broadcast_in_dim3A_69 = vector.broadcast %squeeze3A_68 : f32 to vector<16xf32>
    %slice3A_70 = vector.extract_strided_slice %get3A_66 {offsets = [2], sizes = [1], strides = [1]} : vector<16xf32> to vector<1xf32>
    %squeeze3A_71 = vector.extract %slice3A_70[0] : f32 from vector<1xf32>
    %broadcast_in_dim3A_72 = vector.broadcast %squeeze3A_71 : f32 to vector<16xf32>
    %slice3A_73 = vector.extract_strided_slice %get3A_66 {offsets = [3], sizes = [1], strides = [1]} : vector<16xf32> to vector<1xf32>
    %squeeze3A_74 = vector.extract %slice3A_73[0] : f32 from vector<1xf32>
    %broadcast_in_dim3A_75 = vector.broadcast %squeeze3A_74 : f32 to vector<16xf32>
    %slice3A_76 = vector.extract_strided_slice %get3A_66 {offsets = [4], sizes = [1], strides = [1]} : vector<16xf32> to vector<1xf32>
    %squeeze3A_77 = vector.extract %slice3A_76[0] : f32 from vector<1xf32>
    %broadcast_in_dim3A_78 = vector.broadcast %squeeze3A_77 : f32 to vector<16xf32>
    %slice3A_79 = vector.extract_strided_slice %get3A_66 {offsets = [5], sizes = [1], strides = [1]} : vector<16xf32> to vector<1xf32>
    %squeeze3A_80 = vector.extract %slice3A_79[0] : f32 from vector<1xf32>
    %broadcast_in_dim3A_81 = vector.broadcast %squeeze3A_80 : f32 to vector<16xf32>
    %slice3A_82 = vector.extract_strided_slice %get3A_66 {offsets = [6], sizes = [1], strides = [1]} : vector<16xf32> to vector<1xf32>
    %squeeze3A_83 = vector.extract %slice3A_82[0] : f32 from vector<1xf32>
    %broadcast_in_dim3A_84 = vector.broadcast %squeeze3A_83 : f32 to vector<16xf32>
    %slice3A_85 = vector.extract_strided_slice %get3A_66 {offsets = [7], sizes = [1], strides = [1]} : vector<16xf32> to vector<1xf32>
    %squeeze3A_86 = vector.extract %slice3A_85[0] : f32 from vector<1xf32>
    %broadcast_in_dim3A_87 = vector.broadcast %squeeze3A_86 : f32 to vector<16xf32>
    %slice3A_88 = vector.extract_strided_slice %get3A_66 {offsets = [8], sizes = [1], strides = [1]} : vector<16xf32> to vector<1xf32>
    %squeeze3A_89 = vector.extract %slice3A_88[0] : f32 from vector<1xf32>
    %broadcast_in_dim3A_90 = vector.broadcast %squeeze3A_89 : f32 to vector<16xf32>
    %slice3A_91 = vector.extract_strided_slice %get3A_66 {offsets = [9], sizes = [1], strides = [1]} : vector<16xf32> to vector<1xf32>
    %squeeze3A_92 = vector.extract %slice3A_91[0] : f32 from vector<1xf32>
    %broadcast_in_dim3A_93 = vector.broadcast %squeeze3A_92 : f32 to vector<16xf32>
    %slice3A_94 = vector.extract_strided_slice %get3A_66 {offsets = [10], sizes = [1], strides = [1]} : vector<16xf32> to vector<1xf32>
    %squeeze3A_95 = vector.extract %slice3A_94[0] : f32 from vector<1xf32>
    %broadcast_in_dim3A_96 = vector.broadcast %squeeze3A_95 : f32 to vector<16xf32>
    %slice3A_97 = vector.extract_strided_slice %get3A_66 {offsets = [11], sizes = [1], strides = [1]} : vector<16xf32> to vector<1xf32>
    %squeeze3A_98 = vector.extract %slice3A_97[0] : f32 from vector<1xf32>
    %broadcast_in_dim3A_99 = vector.broadcast %squeeze3A_98 : f32 to vector<16xf32>
    %slice3A_100 = vector.extract_strided_slice %get3A_66 {offsets = [12], sizes = [1], strides = [1]} : vector<16xf32> to vector<1xf32>
    %squeeze3A_101 = vector.extract %slice3A_100[0] : f32 from vector<1xf32>
    %broadcast_in_dim3A_102 = vector.broadcast %squeeze3A_101 : f32 to vector<16xf32>
    %slice3A_103 = vector.extract_strided_slice %get3A_66 {offsets = [13], sizes = [1], strides = [1]} : vector<16xf32> to vector<1xf32>
    %squeeze3A_104 = vector.extract %slice3A_103[0] : f32 from vector<1xf32>
    %broadcast_in_dim3A_105 = vector.broadcast %squeeze3A_104 : f32 to vector<16xf32>
    %slice3A_106 = vector.extract_strided_slice %get3A_66 {offsets = [14], sizes = [1], strides = [1]} : vector<16xf32> to vector<1xf32>
    %squeeze3A_107 = vector.extract %slice3A_106[0] : f32 from vector<1xf32>
    %broadcast_in_dim3A_108 = vector.broadcast %squeeze3A_107 : f32 to vector<16xf32>
    %slice3A_109 = vector.extract_strided_slice %get3A_66 {offsets = [15], sizes = [1], strides = [1]} : vector<16xf32> to vector<1xf32>
    %squeeze3A_110 = vector.extract %slice3A_109[0] : f32 from vector<1xf32>
    %broadcast_in_dim3A_111 = vector.broadcast %squeeze3A_110 : f32 to vector<16xf32>
    %parallel_loop3A = arith.constant 0 : i32
    %parallel_loop3A_112 = arith.constant 1024 : i32
    %parallel_loop3A_113 = arith.constant 16 : i32
    scf.for %parallel_loop3A_231 = %parallel_loop3A to %parallel_loop3A_112 step %parallel_loop3A_113  : i32 {
      %parallel_loop3A_232 = arith.index_cast %parallel_loop3A_231 : i32 to index
      %parallel_loop3A_233 = tpu.vector_load %arg9[%parallel_loop3A_232] {strides = array<i32>} : memref<1024xf32, #tpu.memory_space<vmem>>, vector<16xf32>,
      %parallel_loop3A_234 = vector.shape_cast %parallel_loop3A_233 : vector<16xf32> to vector<16xf32>
      %parallel_loop3A_235 = arith.constant 0 : i32
      %parallel_loop3A_236 = arith.constant 0 : i32
      %parallel_loop3A_237 = arith.index_cast %parallel_loop3A_235 : i32 to index
      %parallel_loop3A_238 = arith.index_cast %parallel_loop3A_236 : i32 to index
      %parallel_loop3A_239 = arith.index_cast %parallel_loop3A_231 : i32 to index
      %parallel_loop3A_240 = tpu.vector_load %arg10[%parallel_loop3A_237, %parallel_loop3A_238, %parallel_loop3A_239] {strides = array<i32>} : memref<3x32x1024xf32, #tpu.memory_space<vmem>>, vector<1x1x16xf32>,
      %parallel_loop3A_241 = vector.shape_cast %parallel_loop3A_240 : vector<1x1x16xf32> to vector<16xf32>
      %parallel_loop3A_242 = arith.mulf %parallel_loop3A_241, %broadcast_in_dim3A : vector<16xf32>
      %parallel_loop3A_243 = arith.addf %parallel_loop3A_234, %parallel_loop3A_242 : vector<16xf32>
      %parallel_loop3A_244 = arith.constant 0 : i32
      %parallel_loop3A_245 = arith.constant 1 : i32
      %parallel_loop3A_246 = arith.index_cast %parallel_loop3A_244 : i32 to index
      %parallel_loop3A_247 = arith.index_cast %parallel_loop3A_245 : i32 to index
      %parallel_loop3A_248 = arith.index_cast %parallel_loop3A_231 : i32 to index
      %parallel_loop3A_249 = tpu.vector_load %arg10[%parallel_loop3A_246, %parallel_loop3A_247, %parallel_loop3A_248] {strides = array<i32>} : memref<3x32x1024xf32, #tpu.memory_space<vmem>>, vector<1x1x16xf32>,
      %parallel_loop3A_250 = vector.shape_cast %parallel_loop3A_249 : vector<1x1x16xf32> to vector<16xf32>
      %parallel_loop3A_251 = arith.mulf %parallel_loop3A_250, %broadcast_in_dim3A_69 : vector<16xf32>
      %parallel_loop3A_252 = arith.addf %parallel_loop3A_243, %parallel_loop3A_251 : vector<16xf32>
      %parallel_loop3A_253 = arith.constant 0 : i32
      %parallel_loop3A_254 = arith.constant 2 : i32
      %parallel_loop3A_255 = arith.index_cast %parallel_loop3A_253 : i32 to index
      %parallel_loop3A_256 = arith.index_cast %parallel_loop3A_254 : i32 to index
      %parallel_loop3A_257 = arith.index_cast %parallel_loop3A_231 : i32 to index
      %parallel_loop3A_258 = tpu.vector_load %arg10[%parallel_loop3A_255, %parallel_loop3A_256, %parallel_loop3A_257] {strides = array<i32>} : memref<3x32x1024xf32, #tpu.memory_space<vmem>>, vector<1x1x16xf32>,
      %parallel_loop3A_259 = vector.shape_cast %parallel_loop3A_258 : vector<1x1x16xf32> to vector<16xf32>
      %parallel_loop3A_260 = arith.mulf %parallel_loop3A_259, %broadcast_in_dim3A_72 : vector<16xf32>
      %parallel_loop3A_261 = arith.addf %parallel_loop3A_252, %parallel_loop3A_260 : vector<16xf32>
      %parallel_loop3A_262 = arith.constant 0 : i32
      %parallel_loop3A_263 = arith.constant 3 : i32
      %parallel_loop3A_264 = arith.index_cast %parallel_loop3A_262 : i32 to index
      %parallel_loop3A_265 = arith.index_cast %parallel_loop3A_263 : i32 to index
      %parallel_loop3A_266 = arith.index_cast %parallel_loop3A_231 : i32 to index
      %parallel_loop3A_267 = tpu.vector_load %arg10[%parallel_loop3A_264, %parallel_loop3A_265, %parallel_loop3A_266] {strides = array<i32>} : memref<3x32x1024xf32, #tpu.memory_space<vmem>>, vector<1x1x16xf32>,
      %parallel_loop3A_268 = vector.shape_cast %parallel_loop3A_267 : vector<1x1x16xf32> to vector<16xf32>
      %parallel_loop3A_269 = arith.mulf %parallel_loop3A_268, %broadcast_in_dim3A_75 : vector<16xf32>
      %parallel_loop3A_270 = arith.addf %parallel_loop3A_261, %parallel_loop3A_269 : vector<16xf32>
      %parallel_loop3A_271 = arith.constant 0 : i32
      %parallel_loop3A_272 = arith.constant 4 : i32
      %parallel_loop3A_273 = arith.index_cast %parallel_loop3A_271 : i32 to index
      %parallel_loop3A_274 = arith.index_cast %parallel_loop3A_272 : i32 to index
      %parallel_loop3A_275 = arith.index_cast %parallel_loop3A_231 : i32 to index
      %parallel_loop3A_276 = tpu.vector_load %arg10[%parallel_loop3A_273, %parallel_loop3A_274, %parallel_loop3A_275] {strides = array<i32>} : memref<3x32x1024xf32, #tpu.memory_space<vmem>>, vector<1x1x16xf32>,
      %parallel_loop3A_277 = vector.shape_cast %parallel_loop3A_276 : vector<1x1x16xf32> to vector<16xf32>
      %parallel_loop3A_278 = arith.mulf %parallel_loop3A_277, %broadcast_in_dim3A_78 : vector<16xf32>
      %parallel_loop3A_279 = arith.addf %parallel_loop3A_270, %parallel_loop3A_278 : vector<16xf32>
      %parallel_loop3A_280 = arith.constant 0 : i32
      %parallel_loop3A_281 = arith.constant 5 : i32
      %parallel_loop3A_282 = arith.index_cast %parallel_loop3A_280 : i32 to index
      %parallel_loop3A_283 = arith.index_cast %parallel_loop3A_281 : i32 to index
      %parallel_loop3A_284 = arith.index_cast %parallel_loop3A_231 : i32 to index
      %parallel_loop3A_285 = tpu.vector_load %arg10[%parallel_loop3A_282, %parallel_loop3A_283, %parallel_loop3A_284] {strides = array<i32>} : memref<3x32x1024xf32, #tpu.memory_space<vmem>>, vector<1x1x16xf32>,
      %parallel_loop3A_286 = vector.shape_cast %parallel_loop3A_285 : vector<1x1x16xf32> to vector<16xf32>
      %parallel_loop3A_287 = arith.mulf %parallel_loop3A_286, %broadcast_in_dim3A_81 : vector<16xf32>
      %parallel_loop3A_288 = arith.addf %parallel_loop3A_279, %parallel_loop3A_287 : vector<16xf32>
      %parallel_loop3A_289 = arith.constant 0 : i32
      %parallel_loop3A_290 = arith.constant 6 : i32
      %parallel_loop3A_291 = arith.index_cast %parallel_loop3A_289 : i32 to index
      %parallel_loop3A_292 = arith.index_cast %parallel_loop3A_290 : i32 to index
      %parallel_loop3A_293 = arith.index_cast %parallel_loop3A_231 : i32 to index
      %parallel_loop3A_294 = tpu.vector_load %arg10[%parallel_loop3A_291, %parallel_loop3A_292, %parallel_loop3A_293] {strides = array<i32>} : memref<3x32x1024xf32, #tpu.memory_space<vmem>>, vector<1x1x16xf32>,
      %parallel_loop3A_295 = vector.shape_cast %parallel_loop3A_294 : vector<1x1x16xf32> to vector<16xf32>
      %parallel_loop3A_296 = arith.mulf %parallel_loop3A_295, %broadcast_in_dim3A_84 : vector<16xf32>
      %parallel_loop3A_297 = arith.addf %parallel_loop3A_288, %parallel_loop3A_296 : vector<16xf32>
      %parallel_loop3A_298 = arith.constant 0 : i32
      %parallel_loop3A_299 = arith.constant 7 : i32
      %parallel_loop3A_300 = arith.index_cast %parallel_loop3A_298 : i32 to index
      %parallel_loop3A_301 = arith.index_cast %parallel_loop3A_299 : i32 to index
      %parallel_loop3A_302 = arith.index_cast %parallel_loop3A_231 : i32 to index
      %parallel_loop3A_303 = tpu.vector_load %arg10[%parallel_loop3A_300, %parallel_loop3A_301, %parallel_loop3A_302] {strides = array<i32>} : memref<3x32x1024xf32, #tpu.memory_space<vmem>>, vector<1x1x16xf32>,
      %parallel_loop3A_304 = vector.shape_cast %parallel_loop3A_303 : vector<1x1x16xf32> to vector<16xf32>
      %parallel_loop3A_305 = arith.mulf %parallel_loop3A_304, %broadcast_in_dim3A_87 : vector<16xf32>
      %parallel_loop3A_306 = arith.addf %parallel_loop3A_297, %parallel_loop3A_305 : vector<16xf32>
      %parallel_loop3A_307 = arith.constant 0 : i32
      %parallel_loop3A_308 = arith.constant 8 : i32
      %parallel_loop3A_309 = arith.index_cast %parallel_loop3A_307 : i32 to index
      %parallel_loop3A_310 = arith.index_cast %parallel_loop3A_308 : i32 to index
      %parallel_loop3A_311 = arith.index_cast %parallel_loop3A_231 : i32 to index
      %parallel_loop3A_312 = tpu.vector_load %arg10[%parallel_loop3A_309, %parallel_loop3A_310, %parallel_loop3A_311] {strides = array<i32>} : memref<3x32x1024xf32, #tpu.memory_space<vmem>>, vector<1x1x16xf32>,
      %parallel_loop3A_313 = vector.shape_cast %parallel_loop3A_312 : vector<1x1x16xf32> to vector<16xf32>
      %parallel_loop3A_314 = arith.mulf %parallel_loop3A_313, %broadcast_in_dim3A_90 : vector<16xf32>
      %parallel_loop3A_315 = arith.addf %parallel_loop3A_306, %parallel_loop3A_314 : vector<16xf32>
      %parallel_loop3A_316 = arith.constant 0 : i32
      %parallel_loop3A_317 = arith.constant 9 : i32
      %parallel_loop3A_318 = arith.index_cast %parallel_loop3A_316 : i32 to index
      %parallel_loop3A_319 = arith.index_cast %parallel_loop3A_317 : i32 to index
      %parallel_loop3A_320 = arith.index_cast %parallel_loop3A_231 : i32 to index
      %parallel_loop3A_321 = tpu.vector_load %arg10[%parallel_loop3A_318, %parallel_loop3A_319, %parallel_loop3A_320] {strides = array<i32>} : memref<3x32x1024xf32, #tpu.memory_space<vmem>>, vector<1x1x16xf32>,
      %parallel_loop3A_322 = vector.shape_cast %parallel_loop3A_321 : vector<1x1x16xf32> to vector<16xf32>
      %parallel_loop3A_323 = arith.mulf %parallel_loop3A_322, %broadcast_in_dim3A_93 : vector<16xf32>
      %parallel_loop3A_324 = arith.addf %parallel_loop3A_315, %parallel_loop3A_323 : vector<16xf32>
      %parallel_loop3A_325 = arith.constant 0 : i32
      %parallel_loop3A_326 = arith.constant 10 : i32
      %parallel_loop3A_327 = arith.index_cast %parallel_loop3A_325 : i32 to index
      %parallel_loop3A_328 = arith.index_cast %parallel_loop3A_326 : i32 to index
      %parallel_loop3A_329 = arith.index_cast %parallel_loop3A_231 : i32 to index
      %parallel_loop3A_330 = tpu.vector_load %arg10[%parallel_loop3A_327, %parallel_loop3A_328, %parallel_loop3A_329] {strides = array<i32>} : memref<3x32x1024xf32, #tpu.memory_space<vmem>>, vector<1x1x16xf32>,
      %parallel_loop3A_331 = vector.shape_cast %parallel_loop3A_330 : vector<1x1x16xf32> to vector<16xf32>
      %parallel_loop3A_332 = arith.mulf %parallel_loop3A_331, %broadcast_in_dim3A_96 : vector<16xf32>
      %parallel_loop3A_333 = arith.addf %parallel_loop3A_324, %parallel_loop3A_332 : vector<16xf32>
      %parallel_loop3A_334 = arith.constant 0 : i32
      %parallel_loop3A_335 = arith.constant 11 : i32
      %parallel_loop3A_336 = arith.index_cast %parallel_loop3A_334 : i32 to index
      %parallel_loop3A_337 = arith.index_cast %parallel_loop3A_335 : i32 to index
      %parallel_loop3A_338 = arith.index_cast %parallel_loop3A_231 : i32 to index
      %parallel_loop3A_339 = tpu.vector_load %arg10[%parallel_loop3A_336, %parallel_loop3A_337, %parallel_loop3A_338] {strides = array<i32>} : memref<3x32x1024xf32, #tpu.memory_space<vmem>>, vector<1x1x16xf32>,
      %parallel_loop3A_340 = vector.shape_cast %parallel_loop3A_339 : vector<1x1x16xf32> to vector<16xf32>
      %parallel_loop3A_341 = arith.mulf %parallel_loop3A_340, %broadcast_in_dim3A_99 : vector<16xf32>
      %parallel_loop3A_342 = arith.addf %parallel_loop3A_333, %parallel_loop3A_341 : vector<16xf32>
      %parallel_loop3A_343 = arith.constant 0 : i32
      %parallel_loop3A_344 = arith.constant 12 : i32
      %parallel_loop3A_345 = arith.index_cast %parallel_loop3A_343 : i32 to index
      %parallel_loop3A_346 = arith.index_cast %parallel_loop3A_344 : i32 to index
      %parallel_loop3A_347 = arith.index_cast %parallel_loop3A_231 : i32 to index
      %parallel_loop3A_348 = tpu.vector_load %arg10[%parallel_loop3A_345, %parallel_loop3A_346, %parallel_loop3A_347] {strides = array<i32>} : memref<3x32x1024xf32, #tpu.memory_space<vmem>>, vector<1x1x16xf32>,
      %parallel_loop3A_349 = vector.shape_cast %parallel_loop3A_348 : vector<1x1x16xf32> to vector<16xf32>
      %parallel_loop3A_350 = arith.mulf %parallel_loop3A_349, %broadcast_in_dim3A_102 : vector<16xf32>
      %parallel_loop3A_351 = arith.addf %parallel_loop3A_342, %parallel_loop3A_350 : vector<16xf32>
      %parallel_loop3A_352 = arith.constant 0 : i32
      %parallel_loop3A_353 = arith.constant 13 : i32
      %parallel_loop3A_354 = arith.index_cast %parallel_loop3A_352 : i32 to index
      %parallel_loop3A_355 = arith.index_cast %parallel_loop3A_353 : i32 to index
      %parallel_loop3A_356 = arith.index_cast %parallel_loop3A_231 : i32 to index
      %parallel_loop3A_357 = tpu.vector_load %arg10[%parallel_loop3A_354, %parallel_loop3A_355, %parallel_loop3A_356] {strides = array<i32>} : memref<3x32x1024xf32, #tpu.memory_space<vmem>>, vector<1x1x16xf32>,
      %parallel_loop3A_358 = vector.shape_cast %parallel_loop3A_357 : vector<1x1x16xf32> to vector<16xf32>
      %parallel_loop3A_359 = arith.mulf %parallel_loop3A_358, %broadcast_in_dim3A_105 : vector<16xf32>
      %parallel_loop3A_360 = arith.addf %parallel_loop3A_351, %parallel_loop3A_359 : vector<16xf32>
      %parallel_loop3A_361 = arith.constant 0 : i32
      %parallel_loop3A_362 = arith.constant 14 : i32
      %parallel_loop3A_363 = arith.index_cast %parallel_loop3A_361 : i32 to index
      %parallel_loop3A_364 = arith.index_cast %parallel_loop3A_362 : i32 to index
      %parallel_loop3A_365 = arith.index_cast %parallel_loop3A_231 : i32 to index
      %parallel_loop3A_366 = tpu.vector_load %arg10[%parallel_loop3A_363, %parallel_loop3A_364, %parallel_loop3A_365] {strides = array<i32>} : memref<3x32x1024xf32, #tpu.memory_space<vmem>>, vector<1x1x16xf32>,
      %parallel_loop3A_367 = vector.shape_cast %parallel_loop3A_366 : vector<1x1x16xf32> to vector<16xf32>
      %parallel_loop3A_368 = arith.mulf %parallel_loop3A_367, %broadcast_in_dim3A_108 : vector<16xf32>
      %parallel_loop3A_369 = arith.addf %parallel_loop3A_360, %parallel_loop3A_368 : vector<16xf32>
      %parallel_loop3A_370 = arith.constant 0 : i32
      %parallel_loop3A_371 = arith.constant 15 : i32
      %parallel_loop3A_372 = arith.index_cast %parallel_loop3A_370 : i32 to index
      %parallel_loop3A_373 = arith.index_cast %parallel_loop3A_371 : i32 to index
      %parallel_loop3A_374 = arith.index_cast %parallel_loop3A_231 : i32 to index
      %parallel_loop3A_375 = tpu.vector_load %arg10[%parallel_loop3A_372, %parallel_loop3A_373, %parallel_loop3A_374] {strides = array<i32>} : memref<3x32x1024xf32, #tpu.memory_space<vmem>>, vector<1x1x16xf32>,
      %parallel_loop3A_376 = vector.shape_cast %parallel_loop3A_375 : vector<1x1x16xf32> to vector<16xf32>
      %parallel_loop3A_377 = arith.mulf %parallel_loop3A_376, %broadcast_in_dim3A_111 : vector<16xf32>
      %parallel_loop3A_378 = arith.addf %parallel_loop3A_369, %parallel_loop3A_377 : vector<16xf32>
      %parallel_loop3A_379 = arith.constant 0 : i32
      %parallel_loop3A_380 = arith.constant 0 : i32
      %parallel_loop3A_381 = arith.index_cast %parallel_loop3A_379 : i32 to index
      %parallel_loop3A_382 = arith.index_cast %parallel_loop3A_380 : i32 to index
      %parallel_loop3A_383 = arith.index_cast %parallel_loop3A_231 : i32 to index
      %parallel_loop3A_384 = tpu.vector_load %arg11[%parallel_loop3A_381, %parallel_loop3A_382, %parallel_loop3A_383] {strides = array<i32>} : memref<3x2x1024xf32, #tpu.memory_space<vmem>>, vector<1x1x16xf32>,
      %parallel_loop3A_385 = vector.shape_cast %parallel_loop3A_384 : vector<1x1x16xf32> to vector<16xf32>
      %parallel_loop3A_386 = vector.shape_cast %parallel_loop3A_378 : vector<16xf32> to vector<1x1x16xf32>
      tpu.vector_store %arg11[%parallel_loop3A_381, %parallel_loop3A_382, %parallel_loop3A_383], %parallel_loop3A_386 {strides = array<i32>} : memref<3x2x1024xf32, #tpu.memory_space<vmem>>, vector<1x1x16xf32>,
    } {sc.loop_unroll_factor = 4 : i64, sc.parallel_access}
    %mul3A_114 = arith.constant 63 : i32
    %mul3A_115 = arith.constant 2 : i32
    %mul3A_116 = arith.muli %mul3A_114, %mul3A_115 : i32
    %add3A_117 = arith.constant 1 : i32
    %add3A_118 = arith.addi %mul3A_116, %add3A_117 : i32
    %mul3A_119 = arith.constant 16 : i32
    %mul3A_120 = arith.muli %add3A_118, %mul3A_119 : i32
    %get3A_121 = arith.index_cast %mul3A_120 : i32 to index
    %get3A_122 = tpu.vector_load %arg8[%get3A_121] {strides = array<i32>} : memref<2048xf32, #tpu.memory_space<vmem>>, vector<16xf32>,
    %get3A_123 = vector.shape_cast %get3A_122 : vector<16xf32> to vector<16xf32>
    %slice3A_124 = vector.extract_strided_slice %get3A_123 {offsets = [0], sizes = [1], strides = [1]} : vector<16xf32> to vector<1xf32>
    %squeeze3A_125 = vector.extract %slice3A_124[0] : f32 from vector<1xf32>
    %broadcast_in_dim3A_126 = vector.broadcast %squeeze3A_125 : f32 to vector<16xf32>
    %slice3A_127 = vector.extract_strided_slice %get3A_123 {offsets = [1], sizes = [1], strides = [1]} : vector<16xf32> to vector<1xf32>
    %squeeze3A_128 = vector.extract %slice3A_127[0] : f32 from vector<1xf32>
    %broadcast_in_dim3A_129 = vector.broadcast %squeeze3A_128 : f32 to vector<16xf32>
    %slice3A_130 = vector.extract_strided_slice %get3A_123 {offsets = [2], sizes = [1], strides = [1]} : vector<16xf32> to vector<1xf32>
    %squeeze3A_131 = vector.extract %slice3A_130[0] : f32 from vector<1xf32>
    %broadcast_in_dim3A_132 = vector.broadcast %squeeze3A_131 : f32 to vector<16xf32>
    %slice3A_133 = vector.extract_strided_slice %get3A_123 {offsets = [3], sizes = [1], strides = [1]} : vector<16xf32> to vector<1xf32>
    %squeeze3A_134 = vector.extract %slice3A_133[0] : f32 from vector<1xf32>
    %broadcast_in_dim3A_135 = vector.broadcast %squeeze3A_134 : f32 to vector<16xf32>
    %slice3A_136 = vector.extract_strided_slice %get3A_123 {offsets = [4], sizes = [1], strides = [1]} : vector<16xf32> to vector<1xf32>
    %squeeze3A_137 = vector.extract %slice3A_136[0] : f32 from vector<1xf32>
    %broadcast_in_dim3A_138 = vector.broadcast %squeeze3A_137 : f32 to vector<16xf32>
    %slice3A_139 = vector.extract_strided_slice %get3A_123 {offsets = [5], sizes = [1], strides = [1]} : vector<16xf32> to vector<1xf32>
    %squeeze3A_140 = vector.extract %slice3A_139[0] : f32 from vector<1xf32>
    %broadcast_in_dim3A_141 = vector.broadcast %squeeze3A_140 : f32 to vector<16xf32>
    %slice3A_142 = vector.extract_strided_slice %get3A_123 {offsets = [6], sizes = [1], strides = [1]} : vector<16xf32> to vector<1xf32>
    %squeeze3A_143 = vector.extract %slice3A_142[0] : f32 from vector<1xf32>
    %broadcast_in_dim3A_144 = vector.broadcast %squeeze3A_143 : f32 to vector<16xf32>
    %slice3A_145 = vector.extract_strided_slice %get3A_123 {offsets = [7], sizes = [1], strides = [1]} : vector<16xf32> to vector<1xf32>
    %squeeze3A_146 = vector.extract %slice3A_145[0] : f32 from vector<1xf32>
    %broadcast_in_dim3A_147 = vector.broadcast %squeeze3A_146 : f32 to vector<16xf32>
    %slice3A_148 = vector.extract_strided_slice %get3A_123 {offsets = [8], sizes = [1], strides = [1]} : vector<16xf32> to vector<1xf32>
    %squeeze3A_149 = vector.extract %slice3A_148[0] : f32 from vector<1xf32>
    %broadcast_in_dim3A_150 = vector.broadcast %squeeze3A_149 : f32 to vector<16xf32>
    %slice3A_151 = vector.extract_strided_slice %get3A_123 {offsets = [9], sizes = [1], strides = [1]} : vector<16xf32> to vector<1xf32>
    %squeeze3A_152 = vector.extract %slice3A_151[0] : f32 from vector<1xf32>
    %broadcast_in_dim3A_153 = vector.broadcast %squeeze3A_152 : f32 to vector<16xf32>
    %slice3A_154 = vector.extract_strided_slice %get3A_123 {offsets = [10], sizes = [1], strides = [1]} : vector<16xf32> to vector<1xf32>
    %squeeze3A_155 = vector.extract %slice3A_154[0] : f32 from vector<1xf32>
    %broadcast_in_dim3A_156 = vector.broadcast %squeeze3A_155 : f32 to vector<16xf32>
    %slice3A_157 = vector.extract_strided_slice %get3A_123 {offsets = [11], sizes = [1], strides = [1]} : vector<16xf32> to vector<1xf32>
    %squeeze3A_158 = vector.extract %slice3A_157[0] : f32 from vector<1xf32>
    %broadcast_in_dim3A_159 = vector.broadcast %squeeze3A_158 : f32 to vector<16xf32>
    %slice3A_160 = vector.extract_strided_slice %get3A_123 {offsets = [12], sizes = [1], strides = [1]} : vector<16xf32> to vector<1xf32>
    %squeeze3A_161 = vector.extract %slice3A_160[0] : f32 from vector<1xf32>
    %broadcast_in_dim3A_162 = vector.broadcast %squeeze3A_161 : f32 to vector<16xf32>
    %slice3A_163 = vector.extract_strided_slice %get3A_123 {offsets = [13], sizes = [1], strides = [1]} : vector<16xf32> to vector<1xf32>
    %squeeze3A_164 = vector.extract %slice3A_163[0] : f32 from vector<1xf32>
    %broadcast_in_dim3A_165 = vector.broadcast %squeeze3A_164 : f32 to vector<16xf32>
    %slice3A_166 = vector.extract_strided_slice %get3A_123 {offsets = [14], sizes = [1], strides = [1]} : vector<16xf32> to vector<1xf32>
    %squeeze3A_167 = vector.extract %slice3A_166[0] : f32 from vector<1xf32>
    %broadcast_in_dim3A_168 = vector.broadcast %squeeze3A_167 : f32 to vector<16xf32>
    %slice3A_169 = vector.extract_strided_slice %get3A_123 {offsets = [15], sizes = [1], strides = [1]} : vector<16xf32> to vector<1xf32>
    %squeeze3A_170 = vector.extract %slice3A_169[0] : f32 from vector<1xf32>
    %broadcast_in_dim3A_171 = vector.broadcast %squeeze3A_170 : f32 to vector<16xf32>
    %parallel_loop3A_172 = arith.constant 0 : i32
    %parallel_loop3A_173 = arith.constant 1024 : i32
    %parallel_loop3A_174 = arith.constant 16 : i32
    scf.for %parallel_loop3A_231 = %parallel_loop3A_172 to %parallel_loop3A_173 step %parallel_loop3A_174  : i32 {
      %parallel_loop3A_232 = arith.index_cast %parallel_loop3A_231 : i32 to index
      %parallel_loop3A_233 = tpu.vector_load %arg9[%parallel_loop3A_232] {strides = array<i32>} : memref<1024xf32, #tpu.memory_space<vmem>>, vector<16xf32>,
      %parallel_loop3A_234 = vector.shape_cast %parallel_loop3A_233 : vector<16xf32> to vector<16xf32>
      %parallel_loop3A_235 = arith.constant 0 : i32
      %parallel_loop3A_236 = arith.constant 16 : i32
      %parallel_loop3A_237 = arith.index_cast %parallel_loop3A_235 : i32 to index
      %parallel_loop3A_238 = arith.index_cast %parallel_loop3A_236 : i32 to index
      %parallel_loop3A_239 = arith.index_cast %parallel_loop3A_231 : i32 to index
      %parallel_loop3A_240 = tpu.vector_load %arg10[%parallel_loop3A_237, %parallel_loop3A_238, %parallel_loop3A_239] {strides = array<i32>} : memref<3x32x1024xf32, #tpu.memory_space<vmem>>, vector<1x1x16xf32>,
      %parallel_loop3A_241 = vector.shape_cast %parallel_loop3A_240 : vector<1x1x16xf32> to vector<16xf32>
      %parallel_loop3A_242 = arith.mulf %parallel_loop3A_241, %broadcast_in_dim3A_126 : vector<16xf32>
      %parallel_loop3A_243 = arith.addf %parallel_loop3A_234, %parallel_loop3A_242 : vector<16xf32>
      %parallel_loop3A_244 = arith.constant 0 : i32
      %parallel_loop3A_245 = arith.constant 17 : i32
      %parallel_loop3A_246 = arith.index_cast %parallel_loop3A_244 : i32 to index
      %parallel_loop3A_247 = arith.index_cast %parallel_loop3A_245 : i32 to index
      %parallel_loop3A_248 = arith.index_cast %parallel_loop3A_231 : i32 to index
      %parallel_loop3A_249 = tpu.vector_load %arg10[%parallel_loop3A_246, %parallel_loop3A_247, %parallel_loop3A_248] {strides = array<i32>} : memref<3x32x1024xf32, #tpu.memory_space<vmem>>, vector<1x1x16xf32>,
      %parallel_loop3A_250 = vector.shape_cast %parallel_loop3A_249 : vector<1x1x16xf32> to vector<16xf32>
      %parallel_loop3A_251 = arith.mulf %parallel_loop3A_250, %broadcast_in_dim3A_129 : vector<16xf32>
      %parallel_loop3A_252 = arith.addf %parallel_loop3A_243, %parallel_loop3A_251 : vector<16xf32>
      %parallel_loop3A_253 = arith.constant 0 : i32
      %parallel_loop3A_254 = arith.constant 18 : i32
      %parallel_loop3A_255 = arith.index_cast %parallel_loop3A_253 : i32 to index
      %parallel_loop3A_256 = arith.index_cast %parallel_loop3A_254 : i32 to index
      %parallel_loop3A_257 = arith.index_cast %parallel_loop3A_231 : i32 to index
      %parallel_loop3A_258 = tpu.vector_load %arg10[%parallel_loop3A_255, %parallel_loop3A_256, %parallel_loop3A_257] {strides = array<i32>} : memref<3x32x1024xf32, #tpu.memory_space<vmem>>, vector<1x1x16xf32>,
      %parallel_loop3A_259 = vector.shape_cast %parallel_loop3A_258 : vector<1x1x16xf32> to vector<16xf32>
      %parallel_loop3A_260 = arith.mulf %parallel_loop3A_259, %broadcast_in_dim3A_132 : vector<16xf32>
      %parallel_loop3A_261 = arith.addf %parallel_loop3A_252, %parallel_loop3A_260 : vector<16xf32>
      %parallel_loop3A_262 = arith.constant 0 : i32
      %parallel_loop3A_263 = arith.constant 19 : i32
      %parallel_loop3A_264 = arith.index_cast %parallel_loop3A_262 : i32 to index
      %parallel_loop3A_265 = arith.index_cast %parallel_loop3A_263 : i32 to index
      %parallel_loop3A_266 = arith.index_cast %parallel_loop3A_231 : i32 to index
      %parallel_loop3A_267 = tpu.vector_load %arg10[%parallel_loop3A_264, %parallel_loop3A_265, %parallel_loop3A_266] {strides = array<i32>} : memref<3x32x1024xf32, #tpu.memory_space<vmem>>, vector<1x1x16xf32>,
      %parallel_loop3A_268 = vector.shape_cast %parallel_loop3A_267 : vector<1x1x16xf32> to vector<16xf32>
      %parallel_loop3A_269 = arith.mulf %parallel_loop3A_268, %broadcast_in_dim3A_135 : vector<16xf32>
      %parallel_loop3A_270 = arith.addf %parallel_loop3A_261, %parallel_loop3A_269 : vector<16xf32>
      %parallel_loop3A_271 = arith.constant 0 : i32
      %parallel_loop3A_272 = arith.constant 20 : i32
      %parallel_loop3A_273 = arith.index_cast %parallel_loop3A_271 : i32 to index
      %parallel_loop3A_274 = arith.index_cast %parallel_loop3A_272 : i32 to index
      %parallel_loop3A_275 = arith.index_cast %parallel_loop3A_231 : i32 to index
      %parallel_loop3A_276 = tpu.vector_load %arg10[%parallel_loop3A_273, %parallel_loop3A_274, %parallel_loop3A_275] {strides = array<i32>} : memref<3x32x1024xf32, #tpu.memory_space<vmem>>, vector<1x1x16xf32>,
      %parallel_loop3A_277 = vector.shape_cast %parallel_loop3A_276 : vector<1x1x16xf32> to vector<16xf32>
      %parallel_loop3A_278 = arith.mulf %parallel_loop3A_277, %broadcast_in_dim3A_138 : vector<16xf32>
      %parallel_loop3A_279 = arith.addf %parallel_loop3A_270, %parallel_loop3A_278 : vector<16xf32>
      %parallel_loop3A_280 = arith.constant 0 : i32
      %parallel_loop3A_281 = arith.constant 21 : i32
      %parallel_loop3A_282 = arith.index_cast %parallel_loop3A_280 : i32 to index
      %parallel_loop3A_283 = arith.index_cast %parallel_loop3A_281 : i32 to index
      %parallel_loop3A_284 = arith.index_cast %parallel_loop3A_231 : i32 to index
      %parallel_loop3A_285 = tpu.vector_load %arg10[%parallel_loop3A_282, %parallel_loop3A_283, %parallel_loop3A_284] {strides = array<i32>} : memref<3x32x1024xf32, #tpu.memory_space<vmem>>, vector<1x1x16xf32>,
      %parallel_loop3A_286 = vector.shape_cast %parallel_loop3A_285 : vector<1x1x16xf32> to vector<16xf32>
      %parallel_loop3A_287 = arith.mulf %parallel_loop3A_286, %broadcast_in_dim3A_141 : vector<16xf32>
      %parallel_loop3A_288 = arith.addf %parallel_loop3A_279, %parallel_loop3A_287 : vector<16xf32>
      %parallel_loop3A_289 = arith.constant 0 : i32
      %parallel_loop3A_290 = arith.constant 22 : i32
      %parallel_loop3A_291 = arith.index_cast %parallel_loop3A_289 : i32 to index
      %parallel_loop3A_292 = arith.index_cast %parallel_loop3A_290 : i32 to index
      %parallel_loop3A_293 = arith.index_cast %parallel_loop3A_231 : i32 to index
      %parallel_loop3A_294 = tpu.vector_load %arg10[%parallel_loop3A_291, %parallel_loop3A_292, %parallel_loop3A_293] {strides = array<i32>} : memref<3x32x1024xf32, #tpu.memory_space<vmem>>, vector<1x1x16xf32>,
      %parallel_loop3A_295 = vector.shape_cast %parallel_loop3A_294 : vector<1x1x16xf32> to vector<16xf32>
      %parallel_loop3A_296 = arith.mulf %parallel_loop3A_295, %broadcast_in_dim3A_144 : vector<16xf32>
      %parallel_loop3A_297 = arith.addf %parallel_loop3A_288, %parallel_loop3A_296 : vector<16xf32>
      %parallel_loop3A_298 = arith.constant 0 : i32
      %parallel_loop3A_299 = arith.constant 23 : i32
      %parallel_loop3A_300 = arith.index_cast %parallel_loop3A_298 : i32 to index
      %parallel_loop3A_301 = arith.index_cast %parallel_loop3A_299 : i32 to index
      %parallel_loop3A_302 = arith.index_cast %parallel_loop3A_231 : i32 to index
      %parallel_loop3A_303 = tpu.vector_load %arg10[%parallel_loop3A_300, %parallel_loop3A_301, %parallel_loop3A_302] {strides = array<i32>} : memref<3x32x1024xf32, #tpu.memory_space<vmem>>, vector<1x1x16xf32>,
      %parallel_loop3A_304 = vector.shape_cast %parallel_loop3A_303 : vector<1x1x16xf32> to vector<16xf32>
      %parallel_loop3A_305 = arith.mulf %parallel_loop3A_304, %broadcast_in_dim3A_147 : vector<16xf32>
      %parallel_loop3A_306 = arith.addf %parallel_loop3A_297, %parallel_loop3A_305 : vector<16xf32>
      %parallel_loop3A_307 = arith.constant 0 : i32
      %parallel_loop3A_308 = arith.constant 24 : i32
      %parallel_loop3A_309 = arith.index_cast %parallel_loop3A_307 : i32 to index
      %parallel_loop3A_310 = arith.index_cast %parallel_loop3A_308 : i32 to index
      %parallel_loop3A_311 = arith.index_cast %parallel_loop3A_231 : i32 to index
      %parallel_loop3A_312 = tpu.vector_load %arg10[%parallel_loop3A_309, %parallel_loop3A_310, %parallel_loop3A_311] {strides = array<i32>} : memref<3x32x1024xf32, #tpu.memory_space<vmem>>, vector<1x1x16xf32>,
      %parallel_loop3A_313 = vector.shape_cast %parallel_loop3A_312 : vector<1x1x16xf32> to vector<16xf32>
      %parallel_loop3A_314 = arith.mulf %parallel_loop3A_313, %broadcast_in_dim3A_150 : vector<16xf32>
      %parallel_loop3A_315 = arith.addf %parallel_loop3A_306, %parallel_loop3A_314 : vector<16xf32>
      %parallel_loop3A_316 = arith.constant 0 : i32
      %parallel_loop3A_317 = arith.constant 25 : i32
      %parallel_loop3A_318 = arith.index_cast %parallel_loop3A_316 : i32 to index
      %parallel_loop3A_319 = arith.index_cast %parallel_loop3A_317 : i32 to index
      %parallel_loop3A_320 = arith.index_cast %parallel_loop3A_231 : i32 to index
      %parallel_loop3A_321 = tpu.vector_load %arg10[%parallel_loop3A_318, %parallel_loop3A_319, %parallel_loop3A_320] {strides = array<i32>} : memref<3x32x1024xf32, #tpu.memory_space<vmem>>, vector<1x1x16xf32>,
      %parallel_loop3A_322 = vector.shape_cast %parallel_loop3A_321 : vector<1x1x16xf32> to vector<16xf32>
      %parallel_loop3A_323 = arith.mulf %parallel_loop3A_322, %broadcast_in_dim3A_153 : vector<16xf32>
      %parallel_loop3A_324 = arith.addf %parallel_loop3A_315, %parallel_loop3A_323 : vector<16xf32>
      %parallel_loop3A_325 = arith.constant 0 : i32
      %parallel_loop3A_326 = arith.constant 26 : i32
      %parallel_loop3A_327 = arith.index_cast %parallel_loop3A_325 : i32 to index
      %parallel_loop3A_328 = arith.index_cast %parallel_loop3A_326 : i32 to index
      %parallel_loop3A_329 = arith.index_cast %parallel_loop3A_231 : i32 to index
      %parallel_loop3A_330 = tpu.vector_load %arg10[%parallel_loop3A_327, %parallel_loop3A_328, %parallel_loop3A_329] {strides = array<i32>} : memref<3x32x1024xf32, #tpu.memory_space<vmem>>, vector<1x1x16xf32>,
      %parallel_loop3A_331 = vector.shape_cast %parallel_loop3A_330 : vector<1x1x16xf32> to vector<16xf32>
      %parallel_loop3A_332 = arith.mulf %parallel_loop3A_331, %broadcast_in_dim3A_156 : vector<16xf32>
      %parallel_loop3A_333 = arith.addf %parallel_loop3A_324, %parallel_loop3A_332 : vector<16xf32>
      %parallel_loop3A_334 = arith.constant 0 : i32
      %parallel_loop3A_335 = arith.constant 27 : i32
      %parallel_loop3A_336 = arith.index_cast %parallel_loop3A_334 : i32 to index
      %parallel_loop3A_337 = arith.index_cast %parallel_loop3A_335 : i32 to index
      %parallel_loop3A_338 = arith.index_cast %parallel_loop3A_231 : i32 to index
      %parallel_loop3A_339 = tpu.vector_load %arg10[%parallel_loop3A_336, %parallel_loop3A_337, %parallel_loop3A_338] {strides = array<i32>} : memref<3x32x1024xf32, #tpu.memory_space<vmem>>, vector<1x1x16xf32>,
      %parallel_loop3A_340 = vector.shape_cast %parallel_loop3A_339 : vector<1x1x16xf32> to vector<16xf32>
      %parallel_loop3A_341 = arith.mulf %parallel_loop3A_340, %broadcast_in_dim3A_159 : vector<16xf32>
      %parallel_loop3A_342 = arith.addf %parallel_loop3A_333, %parallel_loop3A_341 : vector<16xf32>
      %parallel_loop3A_343 = arith.constant 0 : i32
      %parallel_loop3A_344 = arith.constant 28 : i32
      %parallel_loop3A_345 = arith.index_cast %parallel_loop3A_343 : i32 to index
      %parallel_loop3A_346 = arith.index_cast %parallel_loop3A_344 : i32 to index
      %parallel_loop3A_347 = arith.index_cast %parallel_loop3A_231 : i32 to index
      %parallel_loop3A_348 = tpu.vector_load %arg10[%parallel_loop3A_345, %parallel_loop3A_346, %parallel_loop3A_347] {strides = array<i32>} : memref<3x32x1024xf32, #tpu.memory_space<vmem>>, vector<1x1x16xf32>,
      %parallel_loop3A_349 = vector.shape_cast %parallel_loop3A_348 : vector<1x1x16xf32> to vector<16xf32>
      %parallel_loop3A_350 = arith.mulf %parallel_loop3A_349, %broadcast_in_dim3A_162 : vector<16xf32>
      %parallel_loop3A_351 = arith.addf %parallel_loop3A_342, %parallel_loop3A_350 : vector<16xf32>
      %parallel_loop3A_352 = arith.constant 0 : i32
      %parallel_loop3A_353 = arith.constant 29 : i32
      %parallel_loop3A_354 = arith.index_cast %parallel_loop3A_352 : i32 to index
      %parallel_loop3A_355 = arith.index_cast %parallel_loop3A_353 : i32 to index
      %parallel_loop3A_356 = arith.index_cast %parallel_loop3A_231 : i32 to index
      %parallel_loop3A_357 = tpu.vector_load %arg10[%parallel_loop3A_354, %parallel_loop3A_355, %parallel_loop3A_356] {strides = array<i32>} : memref<3x32x1024xf32, #tpu.memory_space<vmem>>, vector<1x1x16xf32>,
      %parallel_loop3A_358 = vector.shape_cast %parallel_loop3A_357 : vector<1x1x16xf32> to vector<16xf32>
      %parallel_loop3A_359 = arith.mulf %parallel_loop3A_358, %broadcast_in_dim3A_165 : vector<16xf32>
      %parallel_loop3A_360 = arith.addf %parallel_loop3A_351, %parallel_loop3A_359 : vector<16xf32>
      %parallel_loop3A_361 = arith.constant 0 : i32
      %parallel_loop3A_362 = arith.constant 30 : i32
      %parallel_loop3A_363 = arith.index_cast %parallel_loop3A_361 : i32 to index
      %parallel_loop3A_364 = arith.index_cast %parallel_loop3A_362 : i32 to index
      %parallel_loop3A_365 = arith.index_cast %parallel_loop3A_231 : i32 to index
      %parallel_loop3A_366 = tpu.vector_load %arg10[%parallel_loop3A_363, %parallel_loop3A_364, %parallel_loop3A_365] {strides = array<i32>} : memref<3x32x1024xf32, #tpu.memory_space<vmem>>, vector<1x1x16xf32>,
      %parallel_loop3A_367 = vector.shape_cast %parallel_loop3A_366 : vector<1x1x16xf32> to vector<16xf32>
      %parallel_loop3A_368 = arith.mulf %parallel_loop3A_367, %broadcast_in_dim3A_168 : vector<16xf32>
      %parallel_loop3A_369 = arith.addf %parallel_loop3A_360, %parallel_loop3A_368 : vector<16xf32>
      %parallel_loop3A_370 = arith.constant 0 : i32
      %parallel_loop3A_371 = arith.constant 31 : i32
      %parallel_loop3A_372 = arith.index_cast %parallel_loop3A_370 : i32 to index
      %parallel_loop3A_373 = arith.index_cast %parallel_loop3A_371 : i32 to index
      %parallel_loop3A_374 = arith.index_cast %parallel_loop3A_231 : i32 to index
      %parallel_loop3A_375 = tpu.vector_load %arg10[%parallel_loop3A_372, %parallel_loop3A_373, %parallel_loop3A_374] {strides = array<i32>} : memref<3x32x1024xf32, #tpu.memory_space<vmem>>, vector<1x1x16xf32>,
      %parallel_loop3A_376 = vector.shape_cast %parallel_loop3A_375 : vector<1x1x16xf32> to vector<16xf32>
      %parallel_loop3A_377 = arith.mulf %parallel_loop3A_376, %broadcast_in_dim3A_171 : vector<16xf32>
      %parallel_loop3A_378 = arith.addf %parallel_loop3A_369, %parallel_loop3A_377 : vector<16xf32>
      %parallel_loop3A_379 = arith.constant 0 : i32
      %parallel_loop3A_380 = arith.constant 1 : i32
      %parallel_loop3A_381 = arith.index_cast %parallel_loop3A_379 : i32 to index
      %parallel_loop3A_382 = arith.index_cast %parallel_loop3A_380 : i32 to index
      %parallel_loop3A_383 = arith.index_cast %parallel_loop3A_231 : i32 to index
      %parallel_loop3A_384 = tpu.vector_load %arg11[%parallel_loop3A_381, %parallel_loop3A_382, %parallel_loop3A_383] {strides = array<i32>} : memref<3x2x1024xf32, #tpu.memory_space<vmem>>, vector<1x1x16xf32>,
      %parallel_loop3A_385 = vector.shape_cast %parallel_loop3A_384 : vector<1x1x16xf32> to vector<16xf32>
      %parallel_loop3A_386 = vector.shape_cast %parallel_loop3A_378 : vector<16xf32> to vector<1x1x16xf32>
      tpu.vector_store %arg11[%parallel_loop3A_381, %parallel_loop3A_382, %parallel_loop3A_383], %parallel_loop3A_386 {strides = array<i32>} : memref<3x2x1024xf32, #tpu.memory_space<vmem>>, vector<1x1x16xf32>,
    } {sc.loop_unroll_factor = 4 : i64, sc.parallel_access}
    %mul3A_175 = arith.constant 63 : i32
    %mul3A_176 = arith.constant 2 : i32
    %mul3A_177 = arith.muli %mul3A_175, %mul3A_176 : i32
    %add3A_178 = arith.addi %mul3A_2, %mul3A_177 : i32
    %dma_start3A_179 = arith.constant 0 : i32
    %dma_start3A_180 = arith.constant 0 : i32
    %dma_start3A_181 = arith.constant 0 : i32
    %dma_start3A_182 = tpu.memref_slice %arg11[%dma_start3A_179, %dma_start3A_180, %dma_start3A_181] : memref<3x2x1024xf32, #tpu.memory_space<vmem>> -> memref<1x2x1024xf32, #tpu.memory_space<vmem>>
    %dma_start3A_183 = tpu.memref_squeeze %dma_start3A_182 : memref<1x2x1024xf32, #tpu.memory_space<vmem>> -> memref<2x1024xf32, #tpu.memory_space<vmem>>
    %dma_start3A_184 = arith.constant 0 : i32
    %dma_start3A_185 = tpu.memref_slice %arg6[%add3A_178, %dma_start3A_184] : memref<4096x1024xf32, #tpu.memory_space<hbm>> -> memref<2x1024xf32, #tpu.memory_space<hbm>>
    %dma_start3A_186 = arith.constant 0 : i32
    %dma_start3A_187 = tpu.memref_slice %arg6[%add3A_178, %dma_start3A_186] : memref<4096x1024xf32, #tpu.memory_space<hbm>> -> memref<2x1024xf32, #tpu.memory_space<hbm>>
    %dma_start3A_188 = arith.constant 0 : i32
    %dma_start3A_189 = arith.constant 0 : i32
    %dma_start3A_190 = tpu.memref_slice %arg11[%dma_start3A_179, %dma_start3A_188, %dma_start3A_189] : memref<3x2x1024xf32, #tpu.memory_space<vmem>> -> memref<1x2x1024xf32, #tpu.memory_space<vmem>>
    %dma_start3A_191 = tpu.memref_squeeze %dma_start3A_190 : memref<1x2x1024xf32, #tpu.memory_space<vmem>> -> memref<2x1024xf32, #tpu.memory_space<vmem>>
    tpu.enqueue_dma source(%dma_start3A_191 : memref<2x1024xf32, #tpu.memory_space<vmem>>) target(%dma_start3A_187 : memref<2x1024xf32, #tpu.memory_space<hbm>>) target_semaphore(%arg15 : memref<!tpu.dma_semaphore, #tpu.memory_space<semaphore_mem>>)
    %dma_wait3A_192 = arith.constant 0 : i32
    %dma_wait3A_193 = arith.constant 0 : i32
    %dma_wait3A_194 = arith.constant 0 : i32
    %dma_wait3A_195 = tpu.memref_slice %arg11[%dma_wait3A_192, %dma_wait3A_193, %dma_wait3A_194] : memref<3x2x1024xf32, #tpu.memory_space<vmem>> -> memref<1x2x1024xf32, #tpu.memory_space<vmem>>
    %dma_wait3A_196 = tpu.memref_squeeze %dma_wait3A_195 : memref<1x2x1024xf32, #tpu.memory_space<vmem>> -> memref<2x1024xf32, #tpu.memory_space<vmem>>
    %dma_wait3A_197 = arith.constant 0 : i32
    %dma_wait3A_198 = tpu.memref_slice %arg6[%mul3A_2, %dma_wait3A_197] : memref<4096x1024xf32, #tpu.memory_space<hbm>> -> memref<2x1024xf32, #tpu.memory_space<hbm>>
    %dma_wait3A_199 = arith.constant 0 : i32
    %dma_wait3A_200 = tpu.memref_slice %arg6[%mul3A_2, %dma_wait3A_199] : memref<4096x1024xf32, #tpu.memory_space<hbm>> -> memref<2x1024xf32, #tpu.memory_space<hbm>>
    %dma_wait3A_201 = arith.constant 0 : i32
    %dma_wait3A_202 = arith.constant 0 : i32
    %dma_wait3A_203 = tpu.memref_slice %arg11[%dma_wait3A_192, %dma_wait3A_201, %dma_wait3A_202] : memref<3x2x1024xf32, #tpu.memory_space<vmem>> -> memref<1x2x1024xf32, #tpu.memory_space<vmem>>
    %dma_wait3A_204 = tpu.memref_squeeze %dma_wait3A_203 : memref<1x2x1024xf32, #tpu.memory_space<vmem>> -> memref<2x1024xf32, #tpu.memory_space<vmem>>
    tpu.wait_dma2 semaphore(%arg15 : memref<!tpu.dma_semaphore, #tpu.memory_space<semaphore_mem>>) src(%dma_wait3A_204 : memref<2x1024xf32, #tpu.memory_space<vmem>>) dst(%dma_wait3A_200 : memref<2x1024xf32, #tpu.memory_space<hbm>>)
    %dma_wait3A_205 = arith.constant 1 : i32
    %dma_wait3A_206 = arith.constant 0 : i32
    %dma_wait3A_207 = arith.constant 0 : i32
    %dma_wait3A_208 = tpu.memref_slice %arg11[%dma_wait3A_205, %dma_wait3A_206, %dma_wait3A_207] : memref<3x2x1024xf32, #tpu.memory_space<vmem>> -> memref<1x2x1024xf32, #tpu.memory_space<vmem>>
    %dma_wait3A_209 = tpu.memref_squeeze %dma_wait3A_208 : memref<1x2x1024xf32, #tpu.memory_space<vmem>> -> memref<2x1024xf32, #tpu.memory_space<vmem>>
    %dma_wait3A_210 = arith.constant 0 : i32
    %dma_wait3A_211 = tpu.memref_slice %arg6[%mul3A_2, %dma_wait3A_210] : memref<4096x1024xf32, #tpu.memory_space<hbm>> -> memref<2x1024xf32, #tpu.memory_space<hbm>>
    %dma_wait3A_212 = arith.constant 0 : i32
    %dma_wait3A_213 = tpu.memref_slice %arg6[%mul3A_2, %dma_wait3A_212] : memref<4096x1024xf32, #tpu.memory_space<hbm>> -> memref<2x1024xf32, #tpu.memory_space<hbm>>
    %dma_wait3A_214 = arith.constant 0 : i32
    %dma_wait3A_215 = arith.constant 0 : i32
    %dma_wait3A_216 = tpu.memref_slice %arg11[%dma_wait3A_205, %dma_wait3A_214, %dma_wait3A_215] : memref<3x2x1024xf32, #tpu.memory_space<vmem>> -> memref<1x2x1024xf32, #tpu.memory_space<vmem>>
    %dma_wait3A_217 = tpu.memref_squeeze %dma_wait3A_216 : memref<1x2x1024xf32, #tpu.memory_space<vmem>> -> memref<2x1024xf32, #tpu.memory_space<vmem>>
    tpu.wait_dma2 semaphore(%arg16 : memref<!tpu.dma_semaphore, #tpu.memory_space<semaphore_mem>>) src(%dma_wait3A_217 : memref<2x1024xf32, #tpu.memory_space<vmem>>) dst(%dma_wait3A_213 : memref<2x1024xf32, #tpu.memory_space<hbm>>)
    %dma_wait3A_218 = arith.constant 2 : i32
    %dma_wait3A_219 = arith.constant 0 : i32
    %dma_wait3A_220 = arith.constant 0 : i32
    %dma_wait3A_221 = tpu.memref_slice %arg11[%dma_wait3A_218, %dma_wait3A_219, %dma_wait3A_220] : memref<3x2x1024xf32, #tpu.memory_space<vmem>> -> memref<1x2x1024xf32, #tpu.memory_space<vmem>>
    %dma_wait3A_222 = tpu.memref_squeeze %dma_wait3A_221 : memref<1x2x1024xf32, #tpu.memory_space<vmem>> -> memref<2x1024xf32, #tpu.memory_space<vmem>>
    %dma_wait3A_223 = arith.constant 0 : i32
    %dma_wait3A_224 = tpu.memref_slice %arg6[%mul3A_2, %dma_wait3A_223] : memref<4096x1024xf32, #tpu.memory_space<hbm>> -> memref<2x1024xf32, #tpu.memory_space<hbm>>
    %dma_wait3A_225 = arith.constant 0 : i32
    %dma_wait3A_226 = tpu.memref_slice %arg6[%mul3A_2, %dma_wait3A_225] : memref<4096x1024xf32, #tpu.memory_space<hbm>> -> memref<2x1024xf32, #tpu.memory_space<hbm>>
    %dma_wait3A_227 = arith.constant 0 : i32
    %dma_wait3A_228 = arith.constant 0 : i32
    %dma_wait3A_229 = tpu.memref_slice %arg11[%dma_wait3A_218, %dma_wait3A_227, %dma_wait3A_228] : memref<3x2x1024xf32, #tpu.memory_space<vmem>> -> memref<1x2x1024xf32, #tpu.memory_space<vmem>>
    %dma_wait3A_230 = tpu.memref_squeeze %dma_wait3A_229 : memref<1x2x1024xf32, #tpu.memory_space<vmem>> -> memref<2x1024xf32, #tpu.memory_space<vmem>>
    tpu.wait_dma2 semaphore(%arg17 : memref<!tpu.dma_semaphore, #tpu.memory_space<semaphore_mem>>) src(%dma_wait3A_230 : memref<2x1024xf32, #tpu.memory_space<vmem>>) dst(%dma_wait3A_226 : memref<2x1024xf32, #tpu.memory_space<hbm>>)
    return
  }
}

module attributes {stable_mosaic.version = 14 : i64} {
  func.func @_hash_body(%arg0: i32, %arg1: memref<256x2048xf32, #tpu.memory_space<vmem>>, %arg2: memref<2048x192xf32, #tpu.memory_space<vmem>>, %arg3: memref<1x192xf32, #tpu.memory_space<vmem>>, %arg4: memref<192x16xf32, #tpu.memory_space<vmem>>, %arg5: memref<192x16xf32, #tpu.memory_space<vmem>>, %arg6: memref<256x16xi32, #tpu.memory_space<vmem>>, %arg7: memref<256x16xf32, #tpu.memory_space<vmem>>) attributes {dimension_semantics = [#tpu.dimension_semantics<arbitrary>], iteration_bounds = array<i64: 16>, scalar_prefetch = 0 : i64, scratch_operands = 0 : i64, tpu.core_type = #tpu.core_type<tc>, window_params = [{transform_indices = @transform_0, window_bounds = array<i64: 256, 2048>}, {pipeline_mode = #tpu.pipeline_mode<synchronous>, transform_indices = @transform_1, window_bounds = array<i64: 2048, 192>}, {pipeline_mode = #tpu.pipeline_mode<synchronous>, transform_indices = @transform_2, window_bounds = array<i64: 1, 192>}, {pipeline_mode = #tpu.pipeline_mode<synchronous>, transform_indices = @transform_3, window_bounds = array<i64: 192, 16>}, {pipeline_mode = #tpu.pipeline_mode<synchronous>, transform_indices = @transform_4, window_bounds = array<i64: 192, 16>}, {transform_indices = @transform_5, window_bounds = array<i64: 256, 16>}, {transform_indices = @transform_6, window_bounds = array<i64: 256, 16>}]} {
    %get3A = arith.constant 0 : index
    %get3A_0 = arith.constant 0 : index
    %get3A_1 = vector.load %arg1[%get3A, %get3A_0] : memref<256x2048xf32, #tpu.memory_space<vmem>>, vector<256x2048xf32>
    %get3A_2 = arith.constant 0 : index
    %get3A_3 = arith.constant 0 : index
    %get3A_4 = vector.load %arg2[%get3A_2, %get3A_3] : memref<2048x192xf32, #tpu.memory_space<vmem>>, vector<2048x192xf32>
    %dot_general3A = arith.constant dense<0.000000e+00> : vector<256x192xf32>
    %dot_general3A_5 = tpu.matmul %get3A_1, %get3A_4, %dot_general3A {dimension_numbers = #tpu.dot_dimension_numbers<[1], [0], [0], [1], [0, 0, 1, 1], [], []>, transpose_lhs_hint = false} : vector<256x2048xf32>, vector<2048x192xf32>, vector<256x192xf32> -> vector<256x192xf32>
    %get3A_6 = arith.constant 0 : index
    %get3A_7 = arith.constant 0 : index
    %get3A_8 = vector.load %arg3[%get3A_6, %get3A_7] : memref<1x192xf32, #tpu.memory_space<vmem>>, vector<1x192xf32>
    %add3A = vector.broadcast %get3A_8 : vector<1x192xf32> to vector<256x192xf32>
    %add3A_9 = arith.addf %dot_general3A_5, %add3A : vector<256x192xf32>
    %gt3A = arith.constant 0.000000e+00 : f32
    %gt3A_10 = vector.broadcast %gt3A : f32 to vector<256x192xf32>
    %gt3A_11 = arith.cmpf ogt, %add3A_9, %gt3A_10 : vector<256x192xf32>
    %convert_element_type3A = arith.extui %gt3A_11 : vector<256x192xi1> to vector<256x192xi32>
    %convert_element_type3A_12 = arith.sitofp %convert_element_type3A : vector<256x192xi32> to vector<256x192xf32>
    %abs3A = math.absf %add3A_9 : vector<256x192xf32>
    %neg3A = arith.constant 0.000000e+00 : f32
    %neg3A_13 = vector.broadcast %neg3A : f32 to vector<256x192xf32>
    %neg3A_14 = arith.subf %neg3A_13, %abs3A : vector<256x192xf32>
    %exp3A = math.exp %neg3A_14 : vector<256x192xf32>
    %add3A_15 = arith.constant 1.000000e+00 : f32
    %add3A_16 = vector.broadcast %add3A_15 : f32 to vector<256x192xf32>
    %add3A_17 = arith.addf %add3A_16, %exp3A : vector<256x192xf32>
    %log3A = math.log %add3A_17 : vector<256x192xf32>
    %neg3A_18 = arith.constant 0.000000e+00 : f32
    %neg3A_19 = vector.broadcast %neg3A_18 : f32 to vector<256x192xf32>
    %neg3A_20 = arith.subf %neg3A_19, %log3A : vector<256x192xf32>
    %get3A_21 = arith.constant 0 : index
    %get3A_22 = arith.constant 0 : index
    %get3A_23 = vector.load %arg4[%get3A_21, %get3A_22] : memref<192x16xf32, #tpu.memory_space<vmem>>, vector<192x16xf32>
    %dot_general3A_24 = arith.constant dense<0.000000e+00> : vector<256x16xf32>
    %dot_general3A_25 = tpu.matmul %convert_element_type3A_12, %get3A_23, %dot_general3A_24 {dimension_numbers = #tpu.dot_dimension_numbers<[1], [0], [0], [1], [0, 0, 1, 1], [], []>, transpose_lhs_hint = false} : vector<256x192xf32>, vector<192x16xf32>, vector<256x16xf32> -> vector<256x16xf32>
    %iota3A = tpu.iota {dimensions = array<i32: 1>} : vector<1x16xi32>
    %mul3A = arith.constant 4096 : i32
    %mul3A_26 = vector.broadcast %mul3A : i32 to vector<1x16xi32>
    %mul3A_27 = arith.muli %iota3A, %mul3A_26 : vector<1x16xi32>
    %convert_element_type3A_28 = arith.fptosi %dot_general3A_25 : vector<256x16xf32> to vector<256x16xi32>
    %add3A_29 = vector.broadcast %mul3A_27 : vector<1x16xi32> to vector<256x16xi32>
    %add3A_30 = arith.addi %convert_element_type3A_28, %add3A_29 : vector<256x16xi32>
    %swap3A = arith.constant 0 : index
    %swap3A_31 = arith.constant 0 : index
    %swap3A_32 = vector.load %arg6[%swap3A, %swap3A_31] : memref<256x16xi32, #tpu.memory_space<vmem>>, vector<256x16xi32>
    tpu.vector_store %arg6[%swap3A, %swap3A_31], %add3A_30 {strides = array<i32>} : memref<256x16xi32, #tpu.memory_space<vmem>>, vector<256x16xi32>,
    %get3A_33 = arith.constant 0 : index
    %get3A_34 = arith.constant 0 : index
    %get3A_35 = vector.load %arg5[%get3A_33, %get3A_34] : memref<192x16xf32, #tpu.memory_space<vmem>>, vector<192x16xf32>
    %dot_general3A_36 = arith.constant dense<0.000000e+00> : vector<256x16xf32>
    %dot_general3A_37 = tpu.matmul %neg3A_20, %get3A_35, %dot_general3A_36 {dimension_numbers = #tpu.dot_dimension_numbers<[1], [0], [0], [1], [0, 0, 1, 1], [], []>, transpose_lhs_hint = false} : vector<256x192xf32>, vector<192x16xf32>, vector<256x16xf32> -> vector<256x16xf32>
    %exp3A_38 = math.exp %dot_general3A_37 : vector<256x16xf32>
    %swap3A_39 = arith.constant 0 : index
    %swap3A_40 = arith.constant 0 : index
    %swap3A_41 = vector.load %arg7[%swap3A_39, %swap3A_40] : memref<256x16xf32, #tpu.memory_space<vmem>>, vector<256x16xf32>
    tpu.vector_store %arg7[%swap3A_39, %swap3A_40], %exp3A_38 {strides = array<i32>} : memref<256x16xf32, #tpu.memory_space<vmem>>, vector<256x16xf32>,
    return
  }
  func.func @transform_0(%arg0: i32) -> (i32, i32) {
    %add3A = arith.constant 0 : i32
    %add3A_0 = arith.addi %add3A, %arg0 : i32
    %c0_i32 = arith.constant 0 : i32
    %c0_i32_1 = arith.constant 0 : i32
    return %add3A_0, %c0_i32 : i32, i32
  }
  func.func @transform_1(%arg0: i32) -> (i32, i32) {
    %c0_i32 = arith.constant 0 : i32
    %c0_i32_0 = arith.constant 0 : i32
    %c0_i32_1 = arith.constant 0 : i32
    return %c0_i32, %c0_i32_0 : i32, i32
  }
  func.func @transform_2(%arg0: i32) -> (i32, i32) {
    %c0_i32 = arith.constant 0 : i32
    %c0_i32_0 = arith.constant 0 : i32
    %c0_i32_1 = arith.constant 0 : i32
    return %c0_i32, %c0_i32_0 : i32, i32
  }
  func.func @transform_3(%arg0: i32) -> (i32, i32) {
    %c0_i32 = arith.constant 0 : i32
    %c0_i32_0 = arith.constant 0 : i32
    %c0_i32_1 = arith.constant 0 : i32
    return %c0_i32, %c0_i32_0 : i32, i32
  }
  func.func @transform_4(%arg0: i32) -> (i32, i32) {
    %c0_i32 = arith.constant 0 : i32
    %c0_i32_0 = arith.constant 0 : i32
    %c0_i32_1 = arith.constant 0 : i32
    return %c0_i32, %c0_i32_0 : i32, i32
  }
  func.func @transform_5(%arg0: i32) -> (i32, i32) {
    %c0_i32 = arith.constant 0 : i32
    %c0_i32_0 = arith.constant 0 : i32
    return %arg0, %c0_i32 : i32, i32
  }
  func.func @transform_6(%arg0: i32) -> (i32, i32) {
    %c0_i32 = arith.constant 0 : i32
    %c0_i32_0 = arith.constant 0 : i32
    return %arg0, %c0_i32 : i32, i32
  }
}

</mosaic_0001>

<sc_bundles>
// kernel: kernel.4.cloned.1.call-start
scs
__scs_entry_jumppad:
0x0: {  	(pc) =	sbr.rel $0x88, $3  }
0x1: {  	(tag) =	ssettag $0x0;
	lr =	simm.s32 $0x1  }
0x2: {  	[smem:$0x3F9C] =	sst lr;
	_ =	strace $0xD0000000  }
0x3: {  	_ = 	snop  }
0x4: {  	_ = 	snop  }
0x5: {  	_ = 	snop  }
0x6: {  	_ = 	snop  }
0x7: {  	_ = 	snop  }
__scs_overlays_trampoline_lowered:
0x8: {  	[smem:$0x3FAB] =	sst s0  }
0x9: {  	[smem:$0x3FAC] =	sst s1  }
0xa: {  	[smem:$0x3FAD] =	sst s2  }
0xb: {  	[smem:$0x3FAE] =	sst s3  }
0xc: {  	[smem:$0x3FAF] =	sst s4  }
0xd: {  	[smem:$0x3FB0] =	sst s5  }
0xe: {  	[smem:$0x3FB1] =	sst s6  }
0xf: {  	[smem:$0x3FB2] =	sst s7  }
0x10: {  	[smem:$0x3FB3] =	sst s8  }
0x11: {  	[smem:$0x3FB4] =	sst s9;
	s0 =	simm.s32 @!p0 $0x0  }
0x12: {  	s1 =	sld [smem:$0x3F9A];
	s0 =	simm.s32 @p0 $0x1  }
0x13: {  	[smem:$0x3FB5] =	sst s0;
	s0 =	simm.s32 @!p1 $0x0  }
0x14: {  	s2 =	sld [smem:$0x3F99];
	s0 =	simm.s32 @p1 $0x1  }
0x15: {  	[smem:$0x3FB6] =	sst s0;
	s0 =	simm.s32 @!p2 $0x0  }
0x16: {  	s3 =	sld [smem:$0x3FDB];
	s0 =	simm.s32 @p2 $0x1  }
0x17: {  	s4 =	simm.s32 $0x1BF5;
	[smem:$0x3FB8] =	sst s0  }
0x18: {  	s0 =	sld [smem:$0x3F9B];
	_ =	swait.ge [sflag:s4], $0x0  }
0x19: {  	s7 =	sld [smem:$0x3F9C]  }
0x1a: {  	s8 =	sadd.s32 $0xFFFFE003, lr  }
0x1b: {  	s9 =	sadd.s32 $0xFFFFFEF7, lr;
	s5 =	simm.s32 $0xFFFFFFFF;
	p2 =	slt.u32 s8, $0xFFFFF086  }
0x1c: {  	p1 =	slt.u32 s9, $0xF7A;
	s5 =	simm.s32 @!p2 $0x0  }
0x1d: {  	s5 =	simm.s32 @p1 $0x1;
	p0 =	seq.s32 s7, s2  }
0x1e: {  	s7 =	smul.u32 @!p0 $0xF7A, s2;
	p2 =	seq.s32 @!p0 s5, $0x0  }
0x1f: {  	s9 =	smul.u32 $0xF7A, s1;
	s8 =	simm.s32 @!p0 $0x1BF5;
	p2 =	por !p2, p0  }
0x20: {  	[sflag:s8] =	ssyncset.s32 @!p0 $0xFFFFF086;
	s6 =	sadd.s32 @!p0 s3, s7;
	s7 =	simm.s32 @!p0 $0x108  }
0x21: {  	s3 =	sadd.s32 s3, s9;
	s6 =	sadd.s32 @!p0 $0x88, s6;
	s7 =	simm.s32 @p2 $0x1082  }
0x22: {  	[simem:s7], [sflag:s8] =	dma.local @!p0 [hbm:s6], $0xF7A  }
0x23: {  	s9 =	sor.u32 $0xD0000000, s2;
	s6 =	simm.s32 $0x108;
	_ =	swait.ge @!p0 [sflag:s8], $0x0  }
0x24: {  	s3 =	sadd.s32 $0x88, s3;
	s6 =	simm.s32 @!p1 $0x1082;
	[sflag:s4] =	ssyncset.s32 $0xFFFFF086  }
0x25: {  	[simem:s6], [sflag:s4] =	dma.local [hbm:s3], $0xF7A  }
0x26: {  	[smem:$0x3F9C] =	sst s1;
	(tag) =	ssettag s2;
	_ =	strace s9  }
0x27: {  	s1 =	sld [smem:$0x3FAC]  }
0x28: {  	s2 =	sld [smem:$0x3FAD]  }
0x29: {  	s4 =	sld [smem:$0x3FAF]  }
0x2a: {  	p0 =	seq.s32 s5, $0x0;
	s5 =	sld [smem:$0x3FB0]  }
0x2b: {  	s6 =	sld [smem:$0x3FB1]  }
0x2c: {  	s7 =	sld [smem:$0x3FB2]  }
0x2d: {  	s3 =	simm.s32 $0x108;
	s8 =	sld [smem:$0x3FB3]  }
0x2e: {  	s3 =	simm.s32 @!p0 $0x1082;
	s9 =	sld [smem:$0x3FB4]  }
0x2f: {  	lr =	sadd.s32 s0, s3;
	s0 =	sld [smem:$0x3FAB]  }
0x30: {  	s3 =	sld [smem:$0x3FAE]  }
0x31: {  	[smem:$0x3FB7] =	sst s10  }
0x32: {  	s10 =	sld [smem:$0x3FB5];
	_ =	sdelay $0x3  }
0x33: {  	p0 =	seq.s32 s10, $0x1;
	s10 =	sld [smem:$0x3FB7];
	_ =	sdelay $0x3  }
0x34: {  	[smem:$0x3FB7] =	sst s10  }
0x35: {  	s10 =	sld [smem:$0x3FB6];
	_ =	sdelay $0x3  }
0x36: {  	p1 =	seq.s32 s10, $0x1;
	s10 =	sld [smem:$0x3FB7];
	_ =	sdelay $0x3  }
0x37: {  	[smem:$0x3FB7] =	sst s10  }
0x38: {  	s10 =	sld [smem:$0x3FB8]  }
0x39: {  	_ = 	snop;
	(pc) =	sbr.ind lr, $3  }
0x3a: {  	_ = 	snop  }
0x3b: {  	_ = 	snop  }
0x3c: {  	p2 =	seq.s32 s10, $0x1;
	s10 =	sld [smem:$0x3FB7]  }
0x3d: {  	_ =	shalt  }
0x3e: {  	_ =	shalt  }
0x3f: {  	_ =	shalt  }
0x40: {  	_ =	shalt  }
0x41: {  	_ =	shalt  }
0x42: {  	_ =	shalt  }
0x43: {  	_ =	shalt  }
0x44: {  	_ =	shalt  }
0x45: {  	_ =	shalt  }
0x46: {  	_ =	shalt  }
0x47: {  	_ =	shalt  }
0x48: {  	_ =	shalt  }
0x49: {  	_ =	shalt  }
0x4a: {  	_ =	shalt  }
0x4b: {  	_ =	shalt  }
0x4c: {  	_ =	shalt  }
0x4d: {  	_ =	shalt  }
0x4e: {  	_ =	shalt  }
0x4f: {  	_ =	shalt  }
0x50: {  	_ =	shalt  }
0x51: {  	_ =	shalt  }
0x52: {  	_ =	shalt  }
0x53: {  	_ =	shalt  }
0x54: {  	_ =	shalt  }
0x55: {  	_ =	shalt  }
0x56: {  	_ =	shalt  }
0x57: {  	_ =	shalt  }
0x58: {  	_ =	shalt  }
0x59: {  	_ =	shalt  }
0x5a: {  	_ =	shalt  }
0x5b: {  	_ =	shalt  }
0x5c: {  	_ =	shalt  }
0x5d: {  	_ =	shalt  }
0x5e: {  	_ =	shalt  }
0x5f: {  	_ =	shalt  }
0x60: {  	_ =	shalt  }
0x61: {  	_ =	shalt  }
0x62: {  	_ =	shalt  }
0x63: {  	_ =	shalt  }
0x64: {  	_ =	shalt  }
0x65: {  	_ =	shalt  }
0x66: {  	_ =	shalt  }
0x67: {  	_ =	shalt  }
0x68: {  	_ =	shalt  }
0x69: {  	_ =	shalt  }
0x6a: {  	_ =	shalt  }
0x6b: {  	_ =	shalt  }
0x6c: {  	_ =	shalt  }
0x6d: {  	_ =	shalt  }
0x6e: {  	_ =	shalt  }
0x6f: {  	_ =	shalt  }
0x70: {  	_ =	shalt  }
0x71: {  	_ =	shalt  }
0x72: {  	_ =	shalt  }
0x73: {  	_ =	shalt  }
0x74: {  	_ =	shalt  }
0x75: {  	_ =	shalt  }
0x76: {  	_ =	shalt  }
0x77: {  	_ =	shalt  }
0x78: {  	_ =	shalt  }
0x79: {  	_ =	shalt  }
0x7a: {  	_ =	shalt  }
0x7b: {  	_ =	shalt  }
0x7c: {  	_ =	shalt  }
0x7d: {  	_ =	shalt  }
0x7e: {  	_ =	shalt  }
0x7f: {  	_ =	shalt  }
0x80: {  	_ =	shalt  }
0x81: {  	_ =	shalt  }
0x82: {  	_ =	shalt  }
0x83: {  	_ =	shalt  }
0x84: {  	_ =	shalt  }
0x85: {  	_ =	shalt  }
0x86: {  	_ =	shalt  }
0x87: {  	_ =	shalt  }
.Lfunc_end0:
.L_simem_size_0:
called_computation_lowered:
.L_overlay_start_0:
0x88: {  	s2 =	sld [smem:$0x3FD9]  }
0x89: {  	s3 =	sld [smem:$0x3FFE];
	_ =	sdelay $0x1  }
0x8a: {  	s1 =	srdreg.scid  }
0x8b: {  	s0 =	sand.u32 $0x1, s1  }
0x8c: {  	s17 =	sshll.u32 s0, $0xA;
	s2 =	sadd.s32 s3, s2  }
0x8d: {  	s2 =	sadd.s32 s2, s17  }
0x8e: {  	[smem:$0x3FC3] =	sst s2  }
0x8f: {  	_ = 	snop  }
0x90: {  	s2 =	sld [smem:$0x3FC6]  }
0x91: {  	s18 =	sld [smem:$0x3FC5]  }
0x92: {  	s4 =	sld [smem:$0x3FD0];
	(tm) =	ssettm $0x1  }
0x93: {  	s5 =	sld [smem:$0x3FFB];
	_ =	sdelay $0x3  }
0x94: {  	_ =	strace s5  }
0x95: {  	s5 =	sld [smem:$0x3FFC];
	_ =	sdelay $0x3  }
0x96: {  	_ =	strace s5  }
0x97: {  	s5 =	sld [smem:$0x3FFD];
	_ =	sdelay $0x3  }
0x98: {  	_ =	strace s5  }
0x99: {  	_ =	strace $0x8FFFFFFF  }
0x9a: {  	s19 =	sld [smem:$0x3FDB];
	_ =	sdelay $0x1  }
0x9b: {  	s6 =	simm.s32 $_scs_section_size  }
0x9c: {  	s7 =	simm.s32 $_size__tile_overlayer_lowered;
	s8 =	simm.s32 $_tile_overlayer_lowered  }
0x9d: {  	s22 =	simm.s32 $0x1BFF;
	s21 =	sshll.u32 s8, $0x1;
	s5 =	sadd.s32 s6, s19  }
0x9e: {  	s9 =	simm.s32 $0x0;
	s20 =	sshll.u32 s7, $0x1;
	s7 =	sadd.s32 s21, s5  }
0x9f: {  	[timem:s9], [sflag:s22] =	dma.local [hbm:s7], s20  }
0xa0: {  	_ =	swait.ge [sflag:s22], s20  }
0xa1: {  	s6 =	ssub.s32 $0x0, s20;
	[sflag:s22] =	ssyncset.done $0x0  }
0xa2: {  	[sflag:s22] =	ssyncadd.s32 s6;
	_ =	sdelay $0x1  }
0xa3: {  	s23 =	simm.s32 $0x1B8B  }
0xa4: {  	_ =	swait.ge [sflag:s23], $0x1  }
0xa5: {  	[sflag:s23] =	ssyncset.done $0x0  }
0xa6: {  	s25 =	simm.s32 $0x1B8E;
	s24 =	sld [smem:$0x3FFE];
	[sflag:s23] =	ssyncadd.s32 $0xFFFFFFFF  }
0xa7: {  	s26 =	simm.s32 $execute0_lowered;
	[smem:$0x3FD2] =	sst s25  }
0xa8: {  	s7 =	sshll.u32 s26, $0x1;
	_ =	strace $0x80000046;
	[dreg:$0x1] =	wrdreg $0xFFFFFFFF  }
0xa9: {  	s28 =	simm.s32 $_size_execute0_lowered;
	s5 =	sadd.s32 s5, s7;
	[dreg:$0x0] =	wrdreg $0x0  }
0xaa: {  	s7 =	sshll.u32 s28, $0x1;
	[dreg:$0x2] =	wrdreg s5  }
0xab: {  	[dreg:$0x3] =	wrdreg s7  }
0xac: {  	[dreg:$0x4] =	wrdreg $0xC0  }
0xad: {  	_ =	task [dreg:s9], $0x5FFFF  }
0xae: {  	[dreg:$0x1] =	wrdreg $0xFFFFFFFF  }
0xaf: {  	[dreg:$0x0] =	wrdreg $0x60  }
0xb0: {  	[dreg:$0x2] =	wrdreg s24  }
0xb1: {  	[dreg:$0x3] =	wrdreg s2  }
0xb2: {  	[dreg:$0x4] =	wrdreg s18  }
0xb3: {  	[dreg:$0x5] =	wrdreg s4  }
0xb4: {  	[dreg:$0x6] =	wrdreg $0x9  }
0xb5: {  	_ =	task.clear_ibuf [dreg:s9], $0x7FFFF;
	_ =	strace $0x90000046  }
0xb6: {  	s29 =	simm.s32 $0x9;
	_ =	strace $0x80000048  }
0xb7: {  	_ =	swait.ge [sflag:s29], $0x1  }
0xb8: {  	[sflag:s29] =	ssyncadd.s32 $0xFFFFFFFF  }
0xb9: {  	_ =	strace $0x90000048  }
0xba: {  	_ =	sfence  }
0xbb: {  	s30 =	sld [smem:$0x0];
	_ =	sdelay $0x2  }
0xbc: {  	s31 =	sshll.u32 s1, $0xD;
	s1 =	sshrl.u32 s1, $0x2  }
0xbd: {  	s3 =	sand.u32 $0x4000, s31;
	s1 =	sadd.s32 s1, s30  }
0xbe: {  	s0 =	sor.u32 s3, s0;
	s1 =	sshll.u32 s1, $0x11  }
0xbf: {  	s0 =	sor.u32 s1, s0  }
0xc0: {  	s0 =	sadd.s32 $0x8F2B, s0  }
0xc1: {  	[sflag:s0] =	ssyncadd.remote.s32 $0x1  }
0xc2: {  	_ =	sfence.sel $0xFFFF  }
0xc3: {  	[dreg:$0x0] =	wrdreg $0xFFFFFFFF;
	(pc) =	sbr.abs _section_cstart, $3  }
0xc4: {  	[dreg:$0x1] =	wrdreg $0xFFFFFFFF  }
0xc5: {  	_ =	task.clear_ibuf [dreg:s9], $0x2FFFF;
	_ =	strace $0x9FFFFFFF  }
0xc6: {  	(tm) =	ssettm $0x7FFFFFFF  }
0xc7: {  	_ =	shalt  }
tec
execute0_lowered:
.L_overlay_start_1:
0x0: {  	(tag) =	ssettag $0x1  }
0x1: {  	s0 =	rddreg [dreg:$0x0]  }
0x2: {  	s5 =	rddreg [dreg:$0x1]  }
0x3: {  	s6 =	rddreg [dreg:$0x3]  }
0x4: {  	s1 =	srdreg.scid;
	s2 =	stileid.u32  }
0x5: {  	s3 =	simm.s32 $0x0;
	s1 =	sand.u32 $0x1, s1;
	s2 =	sshll.u32 s2, $0x1  }
0x6: {  	[smem:$0x7FF] =	sst s3;
	s28 =	sadd.s32 $0x100, s5;
	s29 =	sadd.s32 $0x200, s5  }
0x7: {  	s30 =	sadd.s32 $0x300, s5;
	_ =	strace $0x80000047;
	[smem:$0x7F7] =	sst s28  }
0x8: {  	s2 =	sor.u32 s1, s2;
	s1 =	ssub.s32 $0x2, s1;
	[smem:$0x7F8] =	sst s29  }
0x9: {  	[smem:$0x7FA] =	sst s30;
	s25 =	sshll.u32 s2, $0x8;
	s26 =	sshll.u32 s2, $0xE  }
0xa: {  	s2 =	sshll.u32 s2, $0x11;
	s0 =	sadd.s32 s25, s0;
	[smem:$0x7F9] =	sst s26  }
0xb: {  	s4 =	sshrl.u32 s1, $0x1;
	[smem:$0x7FB] =	sst s2;
	s3 =	sadd.s32 $0x800, s0  }
0xc: {  	s1 =	ssub.s32 s1, s4;
	s0 =	sadd.s32 $0x2800, s0;
	[smem:$0x7F5] =	sst s3  }
0xd: {  	v2 =	vlaneseq.u32;
	s31 =	smax.u32 s1, $0x1;
	[smem:$0x7F6] =	sst s0;
	s0 =	sadd.s32 s26, s6  }
0xe: {  	vm0 =	vmmov $0xffff;
	v1 =	vshrl.u32 v2, $0x3;
	[smem:$0x7FD] =	sst s31;
	s0 =	sadd.s32 $0x3C60, s0  }
0xf: {  	v0 =	vand.u32 $0x7, v2;
	v2 =	vor.u32 $0x8, v2;
	v1 =	vmul.u32 $0x8, v1;
	s2 =	simm.s32 $0x0;
	s3 =	simm.s32 $0x4;
	[smem:$0x7FC] =	sst s0  }
.LBB2_1:
0x10: {  	s0 =	sld [smem:$0x7F5];
	_ =	sdelay $0x1  }
0x11: {  	s1 =	simm.s32 $0x0;
	s22 =	sld [smem:$0x7F6]  }
0x12: {  	[tilespmem:s1], [sflag:$0x4] =	stream.linear.gather [hbm4b:s0+s1], $0x800, $0x38;
	[tilespmem:$0x1AC00] =	vst v63  }
0x13: {  	[smem:$0x7F4] =	sst s2;
	s23 =	simm.s32 $0x800  }
0x14: {  	[tilespmem:s23], [sflag:$0x4] =	stream.linear.gather [hbm4b:s22+s1], $0x800, $0x38;
	[tilespmem:$0x1AC00] =	vst v63  }
0x15: {  	s24 =	rddreg [dreg:$0x2];
	s25 =	simm.s32 $0x1000  }
0x16: {  	[tilespmem:s25], [sflag:$0x4] =	stream.linear.gather [hbm4b:s24+s1], $0x400, $0x38;
	[tilespmem:$0x1AC00] =	vst v63  }
0x17: {  	_ =	swait.ge [sflag:s3], $0x800  }
0x18: {  	[sflag:s3] =	ssyncset.done $0x0  }
0x19: {  	[sflag:s3] =	ssyncadd.s32 $0xFFFFF800  }
0x1a: {  	_ =	swait.ge [sflag:s3], $0x800  }
0x1b: {  	[sflag:s3] =	ssyncset.done $0x0  }
0x1c: {  	[sflag:s3] =	ssyncadd.s32 $0xFFFFF800  }
0x1d: {  	_ =	swait.ge [sflag:s3], $0x400  }
0x1e: {  	[sflag:s3] =	ssyncset.done $0x0  }
0x1f: {  	[sflag:s3] =	ssyncadd.s32 $0xFFFFFC00  }
0x20: {  	v3 =	vld [tilespmem:$0x0];
	_ =	sdelay $0x4  }
0x21: {  	v4 =	vshll.u32 v3, $0x3  }
0x22: {  	v3 =	vand.u32 $0x7, v3;
	v4 =	vand.u32 $0xFFFFFFC0, v4  }
0x23: {  	v3 =	vor.u32 v3, v4  }
0x24: {  	v4 =	vperm.xlane v3, v0;
	_ =	sdelay $0x1  }
0x25: {  	v4 =	vadd.s32 v1, v4;
	_ =	sdelay $0x2  }
0x26: {  	s2 =	sld [smem:$0x7F7]  }
0x27: {  	s26 =	simm.s32 $0x1400;
	s0 =	rddreg [dreg:$0x1]  }
0x28: {  	[tilespmem:s26], [sflag:$0x1] =	stream.indirect_vreg.gather [hbm4b:s0+s1], $0x80, v4, vm0, $0xb8;
	[tilespmem:$0x1AC00] =	vst v63  }
0x29: {  	s28 =	simm.s32 $0x1C00;
	s3 =	sld [smem:$0x7F8]  }
0x2a: {  	[tilespmem:s28], [sflag:$0x1] =	stream.indirect_vreg.gather [hbm4b:s2+s1], $0x80, v4, vm0, $0xb8;
	[tilespmem:$0x1AC00] =	vst v63  }
0x2b: {  	s4 =	simm.s32 $0x2400;
	v3 =	vperm.xlane v3, v2  }
0x2c: {  	[tilespmem:s4], [sflag:$0x1] =	stream.indirect_vreg.gather [hbm4b:s3+s1], $0x80, v4, vm0, $0xb8;
	[tilespmem:$0x1AC00] =	vst v63  }
0x2d: {  	v3 =	vadd.s32 v1, v3;
	s4 =	sld [smem:$0x7FA];
	_ =	sdelay $0x1  }
0x2e: {  	s5 =	simm.s32 $0x2C00  }
0x2f: {  	[tilespmem:s5], [sflag:$0x1] =	stream.indirect_vreg.gather [hbm4b:s4+s1], $0x80, v4, vm0, $0xb8;
	[tilespmem:$0x1AC00] =	vst v63  }
0x30: {  	s29 =	simm.s32 $0x3400  }
0x31: {  	[tilespmem:s29], [sflag:$0x1] =	stream.indirect_vreg.gather [hbm4b:s0+s1], $0x80, v3, vm0, $0xb8;
	[tilespmem:$0x1AC00] =	vst v63  }
0x32: {  	s30 =	simm.s32 $0x3C00  }
0x33: {  	[tilespmem:s30], [sflag:$0x1] =	stream.indirect_vreg.gather [hbm4b:s2+s1], $0x80, v3, vm0, $0xb8;
	[tilespmem:$0x1AC00] =	vst v63  }
0x34: {  	s31 =	simm.s32 $0x4400  }
0x35: {  	[tilespmem:s31], [sflag:$0x1] =	stream.indirect_vreg.gather [hbm4b:s3+s1], $0x80, v3, vm0, $0xb8;
	[tilespmem:$0x1AC00] =	vst v63  }
0x36: {  	s6 =	simm.s32 $0x4C00  }
0x37: {  	[tilespmem:s6], [sflag:$0x1] =	stream.indirect_vreg.gather [hbm4b:s4+s1], $0x80, v3, vm0, $0xb8;
	[tilespmem:$0x1AC00] =	vst v63  }
0x38: {  	v3 =	vld [tilespmem:$0x10];
	_ =	sdelay $0x4  }
0x39: {  	v61 =	vshll.u32 v3, $0x3  }
0x3a: {  	v3 =	vand.u32 $0x7, v3;
	v4 =	vand.u32 $0xFFFFFFC0, v61  }
0x3b: {  	v3 =	vor.u32 v3, v4  }
0x3c: {  	v4 =	vperm.xlane v3, v0;
	_ =	sdelay $0x1  }
0x3d: {  	v4 =	vadd.s32 v1, v4;
	_ =	sdelay $0x3  }
0x3e: {  	s7 =	simm.s32 $0x5400  }
0x3f: {  	[tilespmem:s7], [sflag:$0x1] =	stream.indirect_vreg.gather [hbm4b:s0+s1], $0x80, v4, vm0, $0xb8;
	[tilespmem:$0x1AC00] =	vst v63  }
0x40: {  	s8 =	simm.s32 $0x5C00;
	v3 =	vperm.xlane v3, v2  }
0x41: {  	[tilespmem:s8], [sflag:$0x1] =	stream.indirect_vreg.gather [hbm4b:s2+s1], $0x80, v4, vm0, $0xb8;
	[tilespmem:$0x1AC00] =	vst v63  }
0x42: {  	s9 =	simm.s32 $0x6400;
	v3 =	vadd.s32 v1, v3  }
0x43: {  	[tilespmem:s9], [sflag:$0x1] =	stream.indirect_vreg.gather [hbm4b:s3+s1], $0x80, v4, vm0, $0xb8;
	[tilespmem:$0x1AC00] =	vst v63  }
0x44: {  	s10 =	simm.s32 $0x6C00  }
0x45: {  	[tilespmem:s10], [sflag:$0x1] =	stream.indirect_vreg.gather [hbm4b:s4+s1], $0x80, v4, vm0, $0xb8;
	[tilespmem:$0x1AC00] =	vst v63  }
0x46: {  	s11 =	simm.s32 $0x7400  }
0x47: {  	[tilespmem:s11], [sflag:$0x1] =	stream.indirect_vreg.gather [hbm4b:s0+s1], $0x80, v3, vm0, $0xb8;
	[tilespmem:$0x1AC00] =	vst v63  }
0x48: {  	s12 =	simm.s32 $0x7C00  }
0x49: {  	[tilespmem:s12], [sflag:$0x1] =	stream.indirect_vreg.gather [hbm4b:s2+s1], $0x80, v3, vm0, $0xb8;
	[tilespmem:$0x1AC00] =	vst v63  }
0x4a: {  	s13 =	simm.s32 $0x8400  }
0x4b: {  	[tilespmem:s13], [sflag:$0x1] =	stream.indirect_vreg.gather [hbm4b:s3+s1], $0x80, v3, vm0, $0xb8;
	[tilespmem:$0x1AC00] =	vst v63  }
0x4c: {  	s14 =	simm.s32 $0x8C00  }
0x4d: {  	[tilespmem:s14], [sflag:$0x1] =	stream.indirect_vreg.gather [hbm4b:s4+s1], $0x80, v3, vm0, $0xb8;
	[tilespmem:$0x1AC00] =	vst v63  }
0x4e: {  	v3 =	vld [tilespmem:$0x20];
	_ =	sdelay $0x4  }
0x4f: {  	v62 =	vshll.u32 v3, $0x3  }
0x50: {  	v3 =	vand.u32 $0x7, v3;
	v4 =	vand.u32 $0xFFFFFFC0, v62  }
0x51: {  	v3 =	vor.u32 v3, v4  }
0x52: {  	v4 =	vperm.xlane v3, v0;
	_ =	sdelay $0x1  }
0x53: {  	v4 =	vadd.s32 v1, v4;
	_ =	sdelay $0x3  }
0x54: {  	s15 =	simm.s32 $0x9400  }
0x55: {  	[tilespmem:s15], [sflag:$0x2] =	stream.indirect_vreg.gather [hbm4b:s0+s1], $0x80, v4, vm0, $0xb8;
	[tilespmem:$0x1AC00] =	vst v63  }
0x56: {  	s16 =	simm.s32 $0x9C00;
	v3 =	vperm.xlane v3, v2  }
0x57: {  	[tilespmem:s16], [sflag:$0x2] =	stream.indirect_vreg.gather [hbm4b:s2+s1], $0x80, v4, vm0, $0xb8;
	[tilespmem:$0x1AC00] =	vst v63  }
0x58: {  	s17 =	simm.s32 $0xA400;
	v3 =	vadd.s32 v1, v3  }
0x59: {  	[tilespmem:s17], [sflag:$0x2] =	stream.indirect_vreg.gather [hbm4b:s3+s1], $0x80, v4, vm0, $0xb8;
	[tilespmem:$0x1AC00] =	vst v63  }
0x5a: {  	s18 =	simm.s32 $0xAC00  }
0x5b: {  	[tilespmem:s18], [sflag:$0x2] =	stream.indirect_vreg.gather [hbm4b:s4+s1], $0x80, v4, vm0, $0xb8;
	[tilespmem:$0x1AC00] =	vst v63  }
0x5c: {  	s19 =	simm.s32 $0xB400  }
0x5d: {  	[tilespmem:s19], [sflag:$0x2] =	stream.indirect_vreg.gather [hbm4b:s0+s1], $0x80, v3, vm0, $0xb8;
	[tilespmem:$0x1AC00] =	vst v63  }
0x5e: {  	s20 =	simm.s32 $0xBC00  }
0x5f: {  	[tilespmem:s20], [sflag:$0x2] =	stream.indirect_vreg.gather [hbm4b:s2+s1], $0x80, v3, vm0, $0xb8;
	[tilespmem:$0x1AC00] =	vst v63  }
0x60: {  	s21 =	simm.s32 $0xC400  }
0x61: {  	[tilespmem:s21], [sflag:$0x2] =	stream.indirect_vreg.gather [hbm4b:s3+s1], $0x80, v3, vm0, $0xb8;
	[tilespmem:$0x1AC00] =	vst v63  }
0x62: {  	s22 =	simm.s32 $0xCC00  }
0x63: {  	[tilespmem:s22], [sflag:$0x2] =	stream.indirect_vreg.gather [hbm4b:s4+s1], $0x80, v3, vm0, $0xb8;
	[tilespmem:$0x1AC00] =	vst v63  }
0x64: {  	v3 =	vld [tilespmem:$0x30];
	_ =	sdelay $0x4  }
0x65: {  	v63 =	vshll.u32 v3, $0x3  }
0x66: {  	v3 =	vand.u32 $0x7, v3;
	v4 =	vand.u32 $0xFFFFFFC0, v63  }
0x67: {  	v3 =	vor.u32 v3, v4  }
0x68: {  	v4 =	vperm.xlane v3, v0;
	_ =	sdelay $0x1  }
0x69: {  	v4 =	vadd.s32 v1, v4;
	_ =	sdelay $0x3  }
0x6a: {  	s23 =	simm.s32 $0xD400  }
0x6b: {  	[tilespmem:s23], [sflag:$0x2] =	stream.indirect_vreg.gather [hbm4b:s0+s1], $0x80, v4, vm0, $0xb8;
	[tilespmem:$0x1AC00] =	vst v63  }
0x6c: {  	s24 =	simm.s32 $0xDC00;
	v3 =	vperm.xlane v3, v2  }
0x6d: {  	[tilespmem:s24], [sflag:$0x2] =	stream.indirect_vreg.gather [hbm4b:s2+s1], $0x80, v4, vm0, $0xb8;
	[tilespmem:$0x1AC00] =	vst v63  }
0x6e: {  	s25 =	simm.s32 $0xE400;
	v3 =	vadd.s32 v1, v3  }
0x6f: {  	[tilespmem:s25], [sflag:$0x2] =	stream.indirect_vreg.gather [hbm4b:s3+s1], $0x80, v4, vm0, $0xb8;
	[tilespmem:$0x1AC00] =	vst v63  }
0x70: {  	s26 =	simm.s32 $0xEC00  }
0x71: {  	[tilespmem:s26], [sflag:$0x2] =	stream.indirect_vreg.gather [hbm4b:s4+s1], $0x80, v4, vm0, $0xb8;
	[tilespmem:$0x1AC00] =	vst v63  }
0x72: {  	s28 =	simm.s32 $0xF400  }
0x73: {  	[tilespmem:s28], [sflag:$0x2] =	stream.indirect_vreg.gather [hbm4b:s0+s1], $0x80, v3, vm0, $0xb8;
	[tilespmem:$0x1AC00] =	vst v63  }
0x74: {  	s29 =	simm.s32 $0xFC00  }
0x75: {  	[tilespmem:s29], [sflag:$0x2] =	stream.indirect_vreg.gather [hbm4b:s2+s1], $0x80, v3, vm0, $0xb8;
	[tilespmem:$0x1AC00] =	vst v63  }
0x76: {  	s30 =	simm.s32 $0x10400  }
0x77: {  	[tilespmem:s30], [sflag:$0x2] =	stream.indirect_vreg.gather [hbm4b:s3+s1], $0x80, v3, vm0, $0xb8;
	[tilespmem:$0x1AC00] =	vst v63  }
0x78: {  	s31 =	simm.s32 $0x10C00;
	s6 =	simm.s32 $0x0  }
0x79: {  	[tilespmem:s31], [sflag:$0x2] =	stream.indirect_vreg.gather [hbm4b:s4+s1], $0x80, v3, vm0, $0xb8;
	[tilespmem:$0x1AC00] =	vst v63  }
.LBB2_2:
0x7a: {  	s0 =	smul.u32 $0x3, s6;
	_ =	sdelay $0x1  }
0x7b: {  	[smem:$0x7EF] =	sst s0;
	s0 =	sadd.s32 $0x2, s0  }
0x7c: {  	[smem:$0x7F0] =	sst s0;
	s0 =	sshll.u32 s0, $0x7  }
0x7d: {  	s7 =	sshrl.u32 s0, $0x2  }
0x7e: {  	v3 =	vld [tilespmem:s7+$0x0];
	_ =	sdelay $0x4  }
0x7f: {  	v4 =	vshll.u32 v3, $0x3  }
0x80: {  	v3 =	vand.u32 $0x7, v3;
	v4 =	vand.u32 $0xFFFFFFC0, v4  }
0x81: {  	v3 =	vor.u32 v3, v4  }
0x82: {  	v4 =	vperm.xlane v3, v0;
	_ =	sdelay $0x1  }
0x83: {  	v4 =	vadd.s32 v1, v4;
	_ =	sdelay $0x2  }
0x84: {  	s25 =	rddreg [dreg:$0x1]  }
0x85: {  	s1 =	simm.s32 $0x0;
	s2 =	simm.s32 $0x11400;
	s26 =	sld [smem:$0x7F7]  }
0x86: {  	[tilespmem:s2], [sflag:$0x3] =	stream.indirect_vreg.gather [hbm4b:s25+s1], $0x80, v4, vm0, $0xb8;
	[tilespmem:$0x1AC00] =	vst v63  }
0x87: {  	s3 =	simm.s32 $0x11C00;
	s29 =	sld [smem:$0x7F8];
	v3 =	vperm.xlane v3, v2  }
0x88: {  	[tilespmem:s3], [sflag:$0x3] =	stream.indirect_vreg.gather [hbm4b:s26+s1], $0x80, v4, vm0, $0xb8;
	[tilespmem:$0x1AC00] =	vst v63  }
0x89: {  	s4 =	simm.s32 $0x12400;
	s30 =	sld [smem:$0x7FA];
	v3 =	vadd.s32 v1, v3  }
0x8a: {  	[tilespmem:s4], [sflag:$0x3] =	stream.indirect_vreg.gather [hbm4b:s29+s1], $0x80, v4, vm0, $0xb8;
	[tilespmem:$0x1AC00] =	vst v63  }
0x8b: {  	s5 =	simm.s32 $0x12C00  }
0x8c: {  	[tilespmem:s5], [sflag:$0x3] =	stream.indirect_vreg.gather [hbm4b:s30+s1], $0x80, v4, vm0, $0xb8;
	[tilespmem:$0x1AC00] =	vst v63  }
0x8d: {  	s31 =	simm.s32 $0x13400  }
0x8e: {  	[tilespmem:s31], [sflag:$0x3] =	stream.indirect_vreg.gather [hbm4b:s25+s1], $0x80, v3, vm0, $0xb8;
	[tilespmem:$0x1AC00] =	vst v63  }
0x8f: {  	s8 =	simm.s32 $0x13C00  }
0x90: {  	[tilespmem:s8], [sflag:$0x3] =	stream.indirect_vreg.gather [hbm4b:s26+s1], $0x80, v3, vm0, $0xb8;
	[tilespmem:$0x1AC00] =	vst v63  }
0x91: {  	s9 =	simm.s32 $0x14400  }
0x92: {  	[tilespmem:s9], [sflag:$0x3] =	stream.indirect_vreg.gather [hbm4b:s29+s1], $0x80, v3, vm0, $0xb8;
	[tilespmem:$0x1AC00] =	vst v63  }
0x93: {  	s10 =	simm.s32 $0x14C00  }
0x94: {  	[tilespmem:s10], [sflag:$0x3] =	stream.indirect_vreg.gather [hbm4b:s30+s1], $0x80, v3, vm0, $0xb8;
	[tilespmem:$0x1AC00] =	vst v63  }
0x95: {  	v3 =	vld [tilespmem:s7+$0x10];
	_ =	sdelay $0x4  }
0x96: {  	v4 =	vshll.u32 v3, $0x3  }
0x97: {  	v3 =	vand.u32 $0x7, v3;
	v4 =	vand.u32 $0xFFFFFFC0, v4  }
0x98: {  	v3 =	vor.u32 v3, v4  }
0x99: {  	v4 =	vperm.xlane v3, v0;
	_ =	sdelay $0x1  }
0x9a: {  	v4 =	vadd.s32 v1, v4;
	_ =	sdelay $0x3  }
0x9b: {  	s11 =	simm.s32 $0x15400  }
0x9c: {  	[tilespmem:s11], [sflag:$0x3] =	stream.indirect_vreg.gather [hbm4b:s25+s1], $0x80, v4, vm0, $0xb8;
	[tilespmem:$0x1AC00] =	vst v63  }
0x9d: {  	s12 =	simm.s32 $0x15C00;
	v3 =	vperm.xlane v3, v2  }
0x9e: {  	[tilespmem:s12], [sflag:$0x3] =	stream.indirect_vreg.gather [hbm4b:s26+s1], $0x80, v4, vm0, $0xb8;
	[tilespmem:$0x1AC00] =	vst v63  }
0x9f: {  	s13 =	simm.s32 $0x16400;
	v3 =	vadd.s32 v1, v3  }
0xa0: {  	[tilespmem:s13], [sflag:$0x3] =	stream.indirect_vreg.gather [hbm4b:s29+s1], $0x80, v4, vm0, $0xb8;
	[tilespmem:$0x1AC00] =	vst v63  }
0xa1: {  	s14 =	simm.s32 $0x16C00  }
0xa2: {  	[tilespmem:s14], [sflag:$0x3] =	stream.indirect_vreg.gather [hbm4b:s30+s1], $0x80, v4, vm0, $0xb8;
	[tilespmem:$0x1AC00] =	vst v63  }
0xa3: {  	s15 =	simm.s32 $0x17400  }
0xa4: {  	[tilespmem:s15], [sflag:$0x3] =	stream.indirect_vreg.gather [hbm4b:s25+s1], $0x80, v3, vm0, $0xb8;
	[tilespmem:$0x1AC00] =	vst v63  }
0xa5: {  	s16 =	simm.s32 $0x17C00  }
0xa6: {  	[tilespmem:s16], [sflag:$0x3] =	stream.indirect_vreg.gather [hbm4b:s26+s1], $0x80, v3, vm0, $0xb8;
	[tilespmem:$0x1AC00] =	vst v63  }
0xa7: {  	s17 =	simm.s32 $0x18400  }
0xa8: {  	[tilespmem:s17], [sflag:$0x3] =	stream.indirect_vreg.gather [hbm4b:s29+s1], $0x80, v3, vm0, $0xb8;
	[tilespmem:$0x1AC00] =	vst v63  }
0xa9: {  	s18 =	simm.s32 $0x18C00;
	s19 =	simm.s32 $0x1;
	[smem:$0x7F1] =	sst s7  }
0xaa: {  	[tilespmem:s18], [sflag:$0x3] =	stream.indirect_vreg.gather [hbm4b:s30+s1], $0x80, v3, vm0, $0xb8;
	[tilespmem:$0x1AC00] =	vst v63  }
0xab: {  	p0 =	seq.s32 s6, $0x0;
	_ =	swait.ge [sflag:s19], $0x8000  }
0xac: {  	s20 =	smul.u32 $0x180, s6;
	s23 =	simm.s32 $0x0;
	[sflag:s19] =	ssyncset.done $0x0  }
0xad: {  	s24 =	simm.s32 $0x0;
	s0 =	simm.s32 @!p0 $0x4;
	[sflag:s19] =	ssyncadd.s32 $0xFFFF8000  }
0xae: {  	s28 =	sand.u32 $0x1C00, s23;
	s21 =	sand.u32 $0x380, s24;
	_ =	swait.ge @!p0 [sflag:s0], $0x800  }
0xaf: {  	s9 =	sadd.s32 $0x1400, s28;
	s1 =	sshra.s32 s20, $0x2;
	[sflag:s0] =	ssyncset.done @!p0 $0x0  }
0xb0: {  	[smem:$0x7F2] =	sst s6;
	[sflag:s0] =	ssyncadd.s32 @!p0 $0xFFFFF800;
	s0 =	sand.u32 $0x40, s24  }
0xb1: {  	s25 =	simm.s32 $0x1000;
	[smem:$0x7F3] =	sst s1;
	v18 =	vld [tilespmem:s1+$0x800];
	s1 =	sor.u32 $0x30, s0  }
0xb2: {  	s2 =	sor.u32 $0x1000, s21;
	v15 =	vld [tilespmem:s25+$0x0];
	s22 =	sor.u32 s1, s9  }
0xb3: {  	s30 =	sor.u32 s1, s2;
	v5 =	vld [tilespmem:s22+$0x0]  }
0xb4: {  	v6 =	vld [tilespmem:s30+$0x0]  }
0xb5: {  	v7 =	vld [tilespmem:s22+$0x80]  }
0xb6: {  	v8 =	vld [tilespmem:s22+$0x100]  }
0xb7: {  	s26 =	sor.u32 $0x10, s0;
	v9 =	vld [tilespmem:s22+$0x180]  }
0xb8: {  	s31 =	sor.u32 s26, s2;
	v10 =	vld [tilespmem:s22+$0x200]  }
0xb9: {  	v16 =	vld [tilespmem:s31+$0x0]  }
0xba: {  	s29 =	sor.u32 $0x20, s0;
	v11 =	vld [tilespmem:s22+$0x280]  }
0xbb: {  	s2 =	sor.u32 s29, s2;
	v12 =	vld [tilespmem:s22+$0x300]  }
0xbc: {  	s8 =	sadd.s32 $0x3400, s28;
	v17 =	vld [tilespmem:s2+$0x0]  }
0xbd: {  	s4 =	sadd.s32 $0x3480, s28;
	s3 =	sor.u32 s1, s8;
	v14 =	vld [tilespmem:s22+$0x380]  }
0xbe: {  	s7 =	sadd.s32 $0x3500, s28;
	s6 =	sor.u32 s1, s4;
	v21 =	vld [tilespmem:s3+$0x0]  }
0xbf: {  	s14 =	sadd.s32 $0x3580, s28;
	s13 =	sor.u32 s1, s7;
	v22 =	vld [tilespmem:s6+$0x0]  }
0xc0: {  	s16 =	sadd.s32 $0x3600, s28;
	s15 =	sor.u32 s1, s14;
	v23 =	vld [tilespmem:s13+$0x0]  }
0xc1: {  	s12 =	sadd.s32 $0x3680, s28;
	s17 =	sor.u32 s1, s16;
	v24 =	vld [tilespmem:s15+$0x0];
	v3 =	vbroadcast v18, $0x0  }
0xc2: {  	s18 =	sor.u32 s1, s12;
	v25 =	vld [tilespmem:s17+$0x0]  }
0xc3: {  	s11 =	sor.u32 s26, s9;
	v26 =	vld [tilespmem:s18+$0x0];
	v4 =	vbroadcast v18, $0x1;
	v13 =	vmul.f32 v5, v3  }
0xc4: {  	s20 =	sor.u32 s29, s9;
	v27 =	vld [tilespmem:s11+$0x0]  }
0xc5: {  	s9 =	sor.u32 s0, s9;
	v28 =	vld [tilespmem:s20+$0x0];
	v5 =	vbroadcast v18, $0x2;
	v7 =	vmul.f32 v7, v4;
	v13 =	vadd.f32 v13, v6  }
0xc6: {  	v29 =	vld [tilespmem:s9+$0x0]  }
0xc7: {  	v30 =	vld [tilespmem:s11+$0x80];
	v6 =	vbroadcast v18, $0x3;
	v8 =	vmul.f32 v8, v5;
	v13 =	vadd.f32 v7, v13  }
0xc8: {  	v31 =	vld [tilespmem:s11+$0x100]  }
0xc9: {  	v32 =	vld [tilespmem:s11+$0x180];
	v7 =	vbroadcast v18, $0x4;
	v9 =	vmul.f32 v9, v6;
	v13 =	vadd.f32 v8, v13  }
0xca: {  	v33 =	vld [tilespmem:s11+$0x200]  }
0xcb: {  	v39 =	vld [tilespmem:s20+$0x80];
	v8 =	vbroadcast v18, $0x5;
	v10 =	vmul.f32 v10, v7;
	v13 =	vadd.f32 v9, v13  }
0xcc: {  	v34 =	vld [tilespmem:s11+$0x280];
	v27 =	vmul.f32 v27, v3;
	v29 =	vmul.f32 v29, v3  }
0xcd: {  	v40 =	vld [tilespmem:s9+$0x80];
	v9 =	vbroadcast v18, $0x6;
	v11 =	vmul.f32 v11, v8;
	v13 =	vadd.f32 v10, v13  }
0xce: {  	v37 =	vld [tilespmem:s11+$0x300];
	v28 =	vmul.f32 v28, v3;
	v30 =	vmul.f32 v30, v4;
	v29 =	vadd.f32 v29, v15  }
0xcf: {  	v49 =	vld [tilespmem:s20+$0x180];
	v10 =	vbroadcast v18, $0x7;
	v36 =	vmul.f32 v12, v9;
	v35 =	vadd.f32 v11, v13  }
0xd0: {  	v48 =	vld [tilespmem:s20+$0x100];
	v16 =	vadd.f32 v27, v16;
	v17 =	vadd.f32 v28, v17;
	v28 =	vmul.f32 v39, v4  }
0xd1: {  	v27 =	vld [tilespmem:s9+$0x100];
	v11 =	vbroadcast v18, $0x8;
	v47 =	vmul.f32 v14, v10;
	v35 =	vadd.f32 v36, v35  }
0xd2: {  	v38 =	vld [tilespmem:s11+$0x380];
	v16 =	vadd.f32 v30, v16;
	v30 =	vmul.f32 v40, v4;
	v17 =	vadd.f32 v28, v17  }
0xd3: {  	v50 =	vld [tilespmem:s9+$0x180];
	v12 =	vbroadcast v18, $0x9;
	v21 =	vmul.f32 v21, v11;
	v35 =	vadd.f32 v47, v35  }
0xd4: {  	v51 =	vld [tilespmem:s20+$0x380];
	v28 =	vmul.f32 v31, v5;
	v29 =	vadd.f32 v30, v29;
	v30 =	vmul.f32 v49, v6  }
0xd5: {  	v52 =	vld [tilespmem:s9+$0x280];
	v13 =	vbroadcast v18, $0xA;
	v22 =	vmul.f32 v22, v12;
	v21 =	vadd.f32 v21, v35  }
0xd6: {  	s21 =	sor.u32 s26, s8;
	v53 =	vld [tilespmem:s9+$0x300];
	v28 =	vadd.f32 v28, v16;
	v16 =	vmul.f32 v27, v5;
	v36 =	vmul.f32 v48, v5  }
0xd7: {  	s6 =	sadd.s32 $0x3700, s28;
	v54 =	vld [tilespmem:s21+$0x0];
	s2 =	sor.u32 s0, s7;
	v14 =	vbroadcast v18, $0xB;
	v21 =	vadd.f32 v22, v21;
	v22 =	vmul.f32 v23, v13  }
0xd8: {  	s10 =	sor.u32 s1, s6;
	v60 =	vld [tilespmem:s2+$0x0];
	v27 =	vadd.f32 v16, v29;
	v29 =	vmul.f32 v32, v6;
	v17 =	vadd.f32 v36, v17  }
0xd9: {  	v20 =	vld [tilespmem:s10+$0x0];
	v15 =	vbroadcast v18, $0xC;
	v21 =	vadd.f32 v22, v21;
	v22 =	vmul.f32 v24, v14  }
0xda: {  	v28 =	vadd.f32 v29, v28;
	v17 =	vadd.f32 v30, v17;
	v23 =	vld [tilespmem:s20+$0x200]  }
0xdb: {  	s3 =	sadd.s32 $0x3780, s28;
	v30 =	vmul.f32 v33, v7;
	v21 =	vadd.f32 v22, v21;
	v22 =	vmul.f32 v25, v15;
	v25 =	vld [tilespmem:s9+$0x200]  }
0xdc: {  	s19 =	sor.u32 s1, s3;
	v31 =	vld [tilespmem:s20+$0x280];
	v16 =	vbroadcast v18, $0xD  }
0xdd: {  	v19 =	vld [tilespmem:s19+$0x0];
	v55 =	vmul.f32 v37, v9;
	v56 =	vmul.f32 v53, v9;
	v28 =	vadd.f32 v30, v28  }
0xde: {  	s10 =	sor.u32 s26, s14;
	v30 =	vmul.f32 v34, v8;
	v24 =	vld [tilespmem:s20+$0x300];
	v21 =	vadd.f32 v22, v21;
	v22 =	vmul.f32 v50, v6  }
0xdf: {  	v61 =	vld [tilespmem:s10+$0x0];
	v26 =	vmul.f32 v26, v16;
	v23 =	vmul.f32 v23, v7  }
0xe0: {  	s31 =	sor.u32 s29, s4;
	v29 =	vld [tilespmem:s9+$0x380];
	v28 =	vadd.f32 v30, v28;
	v22 =	vadd.f32 v22, v27;
	v25 =	vmul.f32 v25, v7  }
0xe1: {  	s22 =	sor.u32 s29, s8;
	s8 =	sor.u32 s0, s8;
	v30 =	vld [tilespmem:s31+$0x0];
	v17 =	vadd.f32 v23, v17;
	v21 =	vadd.f32 v26, v21;
	v26 =	vmul.f32 v31, v8  }
0xe2: {  	v58 =	vmul.f32 v38, v10;
	v23 =	vld [tilespmem:s8+$0x0];
	v31 =	vmul.f32 v52, v8;
	v22 =	vadd.f32 v25, v22  }
0xe3: {  	s30 =	sor.u32 s26, s4;
	v59 =	vmul.f32 v51, v10;
	v24 =	vmul.f32 v24, v9;
	v27 =	vld [tilespmem:s22+$0x0];
	v26 =	vadd.f32 v26, v17  }
0xe4: {  	s5 =	sor.u32 s0, s4;
	v28 =	vadd.f32 v55, v28;
	v17 =	vbroadcast v18, $0xE;
	v25 =	vld [tilespmem:s30+$0x0];
	v22 =	vadd.f32 v31, v22  }
0xe5: {  	v29 =	vmul.f32 v29, v10;
	v33 =	vmul.f32 v54, v11;
	s8 =	sor.u32 s26, s7;
	v24 =	vadd.f32 v24, v26;
	v31 =	vld [tilespmem:s5+$0x0]  }
0xe6: {  	s9 =	sor.u32 s29, s7;
	v28 =	vadd.f32 v58, v28;
	v57 =	vld [tilespmem:s8+$0x0];
	v20 =	vmul.f32 v20, v17;
	v22 =	vadd.f32 v56, v22  }
0xe7: {  	s11 =	sor.u32 s29, s14;
	s13 =	sor.u32 s0, s14;
	s14 =	sor.u32 s26, s16;
	v30 =	vmul.f32 v30, v12;
	v26 =	vld [tilespmem:s9+$0x0];
	v23 =	vmul.f32 v23, v11;
	v24 =	vadd.f32 v59, v24  }
0xe8: {  	v27 =	vmul.f32 v27, v11;
	v20 =	vadd.f32 v20, v21;
	v21 =	vld [tilespmem:s14+$0x0];
	v22 =	vadd.f32 v29, v22  }
0xe9: {  	v28 =	vadd.f32 v33, v28;
	v18 =	vbroadcast v18, $0xF;
	v25 =	vmul.f32 v25, v12;
	v29 =	vld [tilespmem:s11+$0x0]  }
0xea: {  	s15 =	sor.u32 s29, s16;
	v24 =	vadd.f32 v27, v24;
	v27 =	vld [tilespmem:s13+$0x0];
	v22 =	vadd.f32 v23, v22;
	v23 =	vmul.f32 v31, v12  }
0xeb: {  	s16 =	sor.u32 s0, s16;
	v19 =	vmul.f32 v19, v18;
	v25 =	vadd.f32 v25, v28;
	v28 =	vmul.f32 v57, v13;
	v31 =	vld [tilespmem:s15+$0x0]  }
0xec: {  	s17 =	sor.u32 s26, s12;
	v24 =	vadd.f32 v30, v24;
	v30 =	vld [tilespmem:s16+$0x0];
	v23 =	vadd.f32 v23, v22;
	v22 =	vmul.f32 v26, v13  }
0xed: {  	v62 =	vld [tilespmem:s17+$0x0];
	s19 =	sor.u32 s0, s12;
	v25 =	vadd.f32 v28, v25;
	v28 =	vmul.f32 v61, v14;
	v26 =	vmul.f32 v60, v13  }
0xee: {  	s18 =	sor.u32 s29, s12;
	v63 =	vadd.f32 v19, v20;
	v19 =	vld [tilespmem:s19+$0x0];
	v20 =	vadd.f32 v22, v24;
	v24 =	vmul.f32 v29, v14  }
0xef: {  	s21 =	sor.u32 s29, s6;
	s4 =	sor.u32 s0, s3;
	s22 =	sshrl.u32 s28, $0x2;
	v22 =	vld [tilespmem:s18+$0x0];
	v23 =	vadd.f32 v26, v23;
	v26 =	vadd.f32 v28, v25;
	v25 =	vmul.f32 v27, v14  }
0xf0: {  	s20 =	sor.u32 s26, s6;
	s7 =	sor.u32 s26, s3;
	s31 =	sadd.s32 $0x19400, s22;
	v27 =	vmul.f32 v21, v15;
	v21 =	vld [tilespmem:s21+$0x0];
	v29 =	vmul.f32 v31, v15;
	v24 =	vadd.f32 v24, v20  }
0xf1: {  	s1 =	sor.u32 s1, s31;
	s28 =	sor.u32 s0, s31;
	s30 =	sor.u32 s0, s6;
	v28 =	vmul.f32 v30, v15;
	v20 =	vld [tilespmem:s20+$0x0];
	v25 =	vadd.f32 v25, v23  }
0xf2: {  	s12 =	sor.u32 s26, s31;
	s6 =	sor.u32 s29, s31;
	s16 =	sor.u32 s29, s3;
	[tilespmem:s1+$0x0] =	vst v63;
	v23 =	vld [tilespmem:s30+$0x0];
	v26 =	vadd.f32 v27, v26;
	v27 =	vmul.f32 v62, v16;
	v24 =	vadd.f32 v29, v24  }
.LBB2_3:
0xf3: {  	s24 =	sadd.s32 $0x40, s24;
	s23 =	sadd.s32 $0x200, s23;
	v29 =	vld [tilespmem:s4+$0x0]  }
0xf4: {  	s25 =	sadd.s32 $0x40, s25;
	v25 =	vadd.f32 v28, v25;
	v28 =	vld [tilespmem:s7+$0x0];
	s0 =	sand.u32 $0x40, s24;
	s29 =	sand.u32 $0x1C00, s23;
	v22 =	vmul.f32 v22, v16  }
0xf5: {  	v26 =	vadd.f32 v27, v26;
	v27 =	vld [tilespmem:s16+$0x0];
	s2 =	sand.u32 $0x380, s24;
	s5 =	sadd.s32 $0x1400, s29;
	s1 =	sor.u32 $0x30, s0;
	v19 =	vmul.f32 v19, v16  }
0xf6: {  	s21 =	sor.u32 $0x1000, s2;
	s22 =	sor.u32 s1, s5;
	v20 =	vmul.f32 v20, v17;
	v22 =	vadd.f32 v22, v24;
	v24 =	vld [tilespmem:s25+$0x0]  }
0xf7: {  	s9 =	sor.u32 s1, s21;
	v21 =	vmul.f32 v21, v17;
	v19 =	vadd.f32 v19, v25;
	v25 =	vld [tilespmem:s22+$0x0]  }
0xf8: {  	s30 =	sor.u32 $0x10, s0;
	v23 =	vmul.f32 v23, v17;
	v20 =	vadd.f32 v20, v26;
	v26 =	vld [tilespmem:s9+$0x0]  }
0xf9: {  	s26 =	sor.u32 s30, s5;
	v28 =	vmul.f32 v28, v18;
	v21 =	vadd.f32 v21, v22;
	v22 =	vld [tilespmem:s22+$0x80]  }
0xfa: {  	s31 =	sor.u32 $0x20, s0;
	v19 =	vadd.f32 v23, v19;
	v23 =	vmul.f32 v27, v18;
	v27 =	vld [tilespmem:s26+$0x0]  }
0xfb: {  	s15 =	sor.u32 s31, s5;
	v20 =	vadd.f32 v28, v20;
	v28 =	vld [tilespmem:s22+$0x100]  }
0xfc: {  	v21 =	vadd.f32 v23, v21;
	v23 =	vld [tilespmem:s15+$0x0];
	v25 =	vmul.f32 v25, v3  }
0xfd: {  	s3 =	sor.u32 s0, s5;
	[tilespmem:s12+$0x0] =	vst v20;
	v20 =	vld [tilespmem:s22+$0x180]  }
0xfe: {  	v29 =	vmul.f32 v29, v18;
	[tilespmem:s6+$0x0] =	vst v21;
	v21 =	vld [tilespmem:s3+$0x0];
	v25 =	vadd.f32 v25, v26;
	v22 =	vmul.f32 v22, v4  }
0xff: {  	v26 =	vld [tilespmem:s22+$0x200]  }
0x100: {  	v19 =	vadd.f32 v29, v19;
	v29 =	vld [tilespmem:s26+$0x80];
	v22 =	vadd.f32 v22, v25;
	v25 =	vmul.f32 v28, v5  }
0x101: {  	s8 =	sor.u32 s30, s21;
	v28 =	vld [tilespmem:s22+$0x280]  }
0x102: {  	[tilespmem:s28+$0x0] =	vst v19;
	v19 =	vmul.f32 v27, v3;
	v27 =	vld [tilespmem:s8+$0x0];
	v20 =	vmul.f32 v20, v6;
	v22 =	vadd.f32 v25, v22  }
0x103: {  	s4 =	sor.u32 s31, s21;
	v21 =	vmul.f32 v21, v3;
	v25 =	vld [tilespmem:s22+$0x300]  }
0x104: {  	v30 =	vld [tilespmem:s4+$0x0];
	v20 =	vadd.f32 v20, v22;
	v22 =	vmul.f32 v26, v7  }
0x105: {  	s10 =	sadd.s32 $0x3400, s29;
	v21 =	vadd.f32 v21, v24;
	v24 =	vld [tilespmem:s22+$0x380]  }
0x106: {  	s13 =	sor.u32 s1, s10;
	v26 =	vld [tilespmem:s15+$0x80];
	v20 =	vadd.f32 v22, v20;
	v22 =	vmul.f32 v28, v8  }
0x107: {  	s14 =	sadd.s32 $0x3480, s29;
	v19 =	vadd.f32 v19, v27;
	v28 =	vld [tilespmem:s13+$0x0]  }
0x108: {  	s17 =	sor.u32 s1, s14;
	v27 =	vmul.f32 v29, v4;
	v29 =	vld [tilespmem:s3+$0x80];
	v20 =	vadd.f32 v22, v20;
	v22 =	vmul.f32 v25, v9  }
0x109: {  	s18 =	sadd.s32 $0x3500, s29;
	v23 =	vmul.f32 v23, v3;
	v25 =	vld [tilespmem:s17+$0x0]  }
0x10a: {  	s5 =	sor.u32 s1, s18;
	v19 =	vadd.f32 v27, v19;
	v27 =	vld [tilespmem:s26+$0x100];
	v20 =	vadd.f32 v22, v20;
	v22 =	vmul.f32 v24, v10  }
0x10b: {  	s6 =	sadd.s32 $0x3580, s29;
	v23 =	vadd.f32 v23, v30;
	v24 =	vmul.f32 v26, v4;
	v26 =	vld [tilespmem:s5+$0x0]  }
0x10c: {  	s16 =	sor.u32 s31, s14;
	s8 =	sor.u32 s1, s6;
	v30 =	vld [tilespmem:s15+$0x100];
	v20 =	vadd.f32 v22, v20;
	v22 =	vmul.f32 v28, v11  }
0x10d: {  	[dreg:$0x18] =	wrdreg s16;
	s9 =	sadd.s32 $0x3600, s29;
	s12 =	sor.u32 s31, s10;
	v23 =	vadd.f32 v24, v23;
	v24 =	vld [tilespmem:s8+$0x0]  }
0x10e: {  	s21 =	sor.u32 s31, s18;
	[dreg:$0x17] =	wrdreg s12;
	s12 =	sor.u32 s1, s9;
	v28 =	vmul.f32 v29, v4;
	v29 =	vld [tilespmem:s3+$0x100];
	v20 =	vadd.f32 v22, v20;
	v22 =	vmul.f32 v25, v12  }
0x10f: {  	s20 =	sor.u32 s0, s14;
	[smem:$0x7EB] =	sst s21;
	s16 =	sadd.s32 $0x3680, s29;
	v25 =	vmul.f32 v27, v5;
	v27 =	vld [tilespmem:s12+$0x0]  }
0x110: {  	s21 =	sor.u32 s30, s6;
	s7 =	sor.u32 s31, s6;
	s5 =	sor.u32 s1, s16;
	v21 =	vadd.f32 v28, v21;
	v28 =	vld [tilespmem:s26+$0x180];
	v20 =	vadd.f32 v22, v20;
	v22 =	vmul.f32 v26, v13  }
0x111: {  	s22 =	sor.u32 s30, s14;
	s14 =	sor.u32 s0, s6;
	s6 =	sadd.s32 $0x3700, s29;
	v19 =	vadd.f32 v25, v19;
	v25 =	vmul.f32 v30, v5;
	v26 =	vld [tilespmem:s5+$0x0]  }
0x112: {  	[smem:$0x7EC] =	sst s7;
	s7 =	sor.u32 s1, s6;
	v30 =	vld [tilespmem:s15+$0x180];
	v20 =	vadd.f32 v22, v20;
	v22 =	vmul.f32 v24, v14  }
0x113: {  	s4 =	sadd.s32 $0x3780, s29;
	v24 =	vmul.f32 v29, v5;
	v23 =	vadd.f32 v25, v23;
	v25 =	vld [tilespmem:s7+$0x0]  }
0x114: {  	s12 =	sor.u32 s1, s4;
	v29 =	vld [tilespmem:s3+$0x180];
	v20 =	vadd.f32 v22, v20;
	v22 =	vmul.f32 v27, v15  }
0x115: {  	v21 =	vadd.f32 v24, v21;
	v24 =	vmul.f32 v28, v6;
	v27 =	vld [tilespmem:s12+$0x0]  }
0x116: {  	v28 =	vld [tilespmem:s26+$0x200];
	v20 =	vadd.f32 v22, v20;
	v22 =	vmul.f32 v26, v16  }
0x117: {  	v19 =	vadd.f32 v24, v19;
	v26 =	vld [tilespmem:s15+$0x200]  }
0x118: {  	v24 =	vmul.f32 v30, v6;
	v30 =	vld [tilespmem:s3+$0x200];
	v20 =	vadd.f32 v22, v20;
	v22 =	vmul.f32 v25, v17  }
0x119: {  	v25 =	vmul.f32 v29, v6;
	v29 =	vld [tilespmem:s26+$0x280]  }
0x11a: {  	v23 =	vadd.f32 v24, v23;
	v24 =	vld [tilespmem:s15+$0x280];
	v20 =	vadd.f32 v22, v20  }
0x11b: {  	s11 =	sor.u32 s30, s10;
	v22 =	vmul.f32 v27, v18;
	v21 =	vadd.f32 v25, v21;
	v25 =	vld [tilespmem:s3+$0x280];
	v27 =	vmul.f32 v28, v7  }
0x11c: {  	s13 =	sor.u32 s30, s18;
	s17 =	sor.u32 s0, s18;
	s18 =	sor.u32 s31, s16;
	v28 =	vld [tilespmem:s26+$0x300]  }
0x11d: {  	s29 =	sshrl.u32 s29, $0x2;
	s2 =	sor.u32 s0, s6;
	[smem:$0x7EE] =	sst s18;
	v26 =	vmul.f32 v26, v7;
	v19 =	vadd.f32 v27, v19;
	v27 =	vld [tilespmem:s15+$0x300]  }
0x11e: {  	s18 =	sor.u32 s31, s6;
	s5 =	sor.u32 s30, s6;
	s6 =	sadd.s32 $0x19400, s29;
	v20 =	vadd.f32 v22, v20;
	v22 =	vmul.f32 v30, v7;
	v30 =	vld [tilespmem:s3+$0x300]  }
0x11f: {  	[smem:$0x7EA] =	sst s11;
	s1 =	sor.u32 s1, s6;
	v23 =	vadd.f32 v26, v23;
	v26 =	vld [tilespmem:s3+$0x380]  }
0x120: {  	v29 =	vmul.f32 v29, v8;
	s3 =	sld [smem:$0x7EA];
	[tilespmem:s1+$0x0] =	vst v20;
	v20 =	vadd.f32 v22, v21;
	v21 =	vld [tilespmem:s26+$0x380]  }
0x121: {  	s19 =	sor.u32 s0, s10;
	v22 =	vmul.f32 v24, v8;
	v24 =	vmul.f32 v25, v8;
	v25 =	vld [tilespmem:s15+$0x380]  }
0x122: {  	v19 =	vadd.f32 v29, v19;
	v28 =	vmul.f32 v28, v9;
	v29 =	vld [tilespmem:s19+$0x0]  }
0x123: {  	s15 =	rddreg [dreg:$0x17];
	v22 =	vadd.f32 v22, v23;
	v23 =	vld [tilespmem:s3+$0x0];
	v20 =	vadd.f32 v24, v20;
	v24 =	vmul.f32 v27, v9  }
0x124: {  	v27 =	vmul.f32 v30, v9;
	v19 =	vadd.f32 v28, v19;
	v28 =	vld [tilespmem:s15+$0x0]  }
0x125: {  	v21 =	vmul.f32 v21, v10;
	v22 =	vadd.f32 v24, v22;
	v24 =	vld [tilespmem:s22+$0x0]  }
0x126: {  	v20 =	vadd.f32 v27, v20;
	s22 =	rddreg [dreg:$0x18];
	v27 =	vld [tilespmem:s20+$0x0];
	v25 =	vmul.f32 v25, v10  }
0x127: {  	s26 =	sld [smem:$0x7EB];
	v26 =	vmul.f32 v26, v10;
	v19 =	vadd.f32 v21, v19;
	v21 =	vld [tilespmem:s22+$0x0]  }
0x128: {  	v23 =	vmul.f32 v23, v11;
	v22 =	vadd.f32 v25, v22;
	v25 =	vld [tilespmem:s13+$0x0]  }
0x129: {  	v20 =	vadd.f32 v26, v20;
	v26 =	vmul.f32 v28, v11;
	v28 =	vmul.f32 v29, v11;
	v29 =	vld [tilespmem:s17+$0x0]  }
0x12a: {  	s10 =	sor.u32 s31, s9;
	s29 =	sld [smem:$0x7EC];
	v19 =	vadd.f32 v23, v19;
	v23 =	vld [tilespmem:s26+$0x0]  }
0x12b: {  	s11 =	sor.u32 s30, s9;
	[smem:$0x7ED] =	sst s10;
	s8 =	sor.u32 s30, s16;
	v24 =	vmul.f32 v24, v12;
	v22 =	vadd.f32 v26, v22;
	v26 =	vld [tilespmem:s21+$0x0]  }
0x12c: {  	s7 =	sor.u32 s30, s4;
	s12 =	sor.u32 s30, s6;
	s30 =	sld [smem:$0x7ED];
	v20 =	vadd.f32 v28, v20;
	v27 =	vmul.f32 v27, v12;
	v28 =	vld [tilespmem:s14+$0x0]  }
0x12d: {  	v21 =	vmul.f32 v21, v12;
	v19 =	vadd.f32 v24, v19;
	v24 =	vld [tilespmem:s29+$0x0]  }
0x12e: {  	s9 =	sor.u32 s0, s9;
	s10 =	sor.u32 s0, s16;
	s16 =	sor.u32 s31, s4;
	v20 =	vadd.f32 v27, v20;
	v27 =	vld [tilespmem:s11+$0x0];
	v25 =	vmul.f32 v25, v13  }
0x12f: {  	s28 =	sor.u32 s0, s6;
	s6 =	sor.u32 s31, s6;
	s31 =	sld [smem:$0x7EE];
	v21 =	vadd.f32 v21, v22;
	v22 =	vmul.f32 v23, v13;
	v23 =	vmul.f32 v29, v13;
	v29 =	vld [tilespmem:s30+$0x0]  }
0x130: {  	v30 =	vld [tilespmem:s9+$0x0]  }
0x131: {  	p1 =	slt.u32 s24, $0x3C0;
	v31 =	vld [tilespmem:s8+$0x0];
	v19 =	vadd.f32 v25, v19;
	v25 =	vmul.f32 v26, v14;
	v21 =	vadd.f32 v22, v21  }
.Ltmp0:
0x132: {  	v20 =	vadd.f32 v23, v20;
	v22 =	vld [tilespmem:s31+$0x0];
	v23 =	vmul.f32 v24, v14;
	v24 =	vmul.f32 v28, v14;
	(pc) =	sbr.rel @p1 .LBB2_3-.Ltmp0, $4  }
0x133: {  	v26 =	vadd.f32 v25, v19;
	v19 =	vld [tilespmem:s10+$0x0];
	v27 =	vmul.f32 v27, v15  }
0x134: {  	v32 =	vadd.f32 v23, v21;
	v25 =	vadd.f32 v24, v20;
	v20 =	vld [tilespmem:s5+$0x0];
	v24 =	vmul.f32 v29, v15  }
0x135: {  	v28 =	vmul.f32 v30, v15;
	v21 =	vld [tilespmem:s18+$0x0]  }
0x136: {  	s4 =	sor.u32 s0, s4;
	v26 =	vadd.f32 v27, v26;
	v23 =	vld [tilespmem:s2+$0x0];
	v27 =	vmul.f32 v31, v16;
	v24 =	vadd.f32 v24, v32  }
0x137: {  	v3 =	vld [tilespmem:s7+$0x0]  }
0x138: {  	v4 =	vld [tilespmem:s16+$0x0]  }
0x139: {  	v5 =	vadd.f32 v28, v25;
	v6 =	vmul.f32 v22, v16;
	v8 =	vld [tilespmem:s4+$0x0];
	v7 =	vmul.f32 v19, v16  }
0x13a: {  	v9 =	vadd.f32 v27, v26;
	v10 =	vmul.f32 v20, v17  }
0x13b: {  	v6 =	vadd.f32 v6, v24;
	v5 =	vadd.f32 v7, v5;
	v7 =	vmul.f32 v21, v17  }
0x13c: {  	v11 =	vmul.f32 v23, v17;
	v9 =	vadd.f32 v10, v9;
	v3 =	vmul.f32 v3, v18  }
0x13d: {  	v6 =	vadd.f32 v7, v6;
	v4 =	vmul.f32 v4, v18  }
0x13e: {  	v7 =	vmul.f32 v8, v18;
	v5 =	vadd.f32 v11, v5;
	v3 =	vadd.f32 v3, v9  }
0x13f: {  	v4 =	vadd.f32 v4, v6  }
0x140: {  	s14 =	simm.s32 $0x0;
	s21 =	simm.s32 $0x0;
	v5 =	vadd.f32 v7, v5;
	[tilespmem:s12+$0x0] =	vst v3  }
0x141: {  	s26 =	sand.u32 $0x40, s21;
	s30 =	sand.u32 $0x1C00, s14;
	[tilespmem:s6+$0x0] =	vst v4  }
0x142: {  	s15 =	simm.s32 $0x1000;
	s29 =	sor.u32 $0x10, s26;
	s6 =	sadd.s32 $0x5400, s30;
	[tilespmem:s28+$0x0] =	vst v5  }
0x143: {  	s1 =	sand.u32 $0x380, s21;
	s31 =	sor.u32 $0x20, s26;
	s10 =	sor.u32 s29, s6;
	v15 =	vld [tilespmem:s15+$0x0]  }
0x144: {  	s2 =	sor.u32 $0x1000, s1;
	s5 =	sor.u32 s31, s6;
	v16 =	vld [tilespmem:s10+$0x0]  }
0x145: {  	s3 =	sadd.s32 $0x5480, s30;
	s17 =	sor.u32 s29, s2;
	v17 =	vld [tilespmem:s5+$0x0]  }
0x146: {  	s19 =	sor.u32 s29, s3;
	v21 =	vld [tilespmem:s17+$0x0]  }
0x147: {  	s23 =	sor.u32 s31, s3;
	v22 =	vld [tilespmem:s19+$0x0]  }
0x148: {  	s25 =	sor.u32 s26, s3;
	s12 =	sadd.s32 $0x5500, s30;
	v24 =	vld [tilespmem:s23+$0x0]  }
0x149: {  	s28 =	sor.u32 $0x30, s26;
	s4 =	sor.u32 s29, s12;
	v26 =	vld [tilespmem:s25+$0x0]  }
0x14a: {  	s7 =	sor.u32 s28, s6;
	v28 =	vld [tilespmem:s4+$0x0]  }
0x14b: {  	s0 =	sld [smem:$0x7F3];
	s8 =	sor.u32 s28, s2;
	v5 =	vld [tilespmem:s7+$0x0]  }
0x14c: {  	s9 =	sor.u32 s28, s3;
	v6 =	vld [tilespmem:s8+$0x0]  }
0x14d: {  	v7 =	vld [tilespmem:s9+$0x0]  }
0x14e: {  	s1 =	sadd.s32 $0x5580, s30;
	s11 =	sor.u32 s28, s12;
	v18 =	vld [tilespmem:s0+$0x810]  }
0x14f: {  	s13 =	sor.u32 s28, s1;
	v8 =	vld [tilespmem:s11+$0x0]  }
0x150: {  	s2 =	sor.u32 s31, s2;
	v9 =	vld [tilespmem:s13+$0x0]  }
0x151: {  	s10 =	sadd.s32 $0x5680, s30;
	s23 =	sor.u32 s31, s1;
	v23 =	vld [tilespmem:s2+$0x0]  }
0x152: {  	s5 =	sadd.s32 $0x7500, s30;
	s18 =	sor.u32 s28, s10;
	v37 =	vld [tilespmem:s23+$0x0]  }
0x153: {  	s4 =	sadd.s32 $0x7600, s30;
	s13 =	sor.u32 s28, s5;
	v11 =	vld [tilespmem:s18+$0x0];
	v3 =	vbroadcast v18, $0x0  }
0x154: {  	s11 =	sadd.s32 $0x5600, s30;
	s19 =	sor.u32 s28, s4;
	v29 =	vld [tilespmem:s13+$0x0]  }
0x155: {  	s9 =	sadd.s32 $0x5700, s30;
	s16 =	sor.u32 s28, s11;
	v33 =	vld [tilespmem:s19+$0x0];
	v4 =	vbroadcast v18, $0x1;
	v13 =	vmul.f32 v5, v3  }
0x156: {  	s8 =	sadd.s32 $0x5780, s30;
	s20 =	sor.u32 s28, s9;
	v10 =	vld [tilespmem:s16+$0x0]  }
0x157: {  	s7 =	sadd.s32 $0x7400, s30;
	s22 =	sor.u32 s28, s8;
	v12 =	vld [tilespmem:s20+$0x0];
	v5 =	vbroadcast v18, $0x2;
	v7 =	vmul.f32 v7, v4;
	v13 =	vadd.f32 v13, v6  }
0x158: {  	s2 =	sadd.s32 $0x7580, s30;
	s24 =	sor.u32 s28, s7;
	v14 =	vld [tilespmem:s22+$0x0]  }
0x159: {  	s17 =	sor.u32 s28, s2;
	v25 =	vld [tilespmem:s24+$0x0];
	v6 =	vbroadcast v18, $0x3;
	v8 =	vmul.f32 v8, v5;
	v13 =	vadd.f32 v7, v13  }
0x15a: {  	s0 =	sor.u32 s26, s6;
	v31 =	vld [tilespmem:s17+$0x0]  }
0x15b: {  	s18 =	sor.u32 s26, s12;
	v20 =	vld [tilespmem:s0+$0x0];
	v7 =	vbroadcast v18, $0x4;
	v9 =	vmul.f32 v9, v6;
	v13 =	vadd.f32 v8, v13  }
0x15c: {  	s13 =	sor.u32 s26, s1;
	v32 =	vld [tilespmem:s18+$0x0]  }
0x15d: {  	s23 =	sor.u32 s31, s8;
	v40 =	vld [tilespmem:s13+$0x0];
	v8 =	vbroadcast v18, $0x5;
	v10 =	vmul.f32 v10, v7;
	v13 =	vadd.f32 v9, v13  }
0x15e: {  	s16 =	sor.u32 s31, s12;
	v53 =	vld [tilespmem:s23+$0x0]  }
0x15f: {  	s20 =	sor.u32 s29, s1;
	v30 =	vld [tilespmem:s16+$0x0];
	v9 =	vbroadcast v18, $0x6;
	v11 =	vmul.f32 v11, v8;
	v13 =	vadd.f32 v10, v13  }
0x160: {  	s6 =	sadd.s32 $0x7480, s30;
	s13 =	sor.u32 s29, s11;
	v34 =	vld [tilespmem:s20+$0x0];
	v16 =	vmul.f32 v16, v3;
	v20 =	vmul.f32 v20, v3  }
0x161: {  	s3 =	sor.u32 s28, s6;
	v41 =	vld [tilespmem:s13+$0x0];
	v10 =	vbroadcast v18, $0x7;
	v36 =	vmul.f32 v12, v9;
	v19 =	vadd.f32 v11, v13  }
0x162: {  	s17 =	sor.u32 s29, s10;
	v27 =	vld [tilespmem:s3+$0x0];
	v17 =	vmul.f32 v17, v3;
	v26 =	vmul.f32 v26, v4  }
0x163: {  	s16 =	sor.u32 s31, s11;
	v51 =	vld [tilespmem:s17+$0x0];
	v11 =	vbroadcast v18, $0x8;
	v39 =	vmul.f32 v14, v10;
	v36 =	vadd.f32 v36, v19  }
0x164: {  	s13 =	sor.u32 s31, s2;
	v50 =	vld [tilespmem:s16+$0x0];
	v16 =	vadd.f32 v16, v21;
	v21 =	vmul.f32 v22, v4;
	v20 =	vadd.f32 v20, v15  }
0x165: {  	s0 =	sadd.s32 $0x7700, s30;
	s11 =	sor.u32 s26, s11;
	v60 =	vld [tilespmem:s13+$0x0];
	v12 =	vbroadcast v18, $0x9;
	v25 =	vmul.f32 v25, v11;
	v36 =	vadd.f32 v39, v36  }
0x166: {  	s3 =	sadd.s32 $0x7680, s30;
	s24 =	sor.u32 s28, s0;
	v22 =	vld [tilespmem:s11+$0x0];
	v17 =	vadd.f32 v17, v23;
	v15 =	vbroadcast v18, $0xC;
	v16 =	vadd.f32 v21, v16  }
0x167: {  	s22 =	sor.u32 s28, s3;
	v38 =	vld [tilespmem:s24+$0x0];
	v13 =	vbroadcast v18, $0xA;
	v27 =	vmul.f32 v27, v12;
	v25 =	vadd.f32 v25, v36  }
0x168: {  	s18 =	sor.u32 s31, s10;
	v35 =	vld [tilespmem:s22+$0x0];
	v21 =	vmul.f32 v24, v4;
	v20 =	vadd.f32 v26, v20;
	v52 =	vmul.f32 v37, v6  }
0x169: {  	s24 =	sor.u32 s29, s7;
	v23 =	vld [tilespmem:s18+$0x0];
	v14 =	vbroadcast v18, $0xB;
	v24 =	vadd.f32 v27, v25;
	v25 =	vmul.f32 v29, v13  }
0x16a: {  	s19 =	sor.u32 s29, s9;
	s20 =	sor.u32 s31, s9;
	s9 =	sor.u32 s26, s9;
	v55 =	vld [tilespmem:s24+$0x0];
	v17 =	vadd.f32 v21, v17;
	v21 =	vmul.f32 v28, v5;
	v54 =	vmul.f32 v41, v7  }
0x16b: {  	v26 =	vld [tilespmem:s9+$0x0];
	s9 =	sor.u32 s31, s6;
	v22 =	vmul.f32 v22, v7;
	v24 =	vadd.f32 v25, v24;
	v25 =	vmul.f32 v31, v14  }
0x16c: {  	v58 =	vld [tilespmem:s9+$0x0];
	v21 =	vadd.f32 v21, v16;
	v16 =	vmul.f32 v32, v5;
	v57 =	vmul.f32 v51, v8  }
0x16d: {  	s10 =	sor.u32 s26, s10;
	v28 =	vld [tilespmem:s19+$0x0];
	v29 =	vmul.f32 v30, v5;
	v24 =	vadd.f32 v25, v24;
	v25 =	vmul.f32 v33, v15  }
0x16e: {  	v23 =	vmul.f32 v23, v8;
	v20 =	vadd.f32 v16, v20;
	v27 =	vld [tilespmem:s10+$0x0];
	v31 =	vmul.f32 v34, v6  }
0x16f: {  	s22 =	sor.u32 s29, s8;
	v30 =	vld [tilespmem:s20+$0x0];
	v17 =	vadd.f32 v29, v17;
	v24 =	vadd.f32 v25, v24;
	v25 =	vmul.f32 v40, v6  }
0x170: {  	s1 =	sadd.s32 $0x7780, s30;
	s8 =	sor.u32 s26, s8;
	v16 =	vbroadcast v18, $0xD;
	v26 =	vmul.f32 v26, v9;
	v29 =	vld [tilespmem:s22+$0x0];
	v21 =	vadd.f32 v31, v21  }
0x171: {  	s25 =	sor.u32 s28, s1;
	v31 =	vld [tilespmem:s8+$0x0];
	v17 =	vadd.f32 v52, v17;
	v20 =	vadd.f32 v25, v20;
	v25 =	vmul.f32 v50, v7  }
0x172: {  	v28 =	vmul.f32 v28, v9;
	v35 =	vmul.f32 v35, v16;
	v19 =	vld [tilespmem:s25+$0x0];
	s25 =	sor.u32 s31, s7;
	v21 =	vadd.f32 v54, v21  }
0x173: {  	s7 =	sor.u32 s26, s7;
	v56 =	vld [tilespmem:s25+$0x0];
	v27 =	vmul.f32 v27, v8;
	v17 =	vadd.f32 v25, v17;
	v20 =	vadd.f32 v22, v20  }
0x174: {  	v32 =	vmul.f32 v58, v12;
	v59 =	vmul.f32 v55, v11;
	s8 =	sor.u32 s29, s6;
	v21 =	vadd.f32 v57, v21;
	v25 =	vld [tilespmem:s7+$0x0]  }
0x175: {  	s10 =	sor.u32 s29, s5;
	v30 =	vmul.f32 v30, v9;
	v22 =	vld [tilespmem:s8+$0x0];
	v23 =	vadd.f32 v23, v17;
	v20 =	vadd.f32 v27, v20  }
0x176: {  	s6 =	sor.u32 s26, s6;
	v29 =	vmul.f32 v29, v10;
	v31 =	vmul.f32 v31, v10;
	v21 =	vadd.f32 v28, v21;
	v28 =	vld [tilespmem:s10+$0x0]  }
0x177: {  	s11 =	sor.u32 s31, s5;
	s5 =	sor.u32 s26, s5;
	v27 =	vld [tilespmem:s6+$0x0];
	v23 =	vadd.f32 v30, v23;
	v20 =	vadd.f32 v26, v20;
	v26 =	vmul.f32 v53, v10  }
0x178: {  	v24 =	vadd.f32 v35, v24;
	v17 =	vbroadcast v18, $0xE;
	v21 =	vadd.f32 v29, v21;
	v29 =	vld [tilespmem:s5+$0x0]  }
0x179: {  	s12 =	sor.u32 s29, s2;
	v30 =	vld [tilespmem:s11+$0x0];
	v23 =	vadd.f32 v26, v23;
	v20 =	vadd.f32 v31, v20;
	v31 =	vmul.f32 v56, v11  }
0x17a: {  	s16 =	sor.u32 s29, s4;
	v18 =	vbroadcast v18, $0xF;
	v21 =	vadd.f32 v59, v21;
	v25 =	vmul.f32 v25, v11;
	v26 =	vld [tilespmem:s12+$0x0]  }
0x17b: {  	s2 =	sor.u32 s26, s2;
	v62 =	vld [tilespmem:s16+$0x0];
	v61 =	vmul.f32 v38, v17;
	v22 =	vmul.f32 v22, v12;
	v23 =	vadd.f32 v31, v23  }
0x17c: {  	s17 =	sor.u32 s31, s4;
	v19 =	vmul.f32 v19, v18;
	v31 =	vld [tilespmem:s2+$0x0];
	v20 =	vadd.f32 v25, v20;
	v25 =	vmul.f32 v27, v12  }
0x17d: {  	s18 =	sor.u32 s26, s4;
	v21 =	vadd.f32 v22, v21;
	v27 =	vld [tilespmem:s17+$0x0];
	v22 =	vadd.f32 v32, v23;
	v23 =	vmul.f32 v28, v13  }
0x17e: {  	s19 =	sor.u32 s29, s3;
	v24 =	vadd.f32 v61, v24;
	v20 =	vadd.f32 v25, v20;
	v28 =	vld [tilespmem:s18+$0x0];
	v25 =	vmul.f32 v30, v13  }
0x17f: {  	s20 =	sor.u32 s31, s3;
	s3 =	sor.u32 s26, s3;
	v30 =	vld [tilespmem:s19+$0x0];
	v26 =	vmul.f32 v26, v14;
	v21 =	vadd.f32 v23, v21;
	v23 =	vmul.f32 v29, v13  }
0x180: {  	s24 =	sshrl.u32 s30, $0x2;
	v24 =	vadd.f32 v19, v24;
	v19 =	vld [tilespmem:s3+$0x0];
	v25 =	vadd.f32 v25, v22;
	v29 =	vmul.f32 v60, v14  }
0x181: {  	s25 =	sadd.s32 $0x19400, s24;
	s22 =	sor.u32 s29, s0;
	v22 =	vld [tilespmem:s20+$0x0];
	v23 =	vadd.f32 v23, v20;
	v26 =	vadd.f32 v26, v21;
	v21 =	vmul.f32 v31, v14  }
0x182: {  	s23 =	sor.u32 s31, s0;
	s4 =	sor.u32 s26, s1;
	s28 =	sor.u32 s28, s25;
	v63 =	vmul.f32 v27, v15;
	v29 =	vadd.f32 v29, v25;
	v20 =	vld [tilespmem:s22+$0x0];
	v31 =	vmul.f32 v62, v15  }
0x183: {  	s30 =	sor.u32 s26, s25;
	s0 =	sor.u32 s26, s0;
	s7 =	sor.u32 s29, s1;
	v28 =	vmul.f32 v28, v15;
	v25 =	vadd.f32 v21, v23;
	v21 =	vld [tilespmem:s23+$0x0]  }
0x184: {  	s6 =	sor.u32 s31, s1;
	s31 =	sor.u32 s31, s25;
	s3 =	sor.u32 s29, s25;
	[tilespmem:s28+$0x80] =	vst v24;
	v27 =	vmul.f32 v30, v16;
	v23 =	vld [tilespmem:s0+$0x0];
	v26 =	vadd.f32 v31, v26;
	v24 =	vadd.f32 v63, v29  }
.LBB2_5:
0x185: {  	s21 =	sadd.s32 $0x40, s21;
	s14 =	sadd.s32 $0x200, s14;
	v29 =	vld [tilespmem:s4+$0x0]  }
0x186: {  	s15 =	sadd.s32 $0x40, s15;
	v25 =	vadd.f32 v28, v25;
	v28 =	vld [tilespmem:s7+$0x0];
	s0 =	sand.u32 $0x40, s21;
	s26 =	sand.u32 $0x1C00, s14;
	v22 =	vmul.f32 v22, v16  }
0x187: {  	v26 =	vadd.f32 v27, v26;
	v27 =	vld [tilespmem:s6+$0x0];
	s5 =	sand.u32 $0x380, s21;
	s2 =	sadd.s32 $0x5400, s26;
	s1 =	sor.u32 $0x30, s0;
	v19 =	vmul.f32 v19, v16  }
0x188: {  	[dreg:$0x5] =	wrdreg s14;
	s12 =	sor.u32 $0x1000, s5;
	s14 =	sor.u32 s1, s2;
	v20 =	vmul.f32 v20, v17;
	v22 =	vadd.f32 v22, v24;
	v24 =	vld [tilespmem:s15+$0x0]  }
0x189: {  	[dreg:$0xb] =	wrdreg s15;
	s18 =	sor.u32 s1, s12;
	v21 =	vmul.f32 v21, v17;
	v19 =	vadd.f32 v19, v25;
	s15 =	sadd.s32 $0x5480, s26;
	v25 =	vld [tilespmem:s14+$0x0]  }
0x18a: {  	s28 =	sor.u32 $0x10, s0;
	s29 =	sor.u32 $0x20, s0;
	v23 =	vmul.f32 v23, v17;
	v20 =	vadd.f32 v20, v26;
	v26 =	vld [tilespmem:s18+$0x0];
	s20 =	sor.u32 s1, s15  }
0x18b: {  	s9 =	sadd.s32 $0x5500, s26;
	s23 =	sadd.s32 $0x5580, s26;
	s19 =	sor.u32 s28, s2;
	v28 =	vmul.f32 v28, v18;
	v21 =	vadd.f32 v21, v22;
	v22 =	vld [tilespmem:s20+$0x0]  }
0x18c: {  	s25 =	sadd.s32 $0x5600, s26;
	s8 =	sor.u32 s29, s2;
	s22 =	sor.u32 s1, s9;
	v19 =	vadd.f32 v23, v19;
	v23 =	vmul.f32 v27, v18;
	v27 =	vld [tilespmem:s19+$0x0]  }
0x18d: {  	s2 =	sor.u32 s0, s2;
	s13 =	sor.u32 s28, s12;
	s16 =	sor.u32 s29, s12;
	v20 =	vadd.f32 v28, v20;
	v28 =	vld [tilespmem:s22+$0x0]  }
0x18e: {  	s12 =	sor.u32 s28, s9;
	s11 =	sor.u32 s29, s9;
	s24 =	sor.u32 s1, s23;
	v29 =	vmul.f32 v29, v18;
	v21 =	vadd.f32 v23, v21;
	v23 =	vld [tilespmem:s8+$0x0]  }
0x18f: {  	s10 =	sor.u32 s0, s9;
	s7 =	sor.u32 s28, s23;
	s17 =	sor.u32 s28, s15;
	[tilespmem:s3+$0x80] =	vst v20;
	v20 =	vld [tilespmem:s24+$0x0];
	v25 =	vmul.f32 v25, v3  }
0x190: {  	s4 =	sor.u32 s0, s23;
	s6 =	sor.u32 s29, s23;
	s9 =	sor.u32 s29, s25;
	v19 =	vadd.f32 v29, v19;
	v29 =	vld [tilespmem:s17+$0x0]  }
0x191: {  	s5 =	sor.u32 s0, s25;
	s18 =	sadd.s32 $0x5680, s26;
	[tilespmem:s31+$0x80] =	vst v21;
	v21 =	vld [tilespmem:s2+$0x0];
	s2 =	sor.u32 s1, s25;
	v25 =	vadd.f32 v25, v26;
	v22 =	vmul.f32 v22, v4  }
0x192: {  	s14 =	sor.u32 s0, s15;
	s15 =	sor.u32 s29, s15;
	s20 =	sadd.s32 $0x5700, s26;
	v26 =	vld [tilespmem:s2+$0x0]  }
0x193: {  	s19 =	sor.u32 s1, s18;
	s22 =	sor.u32 s0, s18;
	s23 =	sor.u32 s1, s20;
	[tilespmem:s30+$0x80] =	vst v19;
	v19 =	vmul.f32 v27, v3;
	v27 =	vld [tilespmem:s13+$0x0];
	v22 =	vadd.f32 v22, v25;
	v25 =	vmul.f32 v28, v5  }
0x194: {  	s8 =	sor.u32 s28, s25;
	s3 =	sor.u32 s29, s18;
	s24 =	sadd.s32 $0x5780, s26;
	v28 =	vld [tilespmem:s19+$0x0]  }
0x195: {  	s17 =	sor.u32 s1, s24;
	s30 =	sor.u32 s28, s20;
	s25 =	sor.u32 s28, s24;
	v30 =	vld [tilespmem:s16+$0x0];
	v20 =	vmul.f32 v20, v6;
	v22 =	vadd.f32 v25, v22  }
0x196: {  	s31 =	sor.u32 s0, s20;
	[smem:$0x7E1] =	sst s25;
	s16 =	sor.u32 s29, s24;
	v21 =	vmul.f32 v21, v3;
	v25 =	vld [tilespmem:s23+$0x0]  }
0x197: {  	[dreg:$0x11] =	wrdreg s16;
	s19 =	sor.u32 s29, s20;
	s20 =	sadd.s32 $0x7400, s26;
	v20 =	vadd.f32 v20, v22;
	v22 =	vmul.f32 v26, v7  }
0x198: {  	[smem:$0x7E0] =	sst s19;
	s19 =	sor.u32 s0, s24;
	s24 =	sor.u32 s29, s20;
	v21 =	vadd.f32 v21, v24;
	v24 =	vld [tilespmem:s17+$0x0]  }
0x199: {  	s25 =	sor.u32 s1, s20;
	s16 =	sor.u32 s0, s20;
	[smem:$0x7E2] =	sst s19;
	v26 =	vld [tilespmem:s15+$0x0];
	v20 =	vadd.f32 v22, v20;
	v22 =	vmul.f32 v28, v8  }
0x19a: {  	s23 =	sor.u32 s28, s20;
	[dreg:$0x19] =	wrdreg s24;
	v19 =	vadd.f32 v19, v27;
	s17 =	sadd.s32 $0x7480, s26;
	v28 =	vld [tilespmem:s25+$0x0]  }
0x19b: {  	[smem:$0x7E4] =	sst s16;
	s24 =	sadd.s32 $0x7500, s26;
	v27 =	vmul.f32 v29, v4;
	v29 =	vld [tilespmem:s14+$0x0];
	s20 =	sor.u32 s1, s17;
	v20 =	vadd.f32 v22, v20;
	v22 =	vmul.f32 v25, v9  }
0x19c: {  	s13 =	sor.u32 s28, s18;
	v23 =	vmul.f32 v23, v3;
	[smem:$0x7E3] =	sst s23;
	s14 =	sor.u32 s1, s24;
	v25 =	vld [tilespmem:s20+$0x0]  }
0x19d: {  	s15 =	sadd.s32 $0x7580, s26;
	s19 =	sor.u32 s28, s17;
	s18 =	sor.u32 s29, s17;
	v19 =	vadd.f32 v27, v19;
	v27 =	vld [tilespmem:s12+$0x0];
	v20 =	vadd.f32 v22, v20;
	v22 =	vmul.f32 v24, v10  }
0x19e: {  	v23 =	vadd.f32 v23, v30;
	s23 =	sor.u32 s0, s17;
	s12 =	sor.u32 s29, s24;
	[dreg:$0x1a] =	wrdreg s18;
	v24 =	vmul.f32 v26, v4;
	v26 =	vld [tilespmem:s14+$0x0]  }
0x19f: {  	v30 =	vld [tilespmem:s11+$0x0];
	s16 =	sor.u32 s29, s15;
	s17 =	sor.u32 s1, s15;
	[smem:$0x7E5] =	sst s23;
	v20 =	vadd.f32 v22, v20;
	v22 =	vmul.f32 v28, v11  }
0x1a0: {  	s25 =	sor.u32 s28, s24;
	s18 =	sor.u32 s0, s24;
	s24 =	sadd.s32 $0x7600, s26;
	v23 =	vadd.f32 v24, v23;
	v24 =	vld [tilespmem:s17+$0x0]  }
0x1a1: {  	[smem:$0x7E7] =	sst s16;
	s23 =	sor.u32 s0, s15;
	s11 =	sor.u32 s1, s24;
	v28 =	vmul.f32 v29, v4;
	v29 =	vld [tilespmem:s10+$0x0];
	v20 =	vadd.f32 v22, v20;
	v22 =	vmul.f32 v25, v12  }
0x1a2: {  	s16 =	sadd.s32 $0x7680, s26;
	s20 =	sor.u32 s28, s15;
	s15 =	sor.u32 s0, s24;
	v25 =	vmul.f32 v27, v5;
	v27 =	vld [tilespmem:s11+$0x0]  }
0x1a3: {  	s14 =	sor.u32 s28, s24;
	s10 =	sor.u32 s29, s24;
	s24 =	sor.u32 s1, s16;
	v21 =	vadd.f32 v28, v21;
	v28 =	vld [tilespmem:s7+$0x0];
	v20 =	vadd.f32 v22, v20;
	v22 =	vmul.f32 v26, v13  }
0x1a4: {  	s2 =	sadd.s32 $0x7700, s26;
	[smem:$0x7E6] =	sst s12;
	v19 =	vadd.f32 v25, v19;
	v25 =	vmul.f32 v30, v5;
	v26 =	vld [tilespmem:s24+$0x0]  }
0x1a5: {  	s17 =	sor.u32 s29, s16;
	[smem:$0x7E8] =	sst s10;
	s7 =	sor.u32 s1, s2;
	v30 =	vld [tilespmem:s6+$0x0];
	v20 =	vadd.f32 v22, v20;
	v22 =	vmul.f32 v24, v14  }
0x1a6: {  	s12 =	sor.u32 s28, s2;
	[smem:$0x7E9] =	sst s17;
	s24 =	sadd.s32 $0x7780, s26;
	v24 =	vmul.f32 v29, v5;
	v23 =	vadd.f32 v25, v23;
	v25 =	vld [tilespmem:s7+$0x0]  }
0x1a7: {  	s17 =	sor.u32 s29, s2;
	s10 =	sor.u32 s0, s2;
	s2 =	sor.u32 s1, s24;
	v29 =	vld [tilespmem:s4+$0x0];
	v20 =	vadd.f32 v22, v20;
	v22 =	vmul.f32 v27, v15  }
0x1a8: {  	v21 =	vadd.f32 v24, v21;
	v24 =	vmul.f32 v28, v6;
	v27 =	vld [tilespmem:s2+$0x0]  }
0x1a9: {  	v28 =	vld [tilespmem:s8+$0x0];
	v20 =	vadd.f32 v22, v20;
	v22 =	vmul.f32 v26, v16  }
0x1aa: {  	v19 =	vadd.f32 v24, v19;
	v26 =	vld [tilespmem:s9+$0x0]  }
0x1ab: {  	v24 =	vmul.f32 v30, v6;
	v30 =	vld [tilespmem:s5+$0x0];
	v20 =	vadd.f32 v22, v20;
	v22 =	vmul.f32 v25, v17  }
0x1ac: {  	s6 =	sor.u32 s29, s24;
	s7 =	sor.u32 s28, s24;
	v25 =	vmul.f32 v29, v6;
	v29 =	vld [tilespmem:s13+$0x0]  }
0x1ad: {  	s4 =	sor.u32 s0, s24;
	s24 =	sshrl.u32 s26, $0x2;
	s26 =	sld [smem:$0x7E0];
	v23 =	vadd.f32 v24, v23;
	v24 =	vld [tilespmem:s3+$0x0];
	v20 =	vadd.f32 v22, v20  }
0x1ae: {  	v22 =	vmul.f32 v27, v18;
	v21 =	vadd.f32 v25, v21;
	v25 =	vld [tilespmem:s22+$0x0];
	v27 =	vmul.f32 v28, v7  }
0x1af: {  	s11 =	sor.u32 s28, s16;
	s2 =	sadd.s32 $0x19400, s24;
	s5 =	sld [smem:$0x7E2];
	v28 =	vld [tilespmem:s30+$0x0]  }
0x1b0: {  	s3 =	sor.u32 s28, s2;
	s28 =	sor.u32 s1, s2;
	s1 =	sld [smem:$0x7E1];
	v26 =	vmul.f32 v26, v7;
	v19 =	vadd.f32 v27, v19;
	v27 =	vld [tilespmem:s26+$0x0]  }
0x1b1: {  	v20 =	vadd.f32 v22, v20;
	v22 =	vmul.f32 v30, v7;
	v30 =	vld [tilespmem:s31+$0x0]  }
0x1b2: {  	s13 =	sld [smem:$0x7E4];
	v29 =	vmul.f32 v29, v8;
	v23 =	vadd.f32 v26, v23;
	v26 =	vld [tilespmem:s5+$0x0]  }
0x1b3: {  	s30 =	sor.u32 s0, s2;
	s31 =	sor.u32 s29, s2;
	s2 =	rddreg [dreg:$0x11];
	[tilespmem:s28+$0x80] =	vst v20;
	v20 =	vadd.f32 v22, v21;
	v21 =	vld [tilespmem:s1+$0x0];
	v22 =	vmul.f32 v24, v8  }
0x1b4: {  	s8 =	sld [smem:$0x7E3];
	v24 =	vmul.f32 v25, v8;
	v19 =	vadd.f32 v29, v19;
	v25 =	vld [tilespmem:s2+$0x0];
	v28 =	vmul.f32 v28, v9  }
0x1b5: {  	s9 =	rddreg [dreg:$0x19];
	v29 =	vld [tilespmem:s13+$0x0];
	v22 =	vadd.f32 v22, v23  }
0x1b6: {  	s24 =	sld [smem:$0x7E5];
	v20 =	vadd.f32 v24, v20;
	v24 =	vmul.f32 v27, v9;
	v19 =	vadd.f32 v28, v19;
	v28 =	vld [tilespmem:s9+$0x0]  }
0x1b7: {  	v23 =	vld [tilespmem:s8+$0x0];
	v27 =	vmul.f32 v30, v9  }
0x1b8: {  	v21 =	vmul.f32 v21, v10;
	v22 =	vadd.f32 v24, v22;
	v24 =	vld [tilespmem:s19+$0x0]  }
0x1b9: {  	s22 =	rddreg [dreg:$0x1a];
	v26 =	vmul.f32 v26, v10;
	v20 =	vadd.f32 v27, v20;
	v27 =	vld [tilespmem:s24+$0x0];
	v25 =	vmul.f32 v25, v10  }
0x1ba: {  	v19 =	vadd.f32 v21, v19;
	v21 =	vld [tilespmem:s22+$0x0]  }
0x1bb: {  	v20 =	vadd.f32 v26, v20;
	v22 =	vadd.f32 v25, v22;
	v25 =	vld [tilespmem:s25+$0x0];
	v26 =	vmul.f32 v28, v11;
	s25 =	sld [smem:$0x7E6]  }
0x1bc: {  	v23 =	vmul.f32 v23, v11;
	v28 =	vmul.f32 v29, v11;
	v29 =	vld [tilespmem:s18+$0x0]  }
0x1bd: {  	v22 =	vadd.f32 v26, v22;
	v26 =	vld [tilespmem:s20+$0x0]  }
0x1be: {  	s26 =	sld [smem:$0x7E7];
	v19 =	vadd.f32 v23, v19;
	v24 =	vmul.f32 v24, v12;
	v23 =	vld [tilespmem:s25+$0x0]  }
0x1bf: {  	v20 =	vadd.f32 v28, v20  }
0x1c0: {  	s28 =	sld [smem:$0x7E8];
	v27 =	vmul.f32 v27, v12;
	v28 =	vld [tilespmem:s23+$0x0];
	v19 =	vadd.f32 v24, v19;
	v25 =	vmul.f32 v25, v13  }
0x1c1: {  	v21 =	vmul.f32 v21, v12;
	v24 =	vld [tilespmem:s26+$0x0]  }
0x1c2: {  	v20 =	vadd.f32 v27, v20;
	v27 =	vld [tilespmem:s14+$0x0];
	v19 =	vadd.f32 v25, v19;
	v25 =	vmul.f32 v26, v14  }
0x1c3: {  	v21 =	vadd.f32 v21, v22;
	v22 =	vmul.f32 v23, v13;
	v23 =	vmul.f32 v29, v13;
	v29 =	vld [tilespmem:s28+$0x0]  }
0x1c4: {  	s29 =	sld [smem:$0x7E9];
	v30 =	vld [tilespmem:s15+$0x0]  }
0x1c5: {  	p1 =	slt.u32 s21, $0x3C0;
	s16 =	sor.u32 s0, s16;
	v31 =	vld [tilespmem:s11+$0x0];
	v26 =	vadd.f32 v25, v19;
	v21 =	vadd.f32 v22, v21  }
.Ltmp1:
0x1c6: {  	v19 =	vld [tilespmem:s16+$0x0];
	v20 =	vadd.f32 v23, v20;
	v23 =	vmul.f32 v24, v14;
	v24 =	vmul.f32 v28, v14;
	(pc) =	sbr.rel @p1 .LBB2_5-.Ltmp1, $4  }
0x1c7: {  	v27 =	vmul.f32 v27, v15;
	v22 =	vld [tilespmem:s29+$0x0]  }
0x1c8: {  	v32 =	vadd.f32 v23, v21;
	v25 =	vadd.f32 v24, v20;
	v20 =	vld [tilespmem:s12+$0x0];
	v24 =	vmul.f32 v29, v15  }
0x1c9: {  	s15 =	rddreg [dreg:$0xb];
	v28 =	vmul.f32 v30, v15;
	v21 =	vld [tilespmem:s17+$0x0]  }
0x1ca: {  	s14 =	rddreg [dreg:$0x5];
	v26 =	vadd.f32 v27, v26;
	v27 =	vmul.f32 v31, v16;
	v23 =	vld [tilespmem:s10+$0x0];
	v24 =	vadd.f32 v24, v32  }
0x1cb: {  	v3 =	vld [tilespmem:s7+$0x0]  }
0x1cc: {  	v4 =	vld [tilespmem:s6+$0x0]  }
0x1cd: {  	v5 =	vadd.f32 v28, v25;
	v7 =	vmul.f32 v19, v16;
	v8 =	vld [tilespmem:s4+$0x0];
	v6 =	vmul.f32 v22, v16  }
0x1ce: {  	v9 =	vadd.f32 v27, v26;
	v10 =	vmul.f32 v20, v17  }
0x1cf: {  	s1 =	sld [smem:$0x7F2];
	v5 =	vadd.f32 v7, v5;
	v6 =	vadd.f32 v6, v24;
	v7 =	vmul.f32 v21, v17  }
0x1d0: {  	v11 =	vmul.f32 v23, v17;
	v9 =	vadd.f32 v10, v9;
	v3 =	vmul.f32 v3, v18  }
0x1d1: {  	s2 =	sld [smem:$0x7FB];
	v6 =	vadd.f32 v7, v6;
	v4 =	vmul.f32 v4, v18  }
0x1d2: {  	s0 =	smul.u32 $0x1800, s1;
	v7 =	vmul.f32 v8, v18;
	v5 =	vadd.f32 v11, v5;
	v3 =	vadd.f32 v3, v9  }
0x1d3: {  	s1 =	smul.u32 $0x300, s1;
	v4 =	vadd.f32 v4, v6  }
0x1d4: {  	s0 =	sadd.s32 s2, s0;
	v5 =	vadd.f32 v7, v5;
	[tilespmem:s3+$0x80] =	vst v3  }
0x1d5: {  	s1 =	sand.u32 $0x300, s1;
	s0 =	sand.u32 $0x7FE000, s0;
	[tilespmem:s31+$0x80] =	vst v4  }
0x1d6: {  	s4 =	rddreg [dreg:$0x3];
	s0 =	sor.u32 s1, s0;
	[tilespmem:s30+$0x80] =	vst v5  }
0x1d7: {  	s5 =	simm.s32 $0x100;
	s0 =	sshrl.u32 s0, $0x3;
	s8 =	sld [smem:$0x7F3]  }
0x1d8: {  	s6 =	simm.s32 $0x400;
	s7 =	simm.s32 $0x19400;
	s0 =	sadd.s32 s4, s0  }
0x1d9: {  	[hbm4b:s0+s5] =	stream.strided.scatter [tilespmem:s7], [sflag:$0x4], $0x800, s6, s5, $0x38;
	[tilespmem:$0x1AC00] =	vst v63  }
0x1da: {  	v3 =	vld [tilespmem:s8+$0x60];
	_ =	sdelay $0x4  }
0x1db: {  	v4 =	vshll.u32 v3, $0x3  }
0x1dc: {  	v3 =	vand.u32 $0x7, v3;
	v4 =	vand.u32 $0xFFFFFFC0, v4  }
0x1dd: {  	v3 =	vor.u32 v3, v4  }
0x1de: {  	v4 =	vperm.xlane v3, v0;
	_ =	sdelay $0x1  }
0x1df: {  	v4 =	vadd.s32 v1, v4;
	_ =	sdelay $0x2  }
0x1e0: {  	s9 =	rddreg [dreg:$0x1]  }
0x1e1: {  	s10 =	simm.s32 $0x0;
	s11 =	simm.s32 $0x1400;
	s12 =	sld [smem:$0x7F7]  }
0x1e2: {  	[tilespmem:s11], [sflag:$0x1] =	stream.indirect_vreg.gather [hbm4b:s9+s10], $0x80, v4, vm0, $0xb8;
	[tilespmem:$0x1AC00] =	vst v63  }
0x1e3: {  	s13 =	simm.s32 $0x1C00;
	s14 =	sld [smem:$0x7F8];
	v3 =	vperm.xlane v3, v2  }
0x1e4: {  	[tilespmem:s13], [sflag:$0x1] =	stream.indirect_vreg.gather [hbm4b:s12+s10], $0x80, v4, vm0, $0xb8;
	[tilespmem:$0x1AC00] =	vst v63  }
0x1e5: {  	s15 =	simm.s32 $0x2400;
	s16 =	sld [smem:$0x7FA];
	v3 =	vadd.s32 v1, v3  }
0x1e6: {  	[tilespmem:s15], [sflag:$0x1] =	stream.indirect_vreg.gather [hbm4b:s14+s10], $0x80, v4, vm0, $0xb8;
	[tilespmem:$0x1AC00] =	vst v63  }
0x1e7: {  	s5 =	simm.s32 $0x2C00  }
0x1e8: {  	[tilespmem:s5], [sflag:$0x1] =	stream.indirect_vreg.gather [hbm4b:s16+s10], $0x80, v4, vm0, $0xb8;
	[tilespmem:$0x1AC00] =	vst v63  }
0x1e9: {  	s17 =	simm.s32 $0x3400  }
0x1ea: {  	[tilespmem:s17], [sflag:$0x1] =	stream.indirect_vreg.gather [hbm4b:s9+s10], $0x80, v3, vm0, $0xb8;
	[tilespmem:$0x1AC00] =	vst v63  }
0x1eb: {  	s18 =	simm.s32 $0x3C00  }
0x1ec: {  	[tilespmem:s18], [sflag:$0x1] =	stream.indirect_vreg.gather [hbm4b:s12+s10], $0x80, v3, vm0, $0xb8;
	[tilespmem:$0x1AC00] =	vst v63  }
0x1ed: {  	s19 =	simm.s32 $0x4400  }
0x1ee: {  	[tilespmem:s19], [sflag:$0x1] =	stream.indirect_vreg.gather [hbm4b:s14+s10], $0x80, v3, vm0, $0xb8;
	[tilespmem:$0x1AC00] =	vst v63  }
0x1ef: {  	s20 =	simm.s32 $0x4C00  }
0x1f0: {  	[tilespmem:s20], [sflag:$0x1] =	stream.indirect_vreg.gather [hbm4b:s16+s10], $0x80, v3, vm0, $0xb8;
	[tilespmem:$0x1AC00] =	vst v63  }
0x1f1: {  	v3 =	vld [tilespmem:s8+$0x70];
	_ =	sdelay $0x4  }
0x1f2: {  	v4 =	vshll.u32 v3, $0x3  }
0x1f3: {  	v3 =	vand.u32 $0x7, v3;
	v4 =	vand.u32 $0xFFFFFFC0, v4  }
0x1f4: {  	v3 =	vor.u32 v3, v4  }
0x1f5: {  	v4 =	vperm.xlane v3, v0;
	_ =	sdelay $0x1  }
0x1f6: {  	v4 =	vadd.s32 v1, v4;
	_ =	sdelay $0x3  }
0x1f7: {  	s21 =	simm.s32 $0x5400  }
0x1f8: {  	[tilespmem:s21], [sflag:$0x1] =	stream.indirect_vreg.gather [hbm4b:s9+s10], $0x80, v4, vm0, $0xb8;
	[tilespmem:$0x1AC00] =	vst v63  }
0x1f9: {  	s22 =	simm.s32 $0x5C00;
	v3 =	vperm.xlane v3, v2  }
0x1fa: {  	[tilespmem:s22], [sflag:$0x1] =	stream.indirect_vreg.gather [hbm4b:s12+s10], $0x80, v4, vm0, $0xb8;
	[tilespmem:$0x1AC00] =	vst v63  }
0x1fb: {  	s23 =	simm.s32 $0x6400;
	v3 =	vadd.s32 v1, v3  }
0x1fc: {  	[tilespmem:s23], [sflag:$0x1] =	stream.indirect_vreg.gather [hbm4b:s14+s10], $0x80, v4, vm0, $0xb8;
	[tilespmem:$0x1AC00] =	vst v63  }
0x1fd: {  	s24 =	simm.s32 $0x6C00  }
0x1fe: {  	[tilespmem:s24], [sflag:$0x1] =	stream.indirect_vreg.gather [hbm4b:s16+s10], $0x80, v4, vm0, $0xb8;
	[tilespmem:$0x1AC00] =	vst v63  }
0x1ff: {  	s25 =	simm.s32 $0x7400  }
0x200: {  	[tilespmem:s25], [sflag:$0x1] =	stream.indirect_vreg.gather [hbm4b:s9+s10], $0x80, v3, vm0, $0xb8;
	[tilespmem:$0x1AC00] =	vst v63  }
0x201: {  	s26 =	simm.s32 $0x7C00  }
0x202: {  	[tilespmem:s26], [sflag:$0x1] =	stream.indirect_vreg.gather [hbm4b:s12+s10], $0x80, v3, vm0, $0xb8;
	[tilespmem:$0x1AC00] =	vst v63  }
0x203: {  	s28 =	simm.s32 $0x8400  }
0x204: {  	[tilespmem:s28], [sflag:$0x1] =	stream.indirect_vreg.gather [hbm4b:s14+s10], $0x80, v3, vm0, $0xb8;
	[tilespmem:$0x1AC00] =	vst v63  }
0x205: {  	s29 =	simm.s32 $0x8C00;
	s30 =	simm.s32 $0x2  }
0x206: {  	[tilespmem:s29], [sflag:$0x1] =	stream.indirect_vreg.gather [hbm4b:s16+s10], $0x80, v3, vm0, $0xb8;
	[tilespmem:$0x1AC00] =	vst v63  }
0x207: {  	_ =	swait.ge [sflag:s30], $0x8000  }
0x208: {  	[sflag:s30] =	ssyncset.done $0x0  }
0x209: {  	s0 =	simm.s32 @!p0 $0x5;
	[sflag:s30] =	ssyncadd.s32 $0xFFFF8000  }
0x20a: {  	_ =	swait.ge @!p0 [sflag:s0], $0x800  }
0x20b: {  	s31 =	sld [smem:$0x7EF]  }
0x20c: {  	s20 =	simm.s32 $0x0  }
0x20d: {  	s17 =	simm.s32 $0x1000;
	s9 =	sand.u32 $0x380, s20;
	s16 =	simm.s32 $0x0  }
0x20e: {  	s29 =	sand.u32 $0x40, s20;
	[sflag:s0] =	ssyncset.done @!p0 $0x0;
	s1 =	sadd.s32 $0x1, s31  }
0x20f: {  	[sflag:s0] =	ssyncadd.s32 @!p0 $0xFFFFF800;
	[smem:$0x7DD] =	sst s1;
	s2 =	sshll.u32 s1, $0x5  }
0x210: {  	s0 =	sand.u32 $0x1C00, s16;
	[smem:$0x7DE] =	sst s2;
	s1 =	sand.u32 $0x3FFFFFE0, s2  }
0x211: {  	s30 =	sor.u32 $0x30, s29;
	s3 =	sadd.s32 $0x9400, s0;
	[smem:$0x7DF] =	sst s1;
	v18 =	vld [tilespmem:s1+$0x800]  }
0x212: {  	s10 =	sor.u32 $0x1000, s9;
	s12 =	sor.u32 s30, s3;
	v15 =	vld [tilespmem:s17+$0x0]  }
0x213: {  	s13 =	sor.u32 s30, s10;
	s5 =	sadd.s32 $0x9480, s0;
	v5 =	vld [tilespmem:s12+$0x0]  }
0x214: {  	s31 =	sor.u32 $0x10, s29;
	s14 =	sor.u32 s30, s5;
	v6 =	vld [tilespmem:s13+$0x0]  }
0x215: {  	s6 =	sadd.s32 $0x9500, s0;
	s15 =	sor.u32 s31, s3;
	v7 =	vld [tilespmem:s14+$0x0]  }
0x216: {  	s4 =	sadd.s32 $0x9580, s0;
	s18 =	sor.u32 s30, s6;
	v16 =	vld [tilespmem:s15+$0x0]  }
0x217: {  	s19 =	sor.u32 s30, s4;
	v8 =	vld [tilespmem:s18+$0x0]  }
0x218: {  	s2 =	sor.u32 s29, s3;
	v9 =	vld [tilespmem:s19+$0x0]  }
0x219: {  	s22 =	sor.u32 s31, s10;
	v20 =	vld [tilespmem:s2+$0x0]  }
0x21a: {  	s11 =	sadd.s32 $0x9700, s0;
	s24 =	sor.u32 s31, s5;
	v21 =	vld [tilespmem:s22+$0x0]  }
0x21b: {  	s9 =	sadd.s32 $0xB400, s0;
	s25 =	sor.u32 s30, s11;
	v22 =	vld [tilespmem:s24+$0x0]  }
0x21c: {  	s7 =	sor.u32 s30, s9;
	s1 =	sor.u32 $0x20, s29;
	v12 =	vld [tilespmem:s25+$0x0]  }
0x21d: {  	s8 =	sor.u32 s1, s3;
	v25 =	vld [tilespmem:s7+$0x0]  }
0x21e: {  	s3 =	sor.u32 s1, s10;
	v17 =	vld [tilespmem:s8+$0x0]  }
0x21f: {  	s28 =	sor.u32 s1, s5;
	v23 =	vld [tilespmem:s3+$0x0]  }
0x220: {  	s14 =	sor.u32 s29, s5;
	v24 =	vld [tilespmem:s28+$0x0]  }
0x221: {  	s18 =	sor.u32 s31, s6;
	v26 =	vld [tilespmem:s14+$0x0];
	v3 =	vbroadcast v18, $0x0  }
0x222: {  	s13 =	sadd.s32 $0x9600, s0;
	s25 =	sor.u32 s1, s4;
	v28 =	vld [tilespmem:s18+$0x0]  }
0x223: {  	s12 =	sadd.s32 $0x9680, s0;
	s21 =	sor.u32 s30, s13;
	v37 =	vld [tilespmem:s25+$0x0];
	v4 =	vbroadcast v18, $0x1;
	v13 =	vmul.f32 v5, v3  }
0x224: {  	s10 =	sadd.s32 $0x9780, s0;
	s23 =	sor.u32 s30, s12;
	v10 =	vld [tilespmem:s21+$0x0]  }
0x225: {  	s5 =	sadd.s32 $0xB500, s0;
	s26 =	sor.u32 s30, s10;
	v11 =	vld [tilespmem:s23+$0x0];
	v5 =	vbroadcast v18, $0x2;
	v7 =	vmul.f32 v7, v4;
	v13 =	vadd.f32 v13, v6  }
0x226: {  	s2 =	sadd.s32 $0xB580, s0;
	s19 =	sor.u32 s30, s5;
	v14 =	vld [tilespmem:s26+$0x0]  }
0x227: {  	s22 =	sor.u32 s30, s2;
	v29 =	vld [tilespmem:s19+$0x0];
	v6 =	vbroadcast v18, $0x3;
	v8 =	vmul.f32 v8, v5;
	v13 =	vadd.f32 v7, v13  }
0x228: {  	s14 =	sor.u32 s31, s4;
	v31 =	vld [tilespmem:s22+$0x0]  }
0x229: {  	s18 =	sor.u32 s1, s13;
	v34 =	vld [tilespmem:s14+$0x0];
	v7 =	vbroadcast v18, $0x4;
	v9 =	vmul.f32 v9, v6;
	v13 =	vadd.f32 v8, v13  }
0x22a: {  	s8 =	sadd.s32 $0xB480, s0;
	s25 =	sor.u32 s1, s10;
	v50 =	vld [tilespmem:s18+$0x0]  }
0x22b: {  	s15 =	sor.u32 s30, s8;
	v53 =	vld [tilespmem:s25+$0x0];
	v8 =	vbroadcast v18, $0x5;
	v10 =	vmul.f32 v10, v7;
	v13 =	vadd.f32 v9, v13  }
0x22c: {  	s21 =	sor.u32 s1, s6;
	v27 =	vld [tilespmem:s15+$0x0]  }
0x22d: {  	s7 =	sadd.s32 $0xB600, s0;
	s6 =	sor.u32 s29, s6;
	v30 =	vld [tilespmem:s21+$0x0];
	v9 =	vbroadcast v18, $0x6;
	v11 =	vmul.f32 v11, v8;
	v13 =	vadd.f32 v10, v13  }
0x22e: {  	s3 =	sadd.s32 $0xB700, s0;
	s23 =	sor.u32 s30, s7;
	v32 =	vld [tilespmem:s6+$0x0];
	v16 =	vmul.f32 v16, v3;
	v20 =	vmul.f32 v20, v3  }
0x22f: {  	s26 =	sor.u32 s30, s3;
	v33 =	vld [tilespmem:s23+$0x0];
	v10 =	vbroadcast v18, $0x7;
	v36 =	vmul.f32 v12, v9;
	v19 =	vadd.f32 v11, v13  }
0x230: {  	s19 =	sor.u32 s31, s12;
	v38 =	vld [tilespmem:s26+$0x0];
	v17 =	vmul.f32 v17, v3;
	v26 =	vmul.f32 v26, v4  }
0x231: {  	s15 =	sor.u32 s29, s4;
	v51 =	vld [tilespmem:s19+$0x0];
	v11 =	vbroadcast v18, $0x8;
	v39 =	vmul.f32 v14, v10;
	v36 =	vadd.f32 v36, v19  }
0x232: {  	v40 =	vld [tilespmem:s15+$0x0];
	s15 =	sor.u32 s31, s13;
	v16 =	vadd.f32 v16, v21;
	v21 =	vmul.f32 v22, v4;
	v20 =	vadd.f32 v20, v15  }
0x233: {  	s13 =	sor.u32 s29, s13;
	v41 =	vld [tilespmem:s15+$0x0];
	v12 =	vbroadcast v18, $0x9;
	v25 =	vmul.f32 v25, v11;
	v36 =	vadd.f32 v39, v36  }
0x234: {  	s18 =	sor.u32 s31, s7;
	v22 =	vld [tilespmem:s13+$0x0];
	v17 =	vadd.f32 v17, v23;
	v15 =	vbroadcast v18, $0xC;
	v16 =	vadd.f32 v21, v16  }
0x235: {  	s26 =	sor.u32 s31, s9;
	v62 =	vld [tilespmem:s18+$0x0];
	v13 =	vbroadcast v18, $0xA;
	v27 =	vmul.f32 v27, v12;
	v25 =	vadd.f32 v25, v36  }
0x236: {  	s6 =	sadd.s32 $0xB680, s0;
	s21 =	sor.u32 s1, s12;
	v55 =	vld [tilespmem:s26+$0x0];
	v21 =	vmul.f32 v24, v4;
	v20 =	vadd.f32 v26, v20;
	v52 =	vmul.f32 v37, v6  }
0x237: {  	s24 =	sor.u32 s30, s6;
	v23 =	vld [tilespmem:s21+$0x0];
	v14 =	vbroadcast v18, $0xB;
	v24 =	vadd.f32 v27, v25;
	v25 =	vmul.f32 v29, v13  }
0x238: {  	s22 =	sor.u32 s31, s11;
	s23 =	sor.u32 s1, s11;
	s11 =	sor.u32 s29, s11;
	v35 =	vld [tilespmem:s24+$0x0];
	v17 =	vadd.f32 v21, v17;
	v21 =	vmul.f32 v28, v5;
	v54 =	vmul.f32 v41, v7  }
0x239: {  	v26 =	vld [tilespmem:s11+$0x0];
	s11 =	sor.u32 s1, s8;
	v22 =	vmul.f32 v22, v7;
	v24 =	vadd.f32 v25, v24;
	v25 =	vmul.f32 v31, v14  }
0x23a: {  	v58 =	vld [tilespmem:s11+$0x0];
	v21 =	vadd.f32 v21, v16;
	v16 =	vmul.f32 v32, v5;
	v57 =	vmul.f32 v51, v8  }
0x23b: {  	s12 =	sor.u32 s29, s12;
	v28 =	vld [tilespmem:s22+$0x0];
	v29 =	vmul.f32 v30, v5;
	v24 =	vadd.f32 v25, v24;
	v25 =	vmul.f32 v33, v15  }
0x23c: {  	v23 =	vmul.f32 v23, v8;
	v20 =	vadd.f32 v16, v20;
	v27 =	vld [tilespmem:s12+$0x0];
	v31 =	vmul.f32 v34, v6  }
0x23d: {  	s24 =	sor.u32 s31, s10;
	v30 =	vld [tilespmem:s23+$0x0];
	v17 =	vadd.f32 v29, v17;
	v24 =	vadd.f32 v25, v24;
	v25 =	vmul.f32 v40, v6  }
0x23e: {  	s4 =	sadd.s32 $0xB780, s0;
	s10 =	sor.u32 s29, s10;
	v16 =	vbroadcast v18, $0xD;
	v26 =	vmul.f32 v26, v9;
	v29 =	vld [tilespmem:s24+$0x0];
	v21 =	vadd.f32 v31, v21  }
0x23f: {  	s28 =	sor.u32 s30, s4;
	v31 =	vld [tilespmem:s10+$0x0];
	v17 =	vadd.f32 v52, v17;
	v20 =	vadd.f32 v25, v20;
	v25 =	vmul.f32 v50, v7  }
0x240: {  	v28 =	vmul.f32 v28, v9;
	v35 =	vmul.f32 v35, v16;
	v19 =	vld [tilespmem:s28+$0x0];
	s28 =	sor.u32 s1, s9;
	v21 =	vadd.f32 v54, v21  }
0x241: {  	s9 =	sor.u32 s29, s9;
	v56 =	vld [tilespmem:s28+$0x0];
	v27 =	vmul.f32 v27, v8;
	v17 =	vadd.f32 v25, v17;
	v20 =	vadd.f32 v22, v20  }
0x242: {  	v32 =	vmul.f32 v58, v12;
	v59 =	vmul.f32 v55, v11;
	s10 =	sor.u32 s31, s8;
	v21 =	vadd.f32 v57, v21;
	v25 =	vld [tilespmem:s9+$0x0]  }
0x243: {  	s12 =	sor.u32 s31, s5;
	v30 =	vmul.f32 v30, v9;
	v22 =	vld [tilespmem:s10+$0x0];
	v23 =	vadd.f32 v23, v17;
	v20 =	vadd.f32 v27, v20  }
0x244: {  	s8 =	sor.u32 s29, s8;
	v29 =	vmul.f32 v29, v10;
	v31 =	vmul.f32 v31, v10;
	v21 =	vadd.f32 v28, v21;
	v28 =	vld [tilespmem:s12+$0x0]  }
0x245: {  	s13 =	sor.u32 s1, s5;
	s5 =	sor.u32 s29, s5;
	v27 =	vld [tilespmem:s8+$0x0];
	v23 =	vadd.f32 v30, v23;
	v20 =	vadd.f32 v26, v20;
	v26 =	vmul.f32 v53, v10  }
0x246: {  	v24 =	vadd.f32 v35, v24;
	v17 =	vbroadcast v18, $0xE;
	v21 =	vadd.f32 v29, v21;
	v29 =	vld [tilespmem:s5+$0x0]  }
0x247: {  	s14 =	sor.u32 s31, s2;
	v30 =	vld [tilespmem:s13+$0x0];
	v23 =	vadd.f32 v26, v23;
	v20 =	vadd.f32 v31, v20;
	v31 =	vmul.f32 v56, v11  }
0x248: {  	s15 =	sor.u32 s1, s2;
	v18 =	vbroadcast v18, $0xF;
	v21 =	vadd.f32 v59, v21;
	v25 =	vmul.f32 v25, v11;
	v26 =	vld [tilespmem:s14+$0x0]  }
0x249: {  	s2 =	sor.u32 s29, s2;
	v60 =	vld [tilespmem:s15+$0x0];
	v61 =	vmul.f32 v38, v17;
	v22 =	vmul.f32 v22, v12;
	v23 =	vadd.f32 v31, v23  }
0x24a: {  	s19 =	sor.u32 s1, s7;
	v19 =	vmul.f32 v19, v18;
	v31 =	vld [tilespmem:s2+$0x0];
	v20 =	vadd.f32 v25, v20;
	v25 =	vmul.f32 v27, v12  }
0x24b: {  	s21 =	sor.u32 s29, s7;
	v21 =	vadd.f32 v22, v21;
	v27 =	vld [tilespmem:s19+$0x0];
	v22 =	vadd.f32 v32, v23;
	v23 =	vmul.f32 v28, v13  }
0x24c: {  	s22 =	sor.u32 s31, s6;
	v24 =	vadd.f32 v61, v24;
	v20 =	vadd.f32 v25, v20;
	v28 =	vld [tilespmem:s21+$0x0];
	v25 =	vmul.f32 v30, v13  }
0x24d: {  	s24 =	sor.u32 s29, s6;
	v30 =	vld [tilespmem:s22+$0x0];
	v26 =	vmul.f32 v26, v14;
	v21 =	vadd.f32 v23, v21;
	v23 =	vmul.f32 v29, v13  }
0x24e: {  	s0 =	sshrl.u32 s0, $0x2;
	s23 =	sor.u32 s1, s6;
	v24 =	vadd.f32 v19, v24;
	v19 =	vld [tilespmem:s24+$0x0];
	v25 =	vadd.f32 v25, v22;
	v29 =	vmul.f32 v60, v14  }
0x24f: {  	s25 =	sor.u32 s31, s3;
	s0 =	sadd.s32 $0x19C00, s0;
	v22 =	vld [tilespmem:s23+$0x0];
	v23 =	vadd.f32 v23, v20;
	v26 =	vadd.f32 v26, v21;
	v21 =	vmul.f32 v31, v14  }
0x250: {  	s26 =	sor.u32 s1, s3;
	s30 =	sor.u32 s30, s0;
	s15 =	sor.u32 s31, s0;
	v63 =	vmul.f32 v27, v15;
	v29 =	vadd.f32 v29, v25;
	v20 =	vld [tilespmem:s25+$0x0];
	v31 =	vmul.f32 v62, v15  }
0x251: {  	s7 =	sor.u32 s31, s4;
	s28 =	sor.u32 s29, s3;
	s3 =	sor.u32 s29, s0;
	v28 =	vmul.f32 v28, v15;
	v25 =	vadd.f32 v21, v23;
	v21 =	vld [tilespmem:s26+$0x0]  }
0x252: {  	s6 =	sor.u32 s1, s4;
	s4 =	sor.u32 s29, s4;
	s12 =	sor.u32 s1, s0;
	[tilespmem:s30+$0x0] =	vst v24;
	v27 =	vmul.f32 v30, v16;
	v23 =	vld [tilespmem:s28+$0x0];
	v26 =	vadd.f32 v31, v26;
	v24 =	vadd.f32 v63, v29  }
.LBB2_7:
0x253: {  	s20 =	sadd.s32 $0x40, s20;
	s17 =	sadd.s32 $0x40, s17;
	s16 =	sadd.s32 $0x200, s16;
	v29 =	vld [tilespmem:s4+$0x0]  }
0x254: {  	v25 =	vadd.f32 v28, v25;
	v28 =	vld [tilespmem:s7+$0x0];
	[dreg:$0xc] =	wrdreg s17;
	s0 =	sand.u32 $0x40, s20;
	s29 =	sand.u32 $0x1C00, s16;
	v22 =	vmul.f32 v22, v16  }
0x255: {  	v26 =	vadd.f32 v27, v26;
	v27 =	vld [tilespmem:s6+$0x0];
	s5 =	sand.u32 $0x380, s20;
	s2 =	sadd.s32 $0x9400, s29;
	s1 =	sor.u32 $0x30, s0;
	v19 =	vmul.f32 v19, v16  }
0x256: {  	[dreg:$0x9] =	wrdreg s16;
	s21 =	sor.u32 s1, s2;
	v20 =	vmul.f32 v20, v17;
	v22 =	vadd.f32 v22, v24;
	v24 =	vld [tilespmem:s17+$0x0];
	s17 =	sor.u32 $0x1000, s5  }
0x257: {  	s30 =	sor.u32 $0x10, s0;
	s22 =	sadd.s32 $0x9480, s29;
	v21 =	vmul.f32 v21, v17;
	v19 =	vadd.f32 v19, v25;
	v25 =	vld [tilespmem:s21+$0x0];
	s23 =	sor.u32 s1, s17  }
0x258: {  	s31 =	sor.u32 $0x20, s0;
	s9 =	sadd.s32 $0x9500, s29;
	s25 =	sor.u32 s1, s22;
	v23 =	vmul.f32 v23, v17;
	v20 =	vadd.f32 v20, v26;
	v26 =	vld [tilespmem:s23+$0x0]  }
0x259: {  	s28 =	sadd.s32 $0x9580, s29;
	s24 =	sor.u32 s30, s2;
	s8 =	sor.u32 s31, s2;
	v28 =	vmul.f32 v28, v18;
	v21 =	vadd.f32 v21, v22;
	v22 =	vld [tilespmem:s25+$0x0]  }
0x25a: {  	s2 =	sor.u32 s0, s2;
	s19 =	sor.u32 s30, s22;
	s26 =	sor.u32 s1, s9;
	v19 =	vadd.f32 v23, v19;
	v23 =	vmul.f32 v27, v18;
	v27 =	vld [tilespmem:s24+$0x0]  }
0x25b: {  	s14 =	sor.u32 s0, s22;
	s16 =	sor.u32 s31, s22;
	s13 =	sor.u32 s30, s9;
	v20 =	vadd.f32 v28, v20;
	v28 =	vld [tilespmem:s26+$0x0]  }
0x25c: {  	s11 =	sor.u32 s31, s9;
	s10 =	sor.u32 s0, s9;
	v21 =	vadd.f32 v23, v21;
	v23 =	vld [tilespmem:s8+$0x0];
	s8 =	sor.u32 s1, s28;
	v25 =	vmul.f32 v25, v3  }
0x25d: {  	s7 =	sor.u32 s30, s28;
	s4 =	sor.u32 s0, s28;
	[tilespmem:s15+$0x0] =	vst v20;
	s15 =	sadd.s32 $0x9600, s29;
	v20 =	vld [tilespmem:s8+$0x0]  }
0x25e: {  	s6 =	sor.u32 s31, s28;
	s22 =	sadd.s32 $0x9680, s29;
	v29 =	vmul.f32 v29, v18;
	s21 =	sor.u32 s1, s15;
	[tilespmem:s12+$0x0] =	vst v21;
	v21 =	vld [tilespmem:s2+$0x0];
	v25 =	vadd.f32 v25, v26;
	v22 =	vmul.f32 v22, v4  }
0x25f: {  	s9 =	sor.u32 s30, s22;
	s18 =	sor.u32 s30, s17;
	s24 =	sadd.s32 $0x9700, s29;
	v26 =	vld [tilespmem:s21+$0x0]  }
0x260: {  	s23 =	sor.u32 s1, s22;
	s25 =	sor.u32 s31, s24;
	v19 =	vadd.f32 v29, v19;
	s28 =	sadd.s32 $0x9780, s29;
	v29 =	vld [tilespmem:s19+$0x0];
	v22 =	vadd.f32 v22, v25;
	v25 =	vmul.f32 v28, v5  }
0x261: {  	s17 =	sor.u32 s31, s17;
	[smem:$0x7D3] =	sst s25;
	s19 =	sor.u32 s30, s28;
	v28 =	vld [tilespmem:s23+$0x0]  }
0x262: {  	s26 =	sor.u32 s1, s24;
	s25 =	sor.u32 s0, s28;
	[tilespmem:s3+$0x0] =	vst v19;
	[smem:$0x7D4] =	sst s19;
	v19 =	vmul.f32 v27, v3;
	v27 =	vld [tilespmem:s18+$0x0];
	v20 =	vmul.f32 v20, v6;
	v22 =	vadd.f32 v25, v22  }
0x263: {  	s3 =	sor.u32 s31, s22;
	[smem:$0x7D5] =	sst s25;
	s19 =	sadd.s32 $0xB480, s29;
	v21 =	vmul.f32 v21, v3;
	v25 =	vld [tilespmem:s26+$0x0]  }
0x264: {  	s21 =	sor.u32 s0, s22;
	v30 =	vld [tilespmem:s17+$0x0];
	s22 =	sor.u32 s31, s28;
	s23 =	sor.u32 s1, s28;
	v20 =	vadd.f32 v20, v22;
	v22 =	vmul.f32 v26, v7  }
0x265: {  	s25 =	sor.u32 s0, s19;
	[dreg:$0x12] =	wrdreg s22;
	s26 =	sadd.s32 $0xB400, s29;
	v21 =	vadd.f32 v21, v24;
	v24 =	vld [tilespmem:s23+$0x0]  }
0x266: {  	s22 =	sor.u32 s31, s19;
	[smem:$0x7D8] =	sst s25;
	s17 =	sor.u32 s1, s26;
	v26 =	vld [tilespmem:s16+$0x0];
	v20 =	vadd.f32 v22, v20;
	v22 =	vmul.f32 v28, v8  }
0x267: {  	[dreg:$0x1c] =	wrdreg s22;
	v19 =	vadd.f32 v19, v27;
	v28 =	vld [tilespmem:s17+$0x0]  }
0x268: {  	s28 =	sor.u32 s30, s26;
	s18 =	sor.u32 s0, s26;
	v27 =	vmul.f32 v29, v4;
	v29 =	vld [tilespmem:s14+$0x0];
	s23 =	sor.u32 s1, s19;
	v20 =	vadd.f32 v22, v20;
	v22 =	vmul.f32 v25, v9  }
0x269: {  	v23 =	vmul.f32 v23, v3;
	[smem:$0x7D6] =	sst s28;
	s16 =	sor.u32 s31, s26;
	s26 =	sadd.s32 $0xB500, s29;
	v25 =	vld [tilespmem:s23+$0x0]  }
0x26a: {  	[smem:$0x7D7] =	sst s18;
	v19 =	vadd.f32 v27, v19;
	v27 =	vld [tilespmem:s13+$0x0];
	s14 =	sor.u32 s1, s26;
	v20 =	vadd.f32 v22, v20;
	v22 =	vmul.f32 v24, v10  }
0x26b: {  	v23 =	vadd.f32 v23, v30;
	s18 =	sor.u32 s30, s19;
	[dreg:$0x1b] =	wrdreg s16;
	s16 =	sadd.s32 $0xB580, s29;
	v24 =	vmul.f32 v26, v4;
	v26 =	vld [tilespmem:s14+$0x0]  }
0x26c: {  	v30 =	vld [tilespmem:s11+$0x0];
	s28 =	sor.u32 s30, s26;
	s13 =	sor.u32 s31, s26;
	s23 =	sor.u32 s1, s16;
	v20 =	vadd.f32 v22, v20;
	v22 =	vmul.f32 v28, v11  }
0x26d: {  	s19 =	sor.u32 s0, s26;
	s26 =	sadd.s32 $0xB600, s29;
	s22 =	sor.u32 s30, s16;
	v23 =	vadd.f32 v24, v23;
	v24 =	vld [tilespmem:s23+$0x0]  }
0x26e: {  	s17 =	sor.u32 s31, s16;
	s25 =	sor.u32 s0, s16;
	s11 =	sor.u32 s1, s26;
	v28 =	vmul.f32 v29, v4;
	v29 =	vld [tilespmem:s10+$0x0];
	v20 =	vadd.f32 v22, v20;
	v22 =	vmul.f32 v25, v12  }
0x26f: {  	[smem:$0x7DA] =	sst s17;
	s17 =	sor.u32 s0, s26;
	s14 =	sadd.s32 $0xB680, s29;
	v25 =	vmul.f32 v27, v5;
	v27 =	vld [tilespmem:s11+$0x0]  }
0x270: {  	s16 =	sor.u32 s30, s26;
	s10 =	sor.u32 s31, s26;
	s26 =	sor.u32 s1, s14;
	v21 =	vadd.f32 v28, v21;
	v28 =	vld [tilespmem:s7+$0x0];
	v20 =	vadd.f32 v22, v20;
	v22 =	vmul.f32 v26, v13  }
0x271: {  	s2 =	sadd.s32 $0xB700, s29;
	[smem:$0x7D9] =	sst s13;
	v19 =	vadd.f32 v25, v19;
	v25 =	vmul.f32 v30, v5;
	v26 =	vld [tilespmem:s26+$0x0]  }
0x272: {  	s23 =	sor.u32 s31, s14;
	[smem:$0x7DB] =	sst s10;
	s7 =	sor.u32 s1, s2;
	v30 =	vld [tilespmem:s6+$0x0];
	v20 =	vadd.f32 v22, v20;
	v22 =	vmul.f32 v24, v14  }
0x273: {  	s13 =	sor.u32 s30, s2;
	[smem:$0x7DC] =	sst s23;
	s26 =	sadd.s32 $0xB780, s29;
	v24 =	vmul.f32 v29, v5;
	v23 =	vadd.f32 v25, v23;
	v25 =	vld [tilespmem:s7+$0x0]  }
0x274: {  	s23 =	sor.u32 s31, s2;
	s10 =	sor.u32 s0, s2;
	s2 =	sor.u32 s1, s26;
	v29 =	vld [tilespmem:s4+$0x0];
	v20 =	vadd.f32 v22, v20;
	v22 =	vmul.f32 v27, v15  }
0x275: {  	s8 =	sor.u32 s30, s15;
	v21 =	vadd.f32 v24, v21;
	v24 =	vmul.f32 v28, v6;
	v27 =	vld [tilespmem:s2+$0x0]  }
0x276: {  	s12 =	sor.u32 s31, s15;
	v28 =	vld [tilespmem:s8+$0x0];
	v20 =	vadd.f32 v22, v20;
	v22 =	vmul.f32 v26, v16  }
0x277: {  	s5 =	sor.u32 s0, s15;
	v19 =	vadd.f32 v24, v19;
	v26 =	vld [tilespmem:s12+$0x0]  }
0x278: {  	v24 =	vmul.f32 v30, v6;
	v30 =	vld [tilespmem:s5+$0x0];
	v20 =	vadd.f32 v22, v20;
	v22 =	vmul.f32 v25, v17  }
0x279: {  	s6 =	sor.u32 s31, s26;
	s7 =	sor.u32 s30, s26;
	v25 =	vmul.f32 v29, v6;
	v29 =	vld [tilespmem:s9+$0x0]  }
0x27a: {  	s4 =	sor.u32 s0, s26;
	s26 =	sshrl.u32 s29, $0x2;
	s29 =	sld [smem:$0x7D3];
	v23 =	vadd.f32 v24, v23;
	v24 =	vld [tilespmem:s3+$0x0];
	v20 =	vadd.f32 v22, v20  }
0x27b: {  	s15 =	sor.u32 s30, s24;
	s24 =	sor.u32 s0, s24;
	v22 =	vmul.f32 v27, v18;
	v21 =	vadd.f32 v25, v21;
	v25 =	vld [tilespmem:s21+$0x0];
	v27 =	vmul.f32 v28, v7  }
0x27c: {  	s11 =	sor.u32 s30, s14;
	s2 =	sadd.s32 $0x19C00, s26;
	s5 =	sld [smem:$0x7D5];
	v28 =	vld [tilespmem:s15+$0x0]  }
0x27d: {  	s15 =	sor.u32 s30, s2;
	s30 =	sor.u32 s1, s2;
	s1 =	sld [smem:$0x7D4];
	v26 =	vmul.f32 v26, v7;
	v19 =	vadd.f32 v27, v19;
	v27 =	vld [tilespmem:s29+$0x0]  }
0x27e: {  	v20 =	vadd.f32 v22, v20;
	v22 =	vmul.f32 v30, v7;
	v30 =	vld [tilespmem:s24+$0x0]  }
0x27f: {  	s21 =	sld [smem:$0x7D7];
	v29 =	vmul.f32 v29, v8;
	v23 =	vadd.f32 v26, v23;
	v26 =	vld [tilespmem:s5+$0x0]  }
0x280: {  	s12 =	sor.u32 s31, s2;
	s3 =	sor.u32 s0, s2;
	s2 =	rddreg [dreg:$0x12];
	[tilespmem:s30+$0x0] =	vst v20;
	v20 =	vadd.f32 v22, v21;
	v21 =	vld [tilespmem:s1+$0x0];
	v22 =	vmul.f32 v24, v8  }
0x281: {  	s8 =	sld [smem:$0x7D6];
	v24 =	vmul.f32 v25, v8;
	v19 =	vadd.f32 v29, v19;
	v25 =	vld [tilespmem:s2+$0x0];
	v28 =	vmul.f32 v28, v9  }
0x282: {  	s9 =	rddreg [dreg:$0x1b];
	v29 =	vld [tilespmem:s21+$0x0];
	v22 =	vadd.f32 v22, v23  }
0x283: {  	s26 =	sld [smem:$0x7D8];
	v20 =	vadd.f32 v24, v20;
	v24 =	vmul.f32 v27, v9;
	v19 =	vadd.f32 v28, v19;
	v28 =	vld [tilespmem:s9+$0x0]  }
0x284: {  	v23 =	vld [tilespmem:s8+$0x0];
	v27 =	vmul.f32 v30, v9  }
0x285: {  	v21 =	vmul.f32 v21, v10;
	v22 =	vadd.f32 v24, v22;
	v24 =	vld [tilespmem:s18+$0x0]  }
0x286: {  	s24 =	rddreg [dreg:$0x1c];
	v26 =	vmul.f32 v26, v10;
	v20 =	vadd.f32 v27, v20;
	v27 =	vld [tilespmem:s26+$0x0];
	v25 =	vmul.f32 v25, v10  }
0x287: {  	v19 =	vadd.f32 v21, v19;
	v21 =	vld [tilespmem:s24+$0x0]  }
0x288: {  	v20 =	vadd.f32 v26, v20;
	v22 =	vadd.f32 v25, v22;
	v25 =	vld [tilespmem:s28+$0x0];
	v26 =	vmul.f32 v28, v11;
	s28 =	sld [smem:$0x7D9]  }
0x289: {  	v23 =	vmul.f32 v23, v11;
	v28 =	vmul.f32 v29, v11;
	v29 =	vld [tilespmem:s19+$0x0]  }
0x28a: {  	v22 =	vadd.f32 v26, v22;
	v26 =	vld [tilespmem:s22+$0x0]  }
0x28b: {  	s29 =	sld [smem:$0x7DA];
	v19 =	vadd.f32 v23, v19;
	v24 =	vmul.f32 v24, v12;
	v23 =	vld [tilespmem:s28+$0x0]  }
0x28c: {  	v20 =	vadd.f32 v28, v20  }
0x28d: {  	s30 =	sld [smem:$0x7DB];
	v27 =	vmul.f32 v27, v12;
	v28 =	vld [tilespmem:s25+$0x0];
	v19 =	vadd.f32 v24, v19;
	v25 =	vmul.f32 v25, v13  }
0x28e: {  	v21 =	vmul.f32 v21, v12;
	v24 =	vld [tilespmem:s29+$0x0]  }
0x28f: {  	v20 =	vadd.f32 v27, v20;
	v27 =	vld [tilespmem:s16+$0x0];
	v19 =	vadd.f32 v25, v19;
	v25 =	vmul.f32 v26, v14  }
0x290: {  	v21 =	vadd.f32 v21, v22;
	v22 =	vmul.f32 v23, v13;
	v23 =	vmul.f32 v29, v13;
	v29 =	vld [tilespmem:s30+$0x0]  }
0x291: {  	s31 =	sld [smem:$0x7DC];
	v30 =	vld [tilespmem:s17+$0x0]  }
0x292: {  	p1 =	slt.u32 s20, $0x3C0;
	s14 =	sor.u32 s0, s14;
	v31 =	vld [tilespmem:s11+$0x0];
	v26 =	vadd.f32 v25, v19;
	v21 =	vadd.f32 v22, v21  }
.Ltmp2:
0x293: {  	v19 =	vld [tilespmem:s14+$0x0];
	v20 =	vadd.f32 v23, v20;
	v23 =	vmul.f32 v24, v14;
	v24 =	vmul.f32 v28, v14;
	(pc) =	sbr.rel @p1 .LBB2_7-.Ltmp2, $4  }
0x294: {  	v27 =	vmul.f32 v27, v15;
	v22 =	vld [tilespmem:s31+$0x0]  }
0x295: {  	v32 =	vadd.f32 v23, v21;
	v25 =	vadd.f32 v24, v20;
	v20 =	vld [tilespmem:s13+$0x0];
	v24 =	vmul.f32 v29, v15  }
0x296: {  	s17 =	rddreg [dreg:$0xc];
	v28 =	vmul.f32 v30, v15;
	v21 =	vld [tilespmem:s23+$0x0]  }
0x297: {  	s16 =	rddreg [dreg:$0x9];
	v26 =	vadd.f32 v27, v26;
	v27 =	vmul.f32 v31, v16;
	v23 =	vld [tilespmem:s10+$0x0];
	v24 =	vadd.f32 v24, v32  }
0x298: {  	v3 =	vld [tilespmem:s7+$0x0]  }
0x299: {  	v4 =	vld [tilespmem:s6+$0x0]  }
0x29a: {  	v5 =	vadd.f32 v28, v25;
	v7 =	vmul.f32 v19, v16;
	v8 =	vld [tilespmem:s4+$0x0];
	v6 =	vmul.f32 v22, v16  }
0x29b: {  	v9 =	vadd.f32 v27, v26;
	v10 =	vmul.f32 v20, v17  }
0x29c: {  	v5 =	vadd.f32 v7, v5;
	v6 =	vadd.f32 v6, v24;
	v7 =	vmul.f32 v21, v17  }
0x29d: {  	v11 =	vmul.f32 v23, v17;
	v9 =	vadd.f32 v10, v9;
	v3 =	vmul.f32 v3, v18  }
0x29e: {  	v6 =	vadd.f32 v7, v6;
	v4 =	vmul.f32 v4, v18  }
0x29f: {  	v7 =	vmul.f32 v8, v18;
	v5 =	vadd.f32 v11, v5;
	v3 =	vadd.f32 v3, v9  }
0x2a0: {  	v4 =	vadd.f32 v4, v6  }
0x2a1: {  	s16 =	simm.s32 $0x0;
	s21 =	simm.s32 $0x0;
	v5 =	vadd.f32 v7, v5;
	[tilespmem:s15+$0x0] =	vst v3  }
0x2a2: {  	s17 =	simm.s32 $0x1000;
	s29 =	sand.u32 $0x40, s21;
	s0 =	sand.u32 $0x1C00, s16;
	[tilespmem:s12+$0x0] =	vst v4  }
0x2a3: {  	s26 =	sand.u32 $0x380, s21;
	s2 =	sadd.s32 $0xD400, s0;
	s24 =	sor.u32 $0x30, s29;
	[tilespmem:s3+$0x0] =	vst v5  }
0x2a4: {  	s28 =	sor.u32 $0x1000, s26;
	s4 =	sor.u32 s24, s2;
	v15 =	vld [tilespmem:s17+$0x0]  }
0x2a5: {  	s5 =	sadd.s32 $0xD480, s0;
	s6 =	sor.u32 s24, s28;
	v5 =	vld [tilespmem:s4+$0x0]  }
0x2a6: {  	s30 =	sor.u32 $0x10, s29;
	s7 =	sor.u32 s24, s5;
	v6 =	vld [tilespmem:s6+$0x0]  }
0x2a7: {  	s13 =	sadd.s32 $0xD600, s0;
	s8 =	sor.u32 s30, s2;
	v7 =	vld [tilespmem:s7+$0x0]  }
0x2a8: {  	s11 =	sor.u32 s24, s13;
	v16 =	vld [tilespmem:s8+$0x0]  }
0x2a9: {  	s14 =	sor.u32 s30, s28;
	s12 =	sadd.s32 $0xD680, s0;
	v10 =	vld [tilespmem:s11+$0x0]  }
0x2aa: {  	s15 =	sor.u32 s24, s12;
	v21 =	vld [tilespmem:s14+$0x0]  }
0x2ab: {  	s18 =	sor.u32 s30, s5;
	v11 =	vld [tilespmem:s15+$0x0]  }
0x2ac: {  	s25 =	sor.u32 s29, s5;
	s1 =	sld [smem:$0x7DF];
	s6 =	sadd.s32 $0xD500, s0;
	v22 =	vld [tilespmem:s18+$0x0]  }
0x2ad: {  	v26 =	vld [tilespmem:s25+$0x0];
	s9 =	sor.u32 s24, s6  }
0x2ae: {  	s4 =	sadd.s32 $0xD580, s0;
	v8 =	vld [tilespmem:s9+$0x0]  }
0x2af: {  	s11 =	sadd.s32 $0xD700, s0;
	s10 =	sor.u32 s24, s4;
	v18 =	vld [tilespmem:s1+$0x810]  }
0x2b0: {  	s19 =	sor.u32 s24, s11;
	v9 =	vld [tilespmem:s10+$0x0];
	s10 =	sadd.s32 $0xD780, s0  }
0x2b1: {  	v12 =	vld [tilespmem:s19+$0x0];
	s9 =	sadd.s32 $0xF400, s0;
	s20 =	sor.u32 s24, s10  }
0x2b2: {  	s1 =	sor.u32 $0x20, s29;
	s23 =	sor.u32 s24, s9;
	v14 =	vld [tilespmem:s20+$0x0]  }
0x2b3: {  	s8 =	sor.u32 s1, s2;
	v25 =	vld [tilespmem:s23+$0x0]  }
0x2b4: {  	s2 =	sor.u32 s29, s2;
	v17 =	vld [tilespmem:s8+$0x0];
	v3 =	vbroadcast v18, $0x0  }
0x2b5: {  	s3 =	sor.u32 s1, s28;
	v20 =	vld [tilespmem:s2+$0x0]  }
0x2b6: {  	s22 =	sor.u32 s1, s5;
	v23 =	vld [tilespmem:s3+$0x0];
	v4 =	vbroadcast v18, $0x1;
	v13 =	vmul.f32 v5, v3  }
0x2b7: {  	s28 =	sor.u32 s30, s6;
	v24 =	vld [tilespmem:s22+$0x0]  }
0x2b8: {  	s14 =	sor.u32 s1, s6;
	v28 =	vld [tilespmem:s28+$0x0];
	v5 =	vbroadcast v18, $0x2;
	v7 =	vmul.f32 v7, v4;
	v13 =	vadd.f32 v13, v6  }
0x2b9: {  	s6 =	sor.u32 s29, s6;
	v30 =	vld [tilespmem:s14+$0x0]  }
0x2ba: {  	s20 =	sor.u32 s1, s4;
	v32 =	vld [tilespmem:s6+$0x0];
	v6 =	vbroadcast v18, $0x3;
	v8 =	vmul.f32 v8, v5;
	v13 =	vadd.f32 v7, v13  }
0x2bb: {  	s5 =	sadd.s32 $0xF500, s0;
	s23 =	sor.u32 s29, s4;
	v37 =	vld [tilespmem:s20+$0x0]  }
0x2bc: {  	s7 =	sor.u32 s24, s5;
	v40 =	vld [tilespmem:s23+$0x0];
	v7 =	vbroadcast v18, $0x4;
	v9 =	vmul.f32 v9, v6;
	v13 =	vadd.f32 v8, v13  }
0x2bd: {  	s14 =	sor.u32 s30, s4;
	v29 =	vld [tilespmem:s7+$0x0]  }
0x2be: {  	s28 =	sor.u32 s1, s13;
	v34 =	vld [tilespmem:s14+$0x0];
	v8 =	vbroadcast v18, $0x5;
	v10 =	vmul.f32 v10, v7;
	v13 =	vadd.f32 v9, v13  }
0x2bf: {  	s8 =	sadd.s32 $0xF480, s0;
	s23 =	sor.u32 s30, s9;
	v50 =	vld [tilespmem:s28+$0x0]  }
0x2c0: {  	s2 =	sadd.s32 $0xF580, s0;
	s26 =	sor.u32 s24, s8;
	v55 =	vld [tilespmem:s23+$0x0];
	v9 =	vbroadcast v18, $0x6;
	v11 =	vmul.f32 v11, v8;
	v13 =	vadd.f32 v10, v13  }
0x2c1: {  	s6 =	sadd.s32 $0xF680, s0;
	s15 =	sor.u32 s24, s2;
	v27 =	vld [tilespmem:s26+$0x0];
	v16 =	vmul.f32 v16, v3;
	v20 =	vmul.f32 v20, v3  }
0x2c2: {  	s3 =	sadd.s32 $0xF700, s0;
	s19 =	sor.u32 s24, s6;
	v31 =	vld [tilespmem:s15+$0x0];
	v10 =	vbroadcast v18, $0x7;
	v36 =	vmul.f32 v12, v9;
	v19 =	vadd.f32 v11, v13  }
0x2c3: {  	s22 =	sor.u32 s24, s3;
	v35 =	vld [tilespmem:s19+$0x0];
	v17 =	vmul.f32 v17, v3;
	v26 =	vmul.f32 v26, v4  }
0x2c4: {  	s14 =	sor.u32 s30, s12;
	v38 =	vld [tilespmem:s22+$0x0];
	v11 =	vbroadcast v18, $0x8;
	v39 =	vmul.f32 v14, v10;
	v36 =	vadd.f32 v36, v19  }
0x2c5: {  	s26 =	sor.u32 s30, s13;
	v51 =	vld [tilespmem:s14+$0x0];
	v16 =	vadd.f32 v16, v21;
	v21 =	vmul.f32 v22, v4;
	v20 =	vadd.f32 v20, v15  }
0x2c6: {  	s13 =	sor.u32 s29, s13;
	v41 =	vld [tilespmem:s26+$0x0];
	v12 =	vbroadcast v18, $0x9;
	v25 =	vmul.f32 v25, v11;
	v36 =	vadd.f32 v39, v36  }
0x2c7: {  	s7 =	sadd.s32 $0xF600, s0;
	s28 =	sor.u32 s1, s8;
	v22 =	vld [tilespmem:s13+$0x0];
	v17 =	vadd.f32 v17, v23;
	v15 =	vbroadcast v18, $0xC;
	v16 =	vadd.f32 v21, v16  }
0x2c8: {  	s18 =	sor.u32 s24, s7;
	v58 =	vld [tilespmem:s28+$0x0];
	v13 =	vbroadcast v18, $0xA;
	v27 =	vmul.f32 v27, v12;
	v25 =	vadd.f32 v25, v36  }
0x2c9: {  	s15 =	sor.u32 s1, s12;
	v33 =	vld [tilespmem:s18+$0x0];
	v21 =	vmul.f32 v24, v4;
	v20 =	vadd.f32 v26, v20;
	v52 =	vmul.f32 v37, v6  }
0x2ca: {  	s22 =	sor.u32 s1, s10;
	v23 =	vld [tilespmem:s15+$0x0];
	v14 =	vbroadcast v18, $0xB;
	v24 =	vadd.f32 v27, v25;
	v25 =	vmul.f32 v29, v13  }
0x2cb: {  	s19 =	sor.u32 s1, s11;
	s18 =	sor.u32 s30, s11;
	s11 =	sor.u32 s29, s11;
	v53 =	vld [tilespmem:s22+$0x0];
	v17 =	vadd.f32 v21, v17;
	v21 =	vmul.f32 v28, v5;
	v54 =	vmul.f32 v41, v7  }
0x2cc: {  	s14 =	sor.u32 s30, s7;
	v26 =	vld [tilespmem:s11+$0x0];
	v22 =	vmul.f32 v22, v7;
	v24 =	vadd.f32 v25, v24;
	v25 =	vmul.f32 v31, v14  }
0x2cd: {  	v62 =	vld [tilespmem:s14+$0x0];
	v21 =	vadd.f32 v21, v16;
	v16 =	vmul.f32 v32, v5;
	v57 =	vmul.f32 v51, v8  }
0x2ce: {  	s12 =	sor.u32 s29, s12;
	v28 =	vld [tilespmem:s18+$0x0];
	v29 =	vmul.f32 v30, v5;
	v24 =	vadd.f32 v25, v24;
	v25 =	vmul.f32 v33, v15  }
0x2cf: {  	v23 =	vmul.f32 v23, v8;
	v20 =	vadd.f32 v16, v20;
	v27 =	vld [tilespmem:s12+$0x0];
	v31 =	vmul.f32 v34, v6  }
0x2d0: {  	s20 =	sor.u32 s30, s10;
	v30 =	vld [tilespmem:s19+$0x0];
	v17 =	vadd.f32 v29, v17;
	v24 =	vadd.f32 v25, v24;
	v25 =	vmul.f32 v40, v6  }
0x2d1: {  	s4 =	sadd.s32 $0xF780, s0;
	s10 =	sor.u32 s29, s10;
	v16 =	vbroadcast v18, $0xD;
	v26 =	vmul.f32 v26, v9;
	v29 =	vld [tilespmem:s20+$0x0];
	v21 =	vadd.f32 v31, v21  }
0x2d2: {  	s25 =	sor.u32 s24, s4;
	v31 =	vld [tilespmem:s10+$0x0];
	v17 =	vadd.f32 v52, v17;
	v20 =	vadd.f32 v25, v20;
	v25 =	vmul.f32 v50, v7  }
0x2d3: {  	v28 =	vmul.f32 v28, v9;
	v35 =	vmul.f32 v35, v16;
	v19 =	vld [tilespmem:s25+$0x0];
	s25 =	sor.u32 s1, s9;
	v21 =	vadd.f32 v54, v21  }
0x2d4: {  	s9 =	sor.u32 s29, s9;
	v56 =	vld [tilespmem:s25+$0x0];
	v27 =	vmul.f32 v27, v8;
	v17 =	vadd.f32 v25, v17;
	v20 =	vadd.f32 v22, v20  }
0x2d5: {  	s26 =	sor.u32 s30, s8;
	v32 =	vmul.f32 v58, v12;
	v59 =	vmul.f32 v55, v11;
	v21 =	vadd.f32 v57, v21;
	v25 =	vld [tilespmem:s9+$0x0]  }
0x2d6: {  	s10 =	sor.u32 s30, s5;
	v30 =	vmul.f32 v30, v9;
	v22 =	vld [tilespmem:s26+$0x0];
	v23 =	vadd.f32 v23, v17;
	v20 =	vadd.f32 v27, v20  }
0x2d7: {  	s8 =	sor.u32 s29, s8;
	v29 =	vmul.f32 v29, v10;
	v31 =	vmul.f32 v31, v10;
	v21 =	vadd.f32 v28, v21;
	v28 =	vld [tilespmem:s10+$0x0]  }
0x2d8: {  	s11 =	sor.u32 s1, s5;
	s5 =	sor.u32 s29, s5;
	v27 =	vld [tilespmem:s8+$0x0];
	v23 =	vadd.f32 v30, v23;
	v20 =	vadd.f32 v26, v20;
	v26 =	vmul.f32 v53, v10  }
0x2d9: {  	v24 =	vadd.f32 v35, v24;
	v17 =	vbroadcast v18, $0xE;
	v21 =	vadd.f32 v29, v21;
	v29 =	vld [tilespmem:s5+$0x0]  }
0x2da: {  	s12 =	sor.u32 s30, s2;
	v30 =	vld [tilespmem:s11+$0x0];
	v23 =	vadd.f32 v26, v23;
	v20 =	vadd.f32 v31, v20;
	v31 =	vmul.f32 v56, v11  }
0x2db: {  	s13 =	sor.u32 s1, s2;
	v18 =	vbroadcast v18, $0xF;
	v21 =	vadd.f32 v59, v21;
	v25 =	vmul.f32 v25, v11;
	v26 =	vld [tilespmem:s12+$0x0]  }
0x2dc: {  	v60 =	vld [tilespmem:s13+$0x0];
	s2 =	sor.u32 s29, s2;
	v61 =	vmul.f32 v38, v17;
	v22 =	vmul.f32 v22, v12;
	v23 =	vadd.f32 v31, v23  }
0x2dd: {  	s15 =	sor.u32 s1, s7;
	v19 =	vmul.f32 v19, v18;
	v31 =	vld [tilespmem:s2+$0x0];
	v20 =	vadd.f32 v25, v20;
	v25 =	vmul.f32 v27, v12  }
0x2de: {  	s18 =	sor.u32 s29, s7;
	v21 =	vadd.f32 v22, v21;
	v27 =	vld [tilespmem:s15+$0x0];
	v22 =	vadd.f32 v32, v23;
	v23 =	vmul.f32 v28, v13  }
0x2df: {  	s19 =	sor.u32 s30, s6;
	v24 =	vadd.f32 v61, v24;
	v20 =	vadd.f32 v25, v20;
	v28 =	vld [tilespmem:s18+$0x0];
	v25 =	vmul.f32 v30, v13  }
0x2e0: {  	s22 =	sor.u32 s29, s6;
	v30 =	vld [tilespmem:s19+$0x0];
	v26 =	vmul.f32 v26, v14;
	v21 =	vadd.f32 v23, v21;
	v23 =	vmul.f32 v29, v13  }
0x2e1: {  	s0 =	sshrl.u32 s0, $0x2;
	s20 =	sor.u32 s1, s6;
	v24 =	vadd.f32 v19, v24;
	v19 =	vld [tilespmem:s22+$0x0];
	v25 =	vadd.f32 v25, v22;
	v29 =	vmul.f32 v60, v14  }
0x2e2: {  	s23 =	sor.u32 s30, s3;
	s0 =	sadd.s32 $0x19C80, s0;
	v22 =	vld [tilespmem:s20+$0x0];
	v23 =	vadd.f32 v23, v20;
	v26 =	vadd.f32 v26, v21;
	v21 =	vmul.f32 v31, v14  }
0x2e3: {  	s28 =	sor.u32 s24, s0;
	s31 =	sor.u32 s29, s0;
	s25 =	sor.u32 s1, s3;
	v63 =	vmul.f32 v27, v15;
	v29 =	vadd.f32 v29, v25;
	v20 =	vld [tilespmem:s23+$0x0];
	v31 =	vmul.f32 v62, v15  }
0x2e4: {  	s7 =	sor.u32 s30, s4;
	s6 =	sor.u32 s1, s4;
	s26 =	sor.u32 s29, s3;
	v28 =	vmul.f32 v28, v15;
	v25 =	vadd.f32 v21, v23;
	v21 =	vld [tilespmem:s25+$0x0]  }
0x2e5: {  	s4 =	sor.u32 s29, s4;
	s3 =	sor.u32 s1, s0;
	s15 =	sor.u32 s30, s0;
	[tilespmem:s28+$0x0] =	vst v24;
	v27 =	vmul.f32 v30, v16;
	v23 =	vld [tilespmem:s26+$0x0];
	v26 =	vadd.f32 v31, v26;
	v24 =	vadd.f32 v63, v29  }
.LBB2_9:
0x2e6: {  	s21 =	sadd.s32 $0x40, s21;
	s17 =	sadd.s32 $0x40, s17;
	s16 =	sadd.s32 $0x200, s16;
	v29 =	vld [tilespmem:s4+$0x0]  }
0x2e7: {  	v25 =	vadd.f32 v28, v25;
	v28 =	vld [tilespmem:s7+$0x0];
	[dreg:$0xd] =	wrdreg s17;
	s0 =	sand.u32 $0x40, s21;
	s24 =	sand.u32 $0x1C00, s16;
	v22 =	vmul.f32 v22, v16  }
0x2e8: {  	v26 =	vadd.f32 v27, v26;
	v27 =	vld [tilespmem:s6+$0x0];
	s5 =	sand.u32 $0x380, s21;
	s2 =	sadd.s32 $0xD400, s24;
	s1 =	sor.u32 $0x30, s0;
	v19 =	vmul.f32 v19, v16  }
0x2e9: {  	[dreg:$0x6] =	wrdreg s16;
	s12 =	sor.u32 $0x1000, s5;
	s13 =	sor.u32 s1, s2;
	v20 =	vmul.f32 v20, v17;
	v22 =	vadd.f32 v22, v24;
	v24 =	vld [tilespmem:s17+$0x0]  }
0x2ea: {  	s29 =	sor.u32 $0x10, s0;
	s14 =	sadd.s32 $0xD480, s24;
	v21 =	vmul.f32 v21, v17;
	v19 =	vadd.f32 v19, v25;
	s17 =	sor.u32 s1, s12;
	v25 =	vld [tilespmem:s13+$0x0]  }
0x2eb: {  	s30 =	sor.u32 $0x20, s0;
	s9 =	sadd.s32 $0xD500, s24;
	s19 =	sor.u32 s1, s14;
	v23 =	vmul.f32 v23, v17;
	v20 =	vadd.f32 v20, v26;
	v26 =	vld [tilespmem:s17+$0x0]  }
0x2ec: {  	s23 =	sadd.s32 $0xD580, s24;
	s26 =	sadd.s32 $0xD600, s24;
	s18 =	sor.u32 s29, s2;
	v28 =	vmul.f32 v28, v18;
	v21 =	vadd.f32 v21, v22;
	v22 =	vld [tilespmem:s19+$0x0]  }
0x2ed: {  	s8 =	sor.u32 s30, s2;
	s2 =	sor.u32 s0, s2;
	s22 =	sor.u32 s1, s9;
	v19 =	vadd.f32 v23, v19;
	v23 =	vmul.f32 v27, v18;
	v27 =	vld [tilespmem:s18+$0x0]  }
0x2ee: {  	s20 =	sor.u32 s29, s12;
	s16 =	sor.u32 s30, s12;
	s11 =	sor.u32 s30, s9;
	v20 =	vadd.f32 v28, v20;
	v28 =	vld [tilespmem:s22+$0x0]  }
0x2ef: {  	s25 =	sor.u32 s1, s23;
	s10 =	sor.u32 s0, s9;
	s7 =	sor.u32 s29, s23;
	v29 =	vmul.f32 v29, v18;
	v21 =	vadd.f32 v23, v21;
	v23 =	vld [tilespmem:s8+$0x0]  }
0x2f0: {  	s4 =	sor.u32 s0, s23;
	s6 =	sor.u32 s30, s23;
	s18 =	sor.u32 s29, s14;
	[tilespmem:s15+$0x0] =	vst v20;
	v20 =	vld [tilespmem:s25+$0x0];
	v25 =	vmul.f32 v25, v3  }
0x2f1: {  	s28 =	sor.u32 s1, s26;
	s5 =	sor.u32 s29, s26;
	s13 =	sor.u32 s0, s14;
	v19 =	vadd.f32 v29, v19;
	v29 =	vld [tilespmem:s18+$0x0]  }
0x2f2: {  	s12 =	sor.u32 s29, s9;
	s14 =	sor.u32 s30, s14;
	s19 =	sadd.s32 $0xD680, s24;
	[tilespmem:s3+$0x0] =	vst v21;
	v21 =	vld [tilespmem:s2+$0x0];
	v25 =	vadd.f32 v25, v26;
	v22 =	vmul.f32 v22, v4  }
0x2f3: {  	s9 =	sor.u32 s29, s19;
	s22 =	sor.u32 s0, s19;
	s15 =	sor.u32 s30, s26;
	v26 =	vld [tilespmem:s28+$0x0]  }
0x2f4: {  	s8 =	sor.u32 s0, s26;
	s26 =	sadd.s32 $0xD780, s24;
	[tilespmem:s31+$0x0] =	vst v19;
	s2 =	sor.u32 s1, s19;
	v19 =	vmul.f32 v27, v3;
	v27 =	vld [tilespmem:s20+$0x0];
	v22 =	vadd.f32 v22, v25;
	v25 =	vmul.f32 v28, v5  }
0x2f5: {  	s3 =	sor.u32 s30, s19;
	s19 =	sor.u32 s0, s26;
	s20 =	sadd.s32 $0xD700, s24;
	v28 =	vld [tilespmem:s2+$0x0]  }
0x2f6: {  	s28 =	sor.u32 s29, s26;
	v30 =	vld [tilespmem:s16+$0x0];
	[smem:$0x7CB] =	sst s19;
	s25 =	sor.u32 s1, s20;
	v20 =	vmul.f32 v20, v6;
	v22 =	vadd.f32 v25, v22  }
0x2f7: {  	s17 =	sor.u32 s1, s26;
	s16 =	sor.u32 s30, s26;
	[smem:$0x7CA] =	sst s28;
	v21 =	vmul.f32 v21, v3;
	v25 =	vld [tilespmem:s25+$0x0]  }
0x2f8: {  	s31 =	sor.u32 s29, s20;
	s23 =	sor.u32 s30, s20;
	[dreg:$0x13] =	wrdreg s16;
	v20 =	vadd.f32 v20, v22;
	v22 =	vmul.f32 v26, v7  }
0x2f9: {  	[smem:$0x7C9] =	sst s23;
	s23 =	sor.u32 s0, s20;
	s20 =	sadd.s32 $0xF400, s24;
	v21 =	vadd.f32 v21, v24;
	v24 =	vld [tilespmem:s17+$0x0]  }
0x2fa: {  	s26 =	sor.u32 s30, s20;
	s28 =	sor.u32 s1, s20;
	s16 =	sor.u32 s0, s20;
	v26 =	vld [tilespmem:s14+$0x0];
	v20 =	vadd.f32 v22, v20;
	v22 =	vmul.f32 v28, v8  }
0x2fb: {  	s25 =	sor.u32 s29, s20;
	[dreg:$0x1d] =	wrdreg s26;
	v19 =	vadd.f32 v19, v27;
	s17 =	sadd.s32 $0xF480, s24;
	v28 =	vld [tilespmem:s28+$0x0]  }
0x2fc: {  	[smem:$0x7CD] =	sst s16;
	s26 =	sadd.s32 $0xF500, s24;
	v27 =	vmul.f32 v29, v4;
	v29 =	vld [tilespmem:s13+$0x0];
	s20 =	sor.u32 s1, s17;
	v20 =	vadd.f32 v22, v20;
	v22 =	vmul.f32 v25, v9  }
0x2fd: {  	v23 =	vmul.f32 v23, v3;
	[smem:$0x7CC] =	sst s25;
	s13 =	sor.u32 s1, s26;
	v25 =	vld [tilespmem:s20+$0x0]  }
0x2fe: {  	s14 =	sadd.s32 $0xF580, s24;
	s18 =	sor.u32 s29, s17;
	s19 =	sor.u32 s30, s17;
	v19 =	vadd.f32 v27, v19;
	v27 =	vld [tilespmem:s12+$0x0];
	v20 =	vadd.f32 v22, v20;
	v22 =	vmul.f32 v24, v10  }
0x2ff: {  	v23 =	vadd.f32 v23, v30;
	s25 =	sor.u32 s0, s17;
	s12 =	sor.u32 s30, s26;
	s17 =	sor.u32 s0, s26;
	v24 =	vmul.f32 v26, v4;
	v26 =	vld [tilespmem:s13+$0x0]  }
0x300: {  	v30 =	vld [tilespmem:s11+$0x0];
	s16 =	sor.u32 s30, s14;
	[dreg:$0x1e] =	wrdreg s19;
	s20 =	sor.u32 s1, s14;
	v20 =	vadd.f32 v22, v20;
	v22 =	vmul.f32 v28, v11  }
0x301: {  	[smem:$0x7CE] =	sst s25;
	s28 =	sor.u32 s29, s26;
	s26 =	sadd.s32 $0xF600, s24;
	v23 =	vadd.f32 v24, v23;
	v24 =	vld [tilespmem:s20+$0x0]  }
0x302: {  	s19 =	sor.u32 s29, s14;
	[smem:$0x7D0] =	sst s16;
	s11 =	sor.u32 s1, s26;
	v28 =	vmul.f32 v29, v4;
	v29 =	vld [tilespmem:s10+$0x0];
	v20 =	vadd.f32 v22, v20;
	v22 =	vmul.f32 v25, v12  }
0x303: {  	s25 =	sor.u32 s0, s14;
	s16 =	sor.u32 s0, s26;
	s13 =	sadd.s32 $0xF680, s24;
	v25 =	vmul.f32 v27, v5;
	v27 =	vld [tilespmem:s11+$0x0]  }
0x304: {  	s14 =	sor.u32 s29, s26;
	s10 =	sor.u32 s30, s26;
	s26 =	sor.u32 s1, s13;
	v21 =	vadd.f32 v28, v21;
	v28 =	vld [tilespmem:s7+$0x0];
	v20 =	vadd.f32 v22, v20;
	v22 =	vmul.f32 v26, v13  }
0x305: {  	s2 =	sadd.s32 $0xF700, s24;
	v19 =	vadd.f32 v25, v19;
	v25 =	vmul.f32 v30, v5;
	v26 =	vld [tilespmem:s26+$0x0]  }
0x306: {  	s20 =	sor.u32 s30, s13;
	[smem:$0x7D1] =	sst s10;
	s7 =	sor.u32 s1, s2;
	v30 =	vld [tilespmem:s6+$0x0];
	v20 =	vadd.f32 v22, v20;
	v22 =	vmul.f32 v24, v14  }
0x307: {  	[smem:$0x7D2] =	sst s20;
	s20 =	sor.u32 s30, s2;
	s26 =	sadd.s32 $0xF780, s24;
	v24 =	vmul.f32 v29, v5;
	v23 =	vadd.f32 v25, v23;
	v25 =	vld [tilespmem:s7+$0x0]  }
0x308: {  	s10 =	sor.u32 s0, s2;
	s11 =	sor.u32 s29, s2;
	s2 =	sor.u32 s1, s26;
	v29 =	vld [tilespmem:s4+$0x0];
	v20 =	vadd.f32 v22, v20;
	v22 =	vmul.f32 v27, v15  }
0x309: {  	v21 =	vadd.f32 v24, v21;
	v24 =	vmul.f32 v28, v6;
	v27 =	vld [tilespmem:s2+$0x0]  }
0x30a: {  	v28 =	vld [tilespmem:s5+$0x0];
	v20 =	vadd.f32 v22, v20;
	v22 =	vmul.f32 v26, v16  }
0x30b: {  	v19 =	vadd.f32 v24, v19;
	v26 =	vld [tilespmem:s15+$0x0]  }
0x30c: {  	v24 =	vmul.f32 v30, v6;
	v30 =	vld [tilespmem:s8+$0x0];
	v20 =	vadd.f32 v22, v20;
	v22 =	vmul.f32 v25, v17  }
0x30d: {  	s6 =	sor.u32 s30, s26;
	v25 =	vmul.f32 v29, v6;
	v29 =	vld [tilespmem:s9+$0x0]  }
0x30e: {  	s7 =	sor.u32 s29, s26;
	s4 =	sor.u32 s0, s26;
	s26 =	sld [smem:$0x7C9];
	v23 =	vadd.f32 v24, v23;
	v24 =	vld [tilespmem:s3+$0x0];
	v20 =	vadd.f32 v22, v20  }
0x30f: {  	[smem:$0x7CF] =	sst s12;
	s24 =	sshrl.u32 s24, $0x2;
	v22 =	vmul.f32 v27, v18;
	v21 =	vadd.f32 v25, v21;
	v25 =	vld [tilespmem:s22+$0x0];
	v27 =	vmul.f32 v28, v7  }
0x310: {  	s12 =	sor.u32 s29, s13;
	s2 =	sadd.s32 $0x19C80, s24;
	s5 =	sld [smem:$0x7CB];
	v28 =	vld [tilespmem:s31+$0x0]  }
0x311: {  	s15 =	sor.u32 s29, s2;
	s29 =	sor.u32 s1, s2;
	s1 =	sld [smem:$0x7CA];
	v26 =	vmul.f32 v26, v7;
	v19 =	vadd.f32 v27, v19;
	v27 =	vld [tilespmem:s26+$0x0]  }
0x312: {  	s8 =	sld [smem:$0x7CC];
	v20 =	vadd.f32 v22, v20;
	v22 =	vmul.f32 v30, v7;
	v30 =	vld [tilespmem:s23+$0x0]  }
0x313: {  	s22 =	sld [smem:$0x7CD];
	v23 =	vadd.f32 v26, v23;
	v26 =	vld [tilespmem:s5+$0x0]  }
0x314: {  	s3 =	sor.u32 s30, s2;
	s31 =	sor.u32 s0, s2;
	s2 =	rddreg [dreg:$0x13];
	v29 =	vmul.f32 v29, v8;
	[tilespmem:s29+$0x0] =	vst v20;
	v20 =	vadd.f32 v22, v21;
	v21 =	vld [tilespmem:s1+$0x0]  }
0x315: {  	v22 =	vmul.f32 v24, v8;
	v24 =	vmul.f32 v25, v8;
	v25 =	vld [tilespmem:s2+$0x0]  }
0x316: {  	s24 =	sld [smem:$0x7CE];
	v19 =	vadd.f32 v29, v19;
	v28 =	vmul.f32 v28, v9;
	v29 =	vld [tilespmem:s22+$0x0]  }
0x317: {  	s9 =	rddreg [dreg:$0x1d];
	v22 =	vadd.f32 v22, v23;
	v23 =	vld [tilespmem:s8+$0x0];
	v20 =	vadd.f32 v24, v20;
	v24 =	vmul.f32 v27, v9  }
0x318: {  	v27 =	vmul.f32 v30, v9;
	v19 =	vadd.f32 v28, v19;
	v28 =	vld [tilespmem:s9+$0x0]  }
0x319: {  	v21 =	vmul.f32 v21, v10;
	v22 =	vadd.f32 v24, v22;
	v24 =	vld [tilespmem:s18+$0x0]  }
0x31a: {  	s23 =	rddreg [dreg:$0x1e];
	v20 =	vadd.f32 v27, v20;
	v27 =	vld [tilespmem:s24+$0x0];
	v25 =	vmul.f32 v25, v10  }
0x31b: {  	s26 =	sld [smem:$0x7CF];
	v26 =	vmul.f32 v26, v10;
	v19 =	vadd.f32 v21, v19;
	v21 =	vld [tilespmem:s23+$0x0]  }
0x31c: {  	v23 =	vmul.f32 v23, v11;
	v22 =	vadd.f32 v25, v22;
	v25 =	vld [tilespmem:s28+$0x0]  }
0x31d: {  	v20 =	vadd.f32 v26, v20;
	v26 =	vmul.f32 v28, v11;
	v28 =	vmul.f32 v29, v11;
	v29 =	vld [tilespmem:s17+$0x0]  }
0x31e: {  	s28 =	sld [smem:$0x7D0];
	v19 =	vadd.f32 v23, v19;
	v23 =	vld [tilespmem:s26+$0x0]  }
0x31f: {  	v24 =	vmul.f32 v24, v12;
	v22 =	vadd.f32 v26, v22;
	v26 =	vld [tilespmem:s19+$0x0]  }
0x320: {  	s29 =	sld [smem:$0x7D1];
	v20 =	vadd.f32 v28, v20;
	v27 =	vmul.f32 v27, v12;
	v28 =	vld [tilespmem:s25+$0x0]  }
0x321: {  	v21 =	vmul.f32 v21, v12;
	v19 =	vadd.f32 v24, v19;
	v24 =	vld [tilespmem:s28+$0x0]  }
0x322: {  	v20 =	vadd.f32 v27, v20;
	v27 =	vld [tilespmem:s14+$0x0];
	v25 =	vmul.f32 v25, v13  }
0x323: {  	s30 =	sld [smem:$0x7D2];
	v21 =	vadd.f32 v21, v22;
	v22 =	vmul.f32 v23, v13;
	v23 =	vmul.f32 v29, v13;
	v29 =	vld [tilespmem:s29+$0x0]  }
0x324: {  	v30 =	vld [tilespmem:s16+$0x0]  }
0x325: {  	p1 =	slt.u32 s21, $0x3C0;
	v31 =	vld [tilespmem:s12+$0x0];
	v19 =	vadd.f32 v25, v19;
	v25 =	vmul.f32 v26, v14;
	v21 =	vadd.f32 v22, v21  }
.Ltmp3:
0x326: {  	s13 =	sor.u32 s0, s13;
	v20 =	vadd.f32 v23, v20;
	v22 =	vld [tilespmem:s30+$0x0];
	v23 =	vmul.f32 v24, v14;
	v24 =	vmul.f32 v28, v14;
	(pc) =	sbr.rel @p1 .LBB2_9-.Ltmp3, $4  }
0x327: {  	v26 =	vadd.f32 v25, v19;
	v19 =	vld [tilespmem:s13+$0x0];
	v27 =	vmul.f32 v27, v15  }
0x328: {  	v32 =	vadd.f32 v23, v21;
	v25 =	vadd.f32 v24, v20;
	v20 =	vld [tilespmem:s11+$0x0];
	v24 =	vmul.f32 v29, v15  }
0x329: {  	s16 =	rddreg [dreg:$0x6];
	v28 =	vmul.f32 v30, v15;
	v21 =	vld [tilespmem:s20+$0x0]  }
0x32a: {  	s17 =	rddreg [dreg:$0xd];
	v26 =	vadd.f32 v27, v26;
	v23 =	vld [tilespmem:s10+$0x0];
	v27 =	vmul.f32 v31, v16;
	v24 =	vadd.f32 v24, v32  }
0x32b: {  	v3 =	vld [tilespmem:s7+$0x0];
	_ =	sdelay $0x1  }
0x32c: {  	v4 =	vld [tilespmem:s6+$0x0];
	v6 =	vmul.f32 v22, v16  }
0x32d: {  	v8 =	vld [tilespmem:s4+$0x0];
	v9 =	vadd.f32 v27, v26;
	v10 =	vmul.f32 v20, v17  }
0x32e: {  	v5 =	vadd.f32 v28, v25;
	v7 =	vmul.f32 v19, v16;
	v6 =	vadd.f32 v6, v24  }
0x32f: {  	v62 =	vmul.f32 v21, v17;
	v9 =	vadd.f32 v10, v9;
	v3 =	vmul.f32 v3, v18  }
0x330: {  	v5 =	vadd.f32 v7, v5;
	v11 =	vmul.f32 v23, v17  }
0x331: {  	v6 =	vadd.f32 v62, v6;
	v4 =	vmul.f32 v4, v18;
	v3 =	vadd.f32 v3, v9  }
0x332: {  	v63 =	vmul.f32 v8, v18;
	v5 =	vadd.f32 v11, v5  }
0x333: {  	s0 =	sld [smem:$0x7DD];
	v4 =	vadd.f32 v4, v6;
	[tilespmem:s15+$0x0] =	vst v3  }
0x334: {  	v5 =	vadd.f32 v63, v5;
	s1 =	sld [smem:$0x7F9]  }
0x335: {  	s26 =	sld [smem:$0x7DE];
	[tilespmem:s3+$0x0] =	vst v4  }
0x336: {  	[tilespmem:s31+$0x0] =	vst v5  }
0x337: {  	s31 =	sld [smem:$0x7F2];
	_ =	sdelay $0x2  }
0x338: {  	p1 =	sne.s32 s31, $0x14  }
.Ltmp4:
0x339: {  	s0 =	sshll.u32 s0, $0x8;
	(pc) =	sbr.rel @p1 .LBB2_12-.Ltmp4, $4  }
0x33a: {  	s2 =	rddreg [dreg:$0x3];
	s0 =	sadd.s32 s1, s0;
	s1 =	sand.u32 $0x60, s26  }
0x33b: {  	s28 =	simm.s32 $0x100;
	s0 =	sand.u32 $0xFFC00, s0;
	s1 =	sadd.s32 s2, s1  }
0x33c: {  	s29 =	simm.s32 $0x400;
	s30 =	simm.s32 $0x19C00;
	s0 =	sadd.s32 s0, s1  }
0x33d: {  	[hbm4b:s0+s28] =	stream.strided.scatter [tilespmem:s30], [sflag:$0x5], $0x800, s29, s28, $0x38;
	[tilespmem:$0x1AC00] =	vst v63  }
.Ltmp5:
0x33e: {  	(pc) =	sbr.rel .LBB2_13-.Ltmp5, $4  }
0x33f: {  	s0 =	simm.s32 $0x3  }
0x340: {  	_ =	swait.ge [sflag:s0], $0x8000  }
0x341: {  	[sflag:s0] =	ssyncset.done $0x0  }
0x342: {  	[sflag:s0] =	ssyncadd.s32 $0xFFFF8000  }
.LBB2_12:
0x343: {  	s6 =	sld [smem:$0x7F3];
	_ =	sdelay $0x2  }
0x344: {  	v3 =	vld [tilespmem:s6+$0x80];
	_ =	sdelay $0x4  }
0x345: {  	v4 =	vshll.u32 v3, $0x3  }
0x346: {  	v3 =	vand.u32 $0x7, v3;
	v4 =	vand.u32 $0xFFFFFFC0, v4  }
0x347: {  	v3 =	vor.u32 v3, v4  }
0x348: {  	v4 =	vperm.xlane v3, v0;
	_ =	sdelay $0x1  }
0x349: {  	v4 =	vadd.s32 v1, v4;
	_ =	sdelay $0x2  }
0x34a: {  	s0 =	rddreg [dreg:$0x1]  }
0x34b: {  	s1 =	simm.s32 $0x0;
	s2 =	simm.s32 $0x9400;
	s15 =	sld [smem:$0x7F7]  }
0x34c: {  	[tilespmem:s2], [sflag:$0x2] =	stream.indirect_vreg.gather [hbm4b:s0+s1], $0x80, v4, vm0, $0xb8;
	[tilespmem:$0x1AC00] =	vst v63  }
0x34d: {  	s3 =	simm.s32 $0x9C00;
	s16 =	sld [smem:$0x7F8];
	v3 =	vperm.xlane v3, v2  }
0x34e: {  	[tilespmem:s3], [sflag:$0x2] =	stream.indirect_vreg.gather [hbm4b:s15+s1], $0x80, v4, vm0, $0xb8;
	[tilespmem:$0x1AC00] =	vst v63  }
0x34f: {  	s4 =	simm.s32 $0xA400;
	s17 =	sld [smem:$0x7FA];
	v3 =	vadd.s32 v1, v3  }
0x350: {  	[tilespmem:s4], [sflag:$0x2] =	stream.indirect_vreg.gather [hbm4b:s16+s1], $0x80, v4, vm0, $0xb8;
	[tilespmem:$0x1AC00] =	vst v63  }
0x351: {  	s5 =	simm.s32 $0xAC00  }
0x352: {  	[tilespmem:s5], [sflag:$0x2] =	stream.indirect_vreg.gather [hbm4b:s17+s1], $0x80, v4, vm0, $0xb8;
	[tilespmem:$0x1AC00] =	vst v63  }
0x353: {  	s18 =	simm.s32 $0xB400  }
0x354: {  	[tilespmem:s18], [sflag:$0x2] =	stream.indirect_vreg.gather [hbm4b:s0+s1], $0x80, v3, vm0, $0xb8;
	[tilespmem:$0x1AC00] =	vst v63  }
0x355: {  	s19 =	simm.s32 $0xBC00  }
0x356: {  	[tilespmem:s19], [sflag:$0x2] =	stream.indirect_vreg.gather [hbm4b:s15+s1], $0x80, v3, vm0, $0xb8;
	[tilespmem:$0x1AC00] =	vst v63  }
0x357: {  	s20 =	simm.s32 $0xC400  }
0x358: {  	[tilespmem:s20], [sflag:$0x2] =	stream.indirect_vreg.gather [hbm4b:s16+s1], $0x80, v3, vm0, $0xb8;
	[tilespmem:$0x1AC00] =	vst v63  }
0x359: {  	s21 =	simm.s32 $0xCC00  }
0x35a: {  	[tilespmem:s21], [sflag:$0x2] =	stream.indirect_vreg.gather [hbm4b:s17+s1], $0x80, v3, vm0, $0xb8;
	[tilespmem:$0x1AC00] =	vst v63  }
0x35b: {  	v3 =	vld [tilespmem:s6+$0x90];
	_ =	sdelay $0x4  }
0x35c: {  	v63 =	vshll.u32 v3, $0x3  }
0x35d: {  	v3 =	vand.u32 $0x7, v3;
	v4 =	vand.u32 $0xFFFFFFC0, v63  }
0x35e: {  	v3 =	vor.u32 v3, v4  }
0x35f: {  	v4 =	vperm.xlane v3, v0;
	_ =	sdelay $0x1  }
0x360: {  	v4 =	vadd.s32 v1, v4;
	_ =	sdelay $0x3  }
0x361: {  	s22 =	simm.s32 $0xD400  }
0x362: {  	[tilespmem:s22], [sflag:$0x2] =	stream.indirect_vreg.gather [hbm4b:s0+s1], $0x80, v4, vm0, $0xb8;
	[tilespmem:$0x1AC00] =	vst v63  }
0x363: {  	s23 =	simm.s32 $0xDC00;
	v3 =	vperm.xlane v3, v2  }
0x364: {  	[tilespmem:s23], [sflag:$0x2] =	stream.indirect_vreg.gather [hbm4b:s15+s1], $0x80, v4, vm0, $0xb8;
	[tilespmem:$0x1AC00] =	vst v63  }
0x365: {  	s24 =	simm.s32 $0xE400;
	v3 =	vadd.s32 v1, v3  }
0x366: {  	[tilespmem:s24], [sflag:$0x2] =	stream.indirect_vreg.gather [hbm4b:s16+s1], $0x80, v4, vm0, $0xb8;
	[tilespmem:$0x1AC00] =	vst v63  }
0x367: {  	s25 =	simm.s32 $0xEC00  }
0x368: {  	[tilespmem:s25], [sflag:$0x2] =	stream.indirect_vreg.gather [hbm4b:s17+s1], $0x80, v4, vm0, $0xb8;
	[tilespmem:$0x1AC00] =	vst v63  }
0x369: {  	s26 =	simm.s32 $0xF400  }
0x36a: {  	[tilespmem:s26], [sflag:$0x2] =	stream.indirect_vreg.gather [hbm4b:s0+s1], $0x80, v3, vm0, $0xb8;
	[tilespmem:$0x1AC00] =	vst v63  }
0x36b: {  	s28 =	simm.s32 $0xFC00  }
0x36c: {  	[tilespmem:s28], [sflag:$0x2] =	stream.indirect_vreg.gather [hbm4b:s15+s1], $0x80, v3, vm0, $0xb8;
	[tilespmem:$0x1AC00] =	vst v63  }
0x36d: {  	s29 =	simm.s32 $0x10400  }
0x36e: {  	[tilespmem:s29], [sflag:$0x2] =	stream.indirect_vreg.gather [hbm4b:s16+s1], $0x80, v3, vm0, $0xb8;
	[tilespmem:$0x1AC00] =	vst v63  }
.Ltmp6:
0x36f: {  	s30 =	simm.s32 $0x10C00;
	s31 =	simm.s32 $0x3;
	(pc) =	sbr.rel @p0 .LBB2_14-.Ltmp6, $4  }
0x370: {  	[tilespmem:s30], [sflag:$0x2] =	stream.indirect_vreg.gather [hbm4b:s17+s1], $0x80, v3, vm0, $0xb8;
	[tilespmem:$0x1AC00] =	vst v63  }
0x371: {  	_ =	swait.ge [sflag:s31], $0x8000  }
0x372: {  	[sflag:s31] =	ssyncset.done $0x0  }
0x373: {  	[sflag:s31] =	ssyncadd.s32 $0xFFFF8000  }
.LBB2_13:
0x374: {  	s0 =	simm.s32 $0x6  }
0x375: {  	_ =	swait.ge [sflag:s0], $0x800  }
0x376: {  	[sflag:s0] =	ssyncset.done $0x0  }
0x377: {  	[sflag:s0] =	ssyncadd.s32 $0xFFFFF800  }
.LBB2_14:
0x378: {  	s16 =	simm.s32 $0x0;
	s20 =	simm.s32 $0x0;
	s1 =	sld [smem:$0x7F1]  }
0x379: {  	s17 =	simm.s32 $0x1000;
	s24 =	sand.u32 $0x40, s20;
	s0 =	sand.u32 $0x1C00, s16  }
0x37a: {  	s13 =	sand.u32 $0x380, s20;
	v15 =	vld [tilespmem:s17+$0x0];
	s2 =	sadd.s32 $0x11400, s0;
	s25 =	sor.u32 $0x30, s24  }
0x37b: {  	s3 =	sor.u32 $0x1000, s13;
	v18 =	vld [tilespmem:s1+$0x800];
	s14 =	sor.u32 s25, s2  }
0x37c: {  	s5 =	sadd.s32 $0x11480, s0;
	s4 =	sor.u32 s25, s3;
	v5 =	vld [tilespmem:s14+$0x0]  }
0x37d: {  	s26 =	sor.u32 $0x10, s24;
	s15 =	sor.u32 s25, s5;
	v6 =	vld [tilespmem:s4+$0x0]  }
0x37e: {  	s6 =	sadd.s32 $0x11500, s0;
	s18 =	sor.u32 s26, s2;
	v7 =	vld [tilespmem:s15+$0x0]  }
0x37f: {  	s13 =	sadd.s32 $0x11600, s0;
	s7 =	sor.u32 s25, s6;
	v16 =	vld [tilespmem:s18+$0x0]  }
0x380: {  	s21 =	sor.u32 s25, s13;
	v8 =	vld [tilespmem:s7+$0x0]  }
0x381: {  	s12 =	sadd.s32 $0x11680, s0;
	s22 =	sor.u32 s26, s3;
	v10 =	vld [tilespmem:s21+$0x0]  }
0x382: {  	s23 =	sor.u32 s25, s12;
	v21 =	vld [tilespmem:s22+$0x0]  }
0x383: {  	s11 =	sadd.s32 $0x11700, s0;
	s28 =	sor.u32 s26, s5;
	v11 =	vld [tilespmem:s23+$0x0]  }
0x384: {  	s10 =	sadd.s32 $0x11780, s0;
	s29 =	sor.u32 s25, s11;
	v22 =	vld [tilespmem:s28+$0x0]  }
0x385: {  	s1 =	sor.u32 $0x20, s24;
	s30 =	sor.u32 s25, s10;
	v12 =	vld [tilespmem:s29+$0x0]  }
0x386: {  	s8 =	sor.u32 s1, s2;
	v14 =	vld [tilespmem:s30+$0x0]  }
0x387: {  	s2 =	sor.u32 s24, s2;
	v17 =	vld [tilespmem:s8+$0x0]  }
0x388: {  	s3 =	sor.u32 s1, s3;
	v20 =	vld [tilespmem:s2+$0x0]  }
0x389: {  	s31 =	sor.u32 s1, s5;
	v23 =	vld [tilespmem:s3+$0x0]  }
0x38a: {  	s7 =	sor.u32 s24, s5;
	v24 =	vld [tilespmem:s31+$0x0];
	v3 =	vbroadcast v18, $0x0  }
0x38b: {  	s4 =	sadd.s32 $0x11580, s0;
	s15 =	sor.u32 s26, s6;
	v26 =	vld [tilespmem:s7+$0x0]  }
0x38c: {  	s9 =	sadd.s32 $0x13400, s0;
	s19 =	sor.u32 s25, s4;
	v28 =	vld [tilespmem:s15+$0x0];
	v4 =	vbroadcast v18, $0x1;
	v13 =	vmul.f32 v5, v3  }
0x38d: {  	s5 =	sadd.s32 $0x13500, s0;
	s3 =	sor.u32 s25, s9;
	v9 =	vld [tilespmem:s19+$0x0]  }
0x38e: {  	s18 =	sor.u32 s25, s5;
	v25 =	vld [tilespmem:s3+$0x0];
	v5 =	vbroadcast v18, $0x2;
	v7 =	vmul.f32 v7, v4;
	v13 =	vadd.f32 v13, v6  }
0x38f: {  	s28 =	sor.u32 s1, s4;
	v29 =	vld [tilespmem:s18+$0x0]  }
0x390: {  	s15 =	sor.u32 s24, s4;
	v37 =	vld [tilespmem:s28+$0x0];
	v6 =	vbroadcast v18, $0x3;
	v8 =	vmul.f32 v8, v5;
	v13 =	vadd.f32 v7, v13  }
0x391: {  	s8 =	sadd.s32 $0x13480, s0;
	s31 =	sor.u32 s26, s13;
	v40 =	vld [tilespmem:s15+$0x0]  }
0x392: {  	s14 =	sor.u32 s25, s8;
	v41 =	vld [tilespmem:s31+$0x0];
	v7 =	vbroadcast v18, $0x4;
	v9 =	vmul.f32 v9, v6;
	v13 =	vadd.f32 v8, v13  }
0x393: {  	s2 =	sadd.s32 $0x13580, s0;
	s19 =	sor.u32 s1, s6;
	v27 =	vld [tilespmem:s14+$0x0]  }
0x394: {  	s21 =	sor.u32 s25, s2;
	v30 =	vld [tilespmem:s19+$0x0];
	v8 =	vbroadcast v18, $0x5;
	v10 =	vmul.f32 v10, v7;
	v13 =	vadd.f32 v9, v13  }
0x395: {  	s7 =	sadd.s32 $0x13600, s0;
	s6 =	sor.u32 s24, s6;
	v31 =	vld [tilespmem:s21+$0x0]  }
0x396: {  	s22 =	sor.u32 s25, s7;
	v32 =	vld [tilespmem:s6+$0x0];
	v9 =	vbroadcast v18, $0x6;
	v11 =	vmul.f32 v11, v8;
	v13 =	vadd.f32 v10, v13  }
0x397: {  	s15 =	sor.u32 s1, s13;
	v33 =	vld [tilespmem:s22+$0x0];
	v16 =	vmul.f32 v16, v3;
	v20 =	vmul.f32 v20, v3  }
0x398: {  	s18 =	sor.u32 s26, s12;
	v50 =	vld [tilespmem:s15+$0x0];
	v10 =	vbroadcast v18, $0x7;
	v36 =	vmul.f32 v12, v9;
	v19 =	vadd.f32 v11, v13  }
0x399: {  	s28 =	sor.u32 s1, s10;
	v51 =	vld [tilespmem:s18+$0x0];
	v17 =	vmul.f32 v17, v3;
	v26 =	vmul.f32 v26, v4  }
0x39a: {  	s3 =	sadd.s32 $0x13700, s0;
	s14 =	sor.u32 s26, s4;
	v53 =	vld [tilespmem:s28+$0x0];
	v11 =	vbroadcast v18, $0x8;
	v39 =	vmul.f32 v14, v10;
	v36 =	vadd.f32 v36, v19  }
0x39b: {  	s29 =	sor.u32 s25, s3;
	v34 =	vld [tilespmem:s14+$0x0];
	v16 =	vadd.f32 v16, v21;
	v21 =	vmul.f32 v22, v4;
	v20 =	vadd.f32 v20, v15  }
0x39c: {  	s13 =	sor.u32 s24, s13;
	v38 =	vld [tilespmem:s29+$0x0];
	v12 =	vbroadcast v18, $0x9;
	v25 =	vmul.f32 v25, v11;
	v36 =	vadd.f32 v39, v36  }
0x39d: {  	s6 =	sadd.s32 $0x13680, s0;
	s15 =	sor.u32 s26, s7;
	v22 =	vld [tilespmem:s13+$0x0];
	v17 =	vadd.f32 v17, v23;
	v15 =	vbroadcast v18, $0xC;
	v16 =	vadd.f32 v21, v16  }
0x39e: {  	s23 =	sor.u32 s25, s6;
	v62 =	vld [tilespmem:s15+$0x0];
	v13 =	vbroadcast v18, $0xA;
	v27 =	vmul.f32 v27, v12;
	v25 =	vadd.f32 v25, v36  }
0x39f: {  	s19 =	sor.u32 s1, s12;
	v35 =	vld [tilespmem:s23+$0x0];
	v21 =	vmul.f32 v24, v4;
	v20 =	vadd.f32 v26, v20;
	v52 =	vmul.f32 v37, v6  }
0x3a0: {  	s29 =	sor.u32 s26, s9;
	v23 =	vld [tilespmem:s19+$0x0];
	v14 =	vbroadcast v18, $0xB;
	v24 =	vadd.f32 v27, v25;
	v25 =	vmul.f32 v29, v13  }
0x3a1: {  	s21 =	sor.u32 s26, s11;
	s22 =	sor.u32 s1, s11;
	s11 =	sor.u32 s24, s11;
	v55 =	vld [tilespmem:s29+$0x0];
	v17 =	vadd.f32 v21, v17;
	v21 =	vmul.f32 v28, v5;
	v54 =	vmul.f32 v41, v7  }
0x3a2: {  	s4 =	sadd.s32 $0x13780, s0;
	v26 =	vld [tilespmem:s11+$0x0];
	v22 =	vmul.f32 v22, v7;
	v24 =	vadd.f32 v25, v24;
	v25 =	vmul.f32 v31, v14  }
0x3a3: {  	s30 =	sor.u32 s25, s4;
	v28 =	vld [tilespmem:s21+$0x0];
	v21 =	vadd.f32 v21, v16;
	v16 =	vmul.f32 v32, v5;
	v57 =	vmul.f32 v51, v8  }
0x3a4: {  	s12 =	sor.u32 s24, s12;
	v19 =	vld [tilespmem:s30+$0x0];
	v29 =	vmul.f32 v30, v5;
	v24 =	vadd.f32 v25, v24;
	v25 =	vmul.f32 v33, v15  }
0x3a5: {  	v23 =	vmul.f32 v23, v8;
	v20 =	vadd.f32 v16, v20;
	v27 =	vld [tilespmem:s12+$0x0];
	v31 =	vmul.f32 v34, v6  }
0x3a6: {  	s23 =	sor.u32 s26, s10;
	v30 =	vld [tilespmem:s22+$0x0];
	v17 =	vadd.f32 v29, v17;
	v24 =	vadd.f32 v25, v24;
	v25 =	vmul.f32 v40, v6  }
0x3a7: {  	s10 =	sor.u32 s24, s10;
	v16 =	vbroadcast v18, $0xD;
	v26 =	vmul.f32 v26, v9;
	v29 =	vld [tilespmem:s23+$0x0];
	v21 =	vadd.f32 v31, v21  }
0x3a8: {  	s30 =	sor.u32 s1, s9;
	v31 =	vld [tilespmem:s10+$0x0];
	v17 =	vadd.f32 v52, v17;
	v20 =	vadd.f32 v25, v20;
	v25 =	vmul.f32 v50, v7  }
0x3a9: {  	v28 =	vmul.f32 v28, v9;
	v35 =	vmul.f32 v35, v16;
	v56 =	vld [tilespmem:s30+$0x0];
	s10 =	sor.u32 s1, s8;
	v21 =	vadd.f32 v54, v21  }
0x3aa: {  	s9 =	sor.u32 s24, s9;
	v27 =	vmul.f32 v27, v8;
	v58 =	vld [tilespmem:s10+$0x0];
	v17 =	vadd.f32 v25, v17;
	v20 =	vadd.f32 v22, v20  }
0x3ab: {  	s31 =	sor.u32 s26, s8;
	v59 =	vmul.f32 v55, v11;
	v30 =	vmul.f32 v30, v9;
	v21 =	vadd.f32 v57, v21;
	v25 =	vld [tilespmem:s9+$0x0]  }
0x3ac: {  	s11 =	sor.u32 s26, s5;
	v29 =	vmul.f32 v29, v10;
	v22 =	vld [tilespmem:s31+$0x0];
	v23 =	vadd.f32 v23, v17;
	v20 =	vadd.f32 v27, v20  }
0x3ad: {  	s8 =	sor.u32 s24, s8;
	v24 =	vadd.f32 v35, v24;
	v31 =	vmul.f32 v31, v10;
	v21 =	vadd.f32 v28, v21;
	v28 =	vld [tilespmem:s11+$0x0]  }
0x3ae: {  	s12 =	sor.u32 s1, s5;
	s5 =	sor.u32 s24, s5;
	v27 =	vld [tilespmem:s8+$0x0];
	v23 =	vadd.f32 v30, v23;
	v20 =	vadd.f32 v26, v20;
	v26 =	vmul.f32 v53, v10  }
0x3af: {  	v32 =	vmul.f32 v58, v12;
	v17 =	vbroadcast v18, $0xE;
	v21 =	vadd.f32 v29, v21;
	v29 =	vld [tilespmem:s5+$0x0]  }
0x3b0: {  	s13 =	sor.u32 s26, s2;
	v30 =	vld [tilespmem:s12+$0x0];
	v23 =	vadd.f32 v26, v23;
	v20 =	vadd.f32 v31, v20;
	v31 =	vmul.f32 v56, v11  }
0x3b1: {  	s14 =	sor.u32 s1, s2;
	v18 =	vbroadcast v18, $0xF;
	v21 =	vadd.f32 v59, v21;
	v25 =	vmul.f32 v25, v11;
	v26 =	vld [tilespmem:s13+$0x0]  }
0x3b2: {  	v60 =	vld [tilespmem:s14+$0x0];
	s2 =	sor.u32 s24, s2;
	v61 =	vmul.f32 v38, v17;
	v22 =	vmul.f32 v22, v12;
	v23 =	vadd.f32 v31, v23  }
0x3b3: {  	s18 =	sor.u32 s1, s7;
	v19 =	vmul.f32 v19, v18;
	v31 =	vld [tilespmem:s2+$0x0];
	v20 =	vadd.f32 v25, v20;
	v25 =	vmul.f32 v27, v12  }
0x3b4: {  	s19 =	sor.u32 s24, s7;
	v21 =	vadd.f32 v22, v21;
	v27 =	vld [tilespmem:s18+$0x0];
	v22 =	vadd.f32 v32, v23;
	v23 =	vmul.f32 v28, v13  }
0x3b5: {  	s21 =	sor.u32 s26, s6;
	v24 =	vadd.f32 v61, v24;
	v20 =	vadd.f32 v25, v20;
	v28 =	vld [tilespmem:s19+$0x0];
	v25 =	vmul.f32 v30, v13  }
0x3b6: {  	s23 =	sor.u32 s24, s6;
	v30 =	vld [tilespmem:s21+$0x0];
	v26 =	vmul.f32 v26, v14;
	v21 =	vadd.f32 v23, v21;
	v23 =	vmul.f32 v29, v13  }
0x3b7: {  	s0 =	sshrl.u32 s0, $0x2;
	s22 =	sor.u32 s1, s6;
	v24 =	vadd.f32 v19, v24;
	v19 =	vld [tilespmem:s23+$0x0];
	v25 =	vadd.f32 v25, v22;
	v29 =	vmul.f32 v60, v14  }
0x3b8: {  	s28 =	sor.u32 s26, s3;
	s0 =	sadd.s32 $0x1A400, s0;
	v22 =	vld [tilespmem:s22+$0x0];
	v23 =	vadd.f32 v23, v20;
	v26 =	vadd.f32 v26, v21;
	v21 =	vmul.f32 v31, v14  }
0x3b9: {  	s29 =	sor.u32 s1, s3;
	s15 =	sor.u32 s26, s0;
	s7 =	sor.u32 s26, s4;
	v63 =	vmul.f32 v27, v15;
	v29 =	vadd.f32 v29, v25;
	v20 =	vld [tilespmem:s28+$0x0];
	v31 =	vmul.f32 v62, v15  }
0x3ba: {  	s30 =	sor.u32 s24, s3;
	s3 =	sor.u32 s24, s0;
	s31 =	sor.u32 s25, s0;
	v28 =	vmul.f32 v28, v15;
	v25 =	vadd.f32 v21, v23;
	v21 =	vld [tilespmem:s29+$0x0]  }
0x3bb: {  	s6 =	sor.u32 s1, s4;
	s4 =	sor.u32 s24, s4;
	s12 =	sor.u32 s1, s0;
	[tilespmem:s31+$0x0] =	vst v24;
	v27 =	vmul.f32 v30, v16;
	v23 =	vld [tilespmem:s30+$0x0];
	v26 =	vadd.f32 v31, v26;
	v24 =	vadd.f32 v63, v29  }
.LBB2_15:
0x3bc: {  	s17 =	sadd.s32 $0x40, s17  }
0x3bd: {  	s16 =	sadd.s32 $0x200, s16;
	[dreg:$0xe] =	wrdreg s17  }
0x3be: {  	s20 =	sadd.s32 $0x40, s20;
	v29 =	vld [tilespmem:s4+$0x0];
	[dreg:$0xa] =	wrdreg s16;
	s24 =	sand.u32 $0x1C00, s16  }
0x3bf: {  	v25 =	vadd.f32 v28, v25;
	v28 =	vld [tilespmem:s7+$0x0];
	s0 =	sand.u32 $0x40, s20;
	s5 =	sand.u32 $0x380, s20;
	s2 =	sadd.s32 $0x11400, s24;
	v22 =	vmul.f32 v22, v16  }
0x3c0: {  	v26 =	vadd.f32 v27, v26;
	v27 =	vld [tilespmem:s6+$0x0];
	s1 =	sor.u32 $0x30, s0;
	s25 =	sor.u32 $0x10, s0;
	s13 =	sor.u32 $0x1000, s5;
	v19 =	vmul.f32 v19, v16  }
0x3c1: {  	s16 =	sadd.s32 $0x11480, s24;
	s26 =	sor.u32 $0x20, s0;
	s14 =	sor.u32 s1, s2;
	v20 =	vmul.f32 v20, v17;
	v22 =	vadd.f32 v22, v24;
	v24 =	vld [tilespmem:s17+$0x0]  }
0x3c2: {  	s9 =	sadd.s32 $0x11500, s24;
	s29 =	sadd.s32 $0x11580, s24;
	s21 =	sor.u32 s1, s13;
	v21 =	vmul.f32 v21, v17;
	v19 =	vadd.f32 v19, v25;
	v25 =	vld [tilespmem:s14+$0x0]  }
0x3c3: {  	s31 =	sadd.s32 $0x11600, s24;
	s22 =	sor.u32 s25, s2;
	s23 =	sor.u32 s1, s16;
	v23 =	vmul.f32 v23, v17;
	v20 =	vadd.f32 v20, v26;
	v26 =	vld [tilespmem:s21+$0x0]  }
0x3c4: {  	s8 =	sor.u32 s26, s2;
	s2 =	sor.u32 s0, s2;
	s18 =	sor.u32 s25, s13;
	v28 =	vmul.f32 v28, v18;
	v21 =	vadd.f32 v21, v22;
	v22 =	vld [tilespmem:s23+$0x0]  }
0x3c5: {  	s19 =	sor.u32 s25, s16;
	s28 =	sor.u32 s1, s9;
	s11 =	sor.u32 s26, s9;
	v19 =	vadd.f32 v23, v19;
	v23 =	vmul.f32 v27, v18;
	v27 =	vld [tilespmem:s22+$0x0]  }
0x3c6: {  	s30 =	sor.u32 s1, s29;
	s10 =	sor.u32 s0, s9;
	s7 =	sor.u32 s25, s29;
	v20 =	vadd.f32 v28, v20;
	v28 =	vld [tilespmem:s28+$0x0]  }
0x3c7: {  	s4 =	sor.u32 s0, s29;
	s6 =	sor.u32 s26, s29;
	s5 =	sor.u32 s0, s31;
	v21 =	vadd.f32 v23, v21;
	v23 =	vld [tilespmem:s8+$0x0];
	v25 =	vmul.f32 v25, v3  }
0x3c8: {  	s17 =	sor.u32 s26, s13;
	s14 =	sor.u32 s0, s16;
	s16 =	sor.u32 s26, s16;
	[tilespmem:s15+$0x0] =	vst v20;
	v20 =	vld [tilespmem:s30+$0x0]  }
0x3c9: {  	v29 =	vmul.f32 v29, v18;
	s13 =	sor.u32 s25, s9;
	s23 =	sadd.s32 $0x11700, s24;
	[tilespmem:s12+$0x0] =	vst v21;
	v21 =	vld [tilespmem:s2+$0x0];
	s2 =	sor.u32 s1, s31;
	v25 =	vadd.f32 v25, v26;
	v22 =	vmul.f32 v22, v4  }
0x3ca: {  	s28 =	sor.u32 s26, s23;
	s29 =	sor.u32 s1, s23;
	s15 =	sadd.s32 $0x11680, s24;
	v26 =	vld [tilespmem:s2+$0x0]  }
0x3cb: {  	v19 =	vadd.f32 v29, v19;
	s8 =	sor.u32 s25, s31;
	[smem:$0x7BE] =	sst s28;
	s22 =	sor.u32 s1, s15;
	v29 =	vld [tilespmem:s19+$0x0];
	v22 =	vadd.f32 v22, v25;
	v25 =	vmul.f32 v28, v5  }
0x3cc: {  	s30 =	sadd.s32 $0x11780, s24;
	s9 =	sor.u32 s25, s15;
	s21 =	sor.u32 s0, s15;
	v28 =	vld [tilespmem:s22+$0x0]  }
0x3cd: {  	s19 =	sor.u32 s25, s30;
	s28 =	sor.u32 s0, s30;
	[tilespmem:s3+$0x0] =	vst v19;
	s12 =	sor.u32 s26, s31;
	v19 =	vmul.f32 v27, v3;
	v27 =	vld [tilespmem:s18+$0x0];
	v20 =	vmul.f32 v20, v6;
	v22 =	vadd.f32 v25, v22  }
0x3ce: {  	s3 =	sor.u32 s26, s15;
	s15 =	sor.u32 s25, s23;
	[smem:$0x7BF] =	sst s19;
	v21 =	vmul.f32 v21, v3;
	v25 =	vld [tilespmem:s29+$0x0]  }
0x3cf: {  	s31 =	sor.u32 s0, s23;
	s23 =	sor.u32 s1, s30;
	[smem:$0x7C0] =	sst s28;
	v30 =	vld [tilespmem:s17+$0x0];
	v20 =	vadd.f32 v20, v22;
	v22 =	vmul.f32 v26, v7  }
0x3d0: {  	s19 =	sadd.s32 $0x13480, s24;
	s22 =	sor.u32 s26, s30;
	s29 =	sadd.s32 $0x13400, s24;
	v21 =	vadd.f32 v21, v24;
	v24 =	vld [tilespmem:s23+$0x0]  }
0x3d1: {  	[dreg:$0x14] =	wrdreg s22;
	s22 =	sor.u32 s26, s19;
	s17 =	sor.u32 s1, s29;
	v26 =	vld [tilespmem:s16+$0x0];
	v20 =	vadd.f32 v22, v20;
	v22 =	vmul.f32 v28, v8  }
0x3d2: {  	[smem:$0x7C3] =	sst s22;
	v19 =	vadd.f32 v19, v27;
	s30 =	sor.u32 s25, s29;
	v28 =	vld [tilespmem:s17+$0x0]  }
0x3d3: {  	s18 =	sor.u32 s0, s29;
	v27 =	vmul.f32 v29, v4;
	v29 =	vld [tilespmem:s14+$0x0];
	[smem:$0x7C1] =	sst s30;
	s23 =	sor.u32 s1, s19;
	v20 =	vadd.f32 v22, v20;
	v22 =	vmul.f32 v25, v9  }
0x3d4: {  	s28 =	sor.u32 s25, s19;
	v23 =	vmul.f32 v23, v3;
	s16 =	sor.u32 s26, s29;
	[smem:$0x7C2] =	sst s18;
	v25 =	vld [tilespmem:s23+$0x0]  }
0x3d5: {  	s29 =	sor.u32 s0, s19;
	s30 =	sadd.s32 $0x13500, s24;
	[dreg:$0x1f] =	wrdreg s16;
	v19 =	vadd.f32 v27, v19;
	v27 =	vld [tilespmem:s13+$0x0];
	v20 =	vadd.f32 v22, v20;
	v22 =	vmul.f32 v24, v10  }
0x3d6: {  	v23 =	vadd.f32 v23, v30;
	v30 =	vld [tilespmem:s11+$0x0];
	[smem:$0x7C4] =	sst s29;
	s14 =	sor.u32 s1, s30;
	s17 =	sadd.s32 $0x13580, s24;
	v24 =	vmul.f32 v26, v4  }
0x3d7: {  	s13 =	sor.u32 s26, s30;
	s19 =	sor.u32 s0, s30;
	s22 =	sor.u32 s1, s17;
	v26 =	vld [tilespmem:s14+$0x0];
	v20 =	vadd.f32 v22, v20;
	v22 =	vmul.f32 v28, v11  }
0x3d8: {  	s18 =	sor.u32 s26, s17;
	s23 =	sor.u32 s25, s30;
	s30 =	sadd.s32 $0x13600, s24;
	v23 =	vadd.f32 v24, v23;
	v24 =	vld [tilespmem:s22+$0x0]  }
0x3d9: {  	s29 =	sor.u32 s25, s17;
	[smem:$0x7C6] =	sst s18;
	s11 =	sor.u32 s1, s30;
	v28 =	vmul.f32 v29, v4;
	v29 =	vld [tilespmem:s10+$0x0];
	v20 =	vadd.f32 v22, v20;
	v22 =	vmul.f32 v25, v12  }
0x3da: {  	s18 =	sor.u32 s0, s17;
	s16 =	sor.u32 s25, s30;
	s14 =	sadd.s32 $0x13680, s24;
	v25 =	vmul.f32 v27, v5;
	v27 =	vld [tilespmem:s11+$0x0]  }
0x3db: {  	s17 =	sor.u32 s0, s30;
	s10 =	sor.u32 s26, s30;
	s30 =	sor.u32 s1, s14;
	v21 =	vadd.f32 v28, v21;
	v28 =	vld [tilespmem:s7+$0x0];
	v20 =	vadd.f32 v22, v20  }
0x3dc: {  	s2 =	sadd.s32 $0x13700, s24;
	[smem:$0x7C5] =	sst s13;
	v22 =	vmul.f32 v26, v13;
	v19 =	vadd.f32 v25, v19;
	v25 =	vmul.f32 v30, v5;
	v26 =	vld [tilespmem:s30+$0x0]  }
0x3dd: {  	s22 =	sor.u32 s26, s14;
	[smem:$0x7C7] =	sst s10;
	s7 =	sor.u32 s1, s2;
	v30 =	vld [tilespmem:s6+$0x0]  }
0x3de: {  	s13 =	sor.u32 s25, s2;
	[smem:$0x7C8] =	sst s22;
	s22 =	sadd.s32 $0x13780, s24;
	v20 =	vadd.f32 v22, v20;
	v22 =	vmul.f32 v24, v14;
	v23 =	vadd.f32 v25, v23;
	v25 =	vld [tilespmem:s7+$0x0]  }
0x3df: {  	s10 =	sor.u32 s0, s2;
	s30 =	sor.u32 s26, s2;
	s2 =	sor.u32 s1, s22;
	v24 =	vmul.f32 v29, v5;
	v29 =	vld [tilespmem:s4+$0x0]  }
0x3e0: {  	v20 =	vadd.f32 v22, v20;
	v22 =	vmul.f32 v27, v15;
	v27 =	vld [tilespmem:s2+$0x0]  }
0x3e1: {  	v21 =	vadd.f32 v24, v21;
	v24 =	vmul.f32 v28, v6;
	v28 =	vld [tilespmem:s8+$0x0]  }
0x3e2: {  	v20 =	vadd.f32 v22, v20;
	v22 =	vmul.f32 v26, v16;
	v26 =	vld [tilespmem:s12+$0x0]  }
0x3e3: {  	v19 =	vadd.f32 v24, v19;
	v24 =	vmul.f32 v30, v6;
	v30 =	vld [tilespmem:s5+$0x0]  }
0x3e4: {  	s24 =	sshrl.u32 s24, $0x2;
	v20 =	vadd.f32 v22, v20;
	v22 =	vmul.f32 v25, v17;
	v25 =	vmul.f32 v29, v6;
	v29 =	vld [tilespmem:s9+$0x0]  }
0x3e5: {  	s11 =	sor.u32 s25, s14;
	s2 =	sadd.s32 $0x1A400, s24;
	v23 =	vadd.f32 v24, v23;
	v24 =	vld [tilespmem:s3+$0x0]  }
0x3e6: {  	s7 =	sor.u32 s25, s22;
	v20 =	vadd.f32 v22, v20;
	v22 =	vmul.f32 v27, v18;
	v27 =	vmul.f32 v28, v7;
	v28 =	vld [tilespmem:s15+$0x0];
	s15 =	sor.u32 s25, s2;
	s25 =	sld [smem:$0x7BE]  }
0x3e7: {  	s8 =	sld [smem:$0x7C0];
	s1 =	sor.u32 s1, s2;
	v21 =	vadd.f32 v25, v21;
	v25 =	vld [tilespmem:s21+$0x0]  }
0x3e8: {  	s12 =	sor.u32 s26, s2;
	s3 =	sor.u32 s0, s2;
	s2 =	sld [smem:$0x7BF];
	v26 =	vmul.f32 v26, v7;
	v20 =	vadd.f32 v22, v20;
	v22 =	vmul.f32 v30, v7;
	v30 =	vld [tilespmem:s31+$0x0]  }
0x3e9: {  	s6 =	sor.u32 s26, s22;
	s4 =	sor.u32 s0, s22;
	s22 =	sld [smem:$0x7C2];
	v19 =	vadd.f32 v27, v19;
	v27 =	vld [tilespmem:s25+$0x0]  }
0x3ea: {  	s5 =	rddreg [dreg:$0x14];
	v23 =	vadd.f32 v26, v23;
	v26 =	vld [tilespmem:s8+$0x0]  }
0x3eb: {  	s9 =	sld [smem:$0x7C1];
	v29 =	vmul.f32 v29, v8;
	[tilespmem:s1+$0x0] =	vst v20;
	v20 =	vadd.f32 v22, v21;
	v21 =	vld [tilespmem:s2+$0x0]  }
0x3ec: {  	v22 =	vmul.f32 v24, v8;
	v24 =	vmul.f32 v25, v8;
	v25 =	vld [tilespmem:s5+$0x0]  }
0x3ed: {  	s21 =	rddreg [dreg:$0x1f];
	v19 =	vadd.f32 v29, v19;
	v28 =	vmul.f32 v28, v9;
	v29 =	vld [tilespmem:s22+$0x0]  }
0x3ee: {  	s25 =	sld [smem:$0x7C4];
	v22 =	vadd.f32 v22, v23;
	v23 =	vld [tilespmem:s9+$0x0];
	v20 =	vadd.f32 v24, v20;
	v24 =	vmul.f32 v27, v9  }
0x3ef: {  	s24 =	sld [smem:$0x7C3];
	v19 =	vadd.f32 v28, v19;
	v28 =	vld [tilespmem:s21+$0x0];
	v27 =	vmul.f32 v30, v9  }
0x3f0: {  	v21 =	vmul.f32 v21, v10;
	v22 =	vadd.f32 v24, v22;
	v24 =	vld [tilespmem:s28+$0x0]  }
0x3f1: {  	v20 =	vadd.f32 v27, v20;
	v25 =	vmul.f32 v25, v10;
	v27 =	vld [tilespmem:s25+$0x0]  }
0x3f2: {  	s26 =	sld [smem:$0x7C5];
	v26 =	vmul.f32 v26, v10;
	v19 =	vadd.f32 v21, v19;
	v21 =	vld [tilespmem:s24+$0x0]  }
0x3f3: {  	v23 =	vmul.f32 v23, v11;
	v22 =	vadd.f32 v25, v22;
	v25 =	vld [tilespmem:s23+$0x0]  }
0x3f4: {  	v20 =	vadd.f32 v26, v20;
	v26 =	vmul.f32 v28, v11;
	v28 =	vmul.f32 v29, v11;
	v29 =	vld [tilespmem:s19+$0x0]  }
0x3f5: {  	s28 =	sld [smem:$0x7C6];
	v19 =	vadd.f32 v23, v19;
	v23 =	vld [tilespmem:s26+$0x0]  }
0x3f6: {  	v22 =	vadd.f32 v26, v22;
	v26 =	vld [tilespmem:s29+$0x0];
	v24 =	vmul.f32 v24, v12  }
0x3f7: {  	v20 =	vadd.f32 v28, v20;
	v28 =	vld [tilespmem:s18+$0x0];
	s29 =	sld [smem:$0x7C7];
	v27 =	vmul.f32 v27, v12  }
0x3f8: {  	v21 =	vmul.f32 v21, v12;
	v19 =	vadd.f32 v24, v19;
	v24 =	vld [tilespmem:s28+$0x0]  }
0x3f9: {  	v25 =	vmul.f32 v25, v13;
	v20 =	vadd.f32 v27, v20;
	v27 =	vld [tilespmem:s16+$0x0]  }
0x3fa: {  	s31 =	sld [smem:$0x7C8];
	v21 =	vadd.f32 v21, v22;
	v22 =	vmul.f32 v23, v13;
	v23 =	vmul.f32 v29, v13;
	v29 =	vld [tilespmem:s29+$0x0]  }
0x3fb: {  	v30 =	vld [tilespmem:s17+$0x0]  }
0x3fc: {  	p0 =	slt.u32 s20, $0x3C0;
	v31 =	vld [tilespmem:s11+$0x0];
	v19 =	vadd.f32 v25, v19;
	v25 =	vmul.f32 v26, v14;
	v21 =	vadd.f32 v22, v21  }
.Ltmp7:
0x3fd: {  	s14 =	sor.u32 s0, s14;
	v20 =	vadd.f32 v23, v20;
	v22 =	vld [tilespmem:s31+$0x0];
	v23 =	vmul.f32 v24, v14;
	v24 =	vmul.f32 v28, v14;
	(pc) =	sbr.rel @p0 .LBB2_15-.Ltmp7, $4  }
0x3fe: {  	v26 =	vadd.f32 v25, v19;
	v19 =	vld [tilespmem:s14+$0x0];
	v27 =	vmul.f32 v27, v15  }
0x3ff: {  	v32 =	vadd.f32 v23, v21;
	v25 =	vadd.f32 v24, v20;
	v20 =	vld [tilespmem:s13+$0x0];
	v24 =	vmul.f32 v29, v15  }
0x400: {  	s17 =	rddreg [dreg:$0xe];
	v28 =	vmul.f32 v30, v15;
	v21 =	vld [tilespmem:s30+$0x0]  }
0x401: {  	s16 =	rddreg [dreg:$0xa];
	v26 =	vadd.f32 v27, v26;
	v23 =	vld [tilespmem:s10+$0x0];
	v27 =	vmul.f32 v31, v16;
	v24 =	vadd.f32 v24, v32  }
0x402: {  	v3 =	vld [tilespmem:s7+$0x0]  }
0x403: {  	v4 =	vld [tilespmem:s6+$0x0]  }
0x404: {  	v5 =	vadd.f32 v28, v25;
	v6 =	vmul.f32 v22, v16;
	v8 =	vld [tilespmem:s4+$0x0];
	v7 =	vmul.f32 v19, v16  }
0x405: {  	v9 =	vadd.f32 v27, v26;
	v10 =	vmul.f32 v20, v17  }
0x406: {  	v6 =	vadd.f32 v6, v24;
	v5 =	vadd.f32 v7, v5;
	v7 =	vmul.f32 v21, v17  }
0x407: {  	v11 =	vmul.f32 v23, v17;
	v9 =	vadd.f32 v10, v9;
	v3 =	vmul.f32 v3, v18  }
0x408: {  	v6 =	vadd.f32 v7, v6;
	v4 =	vmul.f32 v4, v18  }
0x409: {  	v7 =	vmul.f32 v8, v18;
	v5 =	vadd.f32 v11, v5;
	v3 =	vadd.f32 v3, v9  }
0x40a: {  	v4 =	vadd.f32 v4, v6  }
0x40b: {  	s16 =	simm.s32 $0x0;
	s29 =	simm.s32 $0x0;
	v5 =	vadd.f32 v7, v5;
	[tilespmem:s15+$0x0] =	vst v3  }
0x40c: {  	s17 =	simm.s32 $0x1000;
	s24 =	sand.u32 $0x40, s29;
	s0 =	sand.u32 $0x1C00, s16;
	[tilespmem:s12+$0x0] =	vst v4  }
0x40d: {  	s30 =	sand.u32 $0x380, s29;
	s2 =	sadd.s32 $0x15400, s0;
	s20 =	sor.u32 $0x30, s24;
	[tilespmem:s3+$0x0] =	vst v5  }
0x40e: {  	s31 =	sor.u32 $0x1000, s30;
	s4 =	sor.u32 s20, s2;
	v15 =	vld [tilespmem:s17+$0x0]  }
0x40f: {  	s5 =	sadd.s32 $0x15480, s0;
	s6 =	sor.u32 s20, s31;
	v5 =	vld [tilespmem:s4+$0x0]  }
0x410: {  	s25 =	sor.u32 $0x10, s24;
	s7 =	sor.u32 s20, s5;
	v6 =	vld [tilespmem:s6+$0x0]  }
0x411: {  	s13 =	sadd.s32 $0x15600, s0;
	s8 =	sor.u32 s25, s2;
	v7 =	vld [tilespmem:s7+$0x0]  }
0x412: {  	s11 =	sor.u32 s20, s13;
	v16 =	vld [tilespmem:s8+$0x0]  }
0x413: {  	s14 =	sor.u32 s25, s31;
	s12 =	sadd.s32 $0x15680, s0;
	v10 =	vld [tilespmem:s11+$0x0]  }
0x414: {  	s15 =	sor.u32 s20, s12;
	v21 =	vld [tilespmem:s14+$0x0]  }
0x415: {  	s18 =	sor.u32 s25, s5;
	v11 =	vld [tilespmem:s15+$0x0]  }
0x416: {  	s26 =	sor.u32 s24, s5;
	s1 =	sld [smem:$0x7F1];
	s6 =	sadd.s32 $0x15500, s0;
	v22 =	vld [tilespmem:s18+$0x0]  }
0x417: {  	v26 =	vld [tilespmem:s26+$0x0];
	s9 =	sor.u32 s20, s6  }
0x418: {  	s4 =	sadd.s32 $0x15580, s0;
	v8 =	vld [tilespmem:s9+$0x0]  }
0x419: {  	s11 =	sadd.s32 $0x15700, s0;
	s10 =	sor.u32 s20, s4;
	v18 =	vld [tilespmem:s1+$0x810]  }
0x41a: {  	s19 =	sor.u32 s20, s11;
	v9 =	vld [tilespmem:s10+$0x0];
	s10 =	sadd.s32 $0x15780, s0  }
0x41b: {  	v12 =	vld [tilespmem:s19+$0x0];
	s9 =	sadd.s32 $0x17400, s0;
	s21 =	sor.u32 s20, s10  }
0x41c: {  	s1 =	sor.u32 $0x20, s24;
	s23 =	sor.u32 s20, s9;
	v14 =	vld [tilespmem:s21+$0x0]  }
0x41d: {  	s8 =	sor.u32 s1, s2;
	v25 =	vld [tilespmem:s23+$0x0]  }
0x41e: {  	s2 =	sor.u32 s24, s2;
	v17 =	vld [tilespmem:s8+$0x0];
	v3 =	vbroadcast v18, $0x0  }
0x41f: {  	s3 =	sor.u32 s1, s31;
	v20 =	vld [tilespmem:s2+$0x0]  }
0x420: {  	s22 =	sor.u32 s1, s5;
	v23 =	vld [tilespmem:s3+$0x0];
	v4 =	vbroadcast v18, $0x1;
	v13 =	vmul.f32 v5, v3  }
0x421: {  	s31 =	sor.u32 s25, s6;
	v24 =	vld [tilespmem:s22+$0x0]  }
0x422: {  	s14 =	sor.u32 s1, s6;
	v28 =	vld [tilespmem:s31+$0x0];
	v5 =	vbroadcast v18, $0x2;
	v7 =	vmul.f32 v7, v4;
	v13 =	vadd.f32 v13, v6  }
0x423: {  	s6 =	sor.u32 s24, s6;
	v30 =	vld [tilespmem:s14+$0x0]  }
0x424: {  	s21 =	sor.u32 s1, s4;
	v32 =	vld [tilespmem:s6+$0x0];
	v6 =	vbroadcast v18, $0x3;
	v8 =	vmul.f32 v8, v5;
	v13 =	vadd.f32 v7, v13  }
0x425: {  	s5 =	sadd.s32 $0x17500, s0;
	s23 =	sor.u32 s24, s4;
	v37 =	vld [tilespmem:s21+$0x0]  }
0x426: {  	s7 =	sor.u32 s20, s5;
	v40 =	vld [tilespmem:s23+$0x0];
	v7 =	vbroadcast v18, $0x4;
	v9 =	vmul.f32 v9, v6;
	v13 =	vadd.f32 v8, v13  }
0x427: {  	s14 =	sor.u32 s25, s4;
	v29 =	vld [tilespmem:s7+$0x0]  }
0x428: {  	s31 =	sor.u32 s1, s13;
	v34 =	vld [tilespmem:s14+$0x0];
	v8 =	vbroadcast v18, $0x5;
	v10 =	vmul.f32 v10, v7;
	v13 =	vadd.f32 v9, v13  }
0x429: {  	s8 =	sadd.s32 $0x17480, s0;
	s23 =	sor.u32 s25, s9;
	v50 =	vld [tilespmem:s31+$0x0]  }
0x42a: {  	s2 =	sadd.s32 $0x17580, s0;
	s30 =	sor.u32 s20, s8;
	v55 =	vld [tilespmem:s23+$0x0];
	v9 =	vbroadcast v18, $0x6;
	v11 =	vmul.f32 v11, v8;
	v13 =	vadd.f32 v10, v13  }
0x42b: {  	s6 =	sadd.s32 $0x17680, s0;
	s15 =	sor.u32 s20, s2;
	v27 =	vld [tilespmem:s30+$0x0];
	v16 =	vmul.f32 v16, v3;
	v20 =	vmul.f32 v20, v3  }
0x42c: {  	s3 =	sadd.s32 $0x17700, s0;
	s19 =	sor.u32 s20, s6;
	v31 =	vld [tilespmem:s15+$0x0];
	v10 =	vbroadcast v18, $0x7;
	v36 =	vmul.f32 v12, v9;
	v19 =	vadd.f32 v11, v13  }
0x42d: {  	s22 =	sor.u32 s20, s3;
	v35 =	vld [tilespmem:s19+$0x0];
	v17 =	vmul.f32 v17, v3;
	v26 =	vmul.f32 v26, v4  }
0x42e: {  	s14 =	sor.u32 s25, s12;
	v38 =	vld [tilespmem:s22+$0x0];
	v11 =	vbroadcast v18, $0x8;
	v39 =	vmul.f32 v14, v10;
	v36 =	vadd.f32 v36, v19  }
0x42f: {  	s30 =	sor.u32 s25, s13;
	v51 =	vld [tilespmem:s14+$0x0];
	v16 =	vadd.f32 v16, v21;
	v21 =	vmul.f32 v22, v4;
	v20 =	vadd.f32 v20, v15  }
0x430: {  	s13 =	sor.u32 s24, s13;
	v41 =	vld [tilespmem:s30+$0x0];
	v12 =	vbroadcast v18, $0x9;
	v25 =	vmul.f32 v25, v11;
	v36 =	vadd.f32 v39, v36  }
0x431: {  	s7 =	sadd.s32 $0x17600, s0;
	s31 =	sor.u32 s1, s8;
	v22 =	vld [tilespmem:s13+$0x0];
	v17 =	vadd.f32 v17, v23;
	v15 =	vbroadcast v18, $0xC;
	v16 =	vadd.f32 v21, v16  }
0x432: {  	s18 =	sor.u32 s20, s7;
	v58 =	vld [tilespmem:s31+$0x0];
	v13 =	vbroadcast v18, $0xA;
	v27 =	vmul.f32 v27, v12;
	v25 =	vadd.f32 v25, v36  }
0x433: {  	s15 =	sor.u32 s1, s12;
	v33 =	vld [tilespmem:s18+$0x0];
	v21 =	vmul.f32 v24, v4;
	v20 =	vadd.f32 v26, v20;
	v52 =	vmul.f32 v37, v6  }
0x434: {  	s22 =	sor.u32 s1, s10;
	v23 =	vld [tilespmem:s15+$0x0];
	v14 =	vbroadcast v18, $0xB;
	v24 =	vadd.f32 v27, v25;
	v25 =	vmul.f32 v29, v13  }
0x435: {  	s19 =	sor.u32 s1, s11;
	s18 =	sor.u32 s25, s11;
	s11 =	sor.u32 s24, s11;
	v53 =	vld [tilespmem:s22+$0x0];
	v17 =	vadd.f32 v21, v17;
	v21 =	vmul.f32 v28, v5;
	v54 =	vmul.f32 v41, v7  }
0x436: {  	s14 =	sor.u32 s25, s7;
	v26 =	vld [tilespmem:s11+$0x0];
	v22 =	vmul.f32 v22, v7;
	v24 =	vadd.f32 v25, v24;
	v25 =	vmul.f32 v31, v14  }
0x437: {  	v62 =	vld [tilespmem:s14+$0x0];
	v21 =	vadd.f32 v21, v16;
	v16 =	vmul.f32 v32, v5;
	v57 =	vmul.f32 v51, v8  }
0x438: {  	s12 =	sor.u32 s24, s12;
	v28 =	vld [tilespmem:s18+$0x0];
	v29 =	vmul.f32 v30, v5;
	v24 =	vadd.f32 v25, v24;
	v25 =	vmul.f32 v33, v15  }
0x439: {  	v23 =	vmul.f32 v23, v8;
	v20 =	vadd.f32 v16, v20;
	v27 =	vld [tilespmem:s12+$0x0];
	v31 =	vmul.f32 v34, v6  }
0x43a: {  	s21 =	sor.u32 s25, s10;
	v30 =	vld [tilespmem:s19+$0x0];
	v17 =	vadd.f32 v29, v17;
	v24 =	vadd.f32 v25, v24;
	v25 =	vmul.f32 v40, v6  }
0x43b: {  	s4 =	sadd.s32 $0x17780, s0;
	s10 =	sor.u32 s24, s10;
	v16 =	vbroadcast v18, $0xD;
	v26 =	vmul.f32 v26, v9;
	v29 =	vld [tilespmem:s21+$0x0];
	v21 =	vadd.f32 v31, v21  }
0x43c: {  	s26 =	sor.u32 s20, s4;
	v31 =	vld [tilespmem:s10+$0x0];
	v17 =	vadd.f32 v52, v17;
	v20 =	vadd.f32 v25, v20;
	v25 =	vmul.f32 v50, v7  }
0x43d: {  	v28 =	vmul.f32 v28, v9;
	v35 =	vmul.f32 v35, v16;
	v19 =	vld [tilespmem:s26+$0x0];
	s26 =	sor.u32 s1, s9;
	v21 =	vadd.f32 v54, v21  }
0x43e: {  	s9 =	sor.u32 s24, s9;
	v56 =	vld [tilespmem:s26+$0x0];
	v27 =	vmul.f32 v27, v8;
	v17 =	vadd.f32 v25, v17;
	v20 =	vadd.f32 v22, v20  }
0x43f: {  	s30 =	sor.u32 s25, s8;
	v32 =	vmul.f32 v58, v12;
	v59 =	vmul.f32 v55, v11;
	v21 =	vadd.f32 v57, v21;
	v25 =	vld [tilespmem:s9+$0x0]  }
0x440: {  	s10 =	sor.u32 s25, s5;
	v30 =	vmul.f32 v30, v9;
	v22 =	vld [tilespmem:s30+$0x0];
	v23 =	vadd.f32 v23, v17;
	v20 =	vadd.f32 v27, v20  }
0x441: {  	s8 =	sor.u32 s24, s8;
	v29 =	vmul.f32 v29, v10;
	v31 =	vmul.f32 v31, v10;
	v21 =	vadd.f32 v28, v21;
	v28 =	vld [tilespmem:s10+$0x0]  }
0x442: {  	s11 =	sor.u32 s1, s5;
	s5 =	sor.u32 s24, s5;
	v27 =	vld [tilespmem:s8+$0x0];
	v23 =	vadd.f32 v30, v23;
	v20 =	vadd.f32 v26, v20;
	v26 =	vmul.f32 v53, v10  }
0x443: {  	v24 =	vadd.f32 v35, v24;
	v17 =	vbroadcast v18, $0xE;
	v21 =	vadd.f32 v29, v21;
	v29 =	vld [tilespmem:s5+$0x0]  }
0x444: {  	s12 =	sor.u32 s25, s2;
	v30 =	vld [tilespmem:s11+$0x0];
	v23 =	vadd.f32 v26, v23;
	v20 =	vadd.f32 v31, v20;
	v31 =	vmul.f32 v56, v11  }
0x445: {  	s13 =	sor.u32 s1, s2;
	v18 =	vbroadcast v18, $0xF;
	v21 =	vadd.f32 v59, v21;
	v25 =	vmul.f32 v25, v11;
	v26 =	vld [tilespmem:s12+$0x0]  }
0x446: {  	v60 =	vld [tilespmem:s13+$0x0];
	s2 =	sor.u32 s24, s2;
	v61 =	vmul.f32 v38, v17;
	v22 =	vmul.f32 v22, v12;
	v23 =	vadd.f32 v31, v23  }
0x447: {  	s15 =	sor.u32 s1, s7;
	v19 =	vmul.f32 v19, v18;
	v31 =	vld [tilespmem:s2+$0x0];
	v20 =	vadd.f32 v25, v20;
	v25 =	vmul.f32 v27, v12  }
0x448: {  	s18 =	sor.u32 s24, s7;
	v21 =	vadd.f32 v22, v21;
	v27 =	vld [tilespmem:s15+$0x0];
	v22 =	vadd.f32 v32, v23;
	v23 =	vmul.f32 v28, v13  }
0x449: {  	s19 =	sor.u32 s25, s6;
	v24 =	vadd.f32 v61, v24;
	v20 =	vadd.f32 v25, v20;
	v28 =	vld [tilespmem:s18+$0x0];
	v25 =	vmul.f32 v30, v13  }
0x44a: {  	s22 =	sor.u32 s24, s6;
	v30 =	vld [tilespmem:s19+$0x0];
	v26 =	vmul.f32 v26, v14;
	v21 =	vadd.f32 v23, v21;
	v23 =	vmul.f32 v29, v13  }
0x44b: {  	s0 =	sshrl.u32 s0, $0x2;
	s21 =	sor.u32 s1, s6;
	v24 =	vadd.f32 v19, v24;
	v19 =	vld [tilespmem:s22+$0x0];
	v25 =	vadd.f32 v25, v22;
	v29 =	vmul.f32 v60, v14  }
0x44c: {  	s23 =	sor.u32 s25, s3;
	s0 =	sadd.s32 $0x1A480, s0;
	v22 =	vld [tilespmem:s21+$0x0];
	v23 =	vadd.f32 v23, v20;
	v26 =	vadd.f32 v26, v21;
	v21 =	vmul.f32 v31, v14  }
0x44d: {  	s31 =	sor.u32 s20, s0;
	s28 =	sor.u32 s25, s0;
	s26 =	sor.u32 s1, s3;
	v63 =	vmul.f32 v27, v15;
	v29 =	vadd.f32 v29, v25;
	v20 =	vld [tilespmem:s23+$0x0];
	v31 =	vmul.f32 v62, v15  }
0x44e: {  	s7 =	sor.u32 s25, s4;
	s6 =	sor.u32 s1, s4;
	s30 =	sor.u32 s24, s3;
	v28 =	vmul.f32 v28, v15;
	v25 =	vadd.f32 v21, v23;
	v21 =	vld [tilespmem:s26+$0x0]  }
0x44f: {  	s4 =	sor.u32 s24, s4;
	s3 =	sor.u32 s1, s0;
	[tilespmem:s31+$0x0] =	vst v24;
	v27 =	vmul.f32 v30, v16;
	s26 =	sor.u32 s24, s0;
	v23 =	vld [tilespmem:s30+$0x0];
	v26 =	vadd.f32 v31, v26;
	v24 =	vadd.f32 v63, v29  }
.LBB2_17:
0x450: {  	s17 =	sadd.s32 $0x40, s17  }
0x451: {  	s16 =	sadd.s32 $0x200, s16;
	[dreg:$0xf] =	wrdreg s17  }
0x452: {  	s29 =	sadd.s32 $0x40, s29;
	v29 =	vld [tilespmem:s4+$0x0];
	[dreg:$0x7] =	wrdreg s16;
	s20 =	sand.u32 $0x1C00, s16  }
0x453: {  	v25 =	vadd.f32 v28, v25;
	v28 =	vld [tilespmem:s7+$0x0];
	s0 =	sand.u32 $0x40, s29;
	s5 =	sand.u32 $0x380, s29;
	s2 =	sadd.s32 $0x15400, s20;
	v22 =	vmul.f32 v22, v16  }
0x454: {  	v26 =	vadd.f32 v27, v26;
	v27 =	vld [tilespmem:s6+$0x0];
	s1 =	sor.u32 $0x30, s0;
	s24 =	sor.u32 $0x10, s0;
	s12 =	sor.u32 $0x1000, s5;
	v19 =	vmul.f32 v19, v16  }
0x455: {  	s14 =	sadd.s32 $0x15480, s20;
	s25 =	sor.u32 $0x20, s0;
	s13 =	sor.u32 s1, s2;
	v20 =	vmul.f32 v20, v17;
	v22 =	vadd.f32 v22, v24;
	v24 =	vld [tilespmem:s17+$0x0]  }
0x456: {  	s9 =	sadd.s32 $0x15500, s20;
	s22 =	sadd.s32 $0x15580, s20;
	s16 =	sor.u32 s1, s12;
	v21 =	vmul.f32 v21, v17;
	v19 =	vadd.f32 v19, v25;
	v25 =	vld [tilespmem:s13+$0x0]  }
0x457: {  	s30 =	sadd.s32 $0x15600, s20;
	s8 =	sor.u32 s25, s2;
	s18 =	sor.u32 s1, s14;
	v23 =	vmul.f32 v23, v17;
	v20 =	vadd.f32 v20, v26;
	v26 =	vld [tilespmem:s16+$0x0]  }
0x458: {  	s19 =	sor.u32 s24, s12;
	s15 =	sor.u32 s25, s12;
	s17 =	sor.u32 s24, s2;
	v28 =	vmul.f32 v28, v18;
	v21 =	vadd.f32 v21, v22;
	v22 =	vld [tilespmem:s18+$0x0]  }
0x459: {  	s21 =	sor.u32 s1, s9;
	s12 =	sor.u32 s24, s9;
	s11 =	sor.u32 s25, s9;
	v19 =	vadd.f32 v23, v19;
	v23 =	vmul.f32 v27, v18;
	v27 =	vld [tilespmem:s17+$0x0]  }
0x45a: {  	s23 =	sor.u32 s1, s22;
	s10 =	sor.u32 s0, s9;
	s7 =	sor.u32 s24, s22;
	v20 =	vadd.f32 v28, v20;
	v28 =	vld [tilespmem:s21+$0x0]  }
0x45b: {  	s4 =	sor.u32 s0, s22;
	s6 =	sor.u32 s25, s22;
	s31 =	sor.u32 s1, s30;
	v29 =	vmul.f32 v29, v18;
	v21 =	vadd.f32 v23, v21;
	v23 =	vld [tilespmem:s8+$0x0];
	v25 =	vmul.f32 v25, v3  }
0x45c: {  	s5 =	sor.u32 s24, s30;
	s2 =	sor.u32 s0, s2;
	s13 =	sor.u32 s0, s14;
	[tilespmem:s28+$0x0] =	vst v20;
	v20 =	vld [tilespmem:s23+$0x0]  }
0x45d: {  	s17 =	sor.u32 s24, s14;
	s14 =	sor.u32 s25, s14;
	s18 =	sadd.s32 $0x15680, s20;
	v19 =	vadd.f32 v29, v19;
	[tilespmem:s3+$0x0] =	vst v21;
	v21 =	vld [tilespmem:s2+$0x0];
	v25 =	vadd.f32 v25, v26;
	v22 =	vmul.f32 v22, v4  }
0x45e: {  	s21 =	sor.u32 s25, s30;
	s8 =	sor.u32 s0, s30;
	s30 =	sadd.s32 $0x15780, s20;
	v26 =	vld [tilespmem:s31+$0x0]  }
0x45f: {  	s9 =	sor.u32 s24, s18;
	s16 =	sor.u32 s24, s30;
	[tilespmem:s26+$0x0] =	vst v19;
	s2 =	sor.u32 s1, s18;
	v19 =	vmul.f32 v27, v3;
	v27 =	vld [tilespmem:s19+$0x0];
	v22 =	vadd.f32 v22, v25;
	v25 =	vmul.f32 v28, v5  }
0x460: {  	s26 =	sor.u32 s0, s18;
	s3 =	sor.u32 s25, s18;
	s19 =	sadd.s32 $0x15700, s20;
	v28 =	vld [tilespmem:s2+$0x0]  }
0x461: {  	v29 =	vld [tilespmem:s17+$0x0];
	[smem:$0x7B3] =	sst s16;
	s18 =	sor.u32 s25, s30;
	s23 =	sor.u32 s1, s19;
	v20 =	vmul.f32 v20, v6;
	v22 =	vadd.f32 v25, v22  }
0x462: {  	s17 =	sadd.s32 $0x17480, s20;
	[dreg:$0x15] =	wrdreg s18;
	s28 =	sor.u32 s24, s19;
	v21 =	vmul.f32 v21, v3;
	v25 =	vld [tilespmem:s23+$0x0]  }
0x463: {  	v30 =	vld [tilespmem:s15+$0x0];
	s22 =	sor.u32 s25, s19;
	s31 =	sor.u32 s0, s19;
	s19 =	sor.u32 s1, s30;
	v20 =	vadd.f32 v20, v22;
	v22 =	vmul.f32 v26, v7  }
0x464: {  	[smem:$0x7B2] =	sst s22;
	s22 =	sor.u32 s0, s30;
	s23 =	sadd.s32 $0x17400, s20;
	v21 =	vadd.f32 v21, v24;
	v24 =	vld [tilespmem:s19+$0x0]  }
0x465: {  	[smem:$0x7B4] =	sst s22;
	s30 =	sor.u32 s24, s23;
	s15 =	sor.u32 s1, s23;
	v26 =	vld [tilespmem:s14+$0x0];
	v20 =	vadd.f32 v22, v20;
	v22 =	vmul.f32 v28, v8  }
0x466: {  	s22 =	sor.u32 s1, s17;
	v19 =	vadd.f32 v19, v27;
	s16 =	sor.u32 s0, s23;
	[smem:$0x7B5] =	sst s30;
	v28 =	vld [tilespmem:s15+$0x0]  }
0x467: {  	v27 =	vmul.f32 v29, v4;
	v29 =	vld [tilespmem:s13+$0x0];
	s14 =	sor.u32 s25, s23;
	[smem:$0x7B7] =	sst s16;
	s19 =	sor.u32 s25, s17;
	v20 =	vadd.f32 v22, v20;
	v22 =	vmul.f32 v25, v9  }
0x468: {  	v23 =	vmul.f32 v23, v3;
	s23 =	sor.u32 s0, s17;
	s30 =	sadd.s32 $0x17500, s20;
	[smem:$0x7B8] =	sst s19;
	v25 =	vld [tilespmem:s22+$0x0]  }
0x469: {  	[smem:$0x7B9] =	sst s23;
	v19 =	vadd.f32 v27, v19;
	v27 =	vld [tilespmem:s12+$0x0];
	s13 =	sor.u32 s1, s30;
	v20 =	vadd.f32 v22, v20;
	v22 =	vmul.f32 v24, v10  }
0x46a: {  	v23 =	vadd.f32 v23, v30;
	s23 =	sor.u32 s24, s30;
	s12 =	sor.u32 s25, s30;
	s15 =	sadd.s32 $0x17580, s20;
	v24 =	vmul.f32 v26, v4;
	v26 =	vld [tilespmem:s13+$0x0]  }
0x46b: {  	v30 =	vld [tilespmem:s11+$0x0];
	s19 =	sor.u32 s0, s30;
	s30 =	sadd.s32 $0x17600, s20;
	s22 =	sor.u32 s1, s15;
	v20 =	vadd.f32 v22, v20;
	v22 =	vmul.f32 v28, v11  }
0x46c: {  	s18 =	sor.u32 s24, s17;
	[smem:$0x7B6] =	sst s14;
	s14 =	sor.u32 s24, s30;
	v23 =	vadd.f32 v24, v23;
	v24 =	vld [tilespmem:s22+$0x0]  }
0x46d: {  	s11 =	sor.u32 s1, s30;
	s17 =	sor.u32 s24, s15;
	s16 =	sor.u32 s25, s15;
	v28 =	vmul.f32 v29, v4;
	v29 =	vld [tilespmem:s10+$0x0];
	v20 =	vadd.f32 v22, v20;
	v22 =	vmul.f32 v25, v12  }
0x46e: {  	[smem:$0x7BB] =	sst s16;
	s16 =	sor.u32 s0, s15;
	s13 =	sadd.s32 $0x17680, s20;
	v25 =	vmul.f32 v27, v5;
	v27 =	vld [tilespmem:s11+$0x0]  }
0x46f: {  	s15 =	sor.u32 s0, s30;
	s10 =	sor.u32 s25, s30;
	s30 =	sor.u32 s1, s13;
	v21 =	vadd.f32 v28, v21;
	v28 =	vld [tilespmem:s7+$0x0];
	v20 =	vadd.f32 v22, v20;
	v22 =	vmul.f32 v26, v13  }
0x470: {  	s2 =	sadd.s32 $0x17700, s20;
	v19 =	vadd.f32 v25, v19;
	v25 =	vmul.f32 v30, v5;
	v26 =	vld [tilespmem:s30+$0x0]  }
0x471: {  	s22 =	sor.u32 s25, s13;
	[smem:$0x7BC] =	sst s10;
	s7 =	sor.u32 s1, s2;
	v30 =	vld [tilespmem:s6+$0x0];
	v20 =	vadd.f32 v22, v20;
	v22 =	vmul.f32 v24, v14  }
0x472: {  	[smem:$0x7BD] =	sst s22;
	s10 =	sor.u32 s0, s2;
	s22 =	sadd.s32 $0x17780, s20;
	v24 =	vmul.f32 v29, v5;
	v23 =	vadd.f32 v25, v23;
	v25 =	vld [tilespmem:s7+$0x0]  }
0x473: {  	s11 =	sor.u32 s24, s2;
	s30 =	sor.u32 s25, s2;
	s2 =	sor.u32 s1, s22;
	v29 =	vld [tilespmem:s4+$0x0];
	v20 =	vadd.f32 v22, v20;
	v22 =	vmul.f32 v27, v15  }
0x474: {  	v21 =	vadd.f32 v24, v21;
	v24 =	vmul.f32 v28, v6;
	v27 =	vld [tilespmem:s2+$0x0]  }
0x475: {  	v28 =	vld [tilespmem:s5+$0x0];
	v20 =	vadd.f32 v22, v20;
	v22 =	vmul.f32 v26, v16  }
0x476: {  	v19 =	vadd.f32 v24, v19;
	v26 =	vld [tilespmem:s21+$0x0]  }
0x477: {  	v24 =	vmul.f32 v30, v6;
	v30 =	vld [tilespmem:s8+$0x0];
	v20 =	vadd.f32 v22, v20;
	v22 =	vmul.f32 v25, v17  }
0x478: {  	s6 =	sor.u32 s25, s22;
	v25 =	vmul.f32 v29, v6;
	v29 =	vld [tilespmem:s9+$0x0]  }
0x479: {  	s7 =	sor.u32 s24, s22;
	s4 =	sor.u32 s0, s22;
	s22 =	sld [smem:$0x7B2];
	v23 =	vadd.f32 v24, v23;
	v24 =	vld [tilespmem:s3+$0x0];
	v20 =	vadd.f32 v22, v20  }
0x47a: {  	[smem:$0x7BA] =	sst s12;
	s21 =	sshrl.u32 s20, $0x2;
	v22 =	vmul.f32 v27, v18;
	v21 =	vadd.f32 v25, v21;
	v25 =	vld [tilespmem:s26+$0x0];
	v27 =	vmul.f32 v28, v7  }
0x47b: {  	s12 =	sor.u32 s24, s13;
	s5 =	sld [smem:$0x7B4];
	s2 =	sadd.s32 $0x1A480, s21;
	v28 =	vld [tilespmem:s28+$0x0]  }
0x47c: {  	s28 =	sor.u32 s24, s2;
	s24 =	sor.u32 s1, s2;
	s1 =	sld [smem:$0x7B3];
	v26 =	vmul.f32 v26, v7;
	v19 =	vadd.f32 v27, v19;
	v27 =	vld [tilespmem:s22+$0x0]  }
0x47d: {  	s20 =	sld [smem:$0x7B7];
	v20 =	vadd.f32 v22, v20;
	v22 =	vmul.f32 v30, v7;
	v30 =	vld [tilespmem:s31+$0x0]  }
0x47e: {  	s9 =	sld [smem:$0x7B6];
	v29 =	vmul.f32 v29, v8;
	v23 =	vadd.f32 v26, v23;
	v26 =	vld [tilespmem:s5+$0x0]  }
0x47f: {  	s3 =	sor.u32 s25, s2;
	s26 =	sor.u32 s0, s2;
	s2 =	rddreg [dreg:$0x15];
	[tilespmem:s24+$0x0] =	vst v20;
	v20 =	vadd.f32 v22, v21;
	v21 =	vld [tilespmem:s1+$0x0];
	v22 =	vmul.f32 v24, v8  }
0x480: {  	s8 =	sld [smem:$0x7B5];
	v24 =	vmul.f32 v25, v8;
	v19 =	vadd.f32 v29, v19;
	v25 =	vld [tilespmem:s2+$0x0];
	v28 =	vmul.f32 v28, v9  }
0x481: {  	v29 =	vld [tilespmem:s20+$0x0];
	v22 =	vadd.f32 v22, v23  }
0x482: {  	s22 =	sld [smem:$0x7B9];
	v20 =	vadd.f32 v24, v20;
	v24 =	vmul.f32 v27, v9;
	v19 =	vadd.f32 v28, v19;
	v28 =	vld [tilespmem:s9+$0x0]  }
0x483: {  	s21 =	sld [smem:$0x7B8];
	v23 =	vld [tilespmem:s8+$0x0];
	v27 =	vmul.f32 v30, v9  }
0x484: {  	v21 =	vmul.f32 v21, v10;
	v22 =	vadd.f32 v24, v22;
	v24 =	vld [tilespmem:s18+$0x0]  }
0x485: {  	v26 =	vmul.f32 v26, v10;
	v20 =	vadd.f32 v27, v20;
	v27 =	vld [tilespmem:s22+$0x0];
	v25 =	vmul.f32 v25, v10  }
0x486: {  	v19 =	vadd.f32 v21, v19;
	v21 =	vld [tilespmem:s21+$0x0]  }
0x487: {  	v20 =	vadd.f32 v26, v20;
	v22 =	vadd.f32 v25, v22;
	v25 =	vld [tilespmem:s23+$0x0];
	v26 =	vmul.f32 v28, v11;
	s23 =	sld [smem:$0x7BA]  }
0x488: {  	v23 =	vmul.f32 v23, v11;
	v28 =	vmul.f32 v29, v11;
	v29 =	vld [tilespmem:s19+$0x0]  }
0x489: {  	v22 =	vadd.f32 v26, v22;
	v26 =	vld [tilespmem:s17+$0x0]  }
0x48a: {  	s24 =	sld [smem:$0x7BB];
	v19 =	vadd.f32 v23, v19;
	v24 =	vmul.f32 v24, v12;
	v23 =	vld [tilespmem:s23+$0x0]  }
0x48b: {  	v20 =	vadd.f32 v28, v20  }
0x48c: {  	s25 =	sld [smem:$0x7BC];
	v27 =	vmul.f32 v27, v12;
	v28 =	vld [tilespmem:s16+$0x0];
	v19 =	vadd.f32 v24, v19;
	v25 =	vmul.f32 v25, v13  }
0x48d: {  	v21 =	vmul.f32 v21, v12;
	v24 =	vld [tilespmem:s24+$0x0]  }
0x48e: {  	v20 =	vadd.f32 v27, v20;
	v27 =	vld [tilespmem:s14+$0x0];
	v19 =	vadd.f32 v25, v19;
	v25 =	vmul.f32 v26, v14  }
0x48f: {  	v21 =	vadd.f32 v21, v22;
	v22 =	vmul.f32 v23, v13;
	v23 =	vmul.f32 v29, v13;
	v29 =	vld [tilespmem:s25+$0x0]  }
0x490: {  	s31 =	sld [smem:$0x7BD];
	v30 =	vld [tilespmem:s15+$0x0]  }
0x491: {  	p0 =	slt.u32 s29, $0x3C0;
	s13 =	sor.u32 s0, s13;
	v31 =	vld [tilespmem:s12+$0x0];
	v26 =	vadd.f32 v25, v19;
	v21 =	vadd.f32 v22, v21  }
.Ltmp8:
0x492: {  	v19 =	vld [tilespmem:s13+$0x0];
	v20 =	vadd.f32 v23, v20;
	v23 =	vmul.f32 v24, v14;
	v24 =	vmul.f32 v28, v14;
	(pc) =	sbr.rel @p0 .LBB2_17-.Ltmp8, $4  }
0x493: {  	v27 =	vmul.f32 v27, v15;
	v22 =	vld [tilespmem:s31+$0x0]  }
0x494: {  	v32 =	vadd.f32 v23, v21;
	v25 =	vadd.f32 v24, v20;
	v20 =	vld [tilespmem:s11+$0x0];
	v24 =	vmul.f32 v29, v15  }
0x495: {  	s17 =	rddreg [dreg:$0xf];
	v28 =	vmul.f32 v30, v15;
	v21 =	vld [tilespmem:s30+$0x0]  }
0x496: {  	s16 =	rddreg [dreg:$0x7];
	v26 =	vadd.f32 v27, v26;
	v27 =	vmul.f32 v31, v16;
	v23 =	vld [tilespmem:s10+$0x0];
	v24 =	vadd.f32 v24, v32  }
0x497: {  	v3 =	vld [tilespmem:s7+$0x0]  }
0x498: {  	v4 =	vld [tilespmem:s6+$0x0]  }
0x499: {  	v5 =	vadd.f32 v28, v25;
	v7 =	vmul.f32 v19, v16;
	v8 =	vld [tilespmem:s4+$0x0];
	v6 =	vmul.f32 v22, v16  }
0x49a: {  	v9 =	vadd.f32 v27, v26;
	v10 =	vmul.f32 v20, v17  }
0x49b: {  	v5 =	vadd.f32 v7, v5;
	v6 =	vadd.f32 v6, v24;
	v62 =	vmul.f32 v21, v17  }
0x49c: {  	v11 =	vmul.f32 v23, v17;
	v9 =	vadd.f32 v10, v9;
	v3 =	vmul.f32 v3, v18  }
0x49d: {  	v6 =	vadd.f32 v62, v6;
	v4 =	vmul.f32 v4, v18  }
0x49e: {  	v63 =	vmul.f32 v8, v18;
	v5 =	vadd.f32 v11, v5;
	v3 =	vadd.f32 v3, v9  }
0x49f: {  	v4 =	vadd.f32 v4, v6  }
0x4a0: {  	s1 =	sld [smem:$0x7F0];
	v5 =	vadd.f32 v63, v5;
	[tilespmem:s28+$0x0] =	vst v3  }
0x4a1: {  	s2 =	sld [smem:$0x7F9];
	[tilespmem:s3+$0x0] =	vst v4  }
0x4a2: {  	[tilespmem:s26+$0x0] =	vst v5  }
0x4a3: {  	s31 =	sld [smem:$0x7F2];
	_ =	sdelay $0x2  }
0x4a4: {  	s6 =	sadd.s32 $0x1, s31  }
0x4a5: {  	p0 =	sne.s32 s6, $0x15  }
.Ltmp9:
0x4a6: {  	s0 =	sshll.u32 s1, $0x8;
	s1 =	sshll.u32 s1, $0x5;
	(pc) =	sbr.rel @p0 .LBB2_2-.Ltmp9, $4  }
0x4a7: {  	s25 =	rddreg [dreg:$0x3];
	s1 =	sand.u32 $0x60, s1;
	s0 =	sadd.s32 s2, s0  }
0x4a8: {  	s29 =	simm.s32 $0x400;
	s1 =	sadd.s32 s25, s1;
	s0 =	sand.u32 $0xFFC00, s0  }
0x4a9: {  	s30 =	simm.s32 $0x1A400;
	s28 =	simm.s32 $0x100;
	s0 =	sadd.s32 s0, s1  }
0x4aa: {  	[hbm4b:s0+s28] =	stream.strided.scatter [tilespmem:s30], [sflag:$0x6], $0x800, s29, s28, $0x38;
	[tilespmem:$0x1AC00] =	vst v63  }
0x4ab: {  	s0 =	simm.s32 $0x1  }
0x4ac: {  	_ =	swait.ge [sflag:s0], $0x8000  }
0x4ad: {  	[sflag:s0] =	ssyncset.done $0x0  }
0x4ae: {  	s9 =	simm.s32 $0x4;
	[sflag:s0] =	ssyncadd.s32 $0xFFFF8000  }
0x4af: {  	_ =	swait.ge [sflag:s9], $0x800  }
0x4b0: {  	s19 =	simm.s32 $0x0;
	[sflag:s9] =	ssyncset.done $0x0  }
0x4b1: {  	s2 =	sand.u32 $0x380, s19;
	s0 =	sand.u32 $0x40, s19;
	[sflag:s9] =	ssyncadd.s32 $0xFFFFF800  }
0x4b2: {  	s20 =	simm.s32 $0x1000;
	s2 =	sor.u32 $0x1000, s2;
	s1 =	sor.u32 $0x30, s0;
	v18 =	vld [tilespmem:$0xFE0]  }
0x4b3: {  	s18 =	simm.s32 $0x0;
	s21 =	sor.u32 $0x10, s0;
	s4 =	sor.u32 s1, s2;
	v15 =	vld [tilespmem:s20+$0x0]  }
0x4b4: {  	s22 =	sand.u32 $0x1C00, s18;
	s23 =	sor.u32 $0x20, s0;
	s10 =	sor.u32 s21, s2;
	v6 =	vld [tilespmem:s4+$0x0]  }
0x4b5: {  	s8 =	sadd.s32 $0x3400, s22;
	s2 =	sor.u32 s23, s2;
	v16 =	vld [tilespmem:s10+$0x0]  }
0x4b6: {  	s5 =	sadd.s32 $0x3480, s22;
	s11 =	sor.u32 s1, s8;
	v17 =	vld [tilespmem:s2+$0x0]  }
0x4b7: {  	s13 =	sadd.s32 $0x3500, s22;
	s12 =	sor.u32 s1, s5;
	v21 =	vld [tilespmem:s11+$0x0]  }
0x4b8: {  	s7 =	sadd.s32 $0x3580, s22;
	s14 =	sor.u32 s1, s13;
	v22 =	vld [tilespmem:s12+$0x0]  }
0x4b9: {  	s16 =	sadd.s32 $0x3600, s22;
	s15 =	sor.u32 s1, s7;
	v23 =	vld [tilespmem:s14+$0x0]  }
0x4ba: {  	s17 =	sor.u32 s1, s16;
	v24 =	vld [tilespmem:s15+$0x0]  }
0x4bb: {  	s28 =	sor.u32 s21, s8;
	s9 =	sadd.s32 $0x1400, s22;
	v25 =	vld [tilespmem:s17+$0x0]  }
0x4bc: {  	s3 =	sor.u32 s1, s9;
	v54 =	vld [tilespmem:s28+$0x0]  }
0x4bd: {  	v5 =	vld [tilespmem:s3+$0x0]  }
0x4be: {  	v7 =	vld [tilespmem:s3+$0x80]  }
0x4bf: {  	v8 =	vld [tilespmem:s3+$0x100]  }
0x4c0: {  	v9 =	vld [tilespmem:s3+$0x180]  }
0x4c1: {  	v10 =	vld [tilespmem:s3+$0x200]  }
0x4c2: {  	v11 =	vld [tilespmem:s3+$0x280];
	v3 =	vbroadcast v18, $0x0  }
0x4c3: {  	s6 =	sadd.s32 $0x3700, s22;
	v12 =	vld [tilespmem:s3+$0x300]  }
0x4c4: {  	s10 =	sor.u32 s1, s6;
	v14 =	vld [tilespmem:s3+$0x380];
	v4 =	vbroadcast v18, $0x1;
	v13 =	vmul.f32 v5, v3  }
0x4c5: {  	s11 =	sor.u32 s21, s9;
	v20 =	vld [tilespmem:s10+$0x0]  }
0x4c6: {  	s26 =	sor.u32 s23, s9;
	v27 =	vld [tilespmem:s11+$0x0];
	v5 =	vbroadcast v18, $0x2;
	v7 =	vmul.f32 v7, v4;
	v13 =	vadd.f32 v13, v6  }
0x4c7: {  	s9 =	sor.u32 s0, s9;
	v28 =	vld [tilespmem:s26+$0x0]  }
0x4c8: {  	v29 =	vld [tilespmem:s9+$0x0];
	v6 =	vbroadcast v18, $0x3;
	v8 =	vmul.f32 v8, v5;
	v13 =	vadd.f32 v7, v13  }
0x4c9: {  	v30 =	vld [tilespmem:s11+$0x80]  }
0x4ca: {  	v31 =	vld [tilespmem:s11+$0x100];
	v7 =	vbroadcast v18, $0x4;
	v9 =	vmul.f32 v9, v6;
	v13 =	vadd.f32 v8, v13  }
0x4cb: {  	v32 =	vld [tilespmem:s11+$0x180]  }
0x4cc: {  	v39 =	vld [tilespmem:s26+$0x80];
	v8 =	vbroadcast v18, $0x5;
	v10 =	vmul.f32 v10, v7;
	v13 =	vadd.f32 v9, v13  }
0x4cd: {  	v33 =	vld [tilespmem:s11+$0x200];
	v27 =	vmul.f32 v27, v3;
	v29 =	vmul.f32 v29, v3  }
0x4ce: {  	v40 =	vld [tilespmem:s9+$0x80];
	v9 =	vbroadcast v18, $0x6;
	v11 =	vmul.f32 v11, v8;
	v13 =	vadd.f32 v10, v13  }
0x4cf: {  	v34 =	vld [tilespmem:s11+$0x280];
	v28 =	vmul.f32 v28, v3;
	v30 =	vmul.f32 v30, v4;
	v29 =	vadd.f32 v29, v15  }
0x4d0: {  	v49 =	vld [tilespmem:s26+$0x180];
	v10 =	vbroadcast v18, $0x7;
	v36 =	vmul.f32 v12, v9;
	v35 =	vadd.f32 v11, v13  }
0x4d1: {  	v48 =	vld [tilespmem:s26+$0x100];
	v16 =	vadd.f32 v27, v16;
	v17 =	vadd.f32 v28, v17;
	v28 =	vmul.f32 v39, v4  }
0x4d2: {  	v27 =	vld [tilespmem:s9+$0x100];
	v11 =	vbroadcast v18, $0x8;
	v47 =	vmul.f32 v14, v10;
	v35 =	vadd.f32 v36, v35  }
0x4d3: {  	v37 =	vld [tilespmem:s11+$0x300];
	v16 =	vadd.f32 v30, v16;
	v30 =	vmul.f32 v40, v4;
	v17 =	vadd.f32 v28, v17  }
0x4d4: {  	v38 =	vld [tilespmem:s11+$0x380];
	v12 =	vbroadcast v18, $0x9;
	v21 =	vmul.f32 v21, v11;
	v35 =	vadd.f32 v47, v35  }
0x4d5: {  	v50 =	vld [tilespmem:s9+$0x180];
	v28 =	vmul.f32 v31, v5;
	v29 =	vadd.f32 v30, v29;
	v30 =	vmul.f32 v49, v6  }
0x4d6: {  	v51 =	vld [tilespmem:s26+$0x380];
	v13 =	vbroadcast v18, $0xA;
	v22 =	vmul.f32 v22, v12;
	v21 =	vadd.f32 v21, v35  }
0x4d7: {  	v52 =	vld [tilespmem:s9+$0x280];
	v28 =	vadd.f32 v28, v16;
	v16 =	vmul.f32 v27, v5;
	v36 =	vmul.f32 v48, v5  }
0x4d8: {  	s12 =	sadd.s32 $0x3680, s22;
	s2 =	sor.u32 s0, s13;
	v53 =	vld [tilespmem:s9+$0x300];
	v14 =	vbroadcast v18, $0xB;
	v21 =	vadd.f32 v22, v21;
	v22 =	vmul.f32 v23, v13  }
0x4d9: {  	s24 =	sor.u32 s1, s12;
	v60 =	vld [tilespmem:s2+$0x0];
	v27 =	vadd.f32 v16, v29;
	v29 =	vmul.f32 v32, v6;
	v17 =	vadd.f32 v36, v17  }
0x4da: {  	v26 =	vld [tilespmem:s24+$0x0];
	v15 =	vbroadcast v18, $0xC;
	v21 =	vadd.f32 v22, v21;
	v22 =	vmul.f32 v24, v14  }
0x4db: {  	v28 =	vadd.f32 v29, v28;
	v17 =	vadd.f32 v30, v17;
	v23 =	vld [tilespmem:s26+$0x200]  }
0x4dc: {  	v30 =	vmul.f32 v33, v7;
	v21 =	vadd.f32 v22, v21;
	v22 =	vmul.f32 v25, v15;
	v25 =	vld [tilespmem:s9+$0x200]  }
0x4dd: {  	s10 =	sor.u32 s21, s7;
	v31 =	vld [tilespmem:s26+$0x280];
	v16 =	vbroadcast v18, $0xD  }
0x4de: {  	s3 =	sadd.s32 $0x3780, s22;
	v61 =	vld [tilespmem:s10+$0x0];
	v55 =	vmul.f32 v37, v9;
	v56 =	vmul.f32 v53, v9;
	v28 =	vadd.f32 v30, v28  }
0x4df: {  	s25 =	sor.u32 s1, s3;
	v30 =	vmul.f32 v34, v8;
	v24 =	vld [tilespmem:s26+$0x300];
	v21 =	vadd.f32 v22, v21;
	v22 =	vmul.f32 v50, v6  }
0x4e0: {  	v19 =	vld [tilespmem:s25+$0x0];
	v26 =	vmul.f32 v26, v16;
	v23 =	vmul.f32 v23, v7  }
0x4e1: {  	s31 =	sor.u32 s23, s5;
	v29 =	vld [tilespmem:s9+$0x380];
	v28 =	vadd.f32 v30, v28;
	v22 =	vadd.f32 v22, v27;
	v25 =	vmul.f32 v25, v7  }
0x4e2: {  	s29 =	sor.u32 s23, s8;
	s8 =	sor.u32 s0, s8;
	v30 =	vld [tilespmem:s31+$0x0];
	v17 =	vadd.f32 v23, v17;
	v21 =	vadd.f32 v26, v21;
	v26 =	vmul.f32 v31, v8  }
0x4e3: {  	v58 =	vmul.f32 v38, v10;
	v23 =	vld [tilespmem:s8+$0x0];
	v31 =	vmul.f32 v52, v8;
	v22 =	vadd.f32 v25, v22  }
0x4e4: {  	s30 =	sor.u32 s21, s5;
	v59 =	vmul.f32 v51, v10;
	v24 =	vmul.f32 v24, v9;
	v27 =	vld [tilespmem:s29+$0x0];
	v26 =	vadd.f32 v26, v17  }
0x4e5: {  	s5 =	sor.u32 s0, s5;
	v28 =	vadd.f32 v55, v28;
	v17 =	vbroadcast v18, $0xE;
	v25 =	vld [tilespmem:s30+$0x0];
	v22 =	vadd.f32 v31, v22  }
0x4e6: {  	v29 =	vmul.f32 v29, v10;
	v33 =	vmul.f32 v54, v11;
	s8 =	sor.u32 s21, s13;
	v24 =	vadd.f32 v24, v26;
	v31 =	vld [tilespmem:s5+$0x0]  }
0x4e7: {  	s9 =	sor.u32 s23, s13;
	v28 =	vadd.f32 v58, v28;
	v57 =	vld [tilespmem:s8+$0x0];
	v20 =	vmul.f32 v20, v17;
	v22 =	vadd.f32 v56, v22  }
0x4e8: {  	s14 =	sor.u32 s21, s16;
	v30 =	vmul.f32 v30, v12;
	v26 =	vld [tilespmem:s9+$0x0];
	v23 =	vmul.f32 v23, v11;
	v24 =	vadd.f32 v59, v24  }
0x4e9: {  	s11 =	sor.u32 s23, s7;
	v27 =	vmul.f32 v27, v11;
	v20 =	vadd.f32 v20, v21;
	v21 =	vld [tilespmem:s14+$0x0];
	v22 =	vadd.f32 v29, v22  }
0x4ea: {  	s13 =	sor.u32 s0, s7;
	v28 =	vadd.f32 v33, v28;
	v18 =	vbroadcast v18, $0xF;
	v25 =	vmul.f32 v25, v12;
	v29 =	vld [tilespmem:s11+$0x0]  }
0x4eb: {  	s15 =	sor.u32 s23, s16;
	v24 =	vadd.f32 v27, v24;
	v27 =	vld [tilespmem:s13+$0x0];
	v22 =	vadd.f32 v23, v22;
	v23 =	vmul.f32 v31, v12  }
0x4ec: {  	s16 =	sor.u32 s0, s16;
	v19 =	vmul.f32 v19, v18;
	v25 =	vadd.f32 v25, v28;
	v28 =	vmul.f32 v57, v13;
	v31 =	vld [tilespmem:s15+$0x0]  }
0x4ed: {  	s17 =	sor.u32 s21, s12;
	v24 =	vadd.f32 v30, v24;
	v30 =	vld [tilespmem:s16+$0x0];
	v23 =	vadd.f32 v23, v22;
	v22 =	vmul.f32 v26, v13  }
0x4ee: {  	v62 =	vld [tilespmem:s17+$0x0];
	s25 =	sor.u32 s0, s12;
	v25 =	vadd.f32 v28, v25;
	v28 =	vmul.f32 v61, v14;
	v26 =	vmul.f32 v60, v13  }
0x4ef: {  	s24 =	sor.u32 s23, s12;
	v63 =	vadd.f32 v19, v20;
	v19 =	vld [tilespmem:s25+$0x0];
	v20 =	vadd.f32 v22, v24;
	v24 =	vmul.f32 v29, v14  }
0x4f0: {  	s28 =	sor.u32 s23, s6;
	s4 =	sor.u32 s0, s3;
	s29 =	sshrl.u32 s22, $0x2;
	v22 =	vld [tilespmem:s24+$0x0];
	v23 =	vadd.f32 v26, v23;
	v26 =	vadd.f32 v28, v25;
	v25 =	vmul.f32 v27, v14  }
0x4f1: {  	s26 =	sor.u32 s21, s6;
	s7 =	sor.u32 s21, s3;
	s31 =	sadd.s32 $0x19400, s29;
	v27 =	vmul.f32 v21, v15;
	v21 =	vld [tilespmem:s28+$0x0];
	v29 =	vmul.f32 v31, v15;
	v24 =	vadd.f32 v24, v20  }
0x4f2: {  	s1 =	sor.u32 s1, s31;
	s22 =	sor.u32 s0, s31;
	s30 =	sor.u32 s0, s6;
	v28 =	vmul.f32 v30, v15;
	v20 =	vld [tilespmem:s26+$0x0];
	v25 =	vadd.f32 v25, v23  }
0x4f3: {  	s12 =	sor.u32 s21, s31;
	s6 =	sor.u32 s23, s31;
	s16 =	sor.u32 s23, s3;
	[tilespmem:s1+$0x0] =	vst v63;
	v23 =	vld [tilespmem:s30+$0x0];
	v26 =	vadd.f32 v27, v26;
	v27 =	vmul.f32 v62, v16;
	v24 =	vadd.f32 v29, v24  }
.LBB2_20:
0x4f4: {  	s19 =	sadd.s32 $0x40, s19;
	s18 =	sadd.s32 $0x200, s18;
	v29 =	vld [tilespmem:s4+$0x0]  }
0x4f5: {  	s20 =	sadd.s32 $0x40, s20;
	v25 =	vadd.f32 v28, v25;
	v28 =	vld [tilespmem:s7+$0x0];
	s0 =	sand.u32 $0x40, s19;
	s23 =	sand.u32 $0x1C00, s18;
	v22 =	vmul.f32 v22, v16  }
0x4f6: {  	v26 =	vadd.f32 v27, v26;
	v27 =	vld [tilespmem:s16+$0x0];
	s2 =	sand.u32 $0x380, s19;
	s5 =	sadd.s32 $0x1400, s23;
	s1 =	sor.u32 $0x30, s0;
	v19 =	vmul.f32 v19, v16  }
0x4f7: {  	s16 =	sor.u32 $0x1000, s2;
	s17 =	sor.u32 s1, s5;
	v20 =	vmul.f32 v20, v17;
	v22 =	vadd.f32 v22, v24;
	v24 =	vld [tilespmem:s20+$0x0]  }
0x4f8: {  	s26 =	sor.u32 s1, s16;
	v21 =	vmul.f32 v21, v17;
	v19 =	vadd.f32 v19, v25;
	v25 =	vld [tilespmem:s17+$0x0]  }
0x4f9: {  	s24 =	sor.u32 $0x10, s0;
	v23 =	vmul.f32 v23, v17;
	v20 =	vadd.f32 v20, v26;
	v26 =	vld [tilespmem:s26+$0x0]  }
0x4fa: {  	s21 =	sor.u32 s24, s5;
	v28 =	vmul.f32 v28, v18;
	v21 =	vadd.f32 v21, v22;
	v22 =	vld [tilespmem:s17+$0x80]  }
0x4fb: {  	s25 =	sor.u32 $0x20, s0;
	v19 =	vadd.f32 v23, v19;
	v23 =	vmul.f32 v27, v18;
	v27 =	vld [tilespmem:s21+$0x0]  }
0x4fc: {  	s15 =	sor.u32 s25, s5;
	v20 =	vadd.f32 v28, v20;
	v28 =	vld [tilespmem:s17+$0x100]  }
0x4fd: {  	v21 =	vadd.f32 v23, v21;
	v23 =	vld [tilespmem:s15+$0x0];
	v25 =	vmul.f32 v25, v3  }
0x4fe: {  	s3 =	sor.u32 s0, s5;
	[tilespmem:s12+$0x0] =	vst v20;
	v20 =	vld [tilespmem:s17+$0x180]  }
0x4ff: {  	v29 =	vmul.f32 v29, v18;
	[tilespmem:s6+$0x0] =	vst v21;
	v21 =	vld [tilespmem:s3+$0x0];
	v25 =	vadd.f32 v25, v26;
	v22 =	vmul.f32 v22, v4  }
0x500: {  	v26 =	vld [tilespmem:s17+$0x200]  }
0x501: {  	v19 =	vadd.f32 v29, v19;
	v29 =	vld [tilespmem:s21+$0x80];
	v22 =	vadd.f32 v22, v25;
	v25 =	vmul.f32 v28, v5  }
0x502: {  	s8 =	sor.u32 s24, s16;
	v28 =	vld [tilespmem:s17+$0x280]  }
0x503: {  	[tilespmem:s22+$0x0] =	vst v19;
	v19 =	vmul.f32 v27, v3;
	v27 =	vld [tilespmem:s8+$0x0];
	v20 =	vmul.f32 v20, v6;
	v22 =	vadd.f32 v25, v22  }
0x504: {  	s4 =	sor.u32 s25, s16;
	v21 =	vmul.f32 v21, v3;
	v25 =	vld [tilespmem:s17+$0x300]  }
0x505: {  	v30 =	vld [tilespmem:s4+$0x0];
	v20 =	vadd.f32 v20, v22;
	v22 =	vmul.f32 v26, v7  }
0x506: {  	s28 =	sadd.s32 $0x3400, s23;
	v21 =	vadd.f32 v21, v24;
	v24 =	vld [tilespmem:s17+$0x380]  }
0x507: {  	s30 =	sor.u32 s1, s28;
	v26 =	vld [tilespmem:s15+$0x80];
	v20 =	vadd.f32 v22, v20;
	v22 =	vmul.f32 v28, v8  }
0x508: {  	s31 =	sadd.s32 $0x3480, s23;
	v19 =	vadd.f32 v19, v27;
	v28 =	vld [tilespmem:s30+$0x0]  }
0x509: {  	s6 =	sor.u32 s1, s31;
	v27 =	vmul.f32 v29, v4;
	v29 =	vld [tilespmem:s3+$0x80];
	v20 =	vadd.f32 v22, v20;
	v22 =	vmul.f32 v25, v9  }
0x50a: {  	s7 =	sadd.s32 $0x3500, s23;
	v23 =	vmul.f32 v23, v3;
	v25 =	vld [tilespmem:s6+$0x0]  }
0x50b: {  	s9 =	sor.u32 s1, s7;
	v19 =	vadd.f32 v27, v19;
	v27 =	vld [tilespmem:s21+$0x100];
	v20 =	vadd.f32 v22, v20;
	v22 =	vmul.f32 v24, v10  }
0x50c: {  	s10 =	sadd.s32 $0x3580, s23;
	v23 =	vadd.f32 v23, v30;
	v24 =	vmul.f32 v26, v4;
	v26 =	vld [tilespmem:s9+$0x0]  }
0x50d: {  	s12 =	sor.u32 s1, s10;
	v30 =	vld [tilespmem:s15+$0x100];
	v20 =	vadd.f32 v22, v20;
	v22 =	vmul.f32 v28, v11  }
0x50e: {  	s16 =	sadd.s32 $0x3600, s23;
	v23 =	vadd.f32 v24, v23;
	v24 =	vld [tilespmem:s12+$0x0]  }
0x50f: {  	s26 =	sor.u32 s1, s16;
	v28 =	vmul.f32 v29, v4;
	v29 =	vld [tilespmem:s3+$0x100];
	v20 =	vadd.f32 v22, v20;
	v22 =	vmul.f32 v25, v12  }
0x510: {  	s5 =	sor.u32 s25, s31;
	s30 =	sadd.s32 $0x3680, s23;
	v25 =	vmul.f32 v27, v5;
	v27 =	vld [tilespmem:s26+$0x0]  }
0x511: {  	[smem:$0x7AD] =	sst s5;
	s5 =	sor.u32 s1, s30;
	v21 =	vadd.f32 v28, v21;
	v28 =	vld [tilespmem:s21+$0x180];
	v20 =	vadd.f32 v22, v20;
	v22 =	vmul.f32 v26, v13  }
0x512: {  	s13 =	sor.u32 s24, s7;
	s6 =	sadd.s32 $0x3700, s23;
	v19 =	vadd.f32 v25, v19;
	v25 =	vmul.f32 v30, v5;
	v26 =	vld [tilespmem:s5+$0x0]  }
0x513: {  	s14 =	sor.u32 s0, s7;
	s8 =	sor.u32 s25, s7;
	s7 =	sor.u32 s1, s6;
	v30 =	vld [tilespmem:s15+$0x180];
	v20 =	vadd.f32 v22, v20;
	v22 =	vmul.f32 v24, v14  }
0x514: {  	s22 =	sor.u32 s25, s16;
	s12 =	sadd.s32 $0x3780, s23;
	v24 =	vmul.f32 v29, v5;
	v23 =	vadd.f32 v25, v23;
	v25 =	vld [tilespmem:s7+$0x0]  }
0x515: {  	[smem:$0x7B1] =	sst s22;
	s22 =	sor.u32 s1, s12;
	v29 =	vld [tilespmem:s3+$0x180];
	v20 =	vadd.f32 v22, v20;
	v22 =	vmul.f32 v27, v15  }
0x516: {  	v21 =	vadd.f32 v24, v21;
	v24 =	vmul.f32 v28, v6;
	v27 =	vld [tilespmem:s22+$0x0]  }
0x517: {  	v28 =	vld [tilespmem:s21+$0x200];
	v20 =	vadd.f32 v22, v20;
	v22 =	vmul.f32 v26, v16  }
0x518: {  	s29 =	sor.u32 s25, s28;
	v19 =	vadd.f32 v24, v19;
	v26 =	vld [tilespmem:s15+$0x200]  }
0x519: {  	s11 =	sor.u32 s25, s10;
	[smem:$0x7AB] =	sst s29;
	v24 =	vmul.f32 v30, v6;
	v30 =	vld [tilespmem:s3+$0x200];
	v20 =	vadd.f32 v22, v20;
	v22 =	vmul.f32 v25, v17  }
0x51a: {  	[smem:$0x7B0] =	sst s11;
	s4 =	sor.u32 s0, s28;
	v25 =	vmul.f32 v29, v6;
	v29 =	vld [tilespmem:s21+$0x280]  }
0x51b: {  	s29 =	sor.u32 s24, s10;
	[smem:$0x7AC] =	sst s4;
	s4 =	sor.u32 s0, s31;
	v23 =	vadd.f32 v24, v23;
	v24 =	vld [tilespmem:s15+$0x280];
	v20 =	vadd.f32 v22, v20  }
0x51c: {  	[smem:$0x7AF] =	sst s8;
	s17 =	sor.u32 s24, s28;
	s28 =	sor.u32 s24, s31;
	v22 =	vmul.f32 v27, v18;
	v21 =	vadd.f32 v25, v21;
	v25 =	vld [tilespmem:s3+$0x280];
	v27 =	vmul.f32 v28, v7  }
0x51d: {  	s31 =	sor.u32 s0, s10;
	s8 =	sor.u32 s24, s30;
	s10 =	sor.u32 s0, s30;
	v28 =	vld [tilespmem:s21+$0x300]  }
0x51e: {  	s2 =	sor.u32 s0, s6;
	s23 =	sshrl.u32 s23, $0x2;
	s26 =	sor.u32 s25, s30;
	v26 =	vmul.f32 v26, v7;
	v19 =	vadd.f32 v27, v19;
	v27 =	vld [tilespmem:s15+$0x300]  }
0x51f: {  	s30 =	sor.u32 s25, s6;
	s5 =	sor.u32 s24, s6;
	s6 =	sadd.s32 $0x19400, s23;
	v20 =	vadd.f32 v22, v20;
	v22 =	vmul.f32 v30, v7;
	v30 =	vld [tilespmem:s3+$0x300]  }
0x520: {  	s23 =	sld [smem:$0x7AC];
	s1 =	sor.u32 s1, s6;
	v23 =	vadd.f32 v26, v23;
	v26 =	vld [tilespmem:s3+$0x380]  }
0x521: {  	s11 =	sor.u32 s24, s16;
	[smem:$0x7AE] =	sst s4;
	v29 =	vmul.f32 v29, v8;
	[tilespmem:s1+$0x0] =	vst v20;
	v20 =	vadd.f32 v22, v21;
	v21 =	vld [tilespmem:s21+$0x380]  }
0x522: {  	s9 =	sor.u32 s0, s16;
	s16 =	sor.u32 s25, s12;
	v22 =	vmul.f32 v24, v8;
	s21 =	sld [smem:$0x7AB];
	v24 =	vmul.f32 v25, v8;
	v25 =	vld [tilespmem:s15+$0x380]  }
0x523: {  	s4 =	sor.u32 s0, s12;
	s7 =	sor.u32 s24, s12;
	s12 =	sor.u32 s24, s6;
	v19 =	vadd.f32 v29, v19;
	v28 =	vmul.f32 v28, v9;
	v29 =	vld [tilespmem:s23+$0x0]  }
0x524: {  	s22 =	sor.u32 s0, s6;
	s6 =	sor.u32 s25, s6;
	s25 =	sld [smem:$0x7AE];
	v22 =	vadd.f32 v22, v23;
	v23 =	vld [tilespmem:s17+$0x0];
	v20 =	vadd.f32 v24, v20;
	v24 =	vmul.f32 v27, v9  }
0x525: {  	s24 =	sld [smem:$0x7AD];
	v27 =	vmul.f32 v30, v9;
	v19 =	vadd.f32 v28, v19;
	v28 =	vld [tilespmem:s21+$0x0]  }
0x526: {  	v21 =	vmul.f32 v21, v10;
	v22 =	vadd.f32 v24, v22;
	v24 =	vld [tilespmem:s28+$0x0]  }
0x527: {  	v20 =	vadd.f32 v27, v20;
	v27 =	vld [tilespmem:s25+$0x0];
	v25 =	vmul.f32 v25, v10  }
0x528: {  	v26 =	vmul.f32 v26, v10;
	s28 =	sld [smem:$0x7AF];
	v19 =	vadd.f32 v21, v19;
	v21 =	vld [tilespmem:s24+$0x0]  }
0x529: {  	v23 =	vmul.f32 v23, v11;
	v22 =	vadd.f32 v25, v22;
	v25 =	vld [tilespmem:s13+$0x0]  }
0x52a: {  	v20 =	vadd.f32 v26, v20;
	v26 =	vmul.f32 v28, v11;
	v28 =	vmul.f32 v29, v11;
	v29 =	vld [tilespmem:s14+$0x0]  }
0x52b: {  	v19 =	vadd.f32 v23, v19;
	v23 =	vld [tilespmem:s28+$0x0]  }
0x52c: {  	v22 =	vadd.f32 v26, v22;
	v26 =	vld [tilespmem:s29+$0x0];
	s29 =	sld [smem:$0x7B0]  }
0x52d: {  	v24 =	vmul.f32 v24, v12  }
0x52e: {  	v20 =	vadd.f32 v28, v20;
	v27 =	vmul.f32 v27, v12;
	v28 =	vld [tilespmem:s31+$0x0];
	s31 =	sld [smem:$0x7B1]  }
0x52f: {  	v21 =	vmul.f32 v21, v12;
	v19 =	vadd.f32 v24, v19;
	v24 =	vld [tilespmem:s29+$0x0]  }
0x530: {  	v20 =	vadd.f32 v27, v20;
	v27 =	vld [tilespmem:s11+$0x0];
	v25 =	vmul.f32 v25, v13  }
0x531: {  	v21 =	vadd.f32 v21, v22;
	v22 =	vmul.f32 v23, v13;
	v23 =	vmul.f32 v29, v13;
	v29 =	vld [tilespmem:s31+$0x0]  }
0x532: {  	v30 =	vld [tilespmem:s9+$0x0]  }
0x533: {  	p0 =	slt.u32 s19, $0x3C0;
	v31 =	vld [tilespmem:s8+$0x0];
	v19 =	vadd.f32 v25, v19;
	v25 =	vmul.f32 v26, v14;
	v21 =	vadd.f32 v22, v21  }
.Ltmp10:
0x534: {  	v20 =	vadd.f32 v23, v20;
	v22 =	vld [tilespmem:s26+$0x0];
	v23 =	vmul.f32 v24, v14;
	v24 =	vmul.f32 v28, v14;
	(pc) =	sbr.rel @p0 .LBB2_20-.Ltmp10, $4  }
0x535: {  	v26 =	vadd.f32 v25, v19;
	v19 =	vld [tilespmem:s10+$0x0];
	v27 =	vmul.f32 v27, v15  }
0x536: {  	v32 =	vadd.f32 v23, v21;
	v25 =	vadd.f32 v24, v20;
	v20 =	vld [tilespmem:s5+$0x0];
	v24 =	vmul.f32 v29, v15  }
0x537: {  	v28 =	vmul.f32 v30, v15;
	v21 =	vld [tilespmem:s30+$0x0]  }
0x538: {  	v26 =	vadd.f32 v27, v26;
	v27 =	vmul.f32 v31, v16;
	v23 =	vld [tilespmem:s2+$0x0];
	v24 =	vadd.f32 v24, v32  }
0x539: {  	v3 =	vld [tilespmem:s7+$0x0]  }
0x53a: {  	v4 =	vld [tilespmem:s16+$0x0]  }
0x53b: {  	v5 =	vadd.f32 v28, v25;
	v6 =	vmul.f32 v22, v16;
	v8 =	vld [tilespmem:s4+$0x0];
	v7 =	vmul.f32 v19, v16  }
0x53c: {  	v9 =	vadd.f32 v27, v26;
	v10 =	vmul.f32 v20, v17  }
0x53d: {  	v6 =	vadd.f32 v6, v24;
	v5 =	vadd.f32 v7, v5;
	v7 =	vmul.f32 v21, v17  }
0x53e: {  	v11 =	vmul.f32 v23, v17;
	v9 =	vadd.f32 v10, v9;
	v3 =	vmul.f32 v3, v18  }
0x53f: {  	v6 =	vadd.f32 v7, v6;
	v4 =	vmul.f32 v4, v18  }
0x540: {  	v7 =	vmul.f32 v8, v18;
	v5 =	vadd.f32 v11, v5;
	v3 =	vadd.f32 v3, v9  }
0x541: {  	v4 =	vadd.f32 v4, v6  }
0x542: {  	v5 =	vadd.f32 v7, v5;
	[tilespmem:s12+$0x0] =	vst v3  }
0x543: {  	s16 =	simm.s32 $0x0;
	s25 =	simm.s32 $0x0;
	[tilespmem:s6+$0x0] =	vst v4  }
0x544: {  	s17 =	simm.s32 $0x1000;
	s21 =	sand.u32 $0x40, s25;
	s0 =	sand.u32 $0x1C00, s16;
	[tilespmem:s22+$0x0] =	vst v5  }
0x545: {  	s1 =	sand.u32 $0x380, s25;
	s2 =	sadd.s32 $0x5400, s0;
	s23 =	sor.u32 $0x10, s21;
	v18 =	vld [tilespmem:$0xFF0]  }
0x546: {  	s3 =	sor.u32 $0x1000, s1;
	s1 =	sor.u32 $0x20, s21;
	s15 =	sor.u32 s23, s2;
	v15 =	vld [tilespmem:s17+$0x0]  }
0x547: {  	s8 =	sor.u32 s1, s2;
	v16 =	vld [tilespmem:s15+$0x0]  }
0x548: {  	s5 =	sadd.s32 $0x5480, s0;
	s24 =	sor.u32 s23, s3;
	v17 =	vld [tilespmem:s8+$0x0]  }
0x549: {  	s28 =	sor.u32 s23, s5;
	v21 =	vld [tilespmem:s24+$0x0]  }
0x54a: {  	s31 =	sor.u32 s1, s5;
	v22 =	vld [tilespmem:s28+$0x0]  }
0x54b: {  	s7 =	sor.u32 s21, s5;
	s22 =	sor.u32 $0x30, s21;
	v24 =	vld [tilespmem:s31+$0x0]  }
0x54c: {  	s12 =	sor.u32 s22, s2;
	v26 =	vld [tilespmem:s7+$0x0]  }
0x54d: {  	s13 =	sor.u32 s22, s3;
	v5 =	vld [tilespmem:s12+$0x0]  }
0x54e: {  	s6 =	sadd.s32 $0x5500, s0;
	s14 =	sor.u32 s22, s5;
	v6 =	vld [tilespmem:s13+$0x0]  }
0x54f: {  	s4 =	sadd.s32 $0x5580, s0;
	s18 =	sor.u32 s22, s6;
	v7 =	vld [tilespmem:s14+$0x0]  }
0x550: {  	s19 =	sor.u32 s22, s4;
	v8 =	vld [tilespmem:s18+$0x0]  }
0x551: {  	s11 =	sadd.s32 $0x5700, s0;
	s2 =	sor.u32 s21, s2;
	v9 =	vld [tilespmem:s19+$0x0]  }
0x552: {  	s29 =	sor.u32 s22, s11;
	v20 =	vld [tilespmem:s2+$0x0]  }
0x553: {  	s10 =	sadd.s32 $0x5780, s0;
	s3 =	sor.u32 s1, s3;
	v12 =	vld [tilespmem:s29+$0x0]  }
0x554: {  	s30 =	sor.u32 s22, s10;
	v23 =	vld [tilespmem:s3+$0x0]  }
0x555: {  	s15 =	sor.u32 s23, s6;
	v14 =	vld [tilespmem:s30+$0x0];
	v3 =	vbroadcast v18, $0x0  }
0x556: {  	s9 =	sadd.s32 $0x7400, s0;
	s28 =	sor.u32 s1, s4;
	v28 =	vld [tilespmem:s15+$0x0]  }
0x557: {  	s8 =	sadd.s32 $0x7480, s0;
	s3 =	sor.u32 s22, s9;
	v37 =	vld [tilespmem:s28+$0x0];
	v4 =	vbroadcast v18, $0x1;
	v13 =	vmul.f32 v5, v3  }
0x558: {  	s13 =	sadd.s32 $0x5600, s0;
	s14 =	sor.u32 s22, s8;
	v25 =	vld [tilespmem:s3+$0x0]  }
0x559: {  	s5 =	sadd.s32 $0x7500, s0;
	s20 =	sor.u32 s22, s13;
	v27 =	vld [tilespmem:s14+$0x0];
	v5 =	vbroadcast v18, $0x2;
	v7 =	vmul.f32 v7, v4;
	v13 =	vadd.f32 v13, v6  }
0x55a: {  	s12 =	sadd.s32 $0x5680, s0;
	s18 =	sor.u32 s22, s5;
	v10 =	vld [tilespmem:s20+$0x0]  }
0x55b: {  	s26 =	sor.u32 s22, s12;
	v29 =	vld [tilespmem:s18+$0x0];
	v6 =	vbroadcast v18, $0x3;
	v8 =	vmul.f32 v8, v5;
	v13 =	vadd.f32 v7, v13  }
0x55c: {  	s19 =	sor.u32 s1, s6;
	v11 =	vld [tilespmem:s26+$0x0]  }
0x55d: {  	s7 =	sadd.s32 $0x7600, s0;
	s6 =	sor.u32 s21, s6;
	v30 =	vld [tilespmem:s19+$0x0];
	v7 =	vbroadcast v18, $0x4;
	v9 =	vmul.f32 v9, v6;
	v13 =	vadd.f32 v8, v13  }
0x55e: {  	s24 =	sor.u32 s22, s7;
	v32 =	vld [tilespmem:s6+$0x0]  }
0x55f: {  	s15 =	sor.u32 s21, s4;
	v33 =	vld [tilespmem:s24+$0x0];
	v8 =	vbroadcast v18, $0x5;
	v10 =	vmul.f32 v10, v7;
	v13 =	vadd.f32 v9, v13  }
0x560: {  	s28 =	sor.u32 s1, s10;
	v40 =	vld [tilespmem:s15+$0x0]  }
0x561: {  	s14 =	sor.u32 s23, s4;
	v53 =	vld [tilespmem:s28+$0x0];
	v9 =	vbroadcast v18, $0x6;
	v11 =	vmul.f32 v11, v8;
	v13 =	vadd.f32 v10, v13  }
0x562: {  	s31 =	sor.u32 s23, s13;
	v34 =	vld [tilespmem:s14+$0x0];
	v16 =	vmul.f32 v16, v3;
	v20 =	vmul.f32 v20, v3  }
0x563: {  	s15 =	sor.u32 s1, s13;
	v41 =	vld [tilespmem:s31+$0x0];
	v10 =	vbroadcast v18, $0x7;
	v36 =	vmul.f32 v12, v9;
	v19 =	vadd.f32 v11, v13  }
0x564: {  	s2 =	sadd.s32 $0x7580, s0;
	s18 =	sor.u32 s23, s12;
	v50 =	vld [tilespmem:s15+$0x0];
	v17 =	vmul.f32 v17, v3;
	v26 =	vmul.f32 v26, v4  }
0x565: {  	s6 =	sadd.s32 $0x7680, s0;
	s20 =	sor.u32 s22, s2;
	v51 =	vld [tilespmem:s18+$0x0];
	v11 =	vbroadcast v18, $0x8;
	v39 =	vmul.f32 v14, v10;
	v36 =	vadd.f32 v36, v19  }
0x566: {  	s26 =	sor.u32 s22, s6;
	v31 =	vld [tilespmem:s20+$0x0];
	v16 =	vadd.f32 v16, v21;
	v21 =	vmul.f32 v22, v4;
	v20 =	vadd.f32 v20, v15  }
0x567: {  	s3 =	sadd.s32 $0x7700, s0;
	s13 =	sor.u32 s21, s13;
	v35 =	vld [tilespmem:s26+$0x0];
	v12 =	vbroadcast v18, $0x9;
	v25 =	vmul.f32 v25, v11;
	v36 =	vadd.f32 v39, v36  }
0x568: {  	s29 =	sor.u32 s22, s3;
	v22 =	vld [tilespmem:s13+$0x0];
	v17 =	vadd.f32 v17, v23;
	v15 =	vbroadcast v18, $0xC;
	v16 =	vadd.f32 v21, v16  }
0x569: {  	s14 =	sor.u32 s1, s2;
	v38 =	vld [tilespmem:s29+$0x0];
	v13 =	vbroadcast v18, $0xA;
	v27 =	vmul.f32 v27, v12;
	v25 =	vadd.f32 v25, v36  }
0x56a: {  	s19 =	sor.u32 s1, s12;
	v60 =	vld [tilespmem:s14+$0x0];
	v21 =	vmul.f32 v24, v4;
	v20 =	vadd.f32 v26, v20;
	v52 =	vmul.f32 v37, v6  }
0x56b: {  	s29 =	sor.u32 s23, s9;
	v23 =	vld [tilespmem:s19+$0x0];
	v14 =	vbroadcast v18, $0xB;
	v24 =	vadd.f32 v27, v25;
	v25 =	vmul.f32 v29, v13  }
0x56c: {  	s24 =	sor.u32 s1, s11;
	s20 =	sor.u32 s23, s11;
	s11 =	sor.u32 s21, s11;
	v55 =	vld [tilespmem:s29+$0x0];
	v17 =	vadd.f32 v21, v17;
	v21 =	vmul.f32 v28, v5;
	v54 =	vmul.f32 v41, v7  }
0x56d: {  	s4 =	sadd.s32 $0x7780, s0;
	v26 =	vld [tilespmem:s11+$0x0];
	v22 =	vmul.f32 v22, v7;
	v24 =	vadd.f32 v25, v24;
	v25 =	vmul.f32 v31, v14  }
0x56e: {  	s30 =	sor.u32 s22, s4;
	v28 =	vld [tilespmem:s20+$0x0];
	v21 =	vadd.f32 v21, v16;
	v16 =	vmul.f32 v32, v5;
	v57 =	vmul.f32 v51, v8  }
0x56f: {  	s12 =	sor.u32 s21, s12;
	v19 =	vld [tilespmem:s30+$0x0];
	v29 =	vmul.f32 v30, v5;
	v24 =	vadd.f32 v25, v24;
	v25 =	vmul.f32 v33, v15  }
0x570: {  	v23 =	vmul.f32 v23, v8;
	v20 =	vadd.f32 v16, v20;
	v27 =	vld [tilespmem:s12+$0x0];
	v31 =	vmul.f32 v34, v6  }
0x571: {  	s26 =	sor.u32 s23, s10;
	v30 =	vld [tilespmem:s24+$0x0];
	v17 =	vadd.f32 v29, v17;
	v24 =	vadd.f32 v25, v24;
	v25 =	vmul.f32 v40, v6  }
0x572: {  	s10 =	sor.u32 s21, s10;
	v16 =	vbroadcast v18, $0xD;
	v26 =	vmul.f32 v26, v9;
	v29 =	vld [tilespmem:s26+$0x0];
	v21 =	vadd.f32 v31, v21  }
0x573: {  	s30 =	sor.u32 s1, s9;
	v31 =	vld [tilespmem:s10+$0x0];
	v17 =	vadd.f32 v52, v17;
	v20 =	vadd.f32 v25, v20;
	v25 =	vmul.f32 v50, v7  }
0x574: {  	v28 =	vmul.f32 v28, v9;
	v35 =	vmul.f32 v35, v16;
	v56 =	vld [tilespmem:s30+$0x0];
	s10 =	sor.u32 s1, s8;
	v21 =	vadd.f32 v54, v21  }
0x575: {  	s9 =	sor.u32 s21, s9;
	v27 =	vmul.f32 v27, v8;
	v58 =	vld [tilespmem:s10+$0x0];
	v17 =	vadd.f32 v25, v17;
	v20 =	vadd.f32 v22, v20  }
0x576: {  	s31 =	sor.u32 s23, s8;
	v59 =	vmul.f32 v55, v11;
	v30 =	vmul.f32 v30, v9;
	v21 =	vadd.f32 v57, v21;
	v25 =	vld [tilespmem:s9+$0x0]  }
0x577: {  	s11 =	sor.u32 s23, s5;
	v29 =	vmul.f32 v29, v10;
	v22 =	vld [tilespmem:s31+$0x0];
	v23 =	vadd.f32 v23, v17;
	v20 =	vadd.f32 v27, v20  }
0x578: {  	s8 =	sor.u32 s21, s8;
	v24 =	vadd.f32 v35, v24;
	v31 =	vmul.f32 v31, v10;
	v21 =	vadd.f32 v28, v21;
	v28 =	vld [tilespmem:s11+$0x0]  }
0x579: {  	s12 =	sor.u32 s1, s5;
	s5 =	sor.u32 s21, s5;
	v27 =	vld [tilespmem:s8+$0x0];
	v23 =	vadd.f32 v30, v23;
	v20 =	vadd.f32 v26, v20;
	v26 =	vmul.f32 v53, v10  }
0x57a: {  	v32 =	vmul.f32 v58, v12;
	v17 =	vbroadcast v18, $0xE;
	v21 =	vadd.f32 v29, v21;
	v29 =	vld [tilespmem:s5+$0x0]  }
0x57b: {  	s13 =	sor.u32 s23, s2;
	v30 =	vld [tilespmem:s12+$0x0];
	v23 =	vadd.f32 v26, v23;
	v20 =	vadd.f32 v31, v20;
	v31 =	vmul.f32 v56, v11  }
0x57c: {  	s15 =	sor.u32 s23, s7;
	v18 =	vbroadcast v18, $0xF;
	v21 =	vadd.f32 v59, v21;
	v25 =	vmul.f32 v25, v11;
	v26 =	vld [tilespmem:s13+$0x0]  }
0x57d: {  	v62 =	vld [tilespmem:s15+$0x0];
	s2 =	sor.u32 s21, s2;
	v61 =	vmul.f32 v38, v17;
	v22 =	vmul.f32 v22, v12;
	v23 =	vadd.f32 v31, v23  }
0x57e: {  	s18 =	sor.u32 s1, s7;
	v19 =	vmul.f32 v19, v18;
	v31 =	vld [tilespmem:s2+$0x0];
	v20 =	vadd.f32 v25, v20;
	v25 =	vmul.f32 v27, v12  }
0x57f: {  	s19 =	sor.u32 s21, s7;
	v21 =	vadd.f32 v22, v21;
	v27 =	vld [tilespmem:s18+$0x0];
	v22 =	vadd.f32 v32, v23;
	v23 =	vmul.f32 v28, v13  }
0x580: {  	s20 =	sor.u32 s23, s6;
	v24 =	vadd.f32 v61, v24;
	v20 =	vadd.f32 v25, v20;
	v28 =	vld [tilespmem:s19+$0x0];
	v25 =	vmul.f32 v30, v13  }
0x581: {  	s26 =	sor.u32 s21, s6;
	v30 =	vld [tilespmem:s20+$0x0];
	v26 =	vmul.f32 v26, v14;
	v21 =	vadd.f32 v23, v21;
	v23 =	vmul.f32 v29, v13  }
0x582: {  	s0 =	sshrl.u32 s0, $0x2;
	s24 =	sor.u32 s1, s6;
	v24 =	vadd.f32 v19, v24;
	v19 =	vld [tilespmem:s26+$0x0];
	v25 =	vadd.f32 v25, v22;
	v29 =	vmul.f32 v60, v14  }
0x583: {  	s28 =	sor.u32 s23, s3;
	s0 =	sadd.s32 $0x19400, s0;
	v22 =	vld [tilespmem:s24+$0x0];
	v23 =	vadd.f32 v23, v20;
	v26 =	vadd.f32 v26, v21;
	v21 =	vmul.f32 v31, v14  }
0x584: {  	s15 =	sor.u32 s23, s0;
	s29 =	sor.u32 s1, s3;
	s7 =	sor.u32 s23, s4;
	v63 =	vmul.f32 v27, v15;
	v29 =	vadd.f32 v29, v25;
	v20 =	vld [tilespmem:s28+$0x0];
	v31 =	vmul.f32 v62, v15  }
0x585: {  	s30 =	sor.u32 s21, s3;
	s3 =	sor.u32 s21, s0;
	s31 =	sor.u32 s22, s0;
	v28 =	vmul.f32 v28, v15;
	v25 =	vadd.f32 v21, v23;
	v21 =	vld [tilespmem:s29+$0x0]  }
0x586: {  	s6 =	sor.u32 s1, s4;
	s4 =	sor.u32 s21, s4;
	s12 =	sor.u32 s1, s0;
	[tilespmem:s31+$0x80] =	vst v24;
	v27 =	vmul.f32 v30, v16;
	v23 =	vld [tilespmem:s30+$0x0];
	v26 =	vadd.f32 v31, v26;
	v24 =	vadd.f32 v63, v29  }
.LBB2_22:
0x587: {  	s17 =	sadd.s32 $0x40, s17  }
0x588: {  	s16 =	sadd.s32 $0x200, s16;
	[dreg:$0x10] =	wrdreg s17  }
0x589: {  	s25 =	sadd.s32 $0x40, s25;
	v29 =	vld [tilespmem:s4+$0x0];
	[dreg:$0x8] =	wrdreg s16;
	s21 =	sand.u32 $0x1C00, s16  }
0x58a: {  	v25 =	vadd.f32 v28, v25;
	v28 =	vld [tilespmem:s7+$0x0];
	s0 =	sand.u32 $0x40, s25;
	s5 =	sand.u32 $0x380, s25;
	s2 =	sadd.s32 $0x5400, s21;
	v22 =	vmul.f32 v22, v16  }
0x58b: {  	v26 =	vadd.f32 v27, v26;
	v27 =	vld [tilespmem:s6+$0x0];
	s1 =	sor.u32 $0x30, s0;
	s22 =	sor.u32 $0x10, s0;
	s19 =	sadd.s32 $0x5480, s21;
	v19 =	vmul.f32 v19, v16  }
0x58c: {  	s23 =	sor.u32 $0x20, s0;
	s18 =	sor.u32 s1, s2;
	v20 =	vmul.f32 v20, v17;
	v22 =	vadd.f32 v22, v24;
	v24 =	vld [tilespmem:s17+$0x0];
	s17 =	sor.u32 $0x1000, s5  }
0x58d: {  	s9 =	sadd.s32 $0x5500, s21;
	s29 =	sadd.s32 $0x5580, s21;
	v21 =	vmul.f32 v21, v17;
	v19 =	vadd.f32 v19, v25;
	v25 =	vld [tilespmem:s18+$0x0];
	s20 =	sor.u32 s1, s17  }
0x58e: {  	s31 =	sadd.s32 $0x5600, s21;
	s24 =	sor.u32 s22, s2;
	s26 =	sor.u32 s1, s19;
	v23 =	vmul.f32 v23, v17;
	v20 =	vadd.f32 v20, v26;
	v26 =	vld [tilespmem:s20+$0x0]  }
0x58f: {  	s8 =	sor.u32 s23, s2;
	s2 =	sor.u32 s0, s2;
	s28 =	sor.u32 s1, s9;
	v28 =	vmul.f32 v28, v18;
	v21 =	vadd.f32 v21, v22;
	v22 =	vld [tilespmem:s26+$0x0]  }
0x590: {  	s14 =	sor.u32 s0, s19;
	s16 =	sor.u32 s23, s19;
	s13 =	sor.u32 s22, s9;
	v19 =	vadd.f32 v23, v19;
	v23 =	vmul.f32 v27, v18;
	v27 =	vld [tilespmem:s24+$0x0]  }
0x591: {  	s11 =	sor.u32 s23, s9;
	s30 =	sor.u32 s1, s29;
	s10 =	sor.u32 s0, s9;
	v20 =	vadd.f32 v28, v20;
	v28 =	vld [tilespmem:s28+$0x0]  }
0x592: {  	s7 =	sor.u32 s22, s29;
	s4 =	sor.u32 s0, s29;
	s6 =	sor.u32 s23, s29;
	v21 =	vadd.f32 v23, v21;
	v23 =	vld [tilespmem:s8+$0x0];
	v25 =	vmul.f32 v25, v3  }
0x593: {  	s5 =	sor.u32 s0, s31;
	s18 =	sor.u32 s22, s17;
	s17 =	sor.u32 s23, s17;
	[tilespmem:s15+$0x80] =	vst v20;
	v20 =	vld [tilespmem:s30+$0x0]  }
0x594: {  	v29 =	vmul.f32 v29, v18;
	s20 =	sor.u32 s22, s19;
	s26 =	sadd.s32 $0x5700, s21;
	[tilespmem:s12+$0x80] =	vst v21;
	v21 =	vld [tilespmem:s2+$0x0];
	s2 =	sor.u32 s1, s31;
	v25 =	vadd.f32 v25, v26;
	v22 =	vmul.f32 v22, v4  }
0x595: {  	s28 =	sor.u32 s23, s26;
	s29 =	sor.u32 s1, s26;
	s15 =	sadd.s32 $0x5680, s21;
	v26 =	vld [tilespmem:s2+$0x0]  }
0x596: {  	v19 =	vadd.f32 v29, v19;
	s8 =	sor.u32 s22, s31;
	[smem:$0x79F] =	sst s28;
	s19 =	sor.u32 s1, s15;
	v29 =	vld [tilespmem:s20+$0x0];
	v22 =	vadd.f32 v22, v25;
	v25 =	vmul.f32 v28, v5  }
0x597: {  	s30 =	sadd.s32 $0x5780, s21;
	s9 =	sor.u32 s22, s15;
	s24 =	sor.u32 s0, s15;
	v28 =	vld [tilespmem:s19+$0x0]  }
0x598: {  	s20 =	sor.u32 s23, s30;
	s28 =	sor.u32 s0, s30;
	[tilespmem:s3+$0x80] =	vst v19;
	s12 =	sor.u32 s23, s31;
	v19 =	vmul.f32 v27, v3;
	v27 =	vld [tilespmem:s18+$0x0];
	v20 =	vmul.f32 v20, v6;
	v22 =	vadd.f32 v25, v22  }
0x599: {  	s3 =	sor.u32 s23, s15;
	s15 =	sor.u32 s22, s26;
	s31 =	sor.u32 s0, s26;
	v21 =	vmul.f32 v21, v3;
	v25 =	vld [tilespmem:s29+$0x0]  }
0x59a: {  	[dreg:$0x16] =	wrdreg s20;
	s26 =	sor.u32 s1, s30;
	v30 =	vld [tilespmem:s17+$0x0];
	s19 =	sor.u32 s22, s30;
	v20 =	vadd.f32 v20, v22;
	v22 =	vmul.f32 v26, v7  }
0x59b: {  	[smem:$0x7A0] =	sst s19;
	s19 =	sadd.s32 $0x7480, s21;
	s29 =	sadd.s32 $0x7400, s21;
	v21 =	vadd.f32 v21, v24;
	v24 =	vld [tilespmem:s26+$0x0]  }
0x59c: {  	[smem:$0x7A1] =	sst s28;
	s20 =	sor.u32 s23, s19;
	s17 =	sor.u32 s1, s29;
	v26 =	vld [tilespmem:s16+$0x0];
	v20 =	vadd.f32 v22, v20;
	v22 =	vmul.f32 v28, v8  }
0x59d: {  	v19 =	vadd.f32 v19, v27;
	s30 =	sor.u32 s22, s29;
	[smem:$0x7A5] =	sst s20;
	v28 =	vld [tilespmem:s17+$0x0]  }
0x59e: {  	s18 =	sor.u32 s0, s29;
	v27 =	vmul.f32 v29, v4;
	v29 =	vld [tilespmem:s14+$0x0];
	[smem:$0x7A2] =	sst s30;
	s26 =	sor.u32 s1, s19;
	v20 =	vadd.f32 v22, v20;
	v22 =	vmul.f32 v25, v9  }
0x59f: {  	v23 =	vmul.f32 v23, v3;
	s28 =	sor.u32 s22, s19;
	s16 =	sor.u32 s23, s29;
	[smem:$0x7A4] =	sst s18;
	v25 =	vld [tilespmem:s26+$0x0]  }
0x5a0: {  	s29 =	sor.u32 s0, s19;
	s30 =	sadd.s32 $0x7500, s21;
	[smem:$0x7A3] =	sst s16;
	v19 =	vadd.f32 v27, v19;
	v27 =	vld [tilespmem:s13+$0x0];
	v20 =	vadd.f32 v22, v20;
	v22 =	vmul.f32 v24, v10  }
0x5a1: {  	v23 =	vadd.f32 v23, v30;
	v30 =	vld [tilespmem:s11+$0x0];
	[smem:$0x7A6] =	sst s29;
	s14 =	sor.u32 s1, s30;
	s17 =	sadd.s32 $0x7580, s21;
	v24 =	vmul.f32 v26, v4  }
0x5a2: {  	s20 =	sor.u32 s22, s30;
	s13 =	sor.u32 s23, s30;
	s19 =	sor.u32 s1, s17;
	v26 =	vld [tilespmem:s14+$0x0];
	v20 =	vadd.f32 v22, v20;
	v22 =	vmul.f32 v28, v11  }
0x5a3: {  	s18 =	sor.u32 s23, s17;
	s26 =	sor.u32 s0, s30;
	s30 =	sadd.s32 $0x7600, s21;
	v23 =	vadd.f32 v24, v23;
	v24 =	vld [tilespmem:s19+$0x0]  }
0x5a4: {  	s29 =	sor.u32 s22, s17;
	[smem:$0x7A8] =	sst s18;
	s11 =	sor.u32 s1, s30;
	v28 =	vmul.f32 v29, v4;
	v29 =	vld [tilespmem:s10+$0x0];
	v20 =	vadd.f32 v22, v20;
	v22 =	vmul.f32 v25, v12  }
0x5a5: {  	s18 =	sor.u32 s0, s17;
	s16 =	sor.u32 s22, s30;
	s14 =	sadd.s32 $0x7680, s21;
	v25 =	vmul.f32 v27, v5;
	v27 =	vld [tilespmem:s11+$0x0]  }
0x5a6: {  	s17 =	sor.u32 s0, s30;
	s10 =	sor.u32 s23, s30;
	s30 =	sor.u32 s1, s14;
	v21 =	vadd.f32 v28, v21;
	v28 =	vld [tilespmem:s7+$0x0];
	v20 =	vadd.f32 v22, v20  }
0x5a7: {  	s2 =	sadd.s32 $0x7700, s21;
	[smem:$0x7A7] =	sst s13;
	v22 =	vmul.f32 v26, v13;
	v19 =	vadd.f32 v25, v19;
	v25 =	vmul.f32 v30, v5;
	v26 =	vld [tilespmem:s30+$0x0]  }
0x5a8: {  	s19 =	sor.u32 s23, s14;
	[smem:$0x7A9] =	sst s10;
	s7 =	sor.u32 s1, s2;
	v30 =	vld [tilespmem:s6+$0x0]  }
0x5a9: {  	s13 =	sor.u32 s22, s2;
	[smem:$0x7AA] =	sst s19;
	s19 =	sadd.s32 $0x7780, s21;
	v20 =	vadd.f32 v22, v20;
	v22 =	vmul.f32 v24, v14;
	v23 =	vadd.f32 v25, v23;
	v25 =	vld [tilespmem:s7+$0x0]  }
0x5aa: {  	s10 =	sor.u32 s0, s2;
	s30 =	sor.u32 s23, s2;
	s2 =	sor.u32 s1, s19;
	v24 =	vmul.f32 v29, v5;
	v29 =	vld [tilespmem:s4+$0x0]  }
0x5ab: {  	v20 =	vadd.f32 v22, v20;
	v22 =	vmul.f32 v27, v15;
	v27 =	vld [tilespmem:s2+$0x0]  }
0x5ac: {  	v21 =	vadd.f32 v24, v21;
	v24 =	vmul.f32 v28, v6;
	v28 =	vld [tilespmem:s8+$0x0]  }
0x5ad: {  	v20 =	vadd.f32 v22, v20;
	v22 =	vmul.f32 v26, v16;
	v26 =	vld [tilespmem:s12+$0x0]  }
0x5ae: {  	v19 =	vadd.f32 v24, v19;
	v24 =	vmul.f32 v30, v6;
	v30 =	vld [tilespmem:s5+$0x0]  }
0x5af: {  	v20 =	vadd.f32 v22, v20;
	v22 =	vmul.f32 v25, v17;
	v25 =	vmul.f32 v29, v6;
	v29 =	vld [tilespmem:s9+$0x0]  }
0x5b0: {  	s21 =	sshrl.u32 s21, $0x2;
	v23 =	vadd.f32 v24, v23;
	v24 =	vld [tilespmem:s3+$0x0]  }
0x5b1: {  	s2 =	sadd.s32 $0x19400, s21;
	v20 =	vadd.f32 v22, v20;
	v22 =	vmul.f32 v27, v18;
	v21 =	vadd.f32 v25, v21;
	v25 =	vld [tilespmem:s24+$0x0];
	s24 =	sld [smem:$0x79F]  }
0x5b2: {  	s8 =	sld [smem:$0x7A1];
	s1 =	sor.u32 s1, s2;
	s12 =	sor.u32 s23, s2;
	v27 =	vmul.f32 v28, v7;
	v28 =	vld [tilespmem:s15+$0x0]  }
0x5b3: {  	s3 =	sor.u32 s0, s2;
	s15 =	sor.u32 s22, s2;
	s2 =	sld [smem:$0x7A0];
	v26 =	vmul.f32 v26, v7;
	v20 =	vadd.f32 v22, v20;
	v22 =	vmul.f32 v30, v7;
	v30 =	vld [tilespmem:s31+$0x0]  }
0x5b4: {  	s21 =	sld [smem:$0x7A4];
	v19 =	vadd.f32 v27, v19;
	v27 =	vld [tilespmem:s24+$0x0]  }
0x5b5: {  	s5 =	rddreg [dreg:$0x16];
	v23 =	vadd.f32 v26, v23;
	v26 =	vld [tilespmem:s8+$0x0]  }
0x5b6: {  	s6 =	sor.u32 s23, s19;
	s9 =	sld [smem:$0x7A2];
	v29 =	vmul.f32 v29, v8;
	[tilespmem:s1+$0x80] =	vst v20;
	v20 =	vadd.f32 v22, v21;
	v21 =	vld [tilespmem:s2+$0x0]  }
0x5b7: {  	s7 =	sor.u32 s22, s19;
	s4 =	sor.u32 s0, s19;
	s19 =	sld [smem:$0x7A3];
	v22 =	vmul.f32 v24, v8;
	v24 =	vmul.f32 v25, v8;
	v25 =	vld [tilespmem:s5+$0x0]  }
0x5b8: {  	v19 =	vadd.f32 v29, v19;
	v28 =	vmul.f32 v28, v9;
	v29 =	vld [tilespmem:s21+$0x0]  }
0x5b9: {  	s23 =	sld [smem:$0x7A6];
	v22 =	vadd.f32 v22, v23;
	v23 =	vld [tilespmem:s9+$0x0];
	v20 =	vadd.f32 v24, v20;
	v24 =	vmul.f32 v27, v9  }
0x5ba: {  	s11 =	sor.u32 s22, s14;
	s22 =	sld [smem:$0x7A5];
	v19 =	vadd.f32 v28, v19;
	v28 =	vld [tilespmem:s19+$0x0];
	v27 =	vmul.f32 v30, v9  }
0x5bb: {  	v21 =	vmul.f32 v21, v10;
	v22 =	vadd.f32 v24, v22;
	v24 =	vld [tilespmem:s28+$0x0]  }
0x5bc: {  	v20 =	vadd.f32 v27, v20;
	v25 =	vmul.f32 v25, v10;
	v27 =	vld [tilespmem:s23+$0x0]  }
0x5bd: {  	s24 =	sld [smem:$0x7A7];
	v26 =	vmul.f32 v26, v10;
	v19 =	vadd.f32 v21, v19;
	v21 =	vld [tilespmem:s22+$0x0]  }
0x5be: {  	v23 =	vmul.f32 v23, v11;
	v22 =	vadd.f32 v25, v22;
	v25 =	vld [tilespmem:s20+$0x0]  }
0x5bf: {  	v20 =	vadd.f32 v26, v20;
	v26 =	vmul.f32 v28, v11;
	v28 =	vmul.f32 v29, v11;
	v29 =	vld [tilespmem:s26+$0x0]  }
0x5c0: {  	s28 =	sld [smem:$0x7A8];
	v19 =	vadd.f32 v23, v19;
	v23 =	vld [tilespmem:s24+$0x0]  }
0x5c1: {  	v22 =	vadd.f32 v26, v22;
	v26 =	vld [tilespmem:s29+$0x0];
	v24 =	vmul.f32 v24, v12  }
0x5c2: {  	v20 =	vadd.f32 v28, v20;
	v28 =	vld [tilespmem:s18+$0x0];
	s29 =	sld [smem:$0x7A9];
	v27 =	vmul.f32 v27, v12  }
0x5c3: {  	v21 =	vmul.f32 v21, v12;
	v19 =	vadd.f32 v24, v19;
	v24 =	vld [tilespmem:s28+$0x0]  }
0x5c4: {  	v25 =	vmul.f32 v25, v13;
	v20 =	vadd.f32 v27, v20;
	v27 =	vld [tilespmem:s16+$0x0]  }
0x5c5: {  	s31 =	sld [smem:$0x7AA];
	v21 =	vadd.f32 v21, v22;
	v22 =	vmul.f32 v23, v13;
	v23 =	vmul.f32 v29, v13;
	v29 =	vld [tilespmem:s29+$0x0]  }
0x5c6: {  	v30 =	vld [tilespmem:s17+$0x0]  }
0x5c7: {  	p0 =	slt.u32 s25, $0x3C0;
	v31 =	vld [tilespmem:s11+$0x0];
	v19 =	vadd.f32 v25, v19;
	v25 =	vmul.f32 v26, v14;
	v21 =	vadd.f32 v22, v21  }
.Ltmp11:
0x5c8: {  	s14 =	sor.u32 s0, s14;
	v20 =	vadd.f32 v23, v20;
	v22 =	vld [tilespmem:s31+$0x0];
	v23 =	vmul.f32 v24, v14;
	v24 =	vmul.f32 v28, v14;
	(pc) =	sbr.rel @p0 .LBB2_22-.Ltmp11, $4  }
0x5c9: {  	v26 =	vadd.f32 v25, v19;
	v19 =	vld [tilespmem:s14+$0x0];
	v27 =	vmul.f32 v27, v15  }
0x5ca: {  	v32 =	vadd.f32 v23, v21;
	v25 =	vadd.f32 v24, v20;
	v20 =	vld [tilespmem:s13+$0x0];
	v24 =	vmul.f32 v29, v15  }
0x5cb: {  	s17 =	rddreg [dreg:$0x10];
	v28 =	vmul.f32 v30, v15;
	v21 =	vld [tilespmem:s30+$0x0]  }
0x5cc: {  	s16 =	rddreg [dreg:$0x8];
	v26 =	vadd.f32 v27, v26;
	v23 =	vld [tilespmem:s10+$0x0];
	v27 =	vmul.f32 v31, v16;
	v24 =	vadd.f32 v24, v32  }
0x5cd: {  	v3 =	vld [tilespmem:s7+$0x0]  }
0x5ce: {  	v4 =	vld [tilespmem:s6+$0x0]  }
0x5cf: {  	v5 =	vadd.f32 v28, v25;
	v6 =	vmul.f32 v22, v16;
	v8 =	vld [tilespmem:s4+$0x0];
	v7 =	vmul.f32 v19, v16  }
0x5d0: {  	v9 =	vadd.f32 v27, v26;
	v10 =	vmul.f32 v20, v17  }
0x5d1: {  	v6 =	vadd.f32 v6, v24;
	v5 =	vadd.f32 v7, v5;
	v62 =	vmul.f32 v21, v17  }
0x5d2: {  	v11 =	vmul.f32 v23, v17;
	v9 =	vadd.f32 v10, v9;
	v3 =	vmul.f32 v3, v18  }
0x5d3: {  	v6 =	vadd.f32 v62, v6;
	v4 =	vmul.f32 v4, v18  }
0x5d4: {  	v63 =	vmul.f32 v8, v18;
	v5 =	vadd.f32 v11, v5;
	v3 =	vadd.f32 v3, v9  }
0x5d5: {  	v4 =	vadd.f32 v4, v6  }
0x5d6: {  	v5 =	vadd.f32 v63, v5;
	[tilespmem:s15+$0x80] =	vst v3  }
0x5d7: {  	[tilespmem:s12+$0x80] =	vst v4  }
0x5d8: {  	[tilespmem:s3+$0x80] =	vst v5  }
0x5d9: {  	s0 =	sld [smem:$0x7FC]  }
0x5da: {  	s1 =	simm.s32 $0x100  }
0x5db: {  	s2 =	simm.s32 $0x400;
	s26 =	simm.s32 $0x19400;
	s3 =	simm.s32 $0x4  }
0x5dc: {  	[hbm4b:s0+s1] =	stream.strided.scatter [tilespmem:s26], [sflag:$0x4], $0x800, s2, s1, $0x38;
	[tilespmem:$0x1AC00] =	vst v63  }
0x5dd: {  	_ =	swait.ge [sflag:s3], $0x800  }
0x5de: {  	[sflag:s3] =	ssyncset.done $0x0  }
0x5df: {  	s28 =	simm.s32 $0x5;
	[sflag:s3] =	ssyncadd.s32 $0xFFFFF800  }
0x5e0: {  	_ =	swait.ge [sflag:s28], $0x800  }
0x5e1: {  	[sflag:s28] =	ssyncset.done $0x0  }
0x5e2: {  	s29 =	simm.s32 $0x6;
	[sflag:s28] =	ssyncadd.s32 $0xFFFFF800  }
0x5e3: {  	_ =	swait.ge [sflag:s29], $0x800  }
0x5e4: {  	s30 =	sld [smem:$0x7F4]  }
0x5e5: {  	s31 =	sld [smem:$0x7FD];
	_ =	sdelay $0x1  }
0x5e6: {  	s2 =	sadd.s32 $0x1, s30  }
0x5e7: {  	p0 =	sne.s32 s2, s31  }
.Ltmp12:
0x5e8: {  	_ = 	snop;
	(pc) =	sbr.rel @p0 .LBB2_1-.Ltmp12, $3  }
0x5e9: {  	_ =	sdelay $0x1  }
0x5ea: {  	[sflag:s29] =	ssyncset.done $0x0  }
0x5eb: {  	[sflag:s29] =	ssyncadd.s32 $0xFFFFF800  }
0x5ec: {  	_ =	sfence.sel $0x180000  }
0x5ed: {  	[bflag:$0x0] =	sbarrier.arrive $0xFFFF  }
0x5ee: {  	_ =	strace $0x90000047  }
0x5ef: {  	s0 =	stileid.u32;
	[bflag:$0x2] =	sbarrier.arrive $0xFFFF  }
0x5f0: {  	p0 =	sne.s32 s0, $0x0;
	s0 =	rddreg [dreg:$0x4]  }
0x5f1: {  	s0 =	sadd.s32 @!p0 $0x100000, s0  }
0x5f2: {  	[sflag:s0] =	ssyncadd.tile.s32 @!p0 $0x1;
	_ =	shalt  }
.Lfunc_end2:
_tile_overlayer_lowered:
.L_overlay_start_2:
0x5f3: {  	(tag) =	ssettag $0x2  }
0x5f4: {  	s0 =	rddreg [dreg:$0x0];
	s2 =	stileid.u32  }
0x5f5: {  	s1 =	rddreg [dreg:$0x1];
	p0 =	sne.s32 s2, $0x0  }
0x5f6: {  	s3 =	rddreg [dreg:$0x2];
	[bflag:$0x3] =	sbarrier.arrive $0xFFFF;
	s2 =	simm.s32 @!p0 $0x1C07  }
0x5f7: {  	[timem:s3], [sflag:s2] =	dma.local @!p0 [hbm:s0], s1  }
0x5f8: {  	s0 =	simm.s32 @!p0 $0x7  }
0x5f9: {  	_ =	swait.ge @!p0 [sflag:s0], s1  }
0x5fa: {  	s1 =	ssub.s32 @!p0 $0x0, s1;
	[sflag:s0] =	ssyncset.done @!p0 $0x0  }
0x5fb: {  	[sflag:s0] =	ssyncadd.s32 @!p0 s1  }
0x5fc: {  	[bflag:$0x3] =	sbarrier.arrive $0xFFFF  }
0x5fd: {  	_ =	shalt  }

</sc_bundles>
